<compile_context>
chip_gen: v7x
topology: tpu7x:2x2x1
jax: 0.10.2.dev20260603
libtpu: 0.0.44.dev20260713+nightly
codegen_flags: <defaults>
</compile_context>

<pallas_src>
import functools

import jax
import jax.numpy as jnp
from jax import lax
from jax.experimental import pallas as pl
from jax.experimental.pallas import tpu as pltpu
from jax.experimental.pallas import tpu_sc as plsc

_NC = 2
_NS = 16
_NW = _NC * _NS
_C = 128


def _sc_gather(table, idx):
    n_rows, d = table.shape
    e = idx.shape[0]
    per_w = e // _NW
    nchunk = (per_w + _C - 1) // _C
    last_off = per_w - _C
    mesh = plsc.VectorSubcoreMesh(core_axis_name="c", subcore_axis_name="s")

    @functools.partial(
        pl.kernel,
        out_type=jax.ShapeDtypeStruct((e, d), table.dtype),
        mesh=mesh,
        scratch_types=[
            pltpu.VMEM((_C,), jnp.int32),
            pltpu.VMEM((_C, d), table.dtype),
            pltpu.SemaphoreType.DMA,
        ],
    )
    def k(table_hbm, idx_hbm, out_hbm, idx_v, rows_v, sem):
        wid = lax.axis_index("s") * _NC + lax.axis_index("c")
        base = wid * per_w

        def body(j, carry):
            off = base + jnp.minimum(j * _C, last_off)
            pltpu.sync_copy(idx_hbm.at[pl.ds(off, _C)], idx_v)
            pltpu.async_copy(table_hbm.at[idx_v], rows_v, sem).wait()
            pltpu.sync_copy(rows_v, out_hbm.at[pl.ds(off, _C)])
            return carry

        lax.fori_loop(0, nchunk, body, 0, unroll=False)

    return k(table, idx)


def _sc_scatter_add(msgs, dsts, n_nodes, zeros_hbm):
    f = msgs[0].shape[1]
    plans = []
    for m in msgs:
        e = m.shape[0]
        per_w = e // _NW
        full = per_w // _C
        plans.append((per_w, full, per_w - full * _C))
    rows_per_tile = 640
    mesh = plsc.VectorSubcoreMesh(core_axis_name="c", subcore_axis_name="s")

    scratch = [
        pltpu.VMEM((_C,), jnp.int32),
        pltpu.VMEM((_C, f), jnp.float32),
    ]
    n_tails = 0
    for _, _, tail in plans:
        if tail:
            scratch += [pltpu.VMEM((tail,), jnp.int32),
                        pltpu.VMEM((tail, f), jnp.float32)]
            n_tails += 1
    scratch.append(pltpu.VMEM_SHARED((n_nodes, f), jnp.float32))

    @functools.partial(
        pl.kernel,
        out_type=jax.ShapeDtypeStruct((_NC, n_nodes, f), jnp.float32),
        mesh=mesh,
        scratch_types=scratch,
    )
    def k(*refs):
        nm = len(msgs)
        msg_hbms = refs[:nm]
        dst_hbms = refs[nm:2 * nm]
        zero_hbm = refs[2 * nm]
        out_hbm = refs[2 * nm + 1]
        idx_v, rows_v = refs[2 * nm + 2], refs[2 * nm + 3]
        tail_refs = list(refs[2 * nm + 4:2 * nm + 4 + 2 * n_tails])
        acc_sh = refs[2 * nm + 4 + 2 * n_tails]
        c = lax.axis_index("c")
        s = lax.axis_index("s")
        wid = s * _NC + c

        n_full_z = n_nodes // rows_per_tile
        rem_z = n_nodes - n_full_z * rows_per_tile

        @pl.when(s < n_full_z)
        def _():
            pltpu.sync_copy(zero_hbm.at[pl.ds(s * rows_per_tile, rows_per_tile)],
                            acc_sh.at[pl.ds(s * rows_per_tile, rows_per_tile)])

        if rem_z:
            @pl.when(s == n_full_z)
            def _():
                pltpu.sync_copy(zero_hbm.at[pl.ds(n_full_z * rows_per_tile, rem_z)],
                                acc_sh.at[pl.ds(n_full_z * rows_per_tile, rem_z)])

        plsc.subcore_barrier()

        for (per_w, full, tail), msg_hbm, dst_hbm in zip(plans, msg_hbms,
                                                         dst_hbms):
            base = wid * per_w

            def body(j, carry, msg_hbm=msg_hbm, dst_hbm=dst_hbm, base=base):
                off = base + j * _C
                pltpu.sync_copy(dst_hbm.at[pl.ds(off, _C)], idx_v)
                pltpu.sync_copy(msg_hbm.at[pl.ds(off, _C)], rows_v)
                pltpu.sync_copy(rows_v, acc_sh.at[idx_v], add=True)
                return carry

            lax.fori_loop(0, full, body, 0, unroll=False)

            if tail:
                idxt_v = tail_refs.pop(0)
                rowst_v = tail_refs.pop(0)
                off = base + full * _C
                pltpu.sync_copy(dst_hbm.at[pl.ds(off, tail)], idxt_v)
                pltpu.sync_copy(msg_hbm.at[pl.ds(off, tail)], rowst_v)
                pltpu.sync_copy(rowst_v, acc_sh.at[idxt_v], add=True)

        plsc.subcore_barrier()

        @pl.when(s < n_full_z)
        def _():
            pltpu.sync_copy(acc_sh.at[pl.ds(s * rows_per_tile, rows_per_tile)],
                            out_hbm.at[c, pl.ds(s * rows_per_tile, rows_per_tile)])

        if rem_z:
            @pl.when(s == n_full_z)
            def _():
                pltpu.sync_copy(acc_sh.at[pl.ds(n_full_z * rows_per_tile, rem_z)],
                                out_hbm.at[c, pl.ds(n_full_z * rows_per_tile, rem_z)])

    return k(*msgs, *dsts, zeros_hbm)


def _msg_body(in_c, eat_ref, xj_ref, wrep_ref, brep_ref, wp_ref, f_ref,
              out_ref):
    dn = (((0,), (0,)), ((), ()))
    hx = jnp.maximum(
        lax.dot_general(eat_ref[...].astype(jnp.bfloat16), wrep_ref[...], dn,
                        preferred_element_type=jnp.float32) + brep_ref[...],
        0.0)
    xjb = xj_ref[...][:, :in_c].astype(jnp.bfloat16)
    t = jnp.dot(xjb, wp_ref[...], preferred_element_type=jnp.float32)
    msg = jnp.dot((hx * t).astype(jnp.bfloat16), f_ref[...],
                  preferred_element_type=jnp.float32)
    eb = msg.shape[0]
    out_ref[...] = jnp.concatenate(
        [msg, jnp.zeros((eb, 128 - msg.shape[1]), jnp.float32)], axis=1)


def _tc_msg(ea_t, xj, wa, ba, wp, out_c, eb):
    e, w_in = xj.shape
    in_c = wp.shape[0]
    ko = wp.shape[1]
    bf = jnp.bfloat16
    wrep = jnp.concatenate(
        [jnp.repeat(wa, out_c, axis=1), jnp.zeros((4, out_c), jnp.float32)],
        axis=1)
    brep = jnp.concatenate(
        [jnp.repeat(ba.reshape(1, 16), out_c, axis=1),
         jnp.ones((1, out_c), jnp.float32)], axis=1)
    fold = jnp.tile(jnp.eye(out_c, dtype=jnp.float32), (17, 1))
    grid = e // eb
    return pl.pallas_call(
        functools.partial(_msg_body, in_c),
        grid=(grid,),
        in_specs=[
            pl.BlockSpec((4, eb), lambda i: (0, i)),
            pl.BlockSpec((eb, w_in), lambda i: (i, 0)),
            pl.BlockSpec((4, ko), lambda i: (0, 0)),
            pl.BlockSpec((1, ko), lambda i: (0, 0)),
            pl.BlockSpec((in_c, ko), lambda i: (0, 0)),
            pl.BlockSpec((ko, out_c), lambda i: (0, 0)),
        ],
        out_specs=pl.BlockSpec((eb, 128), lambda i: (i, 0)),
        out_shape=jax.ShapeDtypeStruct((e, 128), jnp.float32),
    )(ea_t, xj, wrep.astype(bf), brep, wp.astype(bf), fold.astype(bf))


def _node_body(n_agg, x_ref, *refs):
    aggs = refs[:n_agg]
    root_ref, bias_ref, o_ref = refs[n_agg:]
    nb = x_ref.shape[0]
    out_c = root_ref.shape[1]
    v = jnp.dot(x_ref[...], root_ref[...], preferred_element_type=jnp.float32)
    for a in aggs:
        v = v + a[...][:, :out_c]
    v = jnp.maximum(v + bias_ref[...], 0.0)
    o_ref[...] = jnp.concatenate(
        [v, jnp.zeros((nb, 128 - out_c), jnp.float32)], axis=1)


def _tc_node(x, aggs, root, bias, nb):
    n, in_c = x.shape
    out_c = root.shape[1]
    return pl.pallas_call(
        functools.partial(_node_body, len(aggs)),
        grid=(n // nb,),
        in_specs=[pl.BlockSpec((nb, in_c), lambda i: (i, 0))]
        + [pl.BlockSpec((nb, a.shape[1]), lambda i: (i, 0)) for a in aggs]
        + [
            pl.BlockSpec((in_c, out_c), lambda i: (0, 0)),
            pl.BlockSpec((1, out_c), lambda i: (0, 0)),
        ],
        out_specs=pl.BlockSpec((nb, 128), lambda i: (i, 0)),
        out_shape=jax.ShapeDtypeStruct((n, 128), jnp.float32),
    )(x, *aggs, root, bias.reshape(1, out_c))


def _final_body(n_agg, x_ref, *refs):
    aggs = refs[:n_agg]
    (b_ref, root_ref, bias_ref, l1w_ref, l1b_ref, l2w_ref, l2b_ref,
     o_ref, sums, cnts) = refs[n_agg:]
    i = pl.program_id(0)
    nb = x_ref.shape[0]
    g = sums.shape[0]

    @pl.when(i == 0)
    def _():
        sums[...] = jnp.zeros_like(sums)
        cnts[...] = jnp.zeros_like(cnts)

    in_c = root_ref.shape[0]
    out_c = root_ref.shape[1]
    v = jnp.dot(x_ref[...][:, :in_c], root_ref[...],
                preferred_element_type=jnp.float32)
    for a in aggs:
        v = v + a[...][:, :out_c]
    x2 = jnp.maximum(v + bias_ref[...], 0.0)
    gio = lax.broadcasted_iota(jnp.int32, (nb, g), 1)
    mask = (gio == b_ref[...]).astype(jnp.float32)
    dn = (((0,), (0,)), ((), ()))
    sums[...] += lax.dot_general(mask, x2, dn,
                                 preferred_element_type=jnp.float32)
    cnts[...] += lax.dot_general(mask, jnp.ones((nb, 1), jnp.float32), dn,
                                 preferred_element_type=jnp.float32)

    @pl.when(i == pl.num_programs(0) - 1)
    def _():
        pooled = sums[...] / jnp.maximum(cnts[...], 1.0)
        o1 = jnp.dot(pooled, l1w_ref[...],
                     preferred_element_type=jnp.float32) + l1b_ref[...]
        o_ref[...] = jnp.dot(o1, l2w_ref[...],
                             preferred_element_type=jnp.float32) + l2b_ref[...]


def _tc_final(x1, aggs, batch, root, bias, l1w, l1b, l2w, l2b, g, nb):
    n, w_in = x1.shape
    in_c, out_c = root.shape
    return pl.pallas_call(
        functools.partial(_final_body, len(aggs)),
        grid=(n // nb,),
        in_specs=[pl.BlockSpec((nb, w_in), lambda i: (i, 0))]
        + [pl.BlockSpec((nb, a.shape[1]), lambda i: (i, 0)) for a in aggs]
        + [
            pl.BlockSpec((nb, 1), lambda i: (i, 0)),
            pl.BlockSpec((in_c, out_c), lambda i: (0, 0)),
            pl.BlockSpec((1, out_c), lambda i: (0, 0)),
            pl.BlockSpec((16, 8), lambda i: (0, 0)),
            pl.BlockSpec((1, 8), lambda i: (0, 0)),
            pl.BlockSpec((8, 1), lambda i: (0, 0)),
            pl.BlockSpec((1, 1), lambda i: (0, 0)),
        ],
        out_specs=pl.BlockSpec((g, 1), lambda i: (0, 0)),
        out_shape=jax.ShapeDtypeStruct((g, 1), jnp.float32),
        scratch_shapes=[
            pltpu.VMEM((g, out_c), jnp.float32),
            pltpu.VMEM((g, 1), jnp.float32),
        ],
    )(x1, *aggs, batch, root, bias.reshape(1, out_c),
      l1w, l1b.reshape(1, 8), l2w, l2b.reshape(1, 1))


def _prep_wp(wb, bb, in_c, out_c):
    w2r = wb.reshape(16, in_c, out_c)
    return jnp.concatenate(
        [jnp.transpose(w2r, (1, 0, 2)).reshape(in_c, 16 * out_c),
         bb.reshape(in_c, out_c)], axis=1)


def kernel(x_p, x_d, edge_attr_p, edge_attr_d, x_p_batch, edge_index_p,
           W1a, b1a, W1b, b1b, root1, bias1,
           W2a, b2a, W2b, b2b, root2, bias2,
           lin1_w, lin1_b, lin2_w, lin2_b):
    n, d = x_p.shape
    e = edge_index_p.shape[1]
    g = 64
    src = edge_index_p[0]
    dst = edge_index_p[1]

    wp1 = _prep_wp(W1b, b1b, d, 32)
    wp2 = _prep_wp(W2b, b2b, 32, 16)
    zeros128 = jnp.zeros((n, 128), jnp.float32)

    ea_t = edge_attr_p.T

    sizes = [40960, 40960, 40960, 37120]
    bounds, acc = [], 0
    for sz in sizes:
        bounds.append((acc, acc + sz))
        acc += sz

    def conv(x, wa, ba, wp, out_c, zeros):
        msgs = []
        for lo, hi in bounds:
            xj = _sc_gather(x, lax.slice(src, (lo,), (hi,)))
            msgs.append(_tc_msg(lax.slice(ea_t, (0, lo), (4, hi)), xj, wa, ba,
                                wp, out_c, eb=1280))
        parts = []
        for j in range(0, len(bounds), 2):
            sub = [lax.slice(dst, (lo,), (hi,)) for lo, hi in bounds[j:j + 2]]
            p = _sc_scatter_add(msgs[j:j + 2], sub, n, zeros)
            parts += [p[0], p[1]]
        return parts

    x1 = _tc_node(x_p, conv(x_p, W1a, b1a, wp1, 32, zeros128), root1, bias1,
                  nb=1000)
    parts2 = conv(x1, W2a, b2a, wp2, 16, zeros128)
    return _tc_final(x1, parts2, x_p_batch.reshape(n, 1),
                     root2, bias2, lin1_w, lin1_b, lin2_w, lin2_b, g, nb=1000)

# --- scband reference (transcript-rebuilt; emitter-appended) ---
"""Pipeline reference for scband-nnconv-prot-27367531610703 (READ-ONLY COPY).

The authoritative reference and input builder live on the scoring server;
editing this copy changes nothing except your own understanding.
"""

import jax, jax.numpy as jnp
import numpy as np

N = 10000
E = 160000
D = 128
DE = 4
G = 64


def setup_inputs(seed: int = 0) -> dict:
    key = jax.random.key(seed)
    ks = jax.random.split(key, 24)

    def p(k, shape):
        return jax.random.normal(k, shape, dtype=jnp.float32) * 0.05

    inp = {}
    inp['x_p'] = jax.random.normal(ks[0], (N, D), dtype=jnp.float32)
    inp['x_d'] = jax.random.normal(ks[1], (N, D), dtype=jnp.float32)
    inp['edge_attr_p'] = jax.random.normal(ks[2], (E, DE), dtype=jnp.float32)
    inp['edge_attr_d'] = jax.random.normal(ks[3], (E, DE), dtype=jnp.float32)
    inp['x_p_batch'] = jnp.sort(jax.random.randint(ks[4], (N,), 0, G))
    inp['edge_index_p'] = jax.random.randint(ks[5], (2, E), 0, N)
    # conv1: NNConv(D -> 32), edge nn: Linear(DE,16)-ReLU-Linear(16, D*32)
    inp['W1a'] = p(ks[6], (DE, 16)); inp['b1a'] = p(ks[7], (16,))
    inp['W1b'] = p(ks[8], (16, D * 32)); inp['b1b'] = p(ks[9], (D * 32,))
    inp['root1'] = p(ks[10], (D, 32)); inp['bias1'] = p(ks[11], (32,))
    # conv2: NNConv(32 -> 16), edge nn: Linear(DE,16)-ReLU-Linear(16, 32*16)
    inp['W2a'] = p(ks[12], (DE, 16)); inp['b2a'] = p(ks[13], (16,))
    inp['W2b'] = p(ks[14], (16, 32 * 16)); inp['b2b'] = p(ks[15], (32 * 16,))
    inp['root2'] = p(ks[16], (32, 16)); inp['bias2'] = p(ks[17], (16,))
    # readout MLP: Linear(16,8), Linear(8,1)
    inp['lin1_w'] = p(ks[18], (16, 8)); inp['lin1_b'] = p(ks[19], (8,))
    inp['lin2_w'] = p(ks[20], (8, 1)); inp['lin2_b'] = p(ks[21], (1,))
    return inp


def _nnconv(x, ea, src, dst, Wa, ba, Wb, bb, root, bias, in_c, out_c):
    # edge-conditioned weight net h(e) -> (in_c, out_c) matrix per edge
    h = jax.nn.relu(ea @ Wa + ba)              # [E, 16]
    W2r = Wb.reshape(16, in_c, out_c)          # factored: never materialize [E,in,out]
    b2r = bb.reshape(in_c, out_c)
    xj = jnp.take(x, src, axis=0)              # gather source node feats [E, in_c]
    t = jnp.einsum('ei,kio->eko', xj, W2r)     # [E, 16, out_c]
    msg = jnp.einsum('ek,eko->eo', h, t) + xj @ b2r  # == x_j @ (h@Wb+bb).reshape(in,out)
    agg = jnp.zeros((x.shape[0], out_c), x.dtype).at[dst].add(msg)  # scatter-add aggr
    return x @ root + agg + bias


def reference(x_p, x_d, edge_attr_p, edge_attr_d, x_p_batch, edge_index_p,
              W1a, b1a, W1b, b1b, root1, bias1,
              W2a, b2a, W2b, b2b, root2, bias2,
              lin1_w, lin1_b, lin2_w, lin2_b):
    src = edge_index_p[0]
    dst = edge_index_p[1]
    x = _nnconv(x_p, edge_attr_p, src, dst, W1a, b1a, W1b, b1b, root1, bias1, D, 32)
    x = jax.nn.relu(x)
    x = _nnconv(x, edge_attr_p, src, dst, W2a, b2a, W2b, b2b, root2, bias2, 32, 16)
    x = jax.nn.relu(x)
    # global_mean_pool over graph ids
    sums = jax.ops.segment_sum(x, x_p_batch, num_segments=G)
    cnts = jax.ops.segment_sum(jnp.ones((x.shape[0],), x.dtype), x_p_batch, num_segments=G)
    pooled = sums / jnp.maximum(cnts, 1.0)[:, None]
    # dropout p=0.5 in eval mode -> identity
    out = pooled @ lin1_w + lin1_b
    out = out @ lin2_w + lin2_b
    return out

if __name__ == "__main__":
    import jax
    _d = setup_inputs()
    print(jax.jit(kernel)(*tuple(_d.values())))

</pallas_src>

<mosaic_0001>
#map = affine_map<(d0, d1) -> (0, 0)>
#map1 = affine_map<(d0, d1) -> (0)>
module attributes {stable_mosaic.version = 14 : i64} {
  func.func @k(%arg0: i32, %arg1: i32, %arg2: memref<10000x128xf32, #tpu.memory_space<hbm>>, %arg3: memref<40960xi32, #tpu.memory_space<hbm>>, %arg4: memref<40960x128xf32, #tpu.memory_space<hbm>>, %arg5: memref<128xi32, #tpu.memory_space<vmem>>, %arg6: memref<128x128xf32, #tpu.memory_space<vmem>>, %arg7: memref<!tpu.dma_semaphore, #tpu.memory_space<semaphore_mem>>) attributes {dimension_semantics = [#tpu.dimension_semantics<core_parallel>, #tpu.dimension_semantics<subcore_parallel>], iteration_bounds = array<i64: 2, 16>, scalar_prefetch = 0 : i64, scratch_operands = 3 : i64, tpu.core_type = #tpu.core_type<sc_vector_subcore>, window_params = [{transform_indices = #map}, {transform_indices = #map1}, {transform_indices = #map}]} {
    %mul3A = arith.constant 2 : i32
    %mul3A_0 = arith.muli %arg1, %mul3A : i32
    %add3A = arith.addi %mul3A_0, %arg0 : i32
    %mul3A_1 = arith.constant 1280 : i32
    %mul3A_2 = arith.muli %add3A, %mul3A_1 : i32
    %scan3A = arith.constant 0 : i32
    %scan3A_3 = arith.constant 0 : i32
    %scan3A_4 = arith.constant 10 : i32
    %scan3A_5 = arith.addi %scan3A_3, %scan3A_4 : i32
    %scan3A_6 = arith.constant 1 : i32
    scf.for %scan3A_8 = %scan3A_3 to %scan3A_5 step %scan3A_6  : i32 {
      %mul3A_9 = arith.constant 128 : i32
      %mul3A_10 = arith.muli %scan3A_8, %mul3A_9 : i32
      %min3A = arith.constant 1152 : i32
      %min3A_11 = arith.minsi %mul3A_10, %min3A : i32
      %add3A_12 = arith.addi %mul3A_2, %min3A_11 : i32
      "tpu.region"() ({
        %run_scoped3A = tpu.sem_alloc : memref<!tpu.dma_semaphore, #tpu.memory_space<semaphore_mem>>
        %dma_start3A_17 = tpu.memref_slice %arg3[%add3A_12] : memref<40960xi32, #tpu.memory_space<hbm>> -> memref<128xi32, #tpu.memory_space<hbm>>
        %dma_start3A_18 = tpu.memref_slice %arg3[%add3A_12] : memref<40960xi32, #tpu.memory_space<hbm>> -> memref<128xi32, #tpu.memory_space<hbm>>
        tpu.enqueue_dma source(%dma_start3A_18 : memref<128xi32, #tpu.memory_space<hbm>>) target(%arg5 : memref<128xi32, #tpu.memory_space<vmem>>) target_semaphore(%run_scoped3A : memref<!tpu.dma_semaphore, #tpu.memory_space<semaphore_mem>>)
        %dma_wait3A_19 = tpu.memref_slice %arg3[%add3A_12] : memref<40960xi32, #tpu.memory_space<hbm>> -> memref<128xi32, #tpu.memory_space<hbm>>
        %dma_wait3A_20 = tpu.memref_slice %arg3[%add3A_12] : memref<40960xi32, #tpu.memory_space<hbm>> -> memref<128xi32, #tpu.memory_space<hbm>>
        tpu.wait_dma2 semaphore(%run_scoped3A : memref<!tpu.dma_semaphore, #tpu.memory_space<semaphore_mem>>) src(%dma_wait3A_20 : memref<128xi32, #tpu.memory_space<hbm>>) dst(%arg5 : memref<128xi32, #tpu.memory_space<vmem>>)
        tpu.yield
      }) : () -> ()
      %dma_start3A = arith.constant 0 : i32
      %dma_start3A_13 = arith.constant 0 : i32
      %dma_start3A_14 = tpu.memref_slice %arg2[%dma_start3A, %dma_start3A_13] : memref<10000x128xf32, #tpu.memory_space<hbm>> -> memref<10000x128xf32, #tpu.memory_space<hbm>>
      tpu.enqueue_indirect_dma source(%dma_start3A_14 : memref<10000x128xf32, #tpu.memory_space<hbm>>) target(%arg6 : memref<128x128xf32, #tpu.memory_space<vmem>>) offsets(%arg5 : memref<128xi32, #tpu.memory_space<vmem>>) semaphore(%arg7 : memref<!tpu.dma_semaphore, #tpu.memory_space<semaphore_mem>>)
      %dma_wait3A = arith.constant 0 : i32
      %dma_wait3A_15 = arith.constant 0 : i32
      %dma_wait3A_16 = tpu.memref_slice %arg2[%dma_wait3A, %dma_wait3A_15] : memref<10000x128xf32, #tpu.memory_space<hbm>> -> memref<10000x128xf32, #tpu.memory_space<hbm>>
      tpu.wait_indirect_dma semaphore(%arg7 : memref<!tpu.dma_semaphore, #tpu.memory_space<semaphore_mem>>) src(%dma_wait3A_16 : memref<10000x128xf32, #tpu.memory_space<hbm>>) dst(%arg6 : memref<128x128xf32, #tpu.memory_space<vmem>>)
      "tpu.region"() ({
        %run_scoped3A = tpu.sem_alloc : memref<!tpu.dma_semaphore, #tpu.memory_space<semaphore_mem>>
        %dma_start3A_17 = arith.constant 0 : i32
        %dma_start3A_18 = tpu.memref_slice %arg4[%add3A_12, %dma_start3A_17] : memref<40960x128xf32, #tpu.memory_space<hbm>> -> memref<128x128xf32, #tpu.memory_space<hbm>>
        %dma_start3A_19 = arith.constant 0 : i32
        %dma_start3A_20 = tpu.memref_slice %arg4[%add3A_12, %dma_start3A_19] : memref<40960x128xf32, #tpu.memory_space<hbm>> -> memref<128x128xf32, #tpu.memory_space<hbm>>
        tpu.enqueue_dma source(%arg6 : memref<128x128xf32, #tpu.memory_space<vmem>>) target(%dma_start3A_20 : memref<128x128xf32, #tpu.memory_space<hbm>>) target_semaphore(%run_scoped3A : memref<!tpu.dma_semaphore, #tpu.memory_space<semaphore_mem>>)
        %dma_wait3A_21 = arith.constant 0 : i32
        %dma_wait3A_22 = tpu.memref_slice %arg4[%add3A_12, %dma_wait3A_21] : memref<40960x128xf32, #tpu.memory_space<hbm>> -> memref<128x128xf32, #tpu.memory_space<hbm>>
        %dma_wait3A_23 = arith.constant 0 : i32
        %dma_wait3A_24 = tpu.memref_slice %arg4[%add3A_12, %dma_wait3A_23] : memref<40960x128xf32, #tpu.memory_space<hbm>> -> memref<128x128xf32, #tpu.memory_space<hbm>>
        tpu.wait_dma2 semaphore(%run_scoped3A : memref<!tpu.dma_semaphore, #tpu.memory_space<semaphore_mem>>) src(%arg6 : memref<128x128xf32, #tpu.memory_space<vmem>>) dst(%dma_wait3A_24 : memref<128x128xf32, #tpu.memory_space<hbm>>)
        tpu.yield
      }) : () -> ()
    }
    %scan3A_7 = arith.constant 10 : i32
    return
  }
}

#map = affine_map<(d0, d1) -> (0, 0)>
#map1 = affine_map<(d0, d1) -> (0)>
module attributes {stable_mosaic.version = 14 : i64} {
  func.func @k(%arg0: i32, %arg1: i32, %arg2: memref<10000x128xf32, #tpu.memory_space<hbm>>, %arg3: memref<40960xi32, #tpu.memory_space<hbm>>, %arg4: memref<40960x128xf32, #tpu.memory_space<hbm>>, %arg5: memref<128xi32, #tpu.memory_space<vmem>>, %arg6: memref<128x128xf32, #tpu.memory_space<vmem>>, %arg7: memref<!tpu.dma_semaphore, #tpu.memory_space<semaphore_mem>>) attributes {dimension_semantics = [#tpu.dimension_semantics<core_parallel>, #tpu.dimension_semantics<subcore_parallel>], iteration_bounds = array<i64: 2, 16>, scalar_prefetch = 0 : i64, scratch_operands = 3 : i64, tpu.core_type = #tpu.core_type<sc_vector_subcore>, window_params = [{transform_indices = #map}, {transform_indices = #map1}, {transform_indices = #map}]} {
    %mul3A = arith.constant 2 : i32
    %mul3A_0 = arith.muli %arg1, %mul3A : i32
    %add3A = arith.addi %mul3A_0, %arg0 : i32
    %mul3A_1 = arith.constant 1280 : i32
    %mul3A_2 = arith.muli %add3A, %mul3A_1 : i32
    %scan3A = arith.constant 0 : i32
    %scan3A_3 = arith.constant 0 : i32
    %scan3A_4 = arith.constant 10 : i32
    %scan3A_5 = arith.addi %scan3A_3, %scan3A_4 : i32
    %scan3A_6 = arith.constant 1 : i32
    scf.for %scan3A_8 = %scan3A_3 to %scan3A_5 step %scan3A_6  : i32 {
      %mul3A_9 = arith.constant 128 : i32
      %mul3A_10 = arith.muli %scan3A_8, %mul3A_9 : i32
      %min3A = arith.constant 1152 : i32
      %min3A_11 = arith.minsi %mul3A_10, %min3A : i32
      %add3A_12 = arith.addi %mul3A_2, %min3A_11 : i32
      "tpu.region"() ({
        %run_scoped3A = tpu.sem_alloc : memref<!tpu.dma_semaphore, #tpu.memory_space<semaphore_mem>>
        %dma_start3A_17 = tpu.memref_slice %arg3[%add3A_12] : memref<40960xi32, #tpu.memory_space<hbm>> -> memref<128xi32, #tpu.memory_space<hbm>>
        %dma_start3A_18 = tpu.memref_slice %arg3[%add3A_12] : memref<40960xi32, #tpu.memory_space<hbm>> -> memref<128xi32, #tpu.memory_space<hbm>>
        tpu.enqueue_dma source(%dma_start3A_18 : memref<128xi32, #tpu.memory_space<hbm>>) target(%arg5 : memref<128xi32, #tpu.memory_space<vmem>>) target_semaphore(%run_scoped3A : memref<!tpu.dma_semaphore, #tpu.memory_space<semaphore_mem>>)
        %dma_wait3A_19 = tpu.memref_slice %arg3[%add3A_12] : memref<40960xi32, #tpu.memory_space<hbm>> -> memref<128xi32, #tpu.memory_space<hbm>>
        %dma_wait3A_20 = tpu.memref_slice %arg3[%add3A_12] : memref<40960xi32, #tpu.memory_space<hbm>> -> memref<128xi32, #tpu.memory_space<hbm>>
        tpu.wait_dma2 semaphore(%run_scoped3A : memref<!tpu.dma_semaphore, #tpu.memory_space<semaphore_mem>>) src(%dma_wait3A_20 : memref<128xi32, #tpu.memory_space<hbm>>) dst(%arg5 : memref<128xi32, #tpu.memory_space<vmem>>)
        tpu.yield
      }) : () -> ()
      %dma_start3A = arith.constant 0 : i32
      %dma_start3A_13 = arith.constant 0 : i32
      %dma_start3A_14 = tpu.memref_slice %arg2[%dma_start3A, %dma_start3A_13] : memref<10000x128xf32, #tpu.memory_space<hbm>> -> memref<10000x128xf32, #tpu.memory_space<hbm>>
      tpu.enqueue_indirect_dma source(%dma_start3A_14 : memref<10000x128xf32, #tpu.memory_space<hbm>>) target(%arg6 : memref<128x128xf32, #tpu.memory_space<vmem>>) offsets(%arg5 : memref<128xi32, #tpu.memory_space<vmem>>) semaphore(%arg7 : memref<!tpu.dma_semaphore, #tpu.memory_space<semaphore_mem>>)
      %dma_wait3A = arith.constant 0 : i32
      %dma_wait3A_15 = arith.constant 0 : i32
      %dma_wait3A_16 = tpu.memref_slice %arg2[%dma_wait3A, %dma_wait3A_15] : memref<10000x128xf32, #tpu.memory_space<hbm>> -> memref<10000x128xf32, #tpu.memory_space<hbm>>
      tpu.wait_indirect_dma semaphore(%arg7 : memref<!tpu.dma_semaphore, #tpu.memory_space<semaphore_mem>>) src(%dma_wait3A_16 : memref<10000x128xf32, #tpu.memory_space<hbm>>) dst(%arg6 : memref<128x128xf32, #tpu.memory_space<vmem>>)
      "tpu.region"() ({
        %run_scoped3A = tpu.sem_alloc : memref<!tpu.dma_semaphore, #tpu.memory_space<semaphore_mem>>
        %dma_start3A_17 = arith.constant 0 : i32
        %dma_start3A_18 = tpu.memref_slice %arg4[%add3A_12, %dma_start3A_17] : memref<40960x128xf32, #tpu.memory_space<hbm>> -> memref<128x128xf32, #tpu.memory_space<hbm>>
        %dma_start3A_19 = arith.constant 0 : i32
        %dma_start3A_20 = tpu.memref_slice %arg4[%add3A_12, %dma_start3A_19] : memref<40960x128xf32, #tpu.memory_space<hbm>> -> memref<128x128xf32, #tpu.memory_space<hbm>>
        tpu.enqueue_dma source(%arg6 : memref<128x128xf32, #tpu.memory_space<vmem>>) target(%dma_start3A_20 : memref<128x128xf32, #tpu.memory_space<hbm>>) target_semaphore(%run_scoped3A : memref<!tpu.dma_semaphore, #tpu.memory_space<semaphore_mem>>)
        %dma_wait3A_21 = arith.constant 0 : i32
        %dma_wait3A_22 = tpu.memref_slice %arg4[%add3A_12, %dma_wait3A_21] : memref<40960x128xf32, #tpu.memory_space<hbm>> -> memref<128x128xf32, #tpu.memory_space<hbm>>
        %dma_wait3A_23 = arith.constant 0 : i32
        %dma_wait3A_24 = tpu.memref_slice %arg4[%add3A_12, %dma_wait3A_23] : memref<40960x128xf32, #tpu.memory_space<hbm>> -> memref<128x128xf32, #tpu.memory_space<hbm>>
        tpu.wait_dma2 semaphore(%run_scoped3A : memref<!tpu.dma_semaphore, #tpu.memory_space<semaphore_mem>>) src(%arg6 : memref<128x128xf32, #tpu.memory_space<vmem>>) dst(%dma_wait3A_24 : memref<128x128xf32, #tpu.memory_space<hbm>>)
        tpu.yield
      }) : () -> ()
    }
    %scan3A_7 = arith.constant 10 : i32
    return
  }
}

#map = affine_map<(d0, d1) -> (0, 0)>
#map1 = affine_map<(d0, d1) -> (0)>
module attributes {stable_mosaic.version = 14 : i64} {
  func.func @k(%arg0: i32, %arg1: i32, %arg2: memref<10000x128xf32, #tpu.memory_space<hbm>>, %arg3: memref<37120xi32, #tpu.memory_space<hbm>>, %arg4: memref<37120x128xf32, #tpu.memory_space<hbm>>, %arg5: memref<128xi32, #tpu.memory_space<vmem>>, %arg6: memref<128x128xf32, #tpu.memory_space<vmem>>, %arg7: memref<!tpu.dma_semaphore, #tpu.memory_space<semaphore_mem>>) attributes {dimension_semantics = [#tpu.dimension_semantics<core_parallel>, #tpu.dimension_semantics<subcore_parallel>], iteration_bounds = array<i64: 2, 16>, scalar_prefetch = 0 : i64, scratch_operands = 3 : i64, tpu.core_type = #tpu.core_type<sc_vector_subcore>, window_params = [{transform_indices = #map}, {transform_indices = #map1}, {transform_indices = #map}]} {
    %mul3A = arith.constant 2 : i32
    %mul3A_0 = arith.muli %arg1, %mul3A : i32
    %add3A = arith.addi %mul3A_0, %arg0 : i32
    %mul3A_1 = arith.constant 1160 : i32
    %mul3A_2 = arith.muli %add3A, %mul3A_1 : i32
    %scan3A = arith.constant 0 : i32
    %scan3A_3 = arith.constant 0 : i32
    %scan3A_4 = arith.constant 10 : i32
    %scan3A_5 = arith.addi %scan3A_3, %scan3A_4 : i32
    %scan3A_6 = arith.constant 1 : i32
    scf.for %scan3A_8 = %scan3A_3 to %scan3A_5 step %scan3A_6  : i32 {
      %mul3A_9 = arith.constant 128 : i32
      %mul3A_10 = arith.muli %scan3A_8, %mul3A_9 : i32
      %min3A = arith.constant 1032 : i32
      %min3A_11 = arith.minsi %mul3A_10, %min3A : i32
      %add3A_12 = arith.addi %mul3A_2, %min3A_11 : i32
      "tpu.region"() ({
        %run_scoped3A = tpu.sem_alloc : memref<!tpu.dma_semaphore, #tpu.memory_space<semaphore_mem>>
        %dma_start3A_17 = tpu.memref_slice %arg3[%add3A_12] : memref<37120xi32, #tpu.memory_space<hbm>> -> memref<128xi32, #tpu.memory_space<hbm>>
        %dma_start3A_18 = tpu.memref_slice %arg3[%add3A_12] : memref<37120xi32, #tpu.memory_space<hbm>> -> memref<128xi32, #tpu.memory_space<hbm>>
        tpu.enqueue_dma source(%dma_start3A_18 : memref<128xi32, #tpu.memory_space<hbm>>) target(%arg5 : memref<128xi32, #tpu.memory_space<vmem>>) target_semaphore(%run_scoped3A : memref<!tpu.dma_semaphore, #tpu.memory_space<semaphore_mem>>)
        %dma_wait3A_19 = tpu.memref_slice %arg3[%add3A_12] : memref<37120xi32, #tpu.memory_space<hbm>> -> memref<128xi32, #tpu.memory_space<hbm>>
        %dma_wait3A_20 = tpu.memref_slice %arg3[%add3A_12] : memref<37120xi32, #tpu.memory_space<hbm>> -> memref<128xi32, #tpu.memory_space<hbm>>
        tpu.wait_dma2 semaphore(%run_scoped3A : memref<!tpu.dma_semaphore, #tpu.memory_space<semaphore_mem>>) src(%dma_wait3A_20 : memref<128xi32, #tpu.memory_space<hbm>>) dst(%arg5 : memref<128xi32, #tpu.memory_space<vmem>>)
        tpu.yield
      }) : () -> ()
      %dma_start3A = arith.constant 0 : i32
      %dma_start3A_13 = arith.constant 0 : i32
      %dma_start3A_14 = tpu.memref_slice %arg2[%dma_start3A, %dma_start3A_13] : memref<10000x128xf32, #tpu.memory_space<hbm>> -> memref<10000x128xf32, #tpu.memory_space<hbm>>
      tpu.enqueue_indirect_dma source(%dma_start3A_14 : memref<10000x128xf32, #tpu.memory_space<hbm>>) target(%arg6 : memref<128x128xf32, #tpu.memory_space<vmem>>) offsets(%arg5 : memref<128xi32, #tpu.memory_space<vmem>>) semaphore(%arg7 : memref<!tpu.dma_semaphore, #tpu.memory_space<semaphore_mem>>)
      %dma_wait3A = arith.constant 0 : i32
      %dma_wait3A_15 = arith.constant 0 : i32
      %dma_wait3A_16 = tpu.memref_slice %arg2[%dma_wait3A, %dma_wait3A_15] : memref<10000x128xf32, #tpu.memory_space<hbm>> -> memref<10000x128xf32, #tpu.memory_space<hbm>>
      tpu.wait_indirect_dma semaphore(%arg7 : memref<!tpu.dma_semaphore, #tpu.memory_space<semaphore_mem>>) src(%dma_wait3A_16 : memref<10000x128xf32, #tpu.memory_space<hbm>>) dst(%arg6 : memref<128x128xf32, #tpu.memory_space<vmem>>)
      "tpu.region"() ({
        %run_scoped3A = tpu.sem_alloc : memref<!tpu.dma_semaphore, #tpu.memory_space<semaphore_mem>>
        %dma_start3A_17 = arith.constant 0 : i32
        %dma_start3A_18 = tpu.memref_slice %arg4[%add3A_12, %dma_start3A_17] : memref<37120x128xf32, #tpu.memory_space<hbm>> -> memref<128x128xf32, #tpu.memory_space<hbm>>
        %dma_start3A_19 = arith.constant 0 : i32
        %dma_start3A_20 = tpu.memref_slice %arg4[%add3A_12, %dma_start3A_19] : memref<37120x128xf32, #tpu.memory_space<hbm>> -> memref<128x128xf32, #tpu.memory_space<hbm>>
        tpu.enqueue_dma source(%arg6 : memref<128x128xf32, #tpu.memory_space<vmem>>) target(%dma_start3A_20 : memref<128x128xf32, #tpu.memory_space<hbm>>) target_semaphore(%run_scoped3A : memref<!tpu.dma_semaphore, #tpu.memory_space<semaphore_mem>>)
        %dma_wait3A_21 = arith.constant 0 : i32
        %dma_wait3A_22 = tpu.memref_slice %arg4[%add3A_12, %dma_wait3A_21] : memref<37120x128xf32, #tpu.memory_space<hbm>> -> memref<128x128xf32, #tpu.memory_space<hbm>>
        %dma_wait3A_23 = arith.constant 0 : i32
        %dma_wait3A_24 = tpu.memref_slice %arg4[%add3A_12, %dma_wait3A_23] : memref<37120x128xf32, #tpu.memory_space<hbm>> -> memref<128x128xf32, #tpu.memory_space<hbm>>
        tpu.wait_dma2 semaphore(%run_scoped3A : memref<!tpu.dma_semaphore, #tpu.memory_space<semaphore_mem>>) src(%arg6 : memref<128x128xf32, #tpu.memory_space<vmem>>) dst(%dma_wait3A_24 : memref<128x128xf32, #tpu.memory_space<hbm>>)
        tpu.yield
      }) : () -> ()
    }
    %scan3A_7 = arith.constant 10 : i32
    return
  }
}

#map = affine_map<(d0, d1) -> (0, 0)>
#map1 = affine_map<(d0, d1) -> (0)>
module attributes {stable_mosaic.version = 14 : i64} {
  func.func @k(%arg0: i32, %arg1: i32, %arg2: memref<10000x128xf32, #tpu.memory_space<hbm>>, %arg3: memref<40960xi32, #tpu.memory_space<hbm>>, %arg4: memref<40960x128xf32, #tpu.memory_space<hbm>>, %arg5: memref<128xi32, #tpu.memory_space<vmem>>, %arg6: memref<128x128xf32, #tpu.memory_space<vmem>>, %arg7: memref<!tpu.dma_semaphore, #tpu.memory_space<semaphore_mem>>) attributes {dimension_semantics = [#tpu.dimension_semantics<core_parallel>, #tpu.dimension_semantics<subcore_parallel>], iteration_bounds = array<i64: 2, 16>, scalar_prefetch = 0 : i64, scratch_operands = 3 : i64, tpu.core_type = #tpu.core_type<sc_vector_subcore>, window_params = [{transform_indices = #map}, {transform_indices = #map1}, {transform_indices = #map}]} {
    %mul3A = arith.constant 2 : i32
    %mul3A_0 = arith.muli %arg1, %mul3A : i32
    %add3A = arith.addi %mul3A_0, %arg0 : i32
    %mul3A_1 = arith.constant 1280 : i32
    %mul3A_2 = arith.muli %add3A, %mul3A_1 : i32
    %scan3A = arith.constant 0 : i32
    %scan3A_3 = arith.constant 0 : i32
    %scan3A_4 = arith.constant 10 : i32
    %scan3A_5 = arith.addi %scan3A_3, %scan3A_4 : i32
    %scan3A_6 = arith.constant 1 : i32
    scf.for %scan3A_8 = %scan3A_3 to %scan3A_5 step %scan3A_6  : i32 {
      %mul3A_9 = arith.constant 128 : i32
      %mul3A_10 = arith.muli %scan3A_8, %mul3A_9 : i32
      %min3A = arith.constant 1152 : i32
      %min3A_11 = arith.minsi %mul3A_10, %min3A : i32
      %add3A_12 = arith.addi %mul3A_2, %min3A_11 : i32
      "tpu.region"() ({
        %run_scoped3A = tpu.sem_alloc : memref<!tpu.dma_semaphore, #tpu.memory_space<semaphore_mem>>
        %dma_start3A_17 = tpu.memref_slice %arg3[%add3A_12] : memref<40960xi32, #tpu.memory_space<hbm>> -> memref<128xi32, #tpu.memory_space<hbm>>
        %dma_start3A_18 = tpu.memref_slice %arg3[%add3A_12] : memref<40960xi32, #tpu.memory_space<hbm>> -> memref<128xi32, #tpu.memory_space<hbm>>
        tpu.enqueue_dma source(%dma_start3A_18 : memref<128xi32, #tpu.memory_space<hbm>>) target(%arg5 : memref<128xi32, #tpu.memory_space<vmem>>) target_semaphore(%run_scoped3A : memref<!tpu.dma_semaphore, #tpu.memory_space<semaphore_mem>>)
        %dma_wait3A_19 = tpu.memref_slice %arg3[%add3A_12] : memref<40960xi32, #tpu.memory_space<hbm>> -> memref<128xi32, #tpu.memory_space<hbm>>
        %dma_wait3A_20 = tpu.memref_slice %arg3[%add3A_12] : memref<40960xi32, #tpu.memory_space<hbm>> -> memref<128xi32, #tpu.memory_space<hbm>>
        tpu.wait_dma2 semaphore(%run_scoped3A : memref<!tpu.dma_semaphore, #tpu.memory_space<semaphore_mem>>) src(%dma_wait3A_20 : memref<128xi32, #tpu.memory_space<hbm>>) dst(%arg5 : memref<128xi32, #tpu.memory_space<vmem>>)
        tpu.yield
      }) : () -> ()
      %dma_start3A = arith.constant 0 : i32
      %dma_start3A_13 = arith.constant 0 : i32
      %dma_start3A_14 = tpu.memref_slice %arg2[%dma_start3A, %dma_start3A_13] : memref<10000x128xf32, #tpu.memory_space<hbm>> -> memref<10000x128xf32, #tpu.memory_space<hbm>>
      tpu.enqueue_indirect_dma source(%dma_start3A_14 : memref<10000x128xf32, #tpu.memory_space<hbm>>) target(%arg6 : memref<128x128xf32, #tpu.memory_space<vmem>>) offsets(%arg5 : memref<128xi32, #tpu.memory_space<vmem>>) semaphore(%arg7 : memref<!tpu.dma_semaphore, #tpu.memory_space<semaphore_mem>>)
      %dma_wait3A = arith.constant 0 : i32
      %dma_wait3A_15 = arith.constant 0 : i32
      %dma_wait3A_16 = tpu.memref_slice %arg2[%dma_wait3A, %dma_wait3A_15] : memref<10000x128xf32, #tpu.memory_space<hbm>> -> memref<10000x128xf32, #tpu.memory_space<hbm>>
      tpu.wait_indirect_dma semaphore(%arg7 : memref<!tpu.dma_semaphore, #tpu.memory_space<semaphore_mem>>) src(%dma_wait3A_16 : memref<10000x128xf32, #tpu.memory_space<hbm>>) dst(%arg6 : memref<128x128xf32, #tpu.memory_space<vmem>>)
      "tpu.region"() ({
        %run_scoped3A = tpu.sem_alloc : memref<!tpu.dma_semaphore, #tpu.memory_space<semaphore_mem>>
        %dma_start3A_17 = arith.constant 0 : i32
        %dma_start3A_18 = tpu.memref_slice %arg4[%add3A_12, %dma_start3A_17] : memref<40960x128xf32, #tpu.memory_space<hbm>> -> memref<128x128xf32, #tpu.memory_space<hbm>>
        %dma_start3A_19 = arith.constant 0 : i32
        %dma_start3A_20 = tpu.memref_slice %arg4[%add3A_12, %dma_start3A_19] : memref<40960x128xf32, #tpu.memory_space<hbm>> -> memref<128x128xf32, #tpu.memory_space<hbm>>
        tpu.enqueue_dma source(%arg6 : memref<128x128xf32, #tpu.memory_space<vmem>>) target(%dma_start3A_20 : memref<128x128xf32, #tpu.memory_space<hbm>>) target_semaphore(%run_scoped3A : memref<!tpu.dma_semaphore, #tpu.memory_space<semaphore_mem>>)
        %dma_wait3A_21 = arith.constant 0 : i32
        %dma_wait3A_22 = tpu.memref_slice %arg4[%add3A_12, %dma_wait3A_21] : memref<40960x128xf32, #tpu.memory_space<hbm>> -> memref<128x128xf32, #tpu.memory_space<hbm>>
        %dma_wait3A_23 = arith.constant 0 : i32
        %dma_wait3A_24 = tpu.memref_slice %arg4[%add3A_12, %dma_wait3A_23] : memref<40960x128xf32, #tpu.memory_space<hbm>> -> memref<128x128xf32, #tpu.memory_space<hbm>>
        tpu.wait_dma2 semaphore(%run_scoped3A : memref<!tpu.dma_semaphore, #tpu.memory_space<semaphore_mem>>) src(%arg6 : memref<128x128xf32, #tpu.memory_space<vmem>>) dst(%dma_wait3A_24 : memref<128x128xf32, #tpu.memory_space<hbm>>)
        tpu.yield
      }) : () -> ()
    }
    %scan3A_7 = arith.constant 10 : i32
    return
  }
}

#map = affine_map<(d0, d1) -> (0, 0)>
#map1 = affine_map<(d0, d1) -> (0)>
#map2 = affine_map<(d0, d1) -> (0, 0, 0)>
module attributes {stable_mosaic.version = 14 : i64} {
  func.func @k(%arg0: i32, %arg1: i32, %arg2: memref<40960x128xf32, #tpu.memory_space<hbm>>, %arg3: memref<40960x128xf32, #tpu.memory_space<hbm>>, %arg4: memref<40960xi32, #tpu.memory_space<hbm>>, %arg5: memref<40960xi32, #tpu.memory_space<hbm>>, %arg6: memref<10000x128xf32, #tpu.memory_space<hbm>>, %arg7: memref<2x10000x128xf32, #tpu.memory_space<hbm>>, %arg8: memref<128xi32, #tpu.memory_space<vmem>>, %arg9: memref<128x128xf32, #tpu.memory_space<vmem>>, %arg10: memref<10000x128xf32, #tpu.memory_space<vmem_shared>>) attributes {dimension_semantics = [#tpu.dimension_semantics<core_parallel>, #tpu.dimension_semantics<subcore_parallel>], iteration_bounds = array<i64: 2, 16>, scalar_prefetch = 0 : i64, scratch_operands = 3 : i64, tpu.core_type = #tpu.core_type<sc_vector_subcore>, window_params = [{transform_indices = #map}, {transform_indices = #map}, {transform_indices = #map1}, {transform_indices = #map1}, {transform_indices = #map}, {transform_indices = #map2}]} {
    %mul3A = arith.constant 2 : i32
    %mul3A_0 = arith.muli %arg1, %mul3A : i32
    %add3A = arith.addi %mul3A_0, %arg0 : i32
    %lt3A = arith.constant 15 : i32
    %lt3A_1 = arith.cmpi slt, %arg1, %lt3A : i32
    %convert_element_type3A = arith.extui %lt3A_1 : i1 to i32
    %cond3A = arith.constant 0 : i32
    %cond3A_2 = arith.cmpi ne, %convert_element_type3A, %cond3A : i32
    scf.if %cond3A_2 {
      %mul3A_33 = arith.constant 640 : i32
      %mul3A_34 = arith.muli %arg1, %mul3A_33 : i32
      %mul3A_35 = arith.constant 640 : i32
      %mul3A_36 = arith.muli %arg1, %mul3A_35 : i32
      "tpu.region"() ({
        %run_scoped3A = tpu.sem_alloc : memref<!tpu.dma_semaphore, #tpu.memory_space<semaphore_mem>>
        %dma_start3A = arith.constant 0 : i32
        %dma_start3A_37 = tpu.memref_slice %arg10[%mul3A_36, %dma_start3A] : memref<10000x128xf32, #tpu.memory_space<vmem_shared>> -> memref<640x128xf32, #tpu.memory_space<vmem_shared>>
        %dma_start3A_38 = arith.constant 0 : i32
        %dma_start3A_39 = tpu.memref_slice %arg6[%mul3A_34, %dma_start3A_38] : memref<10000x128xf32, #tpu.memory_space<hbm>> -> memref<640x128xf32, #tpu.memory_space<hbm>>
        tpu.enqueue_dma source(%dma_start3A_39 : memref<640x128xf32, #tpu.memory_space<hbm>>) target(%dma_start3A_37 : memref<640x128xf32, #tpu.memory_space<vmem_shared>>) target_semaphore(%run_scoped3A : memref<!tpu.dma_semaphore, #tpu.memory_space<semaphore_mem>>)
        %dma_wait3A = arith.constant 0 : i32
        %dma_wait3A_40 = tpu.memref_slice %arg10[%mul3A_36, %dma_wait3A] : memref<10000x128xf32, #tpu.memory_space<vmem_shared>> -> memref<640x128xf32, #tpu.memory_space<vmem_shared>>
        %dma_wait3A_41 = arith.constant 0 : i32
        %dma_wait3A_42 = tpu.memref_slice %arg6[%mul3A_34, %dma_wait3A_41] : memref<10000x128xf32, #tpu.memory_space<hbm>> -> memref<640x128xf32, #tpu.memory_space<hbm>>
        tpu.wait_dma2 semaphore(%run_scoped3A : memref<!tpu.dma_semaphore, #tpu.memory_space<semaphore_mem>>) src(%dma_wait3A_42 : memref<640x128xf32, #tpu.memory_space<hbm>>) dst(%dma_wait3A_40 : memref<640x128xf32, #tpu.memory_space<vmem_shared>>)
        tpu.yield
      }) : () -> ()
    } else {
    }
    %eq3A = arith.constant 15 : i32
    %eq3A_3 = arith.cmpi eq, %arg1, %eq3A : i32
    %convert_element_type3A_4 = arith.extui %eq3A_3 : i1 to i32
    %cond3A_5 = arith.constant 0 : i32
    %cond3A_6 = arith.cmpi ne, %convert_element_type3A_4, %cond3A_5 : i32
    scf.if %cond3A_6 {
      "tpu.region"() ({
        %run_scoped3A = tpu.sem_alloc : memref<!tpu.dma_semaphore, #tpu.memory_space<semaphore_mem>>
        %dma_start3A = arith.constant 9600 : i32
        %dma_start3A_33 = arith.constant 0 : i32
        %dma_start3A_34 = tpu.memref_slice %arg10[%dma_start3A, %dma_start3A_33] : memref<10000x128xf32, #tpu.memory_space<vmem_shared>> -> memref<400x128xf32, #tpu.memory_space<vmem_shared>>
        %dma_start3A_35 = arith.constant 9600 : i32
        %dma_start3A_36 = arith.constant 0 : i32
        %dma_start3A_37 = tpu.memref_slice %arg6[%dma_start3A_35, %dma_start3A_36] : memref<10000x128xf32, #tpu.memory_space<hbm>> -> memref<400x128xf32, #tpu.memory_space<hbm>>
        tpu.enqueue_dma source(%dma_start3A_37 : memref<400x128xf32, #tpu.memory_space<hbm>>) target(%dma_start3A_34 : memref<400x128xf32, #tpu.memory_space<vmem_shared>>) target_semaphore(%run_scoped3A : memref<!tpu.dma_semaphore, #tpu.memory_space<semaphore_mem>>)
        %dma_wait3A = arith.constant 9600 : i32
        %dma_wait3A_38 = arith.constant 0 : i32
        %dma_wait3A_39 = tpu.memref_slice %arg10[%dma_wait3A, %dma_wait3A_38] : memref<10000x128xf32, #tpu.memory_space<vmem_shared>> -> memref<400x128xf32, #tpu.memory_space<vmem_shared>>
        %dma_wait3A_40 = arith.constant 9600 : i32
        %dma_wait3A_41 = arith.constant 0 : i32
        %dma_wait3A_42 = tpu.memref_slice %arg6[%dma_wait3A_40, %dma_wait3A_41] : memref<10000x128xf32, #tpu.memory_space<hbm>> -> memref<400x128xf32, #tpu.memory_space<hbm>>
        tpu.wait_dma2 semaphore(%run_scoped3A : memref<!tpu.dma_semaphore, #tpu.memory_space<semaphore_mem>>) src(%dma_wait3A_42 : memref<400x128xf32, #tpu.memory_space<hbm>>) dst(%dma_wait3A_39 : memref<400x128xf32, #tpu.memory_space<vmem_shared>>)
        tpu.yield
      }) : () -> ()
    } else {
    }
    %barrier3A = arith.constant 0 : index
    tpu.barrier barrier_id(%barrier3A)
    %mul3A_7 = arith.constant 1280 : i32
    %mul3A_8 = arith.muli %add3A, %mul3A_7 : i32
    %scan3A = arith.constant 0 : i32
    %scan3A_9 = arith.constant 0 : i32
    %scan3A_10 = arith.constant 10 : i32
    %scan3A_11 = arith.addi %scan3A_9, %scan3A_10 : i32
    %scan3A_12 = arith.constant 1 : i32
    scf.for %scan3A_33 = %scan3A_9 to %scan3A_11 step %scan3A_12  : i32 {
      %mul3A_34 = arith.constant 128 : i32
      %mul3A_35 = arith.muli %scan3A_33, %mul3A_34 : i32
      %add3A_36 = arith.addi %mul3A_8, %mul3A_35 : i32
      "tpu.region"() ({
        %run_scoped3A = tpu.sem_alloc : memref<!tpu.dma_semaphore, #tpu.memory_space<semaphore_mem>>
        %dma_start3A = tpu.memref_slice %arg4[%add3A_36] : memref<40960xi32, #tpu.memory_space<hbm>> -> memref<128xi32, #tpu.memory_space<hbm>>
        %dma_start3A_37 = tpu.memref_slice %arg4[%add3A_36] : memref<40960xi32, #tpu.memory_space<hbm>> -> memref<128xi32, #tpu.memory_space<hbm>>
        tpu.enqueue_dma source(%dma_start3A_37 : memref<128xi32, #tpu.memory_space<hbm>>) target(%arg8 : memref<128xi32, #tpu.memory_space<vmem>>) target_semaphore(%run_scoped3A : memref<!tpu.dma_semaphore, #tpu.memory_space<semaphore_mem>>)
        %dma_wait3A = tpu.memref_slice %arg4[%add3A_36] : memref<40960xi32, #tpu.memory_space<hbm>> -> memref<128xi32, #tpu.memory_space<hbm>>
        %dma_wait3A_38 = tpu.memref_slice %arg4[%add3A_36] : memref<40960xi32, #tpu.memory_space<hbm>> -> memref<128xi32, #tpu.memory_space<hbm>>
        tpu.wait_dma2 semaphore(%run_scoped3A : memref<!tpu.dma_semaphore, #tpu.memory_space<semaphore_mem>>) src(%dma_wait3A_38 : memref<128xi32, #tpu.memory_space<hbm>>) dst(%arg8 : memref<128xi32, #tpu.memory_space<vmem>>)
        tpu.yield
      }) : () -> ()
      "tpu.region"() ({
        %run_scoped3A = tpu.sem_alloc : memref<!tpu.dma_semaphore, #tpu.memory_space<semaphore_mem>>
        %dma_start3A = arith.constant 0 : i32
        %dma_start3A_37 = tpu.memref_slice %arg2[%add3A_36, %dma_start3A] : memref<40960x128xf32, #tpu.memory_space<hbm>> -> memref<128x128xf32, #tpu.memory_space<hbm>>
        %dma_start3A_38 = arith.constant 0 : i32
        %dma_start3A_39 = tpu.memref_slice %arg2[%add3A_36, %dma_start3A_38] : memref<40960x128xf32, #tpu.memory_space<hbm>> -> memref<128x128xf32, #tpu.memory_space<hbm>>
        tpu.enqueue_dma source(%dma_start3A_39 : memref<128x128xf32, #tpu.memory_space<hbm>>) target(%arg9 : memref<128x128xf32, #tpu.memory_space<vmem>>) target_semaphore(%run_scoped3A : memref<!tpu.dma_semaphore, #tpu.memory_space<semaphore_mem>>)
        %dma_wait3A = arith.constant 0 : i32
        %dma_wait3A_40 = tpu.memref_slice %arg2[%add3A_36, %dma_wait3A] : memref<40960x128xf32, #tpu.memory_space<hbm>> -> memref<128x128xf32, #tpu.memory_space<hbm>>
        %dma_wait3A_41 = arith.constant 0 : i32
        %dma_wait3A_42 = tpu.memref_slice %arg2[%add3A_36, %dma_wait3A_41] : memref<40960x128xf32, #tpu.memory_space<hbm>> -> memref<128x128xf32, #tpu.memory_space<hbm>>
        tpu.wait_dma2 semaphore(%run_scoped3A : memref<!tpu.dma_semaphore, #tpu.memory_space<semaphore_mem>>) src(%dma_wait3A_42 : memref<128x128xf32, #tpu.memory_space<hbm>>) dst(%arg9 : memref<128x128xf32, #tpu.memory_space<vmem>>)
        tpu.yield
      }) : () -> ()
      "tpu.region"() ({
        %run_scoped3A = tpu.sem_alloc : memref<!tpu.dma_semaphore, #tpu.memory_space<semaphore_mem>>
        %dma_start3A = arith.constant 0 : i32
        %dma_start3A_37 = arith.constant 0 : i32
        %dma_start3A_38 = tpu.memref_slice %arg10[%dma_start3A, %dma_start3A_37] : memref<10000x128xf32, #tpu.memory_space<vmem_shared>> -> memref<10000x128xf32, #tpu.memory_space<vmem_shared>>
        tpu.enqueue_indirect_dma source(%arg9 : memref<128x128xf32, #tpu.memory_space<vmem>>) target(%dma_start3A_38 : memref<10000x128xf32, #tpu.memory_space<vmem_shared>>) offsets(%arg8 : memref<128xi32, #tpu.memory_space<vmem>>) semaphore(%run_scoped3A : memref<!tpu.dma_semaphore, #tpu.memory_space<semaphore_mem>>) {add = true}
        %dma_wait3A = arith.constant 0 : i32
        %dma_wait3A_39 = arith.constant 0 : i32
        %dma_wait3A_40 = tpu.memref_slice %arg10[%dma_wait3A, %dma_wait3A_39] : memref<10000x128xf32, #tpu.memory_space<vmem_shared>> -> memref<10000x128xf32, #tpu.memory_space<vmem_shared>>
        tpu.wait_indirect_dma semaphore(%run_scoped3A : memref<!tpu.dma_semaphore, #tpu.memory_space<semaphore_mem>>) src(%arg9 : memref<128x128xf32, #tpu.memory_space<vmem>>) dst(%dma_wait3A_40 : memref<10000x128xf32, #tpu.memory_space<vmem_shared>>)
        tpu.yield
      }) : () -> ()
    }
    %scan3A_13 = arith.constant 10 : i32
    %mul3A_14 = arith.constant 1280 : i32
    %mul3A_15 = arith.muli %add3A, %mul3A_14 : i32
    %scan3A_16 = arith.constant 0 : i32
    %scan3A_17 = arith.constant 0 : i32
    %scan3A_18 = arith.constant 10 : i32
    %scan3A_19 = arith.addi %scan3A_17, %scan3A_18 : i32
    %scan3A_20 = arith.constant 1 : i32
    scf.for %scan3A_33 = %scan3A_17 to %scan3A_19 step %scan3A_20  : i32 {
      %mul3A_34 = arith.constant 128 : i32
      %mul3A_35 = arith.muli %scan3A_33, %mul3A_34 : i32
      %add3A_36 = arith.addi %mul3A_15, %mul3A_35 : i32
      "tpu.region"() ({
        %run_scoped3A = tpu.sem_alloc : memref<!tpu.dma_semaphore, #tpu.memory_space<semaphore_mem>>
        %dma_start3A = tpu.memref_slice %arg5[%add3A_36] : memref<40960xi32, #tpu.memory_space<hbm>> -> memref<128xi32, #tpu.memory_space<hbm>>
        %dma_start3A_37 = tpu.memref_slice %arg5[%add3A_36] : memref<40960xi32, #tpu.memory_space<hbm>> -> memref<128xi32, #tpu.memory_space<hbm>>
        tpu.enqueue_dma source(%dma_start3A_37 : memref<128xi32, #tpu.memory_space<hbm>>) target(%arg8 : memref<128xi32, #tpu.memory_space<vmem>>) target_semaphore(%run_scoped3A : memref<!tpu.dma_semaphore, #tpu.memory_space<semaphore_mem>>)
        %dma_wait3A = tpu.memref_slice %arg5[%add3A_36] : memref<40960xi32, #tpu.memory_space<hbm>> -> memref<128xi32, #tpu.memory_space<hbm>>
        %dma_wait3A_38 = tpu.memref_slice %arg5[%add3A_36] : memref<40960xi32, #tpu.memory_space<hbm>> -> memref<128xi32, #tpu.memory_space<hbm>>
        tpu.wait_dma2 semaphore(%run_scoped3A : memref<!tpu.dma_semaphore, #tpu.memory_space<semaphore_mem>>) src(%dma_wait3A_38 : memref<128xi32, #tpu.memory_space<hbm>>) dst(%arg8 : memref<128xi32, #tpu.memory_space<vmem>>)
        tpu.yield
      }) : () -> ()
      "tpu.region"() ({
        %run_scoped3A = tpu.sem_alloc : memref<!tpu.dma_semaphore, #tpu.memory_space<semaphore_mem>>
        %dma_start3A = arith.constant 0 : i32
        %dma_start3A_37 = tpu.memref_slice %arg3[%add3A_36, %dma_start3A] : memref<40960x128xf32, #tpu.memory_space<hbm>> -> memref<128x128xf32, #tpu.memory_space<hbm>>
        %dma_start3A_38 = arith.constant 0 : i32
        %dma_start3A_39 = tpu.memref_slice %arg3[%add3A_36, %dma_start3A_38] : memref<40960x128xf32, #tpu.memory_space<hbm>> -> memref<128x128xf32, #tpu.memory_space<hbm>>
        tpu.enqueue_dma source(%dma_start3A_39 : memref<128x128xf32, #tpu.memory_space<hbm>>) target(%arg9 : memref<128x128xf32, #tpu.memory_space<vmem>>) target_semaphore(%run_scoped3A : memref<!tpu.dma_semaphore, #tpu.memory_space<semaphore_mem>>)
        %dma_wait3A = arith.constant 0 : i32
        %dma_wait3A_40 = tpu.memref_slice %arg3[%add3A_36, %dma_wait3A] : memref<40960x128xf32, #tpu.memory_space<hbm>> -> memref<128x128xf32, #tpu.memory_space<hbm>>
        %dma_wait3A_41 = arith.constant 0 : i32
        %dma_wait3A_42 = tpu.memref_slice %arg3[%add3A_36, %dma_wait3A_41] : memref<40960x128xf32, #tpu.memory_space<hbm>> -> memref<128x128xf32, #tpu.memory_space<hbm>>
        tpu.wait_dma2 semaphore(%run_scoped3A : memref<!tpu.dma_semaphore, #tpu.memory_space<semaphore_mem>>) src(%dma_wait3A_42 : memref<128x128xf32, #tpu.memory_space<hbm>>) dst(%arg9 : memref<128x128xf32, #tpu.memory_space<vmem>>)
        tpu.yield
      }) : () -> ()
      "tpu.region"() ({
        %run_scoped3A = tpu.sem_alloc : memref<!tpu.dma_semaphore, #tpu.memory_space<semaphore_mem>>
        %dma_start3A = arith.constant 0 : i32
        %dma_start3A_37 = arith.constant 0 : i32
        %dma_start3A_38 = tpu.memref_slice %arg10[%dma_start3A, %dma_start3A_37] : memref<10000x128xf32, #tpu.memory_space<vmem_shared>> -> memref<10000x128xf32, #tpu.memory_space<vmem_shared>>
        tpu.enqueue_indirect_dma source(%arg9 : memref<128x128xf32, #tpu.memory_space<vmem>>) target(%dma_start3A_38 : memref<10000x128xf32, #tpu.memory_space<vmem_shared>>) offsets(%arg8 : memref<128xi32, #tpu.memory_space<vmem>>) semaphore(%run_scoped3A : memref<!tpu.dma_semaphore, #tpu.memory_space<semaphore_mem>>) {add = true}
        %dma_wait3A = arith.constant 0 : i32
        %dma_wait3A_39 = arith.constant 0 : i32
        %dma_wait3A_40 = tpu.memref_slice %arg10[%dma_wait3A, %dma_wait3A_39] : memref<10000x128xf32, #tpu.memory_space<vmem_shared>> -> memref<10000x128xf32, #tpu.memory_space<vmem_shared>>
        tpu.wait_indirect_dma semaphore(%run_scoped3A : memref<!tpu.dma_semaphore, #tpu.memory_space<semaphore_mem>>) src(%arg9 : memref<128x128xf32, #tpu.memory_space<vmem>>) dst(%dma_wait3A_40 : memref<10000x128xf32, #tpu.memory_space<vmem_shared>>)
        tpu.yield
      }) : () -> ()
    }
    %scan3A_21 = arith.constant 10 : i32
    %barrier3A_22 = arith.constant 0 : index
    tpu.barrier barrier_id(%barrier3A_22)
    %lt3A_23 = arith.constant 15 : i32
    %lt3A_24 = arith.cmpi slt, %arg1, %lt3A_23 : i32
    %convert_element_type3A_25 = arith.extui %lt3A_24 : i1 to i32
    %cond3A_26 = arith.constant 0 : i32
    %cond3A_27 = arith.cmpi ne, %convert_element_type3A_25, %cond3A_26 : i32
    scf.if %cond3A_27 {
      %mul3A_33 = arith.constant 640 : i32
      %mul3A_34 = arith.muli %arg1, %mul3A_33 : i32
      %mul3A_35 = arith.constant 640 : i32
      %mul3A_36 = arith.muli %arg1, %mul3A_35 : i32
      "tpu.region"() ({
        %run_scoped3A = tpu.sem_alloc : memref<!tpu.dma_semaphore, #tpu.memory_space<semaphore_mem>>
        %dma_start3A = arith.constant 0 : i32
        %dma_start3A_37 = tpu.memref_slice %arg7[%arg0, %mul3A_36, %dma_start3A] : memref<2x10000x128xf32, #tpu.memory_space<hbm>> -> memref<1x640x128xf32, #tpu.memory_space<hbm>>
        %dma_start3A_38 = tpu.memref_squeeze %dma_start3A_37 : memref<1x640x128xf32, #tpu.memory_space<hbm>> -> memref<640x128xf32, #tpu.memory_space<hbm>>
        %dma_start3A_39 = arith.constant 0 : i32
        %dma_start3A_40 = tpu.memref_slice %arg10[%mul3A_34, %dma_start3A_39] : memref<10000x128xf32, #tpu.memory_space<vmem_shared>> -> memref<640x128xf32, #tpu.memory_space<vmem_shared>>
        tpu.enqueue_dma source(%dma_start3A_40 : memref<640x128xf32, #tpu.memory_space<vmem_shared>>) target(%dma_start3A_38 : memref<640x128xf32, #tpu.memory_space<hbm>>) target_semaphore(%run_scoped3A : memref<!tpu.dma_semaphore, #tpu.memory_space<semaphore_mem>>)
        %dma_wait3A = arith.constant 0 : i32
        %dma_wait3A_41 = tpu.memref_slice %arg7[%arg0, %mul3A_36, %dma_wait3A] : memref<2x10000x128xf32, #tpu.memory_space<hbm>> -> memref<1x640x128xf32, #tpu.memory_space<hbm>>
        %dma_wait3A_42 = tpu.memref_squeeze %dma_wait3A_41 : memref<1x640x128xf32, #tpu.memory_space<hbm>> -> memref<640x128xf32, #tpu.memory_space<hbm>>
        %dma_wait3A_43 = arith.constant 0 : i32
        %dma_wait3A_44 = tpu.memref_slice %arg10[%mul3A_34, %dma_wait3A_43] : memref<10000x128xf32, #tpu.memory_space<vmem_shared>> -> memref<640x128xf32, #tpu.memory_space<vmem_shared>>
        tpu.wait_dma2 semaphore(%run_scoped3A : memref<!tpu.dma_semaphore, #tpu.memory_space<semaphore_mem>>) src(%dma_wait3A_44 : memref<640x128xf32, #tpu.memory_space<vmem_shared>>) dst(%dma_wait3A_42 : memref<640x128xf32, #tpu.memory_space<hbm>>)
        tpu.yield
      }) : () -> ()
    } else {
    }
    %eq3A_28 = arith.constant 15 : i32
    %eq3A_29 = arith.cmpi eq, %arg1, %eq3A_28 : i32
    %convert_element_type3A_30 = arith.extui %eq3A_29 : i1 to i32
    %cond3A_31 = arith.constant 0 : i32
    %cond3A_32 = arith.cmpi ne, %convert_element_type3A_30, %cond3A_31 : i32
    scf.if %cond3A_32 {
      "tpu.region"() ({
        %run_scoped3A = tpu.sem_alloc : memref<!tpu.dma_semaphore, #tpu.memory_space<semaphore_mem>>
        %dma_start3A = arith.constant 9600 : i32
        %dma_start3A_33 = arith.constant 0 : i32
        %dma_start3A_34 = tpu.memref_slice %arg7[%arg0, %dma_start3A, %dma_start3A_33] : memref<2x10000x128xf32, #tpu.memory_space<hbm>> -> memref<1x400x128xf32, #tpu.memory_space<hbm>>
        %dma_start3A_35 = tpu.memref_squeeze %dma_start3A_34 : memref<1x400x128xf32, #tpu.memory_space<hbm>> -> memref<400x128xf32, #tpu.memory_space<hbm>>
        %dma_start3A_36 = arith.constant 9600 : i32
        %dma_start3A_37 = arith.constant 0 : i32
        %dma_start3A_38 = tpu.memref_slice %arg10[%dma_start3A_36, %dma_start3A_37] : memref<10000x128xf32, #tpu.memory_space<vmem_shared>> -> memref<400x128xf32, #tpu.memory_space<vmem_shared>>
        tpu.enqueue_dma source(%dma_start3A_38 : memref<400x128xf32, #tpu.memory_space<vmem_shared>>) target(%dma_start3A_35 : memref<400x128xf32, #tpu.memory_space<hbm>>) target_semaphore(%run_scoped3A : memref<!tpu.dma_semaphore, #tpu.memory_space<semaphore_mem>>)
        %dma_wait3A = arith.constant 9600 : i32
        %dma_wait3A_39 = arith.constant 0 : i32
        %dma_wait3A_40 = tpu.memref_slice %arg7[%arg0, %dma_wait3A, %dma_wait3A_39] : memref<2x10000x128xf32, #tpu.memory_space<hbm>> -> memref<1x400x128xf32, #tpu.memory_space<hbm>>
        %dma_wait3A_41 = tpu.memref_squeeze %dma_wait3A_40 : memref<1x400x128xf32, #tpu.memory_space<hbm>> -> memref<400x128xf32, #tpu.memory_space<hbm>>
        %dma_wait3A_42 = arith.constant 9600 : i32
        %dma_wait3A_43 = arith.constant 0 : i32
        %dma_wait3A_44 = tpu.memref_slice %arg10[%dma_wait3A_42, %dma_wait3A_43] : memref<10000x128xf32, #tpu.memory_space<vmem_shared>> -> memref<400x128xf32, #tpu.memory_space<vmem_shared>>
        tpu.wait_dma2 semaphore(%run_scoped3A : memref<!tpu.dma_semaphore, #tpu.memory_space<semaphore_mem>>) src(%dma_wait3A_44 : memref<400x128xf32, #tpu.memory_space<vmem_shared>>) dst(%dma_wait3A_41 : memref<400x128xf32, #tpu.memory_space<hbm>>)
        tpu.yield
      }) : () -> ()
    } else {
    }
    return
  }
}

#map = affine_map<(d0, d1) -> (0, 0)>
#map1 = affine_map<(d0, d1) -> (0)>
#map2 = affine_map<(d0, d1) -> (0, 0, 0)>
module attributes {stable_mosaic.version = 14 : i64} {
  func.func @k(%arg0: i32, %arg1: i32, %arg2: memref<40960x128xf32, #tpu.memory_space<hbm>>, %arg3: memref<37120x128xf32, #tpu.memory_space<hbm>>, %arg4: memref<40960xi32, #tpu.memory_space<hbm>>, %arg5: memref<37120xi32, #tpu.memory_space<hbm>>, %arg6: memref<10000x128xf32, #tpu.memory_space<hbm>>, %arg7: memref<2x10000x128xf32, #tpu.memory_space<hbm>>, %arg8: memref<128xi32, #tpu.memory_space<vmem>>, %arg9: memref<128x128xf32, #tpu.memory_space<vmem>>, %arg10: memref<8xi32, #tpu.memory_space<vmem>>, %arg11: memref<8x128xf32, #tpu.memory_space<vmem>>, %arg12: memref<10000x128xf32, #tpu.memory_space<vmem_shared>>) attributes {dimension_semantics = [#tpu.dimension_semantics<core_parallel>, #tpu.dimension_semantics<subcore_parallel>], iteration_bounds = array<i64: 2, 16>, scalar_prefetch = 0 : i64, scratch_operands = 5 : i64, tpu.core_type = #tpu.core_type<sc_vector_subcore>, window_params = [{transform_indices = #map}, {transform_indices = #map}, {transform_indices = #map1}, {transform_indices = #map1}, {transform_indices = #map}, {transform_indices = #map2}]} {
    %mul3A = arith.constant 2 : i32
    %mul3A_0 = arith.muli %arg1, %mul3A : i32
    %add3A = arith.addi %mul3A_0, %arg0 : i32
    %lt3A = arith.constant 15 : i32
    %lt3A_1 = arith.cmpi slt, %arg1, %lt3A : i32
    %convert_element_type3A = arith.extui %lt3A_1 : i1 to i32
    %cond3A = arith.constant 0 : i32
    %cond3A_2 = arith.cmpi ne, %convert_element_type3A, %cond3A : i32
    scf.if %cond3A_2 {
      %mul3A_35 = arith.constant 640 : i32
      %mul3A_36 = arith.muli %arg1, %mul3A_35 : i32
      %mul3A_37 = arith.constant 640 : i32
      %mul3A_38 = arith.muli %arg1, %mul3A_37 : i32
      "tpu.region"() ({
        %run_scoped3A = tpu.sem_alloc : memref<!tpu.dma_semaphore, #tpu.memory_space<semaphore_mem>>
        %dma_start3A = arith.constant 0 : i32
        %dma_start3A_39 = tpu.memref_slice %arg12[%mul3A_38, %dma_start3A] : memref<10000x128xf32, #tpu.memory_space<vmem_shared>> -> memref<640x128xf32, #tpu.memory_space<vmem_shared>>
        %dma_start3A_40 = arith.constant 0 : i32
        %dma_start3A_41 = tpu.memref_slice %arg6[%mul3A_36, %dma_start3A_40] : memref<10000x128xf32, #tpu.memory_space<hbm>> -> memref<640x128xf32, #tpu.memory_space<hbm>>
        tpu.enqueue_dma source(%dma_start3A_41 : memref<640x128xf32, #tpu.memory_space<hbm>>) target(%dma_start3A_39 : memref<640x128xf32, #tpu.memory_space<vmem_shared>>) target_semaphore(%run_scoped3A : memref<!tpu.dma_semaphore, #tpu.memory_space<semaphore_mem>>)
        %dma_wait3A = arith.constant 0 : i32
        %dma_wait3A_42 = tpu.memref_slice %arg12[%mul3A_38, %dma_wait3A] : memref<10000x128xf32, #tpu.memory_space<vmem_shared>> -> memref<640x128xf32, #tpu.memory_space<vmem_shared>>
        %dma_wait3A_43 = arith.constant 0 : i32
        %dma_wait3A_44 = tpu.memref_slice %arg6[%mul3A_36, %dma_wait3A_43] : memref<10000x128xf32, #tpu.memory_space<hbm>> -> memref<640x128xf32, #tpu.memory_space<hbm>>
        tpu.wait_dma2 semaphore(%run_scoped3A : memref<!tpu.dma_semaphore, #tpu.memory_space<semaphore_mem>>) src(%dma_wait3A_44 : memref<640x128xf32, #tpu.memory_space<hbm>>) dst(%dma_wait3A_42 : memref<640x128xf32, #tpu.memory_space<vmem_shared>>)
        tpu.yield
      }) : () -> ()
    } else {
    }
    %eq3A = arith.constant 15 : i32
    %eq3A_3 = arith.cmpi eq, %arg1, %eq3A : i32
    %convert_element_type3A_4 = arith.extui %eq3A_3 : i1 to i32
    %cond3A_5 = arith.constant 0 : i32
    %cond3A_6 = arith.cmpi ne, %convert_element_type3A_4, %cond3A_5 : i32
    scf.if %cond3A_6 {
      "tpu.region"() ({
        %run_scoped3A = tpu.sem_alloc : memref<!tpu.dma_semaphore, #tpu.memory_space<semaphore_mem>>
        %dma_start3A = arith.constant 9600 : i32
        %dma_start3A_35 = arith.constant 0 : i32
        %dma_start3A_36 = tpu.memref_slice %arg12[%dma_start3A, %dma_start3A_35] : memref<10000x128xf32, #tpu.memory_space<vmem_shared>> -> memref<400x128xf32, #tpu.memory_space<vmem_shared>>
        %dma_start3A_37 = arith.constant 9600 : i32
        %dma_start3A_38 = arith.constant 0 : i32
        %dma_start3A_39 = tpu.memref_slice %arg6[%dma_start3A_37, %dma_start3A_38] : memref<10000x128xf32, #tpu.memory_space<hbm>> -> memref<400x128xf32, #tpu.memory_space<hbm>>
        tpu.enqueue_dma source(%dma_start3A_39 : memref<400x128xf32, #tpu.memory_space<hbm>>) target(%dma_start3A_36 : memref<400x128xf32, #tpu.memory_space<vmem_shared>>) target_semaphore(%run_scoped3A : memref<!tpu.dma_semaphore, #tpu.memory_space<semaphore_mem>>)
        %dma_wait3A = arith.constant 9600 : i32
        %dma_wait3A_40 = arith.constant 0 : i32
        %dma_wait3A_41 = tpu.memref_slice %arg12[%dma_wait3A, %dma_wait3A_40] : memref<10000x128xf32, #tpu.memory_space<vmem_shared>> -> memref<400x128xf32, #tpu.memory_space<vmem_shared>>
        %dma_wait3A_42 = arith.constant 9600 : i32
        %dma_wait3A_43 = arith.constant 0 : i32
        %dma_wait3A_44 = tpu.memref_slice %arg6[%dma_wait3A_42, %dma_wait3A_43] : memref<10000x128xf32, #tpu.memory_space<hbm>> -> memref<400x128xf32, #tpu.memory_space<hbm>>
        tpu.wait_dma2 semaphore(%run_scoped3A : memref<!tpu.dma_semaphore, #tpu.memory_space<semaphore_mem>>) src(%dma_wait3A_44 : memref<400x128xf32, #tpu.memory_space<hbm>>) dst(%dma_wait3A_41 : memref<400x128xf32, #tpu.memory_space<vmem_shared>>)
        tpu.yield
      }) : () -> ()
    } else {
    }
    %barrier3A = arith.constant 0 : index
    tpu.barrier barrier_id(%barrier3A)
    %mul3A_7 = arith.constant 1280 : i32
    %mul3A_8 = arith.muli %add3A, %mul3A_7 : i32
    %scan3A = arith.constant 0 : i32
    %scan3A_9 = arith.constant 0 : i32
    %scan3A_10 = arith.constant 10 : i32
    %scan3A_11 = arith.addi %scan3A_9, %scan3A_10 : i32
    %scan3A_12 = arith.constant 1 : i32
    scf.for %scan3A_35 = %scan3A_9 to %scan3A_11 step %scan3A_12  : i32 {
      %mul3A_36 = arith.constant 128 : i32
      %mul3A_37 = arith.muli %scan3A_35, %mul3A_36 : i32
      %add3A_38 = arith.addi %mul3A_8, %mul3A_37 : i32
      "tpu.region"() ({
        %run_scoped3A = tpu.sem_alloc : memref<!tpu.dma_semaphore, #tpu.memory_space<semaphore_mem>>
        %dma_start3A = tpu.memref_slice %arg4[%add3A_38] : memref<40960xi32, #tpu.memory_space<hbm>> -> memref<128xi32, #tpu.memory_space<hbm>>
        %dma_start3A_39 = tpu.memref_slice %arg4[%add3A_38] : memref<40960xi32, #tpu.memory_space<hbm>> -> memref<128xi32, #tpu.memory_space<hbm>>
        tpu.enqueue_dma source(%dma_start3A_39 : memref<128xi32, #tpu.memory_space<hbm>>) target(%arg8 : memref<128xi32, #tpu.memory_space<vmem>>) target_semaphore(%run_scoped3A : memref<!tpu.dma_semaphore, #tpu.memory_space<semaphore_mem>>)
        %dma_wait3A = tpu.memref_slice %arg4[%add3A_38] : memref<40960xi32, #tpu.memory_space<hbm>> -> memref<128xi32, #tpu.memory_space<hbm>>
        %dma_wait3A_40 = tpu.memref_slice %arg4[%add3A_38] : memref<40960xi32, #tpu.memory_space<hbm>> -> memref<128xi32, #tpu.memory_space<hbm>>
        tpu.wait_dma2 semaphore(%run_scoped3A : memref<!tpu.dma_semaphore, #tpu.memory_space<semaphore_mem>>) src(%dma_wait3A_40 : memref<128xi32, #tpu.memory_space<hbm>>) dst(%arg8 : memref<128xi32, #tpu.memory_space<vmem>>)
        tpu.yield
      }) : () -> ()
      "tpu.region"() ({
        %run_scoped3A = tpu.sem_alloc : memref<!tpu.dma_semaphore, #tpu.memory_space<semaphore_mem>>
        %dma_start3A = arith.constant 0 : i32
        %dma_start3A_39 = tpu.memref_slice %arg2[%add3A_38, %dma_start3A] : memref<40960x128xf32, #tpu.memory_space<hbm>> -> memref<128x128xf32, #tpu.memory_space<hbm>>
        %dma_start3A_40 = arith.constant 0 : i32
        %dma_start3A_41 = tpu.memref_slice %arg2[%add3A_38, %dma_start3A_40] : memref<40960x128xf32, #tpu.memory_space<hbm>> -> memref<128x128xf32, #tpu.memory_space<hbm>>
        tpu.enqueue_dma source(%dma_start3A_41 : memref<128x128xf32, #tpu.memory_space<hbm>>) target(%arg9 : memref<128x128xf32, #tpu.memory_space<vmem>>) target_semaphore(%run_scoped3A : memref<!tpu.dma_semaphore, #tpu.memory_space<semaphore_mem>>)
        %dma_wait3A = arith.constant 0 : i32
        %dma_wait3A_42 = tpu.memref_slice %arg2[%add3A_38, %dma_wait3A] : memref<40960x128xf32, #tpu.memory_space<hbm>> -> memref<128x128xf32, #tpu.memory_space<hbm>>
        %dma_wait3A_43 = arith.constant 0 : i32
        %dma_wait3A_44 = tpu.memref_slice %arg2[%add3A_38, %dma_wait3A_43] : memref<40960x128xf32, #tpu.memory_space<hbm>> -> memref<128x128xf32, #tpu.memory_space<hbm>>
        tpu.wait_dma2 semaphore(%run_scoped3A : memref<!tpu.dma_semaphore, #tpu.memory_space<semaphore_mem>>) src(%dma_wait3A_44 : memref<128x128xf32, #tpu.memory_space<hbm>>) dst(%arg9 : memref<128x128xf32, #tpu.memory_space<vmem>>)
        tpu.yield
      }) : () -> ()
      "tpu.region"() ({
        %run_scoped3A = tpu.sem_alloc : memref<!tpu.dma_semaphore, #tpu.memory_space<semaphore_mem>>
        %dma_start3A = arith.constant 0 : i32
        %dma_start3A_39 = arith.constant 0 : i32
        %dma_start3A_40 = tpu.memref_slice %arg12[%dma_start3A, %dma_start3A_39] : memref<10000x128xf32, #tpu.memory_space<vmem_shared>> -> memref<10000x128xf32, #tpu.memory_space<vmem_shared>>
        tpu.enqueue_indirect_dma source(%arg9 : memref<128x128xf32, #tpu.memory_space<vmem>>) target(%dma_start3A_40 : memref<10000x128xf32, #tpu.memory_space<vmem_shared>>) offsets(%arg8 : memref<128xi32, #tpu.memory_space<vmem>>) semaphore(%run_scoped3A : memref<!tpu.dma_semaphore, #tpu.memory_space<semaphore_mem>>) {add = true}
        %dma_wait3A = arith.constant 0 : i32
        %dma_wait3A_41 = arith.constant 0 : i32
        %dma_wait3A_42 = tpu.memref_slice %arg12[%dma_wait3A, %dma_wait3A_41] : memref<10000x128xf32, #tpu.memory_space<vmem_shared>> -> memref<10000x128xf32, #tpu.memory_space<vmem_shared>>
        tpu.wait_indirect_dma semaphore(%run_scoped3A : memref<!tpu.dma_semaphore, #tpu.memory_space<semaphore_mem>>) src(%arg9 : memref<128x128xf32, #tpu.memory_space<vmem>>) dst(%dma_wait3A_42 : memref<10000x128xf32, #tpu.memory_space<vmem_shared>>)
        tpu.yield
      }) : () -> ()
    }
    %scan3A_13 = arith.constant 10 : i32
    %mul3A_14 = arith.constant 1160 : i32
    %mul3A_15 = arith.muli %add3A, %mul3A_14 : i32
    %scan3A_16 = arith.constant 0 : i32
    %scan3A_17 = arith.constant 0 : i32
    %scan3A_18 = arith.constant 9 : i32
    %scan3A_19 = arith.addi %scan3A_17, %scan3A_18 : i32
    %scan3A_20 = arith.constant 1 : i32
    scf.for %scan3A_35 = %scan3A_17 to %scan3A_19 step %scan3A_20  : i32 {
      %mul3A_36 = arith.constant 128 : i32
      %mul3A_37 = arith.muli %scan3A_35, %mul3A_36 : i32
      %add3A_38 = arith.addi %mul3A_15, %mul3A_37 : i32
      "tpu.region"() ({
        %run_scoped3A = tpu.sem_alloc : memref<!tpu.dma_semaphore, #tpu.memory_space<semaphore_mem>>
        %dma_start3A = tpu.memref_slice %arg5[%add3A_38] : memref<37120xi32, #tpu.memory_space<hbm>> -> memref<128xi32, #tpu.memory_space<hbm>>
        %dma_start3A_39 = tpu.memref_slice %arg5[%add3A_38] : memref<37120xi32, #tpu.memory_space<hbm>> -> memref<128xi32, #tpu.memory_space<hbm>>
        tpu.enqueue_dma source(%dma_start3A_39 : memref<128xi32, #tpu.memory_space<hbm>>) target(%arg8 : memref<128xi32, #tpu.memory_space<vmem>>) target_semaphore(%run_scoped3A : memref<!tpu.dma_semaphore, #tpu.memory_space<semaphore_mem>>)
        %dma_wait3A = tpu.memref_slice %arg5[%add3A_38] : memref<37120xi32, #tpu.memory_space<hbm>> -> memref<128xi32, #tpu.memory_space<hbm>>
        %dma_wait3A_40 = tpu.memref_slice %arg5[%add3A_38] : memref<37120xi32, #tpu.memory_space<hbm>> -> memref<128xi32, #tpu.memory_space<hbm>>
        tpu.wait_dma2 semaphore(%run_scoped3A : memref<!tpu.dma_semaphore, #tpu.memory_space<semaphore_mem>>) src(%dma_wait3A_40 : memref<128xi32, #tpu.memory_space<hbm>>) dst(%arg8 : memref<128xi32, #tpu.memory_space<vmem>>)
        tpu.yield
      }) : () -> ()
      "tpu.region"() ({
        %run_scoped3A = tpu.sem_alloc : memref<!tpu.dma_semaphore, #tpu.memory_space<semaphore_mem>>
        %dma_start3A = arith.constant 0 : i32
        %dma_start3A_39 = tpu.memref_slice %arg3[%add3A_38, %dma_start3A] : memref<37120x128xf32, #tpu.memory_space<hbm>> -> memref<128x128xf32, #tpu.memory_space<hbm>>
        %dma_start3A_40 = arith.constant 0 : i32
        %dma_start3A_41 = tpu.memref_slice %arg3[%add3A_38, %dma_start3A_40] : memref<37120x128xf32, #tpu.memory_space<hbm>> -> memref<128x128xf32, #tpu.memory_space<hbm>>
        tpu.enqueue_dma source(%dma_start3A_41 : memref<128x128xf32, #tpu.memory_space<hbm>>) target(%arg9 : memref<128x128xf32, #tpu.memory_space<vmem>>) target_semaphore(%run_scoped3A : memref<!tpu.dma_semaphore, #tpu.memory_space<semaphore_mem>>)
        %dma_wait3A = arith.constant 0 : i32
        %dma_wait3A_42 = tpu.memref_slice %arg3[%add3A_38, %dma_wait3A] : memref<37120x128xf32, #tpu.memory_space<hbm>> -> memref<128x128xf32, #tpu.memory_space<hbm>>
        %dma_wait3A_43 = arith.constant 0 : i32
        %dma_wait3A_44 = tpu.memref_slice %arg3[%add3A_38, %dma_wait3A_43] : memref<37120x128xf32, #tpu.memory_space<hbm>> -> memref<128x128xf32, #tpu.memory_space<hbm>>
        tpu.wait_dma2 semaphore(%run_scoped3A : memref<!tpu.dma_semaphore, #tpu.memory_space<semaphore_mem>>) src(%dma_wait3A_44 : memref<128x128xf32, #tpu.memory_space<hbm>>) dst(%arg9 : memref<128x128xf32, #tpu.memory_space<vmem>>)
        tpu.yield
      }) : () -> ()
      "tpu.region"() ({
        %run_scoped3A = tpu.sem_alloc : memref<!tpu.dma_semaphore, #tpu.memory_space<semaphore_mem>>
        %dma_start3A = arith.constant 0 : i32
        %dma_start3A_39 = arith.constant 0 : i32
        %dma_start3A_40 = tpu.memref_slice %arg12[%dma_start3A, %dma_start3A_39] : memref<10000x128xf32, #tpu.memory_space<vmem_shared>> -> memref<10000x128xf32, #tpu.memory_space<vmem_shared>>
        tpu.enqueue_indirect_dma source(%arg9 : memref<128x128xf32, #tpu.memory_space<vmem>>) target(%dma_start3A_40 : memref<10000x128xf32, #tpu.memory_space<vmem_shared>>) offsets(%arg8 : memref<128xi32, #tpu.memory_space<vmem>>) semaphore(%run_scoped3A : memref<!tpu.dma_semaphore, #tpu.memory_space<semaphore_mem>>) {add = true}
        %dma_wait3A = arith.constant 0 : i32
        %dma_wait3A_41 = arith.constant 0 : i32
        %dma_wait3A_42 = tpu.memref_slice %arg12[%dma_wait3A, %dma_wait3A_41] : memref<10000x128xf32, #tpu.memory_space<vmem_shared>> -> memref<10000x128xf32, #tpu.memory_space<vmem_shared>>
        tpu.wait_indirect_dma semaphore(%run_scoped3A : memref<!tpu.dma_semaphore, #tpu.memory_space<semaphore_mem>>) src(%arg9 : memref<128x128xf32, #tpu.memory_space<vmem>>) dst(%dma_wait3A_42 : memref<10000x128xf32, #tpu.memory_space<vmem_shared>>)
        tpu.yield
      }) : () -> ()
    }
    %scan3A_21 = arith.constant 9 : i32
    %add3A_22 = arith.constant 1152 : i32
    %add3A_23 = arith.addi %mul3A_15, %add3A_22 : i32
    "tpu.region"() ({
      %run_scoped3A = tpu.sem_alloc : memref<!tpu.dma_semaphore, #tpu.memory_space<semaphore_mem>>
      %dma_start3A = tpu.memref_slice %arg5[%add3A_23] : memref<37120xi32, #tpu.memory_space<hbm>> -> memref<8xi32, #tpu.memory_space<hbm>>
      %dma_start3A_35 = tpu.memref_slice %arg5[%add3A_23] : memref<37120xi32, #tpu.memory_space<hbm>> -> memref<8xi32, #tpu.memory_space<hbm>>
      tpu.enqueue_dma source(%dma_start3A_35 : memref<8xi32, #tpu.memory_space<hbm>>) target(%arg10 : memref<8xi32, #tpu.memory_space<vmem>>) target_semaphore(%run_scoped3A : memref<!tpu.dma_semaphore, #tpu.memory_space<semaphore_mem>>)
      %dma_wait3A = tpu.memref_slice %arg5[%add3A_23] : memref<37120xi32, #tpu.memory_space<hbm>> -> memref<8xi32, #tpu.memory_space<hbm>>
      %dma_wait3A_36 = tpu.memref_slice %arg5[%add3A_23] : memref<37120xi32, #tpu.memory_space<hbm>> -> memref<8xi32, #tpu.memory_space<hbm>>
      tpu.wait_dma2 semaphore(%run_scoped3A : memref<!tpu.dma_semaphore, #tpu.memory_space<semaphore_mem>>) src(%dma_wait3A_36 : memref<8xi32, #tpu.memory_space<hbm>>) dst(%arg10 : memref<8xi32, #tpu.memory_space<vmem>>)
      tpu.yield
    }) : () -> ()
    "tpu.region"() ({
      %run_scoped3A = tpu.sem_alloc : memref<!tpu.dma_semaphore, #tpu.memory_space<semaphore_mem>>
      %dma_start3A = arith.constant 0 : i32
      %dma_start3A_35 = tpu.memref_slice %arg3[%add3A_23, %dma_start3A] : memref<37120x128xf32, #tpu.memory_space<hbm>> -> memref<8x128xf32, #tpu.memory_space<hbm>>
      %dma_start3A_36 = arith.constant 0 : i32
      %dma_start3A_37 = tpu.memref_slice %arg3[%add3A_23, %dma_start3A_36] : memref<37120x128xf32, #tpu.memory_space<hbm>> -> memref<8x128xf32, #tpu.memory_space<hbm>>
      tpu.enqueue_dma source(%dma_start3A_37 : memref<8x128xf32, #tpu.memory_space<hbm>>) target(%arg11 : memref<8x128xf32, #tpu.memory_space<vmem>>) target_semaphore(%run_scoped3A : memref<!tpu.dma_semaphore, #tpu.memory_space<semaphore_mem>>)
      %dma_wait3A = arith.constant 0 : i32
      %dma_wait3A_38 = tpu.memref_slice %arg3[%add3A_23, %dma_wait3A] : memref<37120x128xf32, #tpu.memory_space<hbm>> -> memref<8x128xf32, #tpu.memory_space<hbm>>
      %dma_wait3A_39 = arith.constant 0 : i32
      %dma_wait3A_40 = tpu.memref_slice %arg3[%add3A_23, %dma_wait3A_39] : memref<37120x128xf32, #tpu.memory_space<hbm>> -> memref<8x128xf32, #tpu.memory_space<hbm>>
      tpu.wait_dma2 semaphore(%run_scoped3A : memref<!tpu.dma_semaphore, #tpu.memory_space<semaphore_mem>>) src(%dma_wait3A_40 : memref<8x128xf32, #tpu.memory_space<hbm>>) dst(%arg11 : memref<8x128xf32, #tpu.memory_space<vmem>>)
      tpu.yield
    }) : () -> ()
    "tpu.region"() ({
      %run_scoped3A = tpu.sem_alloc : memref<!tpu.dma_semaphore, #tpu.memory_space<semaphore_mem>>
      %dma_start3A = arith.constant 0 : i32
      %dma_start3A_35 = arith.constant 0 : i32
      %dma_start3A_36 = tpu.memref_slice %arg12[%dma_start3A, %dma_start3A_35] : memref<10000x128xf32, #tpu.memory_space<vmem_shared>> -> memref<10000x128xf32, #tpu.memory_space<vmem_shared>>
      tpu.enqueue_indirect_dma source(%arg11 : memref<8x128xf32, #tpu.memory_space<vmem>>) target(%dma_start3A_36 : memref<10000x128xf32, #tpu.memory_space<vmem_shared>>) offsets(%arg10 : memref<8xi32, #tpu.memory_space<vmem>>) semaphore(%run_scoped3A : memref<!tpu.dma_semaphore, #tpu.memory_space<semaphore_mem>>) {add = true}
      %dma_wait3A = arith.constant 0 : i32
      %dma_wait3A_37 = arith.constant 0 : i32
      %dma_wait3A_38 = tpu.memref_slice %arg12[%dma_wait3A, %dma_wait3A_37] : memref<10000x128xf32, #tpu.memory_space<vmem_shared>> -> memref<10000x128xf32, #tpu.memory_space<vmem_shared>>
      tpu.wait_indirect_dma semaphore(%run_scoped3A : memref<!tpu.dma_semaphore, #tpu.memory_space<semaphore_mem>>) src(%arg11 : memref<8x128xf32, #tpu.memory_space<vmem>>) dst(%dma_wait3A_38 : memref<10000x128xf32, #tpu.memory_space<vmem_shared>>)
      tpu.yield
    }) : () -> ()
    %barrier3A_24 = arith.constant 0 : index
    tpu.barrier barrier_id(%barrier3A_24)
    %lt3A_25 = arith.constant 15 : i32
    %lt3A_26 = arith.cmpi slt, %arg1, %lt3A_25 : i32
    %convert_element_type3A_27 = arith.extui %lt3A_26 : i1 to i32
    %cond3A_28 = arith.constant 0 : i32
    %cond3A_29 = arith.cmpi ne, %convert_element_type3A_27, %cond3A_28 : i32
    scf.if %cond3A_29 {
      %mul3A_35 = arith.constant 640 : i32
      %mul3A_36 = arith.muli %arg1, %mul3A_35 : i32
      %mul3A_37 = arith.constant 640 : i32
      %mul3A_38 = arith.muli %arg1, %mul3A_37 : i32
      "tpu.region"() ({
        %run_scoped3A = tpu.sem_alloc : memref<!tpu.dma_semaphore, #tpu.memory_space<semaphore_mem>>
        %dma_start3A = arith.constant 0 : i32
        %dma_start3A_39 = tpu.memref_slice %arg7[%arg0, %mul3A_38, %dma_start3A] : memref<2x10000x128xf32, #tpu.memory_space<hbm>> -> memref<1x640x128xf32, #tpu.memory_space<hbm>>
        %dma_start3A_40 = tpu.memref_squeeze %dma_start3A_39 : memref<1x640x128xf32, #tpu.memory_space<hbm>> -> memref<640x128xf32, #tpu.memory_space<hbm>>
        %dma_start3A_41 = arith.constant 0 : i32
        %dma_start3A_42 = tpu.memref_slice %arg12[%mul3A_36, %dma_start3A_41] : memref<10000x128xf32, #tpu.memory_space<vmem_shared>> -> memref<640x128xf32, #tpu.memory_space<vmem_shared>>
        tpu.enqueue_dma source(%dma_start3A_42 : memref<640x128xf32, #tpu.memory_space<vmem_shared>>) target(%dma_start3A_40 : memref<640x128xf32, #tpu.memory_space<hbm>>) target_semaphore(%run_scoped3A : memref<!tpu.dma_semaphore, #tpu.memory_space<semaphore_mem>>)
        %dma_wait3A = arith.constant 0 : i32
        %dma_wait3A_43 = tpu.memref_slice %arg7[%arg0, %mul3A_38, %dma_wait3A] : memref<2x10000x128xf32, #tpu.memory_space<hbm>> -> memref<1x640x128xf32, #tpu.memory_space<hbm>>
        %dma_wait3A_44 = tpu.memref_squeeze %dma_wait3A_43 : memref<1x640x128xf32, #tpu.memory_space<hbm>> -> memref<640x128xf32, #tpu.memory_space<hbm>>
        %dma_wait3A_45 = arith.constant 0 : i32
        %dma_wait3A_46 = tpu.memref_slice %arg12[%mul3A_36, %dma_wait3A_45] : memref<10000x128xf32, #tpu.memory_space<vmem_shared>> -> memref<640x128xf32, #tpu.memory_space<vmem_shared>>
        tpu.wait_dma2 semaphore(%run_scoped3A : memref<!tpu.dma_semaphore, #tpu.memory_space<semaphore_mem>>) src(%dma_wait3A_46 : memref<640x128xf32, #tpu.memory_space<vmem_shared>>) dst(%dma_wait3A_44 : memref<640x128xf32, #tpu.memory_space<hbm>>)
        tpu.yield
      }) : () -> ()
    } else {
    }
    %eq3A_30 = arith.constant 15 : i32
    %eq3A_31 = arith.cmpi eq, %arg1, %eq3A_30 : i32
    %convert_element_type3A_32 = arith.extui %eq3A_31 : i1 to i32
    %cond3A_33 = arith.constant 0 : i32
    %cond3A_34 = arith.cmpi ne, %convert_element_type3A_32, %cond3A_33 : i32
    scf.if %cond3A_34 {
      "tpu.region"() ({
        %run_scoped3A = tpu.sem_alloc : memref<!tpu.dma_semaphore, #tpu.memory_space<semaphore_mem>>
        %dma_start3A = arith.constant 9600 : i32
        %dma_start3A_35 = arith.constant 0 : i32
        %dma_start3A_36 = tpu.memref_slice %arg7[%arg0, %dma_start3A, %dma_start3A_35] : memref<2x10000x128xf32, #tpu.memory_space<hbm>> -> memref<1x400x128xf32, #tpu.memory_space<hbm>>
        %dma_start3A_37 = tpu.memref_squeeze %dma_start3A_36 : memref<1x400x128xf32, #tpu.memory_space<hbm>> -> memref<400x128xf32, #tpu.memory_space<hbm>>
        %dma_start3A_38 = arith.constant 9600 : i32
        %dma_start3A_39 = arith.constant 0 : i32
        %dma_start3A_40 = tpu.memref_slice %arg12[%dma_start3A_38, %dma_start3A_39] : memref<10000x128xf32, #tpu.memory_space<vmem_shared>> -> memref<400x128xf32, #tpu.memory_space<vmem_shared>>
        tpu.enqueue_dma source(%dma_start3A_40 : memref<400x128xf32, #tpu.memory_space<vmem_shared>>) target(%dma_start3A_37 : memref<400x128xf32, #tpu.memory_space<hbm>>) target_semaphore(%run_scoped3A : memref<!tpu.dma_semaphore, #tpu.memory_space<semaphore_mem>>)
        %dma_wait3A = arith.constant 9600 : i32
        %dma_wait3A_41 = arith.constant 0 : i32
        %dma_wait3A_42 = tpu.memref_slice %arg7[%arg0, %dma_wait3A, %dma_wait3A_41] : memref<2x10000x128xf32, #tpu.memory_space<hbm>> -> memref<1x400x128xf32, #tpu.memory_space<hbm>>
        %dma_wait3A_43 = tpu.memref_squeeze %dma_wait3A_42 : memref<1x400x128xf32, #tpu.memory_space<hbm>> -> memref<400x128xf32, #tpu.memory_space<hbm>>
        %dma_wait3A_44 = arith.constant 9600 : i32
        %dma_wait3A_45 = arith.constant 0 : i32
        %dma_wait3A_46 = tpu.memref_slice %arg12[%dma_wait3A_44, %dma_wait3A_45] : memref<10000x128xf32, #tpu.memory_space<vmem_shared>> -> memref<400x128xf32, #tpu.memory_space<vmem_shared>>
        tpu.wait_dma2 semaphore(%run_scoped3A : memref<!tpu.dma_semaphore, #tpu.memory_space<semaphore_mem>>) src(%dma_wait3A_46 : memref<400x128xf32, #tpu.memory_space<vmem_shared>>) dst(%dma_wait3A_43 : memref<400x128xf32, #tpu.memory_space<hbm>>)
        tpu.yield
      }) : () -> ()
    } else {
    }
    return
  }
}

#map = affine_map<(d0, d1) -> (0, 0)>
#map1 = affine_map<(d0, d1) -> (0)>
module attributes {stable_mosaic.version = 14 : i64} {
  func.func @k(%arg0: i32, %arg1: i32, %arg2: memref<10000x128xf32, #tpu.memory_space<hbm>>, %arg3: memref<40960xi32, #tpu.memory_space<hbm>>, %arg4: memref<40960x128xf32, #tpu.memory_space<hbm>>, %arg5: memref<128xi32, #tpu.memory_space<vmem>>, %arg6: memref<128x128xf32, #tpu.memory_space<vmem>>, %arg7: memref<!tpu.dma_semaphore, #tpu.memory_space<semaphore_mem>>) attributes {dimension_semantics = [#tpu.dimension_semantics<core_parallel>, #tpu.dimension_semantics<subcore_parallel>], iteration_bounds = array<i64: 2, 16>, scalar_prefetch = 0 : i64, scratch_operands = 3 : i64, tpu.core_type = #tpu.core_type<sc_vector_subcore>, window_params = [{transform_indices = #map}, {transform_indices = #map1}, {transform_indices = #map}]} {
    %mul3A = arith.constant 2 : i32
    %mul3A_0 = arith.muli %arg1, %mul3A : i32
    %add3A = arith.addi %mul3A_0, %arg0 : i32
    %mul3A_1 = arith.constant 1280 : i32
    %mul3A_2 = arith.muli %add3A, %mul3A_1 : i32
    %scan3A = arith.constant 0 : i32
    %scan3A_3 = arith.constant 0 : i32
    %scan3A_4 = arith.constant 10 : i32
    %scan3A_5 = arith.addi %scan3A_3, %scan3A_4 : i32
    %scan3A_6 = arith.constant 1 : i32
    scf.for %scan3A_8 = %scan3A_3 to %scan3A_5 step %scan3A_6  : i32 {
      %mul3A_9 = arith.constant 128 : i32
      %mul3A_10 = arith.muli %scan3A_8, %mul3A_9 : i32
      %min3A = arith.constant 1152 : i32
      %min3A_11 = arith.minsi %mul3A_10, %min3A : i32
      %add3A_12 = arith.addi %mul3A_2, %min3A_11 : i32
      "tpu.region"() ({
        %run_scoped3A = tpu.sem_alloc : memref<!tpu.dma_semaphore, #tpu.memory_space<semaphore_mem>>
        %dma_start3A_17 = tpu.memref_slice %arg3[%add3A_12] : memref<40960xi32, #tpu.memory_space<hbm>> -> memref<128xi32, #tpu.memory_space<hbm>>
        %dma_start3A_18 = tpu.memref_slice %arg3[%add3A_12] : memref<40960xi32, #tpu.memory_space<hbm>> -> memref<128xi32, #tpu.memory_space<hbm>>
        tpu.enqueue_dma source(%dma_start3A_18 : memref<128xi32, #tpu.memory_space<hbm>>) target(%arg5 : memref<128xi32, #tpu.memory_space<vmem>>) target_semaphore(%run_scoped3A : memref<!tpu.dma_semaphore, #tpu.memory_space<semaphore_mem>>)
        %dma_wait3A_19 = tpu.memref_slice %arg3[%add3A_12] : memref<40960xi32, #tpu.memory_space<hbm>> -> memref<128xi32, #tpu.memory_space<hbm>>
        %dma_wait3A_20 = tpu.memref_slice %arg3[%add3A_12] : memref<40960xi32, #tpu.memory_space<hbm>> -> memref<128xi32, #tpu.memory_space<hbm>>
        tpu.wait_dma2 semaphore(%run_scoped3A : memref<!tpu.dma_semaphore, #tpu.memory_space<semaphore_mem>>) src(%dma_wait3A_20 : memref<128xi32, #tpu.memory_space<hbm>>) dst(%arg5 : memref<128xi32, #tpu.memory_space<vmem>>)
        tpu.yield
      }) : () -> ()
      %dma_start3A = arith.constant 0 : i32
      %dma_start3A_13 = arith.constant 0 : i32
      %dma_start3A_14 = tpu.memref_slice %arg2[%dma_start3A, %dma_start3A_13] : memref<10000x128xf32, #tpu.memory_space<hbm>> -> memref<10000x128xf32, #tpu.memory_space<hbm>>
      tpu.enqueue_indirect_dma source(%dma_start3A_14 : memref<10000x128xf32, #tpu.memory_space<hbm>>) target(%arg6 : memref<128x128xf32, #tpu.memory_space<vmem>>) offsets(%arg5 : memref<128xi32, #tpu.memory_space<vmem>>) semaphore(%arg7 : memref<!tpu.dma_semaphore, #tpu.memory_space<semaphore_mem>>)
      %dma_wait3A = arith.constant 0 : i32
      %dma_wait3A_15 = arith.constant 0 : i32
      %dma_wait3A_16 = tpu.memref_slice %arg2[%dma_wait3A, %dma_wait3A_15] : memref<10000x128xf32, #tpu.memory_space<hbm>> -> memref<10000x128xf32, #tpu.memory_space<hbm>>
      tpu.wait_indirect_dma semaphore(%arg7 : memref<!tpu.dma_semaphore, #tpu.memory_space<semaphore_mem>>) src(%dma_wait3A_16 : memref<10000x128xf32, #tpu.memory_space<hbm>>) dst(%arg6 : memref<128x128xf32, #tpu.memory_space<vmem>>)
      "tpu.region"() ({
        %run_scoped3A = tpu.sem_alloc : memref<!tpu.dma_semaphore, #tpu.memory_space<semaphore_mem>>
        %dma_start3A_17 = arith.constant 0 : i32
        %dma_start3A_18 = tpu.memref_slice %arg4[%add3A_12, %dma_start3A_17] : memref<40960x128xf32, #tpu.memory_space<hbm>> -> memref<128x128xf32, #tpu.memory_space<hbm>>
        %dma_start3A_19 = arith.constant 0 : i32
        %dma_start3A_20 = tpu.memref_slice %arg4[%add3A_12, %dma_start3A_19] : memref<40960x128xf32, #tpu.memory_space<hbm>> -> memref<128x128xf32, #tpu.memory_space<hbm>>
        tpu.enqueue_dma source(%arg6 : memref<128x128xf32, #tpu.memory_space<vmem>>) target(%dma_start3A_20 : memref<128x128xf32, #tpu.memory_space<hbm>>) target_semaphore(%run_scoped3A : memref<!tpu.dma_semaphore, #tpu.memory_space<semaphore_mem>>)
        %dma_wait3A_21 = arith.constant 0 : i32
        %dma_wait3A_22 = tpu.memref_slice %arg4[%add3A_12, %dma_wait3A_21] : memref<40960x128xf32, #tpu.memory_space<hbm>> -> memref<128x128xf32, #tpu.memory_space<hbm>>
        %dma_wait3A_23 = arith.constant 0 : i32
        %dma_wait3A_24 = tpu.memref_slice %arg4[%add3A_12, %dma_wait3A_23] : memref<40960x128xf32, #tpu.memory_space<hbm>> -> memref<128x128xf32, #tpu.memory_space<hbm>>
        tpu.wait_dma2 semaphore(%run_scoped3A : memref<!tpu.dma_semaphore, #tpu.memory_space<semaphore_mem>>) src(%arg6 : memref<128x128xf32, #tpu.memory_space<vmem>>) dst(%dma_wait3A_24 : memref<128x128xf32, #tpu.memory_space<hbm>>)
        tpu.yield
      }) : () -> ()
    }
    %scan3A_7 = arith.constant 10 : i32
    return
  }
}

#map = affine_map<(d0, d1) -> (0, 0)>
#map1 = affine_map<(d0, d1) -> (0)>
module attributes {stable_mosaic.version = 14 : i64} {
  func.func @k(%arg0: i32, %arg1: i32, %arg2: memref<10000x128xf32, #tpu.memory_space<hbm>>, %arg3: memref<40960xi32, #tpu.memory_space<hbm>>, %arg4: memref<40960x128xf32, #tpu.memory_space<hbm>>, %arg5: memref<128xi32, #tpu.memory_space<vmem>>, %arg6: memref<128x128xf32, #tpu.memory_space<vmem>>, %arg7: memref<!tpu.dma_semaphore, #tpu.memory_space<semaphore_mem>>) attributes {dimension_semantics = [#tpu.dimension_semantics<core_parallel>, #tpu.dimension_semantics<subcore_parallel>], iteration_bounds = array<i64: 2, 16>, scalar_prefetch = 0 : i64, scratch_operands = 3 : i64, tpu.core_type = #tpu.core_type<sc_vector_subcore>, window_params = [{transform_indices = #map}, {transform_indices = #map1}, {transform_indices = #map}]} {
    %mul3A = arith.constant 2 : i32
    %mul3A_0 = arith.muli %arg1, %mul3A : i32
    %add3A = arith.addi %mul3A_0, %arg0 : i32
    %mul3A_1 = arith.constant 1280 : i32
    %mul3A_2 = arith.muli %add3A, %mul3A_1 : i32
    %scan3A = arith.constant 0 : i32
    %scan3A_3 = arith.constant 0 : i32
    %scan3A_4 = arith.constant 10 : i32
    %scan3A_5 = arith.addi %scan3A_3, %scan3A_4 : i32
    %scan3A_6 = arith.constant 1 : i32
    scf.for %scan3A_8 = %scan3A_3 to %scan3A_5 step %scan3A_6  : i32 {
      %mul3A_9 = arith.constant 128 : i32
      %mul3A_10 = arith.muli %scan3A_8, %mul3A_9 : i32
      %min3A = arith.constant 1152 : i32
      %min3A_11 = arith.minsi %mul3A_10, %min3A : i32
      %add3A_12 = arith.addi %mul3A_2, %min3A_11 : i32
      "tpu.region"() ({
        %run_scoped3A = tpu.sem_alloc : memref<!tpu.dma_semaphore, #tpu.memory_space<semaphore_mem>>
        %dma_start3A_17 = tpu.memref_slice %arg3[%add3A_12] : memref<40960xi32, #tpu.memory_space<hbm>> -> memref<128xi32, #tpu.memory_space<hbm>>
        %dma_start3A_18 = tpu.memref_slice %arg3[%add3A_12] : memref<40960xi32, #tpu.memory_space<hbm>> -> memref<128xi32, #tpu.memory_space<hbm>>
        tpu.enqueue_dma source(%dma_start3A_18 : memref<128xi32, #tpu.memory_space<hbm>>) target(%arg5 : memref<128xi32, #tpu.memory_space<vmem>>) target_semaphore(%run_scoped3A : memref<!tpu.dma_semaphore, #tpu.memory_space<semaphore_mem>>)
        %dma_wait3A_19 = tpu.memref_slice %arg3[%add3A_12] : memref<40960xi32, #tpu.memory_space<hbm>> -> memref<128xi32, #tpu.memory_space<hbm>>
        %dma_wait3A_20 = tpu.memref_slice %arg3[%add3A_12] : memref<40960xi32, #tpu.memory_space<hbm>> -> memref<128xi32, #tpu.memory_space<hbm>>
        tpu.wait_dma2 semaphore(%run_scoped3A : memref<!tpu.dma_semaphore, #tpu.memory_space<semaphore_mem>>) src(%dma_wait3A_20 : memref<128xi32, #tpu.memory_space<hbm>>) dst(%arg5 : memref<128xi32, #tpu.memory_space<vmem>>)
        tpu.yield
      }) : () -> ()
      %dma_start3A = arith.constant 0 : i32
      %dma_start3A_13 = arith.constant 0 : i32
      %dma_start3A_14 = tpu.memref_slice %arg2[%dma_start3A, %dma_start3A_13] : memref<10000x128xf32, #tpu.memory_space<hbm>> -> memref<10000x128xf32, #tpu.memory_space<hbm>>
      tpu.enqueue_indirect_dma source(%dma_start3A_14 : memref<10000x128xf32, #tpu.memory_space<hbm>>) target(%arg6 : memref<128x128xf32, #tpu.memory_space<vmem>>) offsets(%arg5 : memref<128xi32, #tpu.memory_space<vmem>>) semaphore(%arg7 : memref<!tpu.dma_semaphore, #tpu.memory_space<semaphore_mem>>)
      %dma_wait3A = arith.constant 0 : i32
      %dma_wait3A_15 = arith.constant 0 : i32
      %dma_wait3A_16 = tpu.memref_slice %arg2[%dma_wait3A, %dma_wait3A_15] : memref<10000x128xf32, #tpu.memory_space<hbm>> -> memref<10000x128xf32, #tpu.memory_space<hbm>>
      tpu.wait_indirect_dma semaphore(%arg7 : memref<!tpu.dma_semaphore, #tpu.memory_space<semaphore_mem>>) src(%dma_wait3A_16 : memref<10000x128xf32, #tpu.memory_space<hbm>>) dst(%arg6 : memref<128x128xf32, #tpu.memory_space<vmem>>)
      "tpu.region"() ({
        %run_scoped3A = tpu.sem_alloc : memref<!tpu.dma_semaphore, #tpu.memory_space<semaphore_mem>>
        %dma_start3A_17 = arith.constant 0 : i32
        %dma_start3A_18 = tpu.memref_slice %arg4[%add3A_12, %dma_start3A_17] : memref<40960x128xf32, #tpu.memory_space<hbm>> -> memref<128x128xf32, #tpu.memory_space<hbm>>
        %dma_start3A_19 = arith.constant 0 : i32
        %dma_start3A_20 = tpu.memref_slice %arg4[%add3A_12, %dma_start3A_19] : memref<40960x128xf32, #tpu.memory_space<hbm>> -> memref<128x128xf32, #tpu.memory_space<hbm>>
        tpu.enqueue_dma source(%arg6 : memref<128x128xf32, #tpu.memory_space<vmem>>) target(%dma_start3A_20 : memref<128x128xf32, #tpu.memory_space<hbm>>) target_semaphore(%run_scoped3A : memref<!tpu.dma_semaphore, #tpu.memory_space<semaphore_mem>>)
        %dma_wait3A_21 = arith.constant 0 : i32
        %dma_wait3A_22 = tpu.memref_slice %arg4[%add3A_12, %dma_wait3A_21] : memref<40960x128xf32, #tpu.memory_space<hbm>> -> memref<128x128xf32, #tpu.memory_space<hbm>>
        %dma_wait3A_23 = arith.constant 0 : i32
        %dma_wait3A_24 = tpu.memref_slice %arg4[%add3A_12, %dma_wait3A_23] : memref<40960x128xf32, #tpu.memory_space<hbm>> -> memref<128x128xf32, #tpu.memory_space<hbm>>
        tpu.wait_dma2 semaphore(%run_scoped3A : memref<!tpu.dma_semaphore, #tpu.memory_space<semaphore_mem>>) src(%arg6 : memref<128x128xf32, #tpu.memory_space<vmem>>) dst(%dma_wait3A_24 : memref<128x128xf32, #tpu.memory_space<hbm>>)
        tpu.yield
      }) : () -> ()
    }
    %scan3A_7 = arith.constant 10 : i32
    return
  }
}

#map = affine_map<(d0, d1) -> (0, 0)>
#map1 = affine_map<(d0, d1) -> (0)>
module attributes {stable_mosaic.version = 14 : i64} {
  func.func @k(%arg0: i32, %arg1: i32, %arg2: memref<10000x128xf32, #tpu.memory_space<hbm>>, %arg3: memref<40960xi32, #tpu.memory_space<hbm>>, %arg4: memref<40960x128xf32, #tpu.memory_space<hbm>>, %arg5: memref<128xi32, #tpu.memory_space<vmem>>, %arg6: memref<128x128xf32, #tpu.memory_space<vmem>>, %arg7: memref<!tpu.dma_semaphore, #tpu.memory_space<semaphore_mem>>) attributes {dimension_semantics = [#tpu.dimension_semantics<core_parallel>, #tpu.dimension_semantics<subcore_parallel>], iteration_bounds = array<i64: 2, 16>, scalar_prefetch = 0 : i64, scratch_operands = 3 : i64, tpu.core_type = #tpu.core_type<sc_vector_subcore>, window_params = [{transform_indices = #map}, {transform_indices = #map1}, {transform_indices = #map}]} {
    %mul3A = arith.constant 2 : i32
    %mul3A_0 = arith.muli %arg1, %mul3A : i32
    %add3A = arith.addi %mul3A_0, %arg0 : i32
    %mul3A_1 = arith.constant 1280 : i32
    %mul3A_2 = arith.muli %add3A, %mul3A_1 : i32
    %scan3A = arith.constant 0 : i32
    %scan3A_3 = arith.constant 0 : i32
    %scan3A_4 = arith.constant 10 : i32
    %scan3A_5 = arith.addi %scan3A_3, %scan3A_4 : i32
    %scan3A_6 = arith.constant 1 : i32
    scf.for %scan3A_8 = %scan3A_3 to %scan3A_5 step %scan3A_6  : i32 {
      %mul3A_9 = arith.constant 128 : i32
      %mul3A_10 = arith.muli %scan3A_8, %mul3A_9 : i32
      %min3A = arith.constant 1152 : i32
      %min3A_11 = arith.minsi %mul3A_10, %min3A : i32
      %add3A_12 = arith.addi %mul3A_2, %min3A_11 : i32
      "tpu.region"() ({
        %run_scoped3A = tpu.sem_alloc : memref<!tpu.dma_semaphore, #tpu.memory_space<semaphore_mem>>
        %dma_start3A_17 = tpu.memref_slice %arg3[%add3A_12] : memref<40960xi32, #tpu.memory_space<hbm>> -> memref<128xi32, #tpu.memory_space<hbm>>
        %dma_start3A_18 = tpu.memref_slice %arg3[%add3A_12] : memref<40960xi32, #tpu.memory_space<hbm>> -> memref<128xi32, #tpu.memory_space<hbm>>
        tpu.enqueue_dma source(%dma_start3A_18 : memref<128xi32, #tpu.memory_space<hbm>>) target(%arg5 : memref<128xi32, #tpu.memory_space<vmem>>) target_semaphore(%run_scoped3A : memref<!tpu.dma_semaphore, #tpu.memory_space<semaphore_mem>>)
        %dma_wait3A_19 = tpu.memref_slice %arg3[%add3A_12] : memref<40960xi32, #tpu.memory_space<hbm>> -> memref<128xi32, #tpu.memory_space<hbm>>
        %dma_wait3A_20 = tpu.memref_slice %arg3[%add3A_12] : memref<40960xi32, #tpu.memory_space<hbm>> -> memref<128xi32, #tpu.memory_space<hbm>>
        tpu.wait_dma2 semaphore(%run_scoped3A : memref<!tpu.dma_semaphore, #tpu.memory_space<semaphore_mem>>) src(%dma_wait3A_20 : memref<128xi32, #tpu.memory_space<hbm>>) dst(%arg5 : memref<128xi32, #tpu.memory_space<vmem>>)
        tpu.yield
      }) : () -> ()
      %dma_start3A = arith.constant 0 : i32
      %dma_start3A_13 = arith.constant 0 : i32
      %dma_start3A_14 = tpu.memref_slice %arg2[%dma_start3A, %dma_start3A_13] : memref<10000x128xf32, #tpu.memory_space<hbm>> -> memref<10000x128xf32, #tpu.memory_space<hbm>>
      tpu.enqueue_indirect_dma source(%dma_start3A_14 : memref<10000x128xf32, #tpu.memory_space<hbm>>) target(%arg6 : memref<128x128xf32, #tpu.memory_space<vmem>>) offsets(%arg5 : memref<128xi32, #tpu.memory_space<vmem>>) semaphore(%arg7 : memref<!tpu.dma_semaphore, #tpu.memory_space<semaphore_mem>>)
      %dma_wait3A = arith.constant 0 : i32
      %dma_wait3A_15 = arith.constant 0 : i32
      %dma_wait3A_16 = tpu.memref_slice %arg2[%dma_wait3A, %dma_wait3A_15] : memref<10000x128xf32, #tpu.memory_space<hbm>> -> memref<10000x128xf32, #tpu.memory_space<hbm>>
      tpu.wait_indirect_dma semaphore(%arg7 : memref<!tpu.dma_semaphore, #tpu.memory_space<semaphore_mem>>) src(%dma_wait3A_16 : memref<10000x128xf32, #tpu.memory_space<hbm>>) dst(%arg6 : memref<128x128xf32, #tpu.memory_space<vmem>>)
      "tpu.region"() ({
        %run_scoped3A = tpu.sem_alloc : memref<!tpu.dma_semaphore, #tpu.memory_space<semaphore_mem>>
        %dma_start3A_17 = arith.constant 0 : i32
        %dma_start3A_18 = tpu.memref_slice %arg4[%add3A_12, %dma_start3A_17] : memref<40960x128xf32, #tpu.memory_space<hbm>> -> memref<128x128xf32, #tpu.memory_space<hbm>>
        %dma_start3A_19 = arith.constant 0 : i32
        %dma_start3A_20 = tpu.memref_slice %arg4[%add3A_12, %dma_start3A_19] : memref<40960x128xf32, #tpu.memory_space<hbm>> -> memref<128x128xf32, #tpu.memory_space<hbm>>
        tpu.enqueue_dma source(%arg6 : memref<128x128xf32, #tpu.memory_space<vmem>>) target(%dma_start3A_20 : memref<128x128xf32, #tpu.memory_space<hbm>>) target_semaphore(%run_scoped3A : memref<!tpu.dma_semaphore, #tpu.memory_space<semaphore_mem>>)
        %dma_wait3A_21 = arith.constant 0 : i32
        %dma_wait3A_22 = tpu.memref_slice %arg4[%add3A_12, %dma_wait3A_21] : memref<40960x128xf32, #tpu.memory_space<hbm>> -> memref<128x128xf32, #tpu.memory_space<hbm>>
        %dma_wait3A_23 = arith.constant 0 : i32
        %dma_wait3A_24 = tpu.memref_slice %arg4[%add3A_12, %dma_wait3A_23] : memref<40960x128xf32, #tpu.memory_space<hbm>> -> memref<128x128xf32, #tpu.memory_space<hbm>>
        tpu.wait_dma2 semaphore(%run_scoped3A : memref<!tpu.dma_semaphore, #tpu.memory_space<semaphore_mem>>) src(%arg6 : memref<128x128xf32, #tpu.memory_space<vmem>>) dst(%dma_wait3A_24 : memref<128x128xf32, #tpu.memory_space<hbm>>)
        tpu.yield
      }) : () -> ()
    }
    %scan3A_7 = arith.constant 10 : i32
    return
  }
}

#map = affine_map<(d0, d1) -> (0, 0)>
#map1 = affine_map<(d0, d1) -> (0)>
module attributes {stable_mosaic.version = 14 : i64} {
  func.func @k(%arg0: i32, %arg1: i32, %arg2: memref<10000x128xf32, #tpu.memory_space<hbm>>, %arg3: memref<37120xi32, #tpu.memory_space<hbm>>, %arg4: memref<37120x128xf32, #tpu.memory_space<hbm>>, %arg5: memref<128xi32, #tpu.memory_space<vmem>>, %arg6: memref<128x128xf32, #tpu.memory_space<vmem>>, %arg7: memref<!tpu.dma_semaphore, #tpu.memory_space<semaphore_mem>>) attributes {dimension_semantics = [#tpu.dimension_semantics<core_parallel>, #tpu.dimension_semantics<subcore_parallel>], iteration_bounds = array<i64: 2, 16>, scalar_prefetch = 0 : i64, scratch_operands = 3 : i64, tpu.core_type = #tpu.core_type<sc_vector_subcore>, window_params = [{transform_indices = #map}, {transform_indices = #map1}, {transform_indices = #map}]} {
    %mul3A = arith.constant 2 : i32
    %mul3A_0 = arith.muli %arg1, %mul3A : i32
    %add3A = arith.addi %mul3A_0, %arg0 : i32
    %mul3A_1 = arith.constant 1160 : i32
    %mul3A_2 = arith.muli %add3A, %mul3A_1 : i32
    %scan3A = arith.constant 0 : i32
    %scan3A_3 = arith.constant 0 : i32
    %scan3A_4 = arith.constant 10 : i32
    %scan3A_5 = arith.addi %scan3A_3, %scan3A_4 : i32
    %scan3A_6 = arith.constant 1 : i32
    scf.for %scan3A_8 = %scan3A_3 to %scan3A_5 step %scan3A_6  : i32 {
      %mul3A_9 = arith.constant 128 : i32
      %mul3A_10 = arith.muli %scan3A_8, %mul3A_9 : i32
      %min3A = arith.constant 1032 : i32
      %min3A_11 = arith.minsi %mul3A_10, %min3A : i32
      %add3A_12 = arith.addi %mul3A_2, %min3A_11 : i32
      "tpu.region"() ({
        %run_scoped3A = tpu.sem_alloc : memref<!tpu.dma_semaphore, #tpu.memory_space<semaphore_mem>>
        %dma_start3A_17 = tpu.memref_slice %arg3[%add3A_12] : memref<37120xi32, #tpu.memory_space<hbm>> -> memref<128xi32, #tpu.memory_space<hbm>>
        %dma_start3A_18 = tpu.memref_slice %arg3[%add3A_12] : memref<37120xi32, #tpu.memory_space<hbm>> -> memref<128xi32, #tpu.memory_space<hbm>>
        tpu.enqueue_dma source(%dma_start3A_18 : memref<128xi32, #tpu.memory_space<hbm>>) target(%arg5 : memref<128xi32, #tpu.memory_space<vmem>>) target_semaphore(%run_scoped3A : memref<!tpu.dma_semaphore, #tpu.memory_space<semaphore_mem>>)
        %dma_wait3A_19 = tpu.memref_slice %arg3[%add3A_12] : memref<37120xi32, #tpu.memory_space<hbm>> -> memref<128xi32, #tpu.memory_space<hbm>>
        %dma_wait3A_20 = tpu.memref_slice %arg3[%add3A_12] : memref<37120xi32, #tpu.memory_space<hbm>> -> memref<128xi32, #tpu.memory_space<hbm>>
        tpu.wait_dma2 semaphore(%run_scoped3A : memref<!tpu.dma_semaphore, #tpu.memory_space<semaphore_mem>>) src(%dma_wait3A_20 : memref<128xi32, #tpu.memory_space<hbm>>) dst(%arg5 : memref<128xi32, #tpu.memory_space<vmem>>)
        tpu.yield
      }) : () -> ()
      %dma_start3A = arith.constant 0 : i32
      %dma_start3A_13 = arith.constant 0 : i32
      %dma_start3A_14 = tpu.memref_slice %arg2[%dma_start3A, %dma_start3A_13] : memref<10000x128xf32, #tpu.memory_space<hbm>> -> memref<10000x128xf32, #tpu.memory_space<hbm>>
      tpu.enqueue_indirect_dma source(%dma_start3A_14 : memref<10000x128xf32, #tpu.memory_space<hbm>>) target(%arg6 : memref<128x128xf32, #tpu.memory_space<vmem>>) offsets(%arg5 : memref<128xi32, #tpu.memory_space<vmem>>) semaphore(%arg7 : memref<!tpu.dma_semaphore, #tpu.memory_space<semaphore_mem>>)
      %dma_wait3A = arith.constant 0 : i32
      %dma_wait3A_15 = arith.constant 0 : i32
      %dma_wait3A_16 = tpu.memref_slice %arg2[%dma_wait3A, %dma_wait3A_15] : memref<10000x128xf32, #tpu.memory_space<hbm>> -> memref<10000x128xf32, #tpu.memory_space<hbm>>
      tpu.wait_indirect_dma semaphore(%arg7 : memref<!tpu.dma_semaphore, #tpu.memory_space<semaphore_mem>>) src(%dma_wait3A_16 : memref<10000x128xf32, #tpu.memory_space<hbm>>) dst(%arg6 : memref<128x128xf32, #tpu.memory_space<vmem>>)
      "tpu.region"() ({
        %run_scoped3A = tpu.sem_alloc : memref<!tpu.dma_semaphore, #tpu.memory_space<semaphore_mem>>
        %dma_start3A_17 = arith.constant 0 : i32
        %dma_start3A_18 = tpu.memref_slice %arg4[%add3A_12, %dma_start3A_17] : memref<37120x128xf32, #tpu.memory_space<hbm>> -> memref<128x128xf32, #tpu.memory_space<hbm>>
        %dma_start3A_19 = arith.constant 0 : i32
        %dma_start3A_20 = tpu.memref_slice %arg4[%add3A_12, %dma_start3A_19] : memref<37120x128xf32, #tpu.memory_space<hbm>> -> memref<128x128xf32, #tpu.memory_space<hbm>>
        tpu.enqueue_dma source(%arg6 : memref<128x128xf32, #tpu.memory_space<vmem>>) target(%dma_start3A_20 : memref<128x128xf32, #tpu.memory_space<hbm>>) target_semaphore(%run_scoped3A : memref<!tpu.dma_semaphore, #tpu.memory_space<semaphore_mem>>)
        %dma_wait3A_21 = arith.constant 0 : i32
        %dma_wait3A_22 = tpu.memref_slice %arg4[%add3A_12, %dma_wait3A_21] : memref<37120x128xf32, #tpu.memory_space<hbm>> -> memref<128x128xf32, #tpu.memory_space<hbm>>
        %dma_wait3A_23 = arith.constant 0 : i32
        %dma_wait3A_24 = tpu.memref_slice %arg4[%add3A_12, %dma_wait3A_23] : memref<37120x128xf32, #tpu.memory_space<hbm>> -> memref<128x128xf32, #tpu.memory_space<hbm>>
        tpu.wait_dma2 semaphore(%run_scoped3A : memref<!tpu.dma_semaphore, #tpu.memory_space<semaphore_mem>>) src(%arg6 : memref<128x128xf32, #tpu.memory_space<vmem>>) dst(%dma_wait3A_24 : memref<128x128xf32, #tpu.memory_space<hbm>>)
        tpu.yield
      }) : () -> ()
    }
    %scan3A_7 = arith.constant 10 : i32
    return
  }
}

#map = affine_map<(d0, d1) -> (0, 0)>
#map1 = affine_map<(d0, d1) -> (0)>
#map2 = affine_map<(d0, d1) -> (0, 0, 0)>
module attributes {stable_mosaic.version = 14 : i64} {
  func.func @k(%arg0: i32, %arg1: i32, %arg2: memref<40960x128xf32, #tpu.memory_space<hbm>>, %arg3: memref<40960x128xf32, #tpu.memory_space<hbm>>, %arg4: memref<40960xi32, #tpu.memory_space<hbm>>, %arg5: memref<40960xi32, #tpu.memory_space<hbm>>, %arg6: memref<10000x128xf32, #tpu.memory_space<hbm>>, %arg7: memref<2x10000x128xf32, #tpu.memory_space<hbm>>, %arg8: memref<128xi32, #tpu.memory_space<vmem>>, %arg9: memref<128x128xf32, #tpu.memory_space<vmem>>, %arg10: memref<10000x128xf32, #tpu.memory_space<vmem_shared>>) attributes {dimension_semantics = [#tpu.dimension_semantics<core_parallel>, #tpu.dimension_semantics<subcore_parallel>], iteration_bounds = array<i64: 2, 16>, scalar_prefetch = 0 : i64, scratch_operands = 3 : i64, tpu.core_type = #tpu.core_type<sc_vector_subcore>, window_params = [{transform_indices = #map}, {transform_indices = #map}, {transform_indices = #map1}, {transform_indices = #map1}, {transform_indices = #map}, {transform_indices = #map2}]} {
    %mul3A = arith.constant 2 : i32
    %mul3A_0 = arith.muli %arg1, %mul3A : i32
    %add3A = arith.addi %mul3A_0, %arg0 : i32
    %lt3A = arith.constant 15 : i32
    %lt3A_1 = arith.cmpi slt, %arg1, %lt3A : i32
    %convert_element_type3A = arith.extui %lt3A_1 : i1 to i32
    %cond3A = arith.constant 0 : i32
    %cond3A_2 = arith.cmpi ne, %convert_element_type3A, %cond3A : i32
    scf.if %cond3A_2 {
      %mul3A_33 = arith.constant 640 : i32
      %mul3A_34 = arith.muli %arg1, %mul3A_33 : i32
      %mul3A_35 = arith.constant 640 : i32
      %mul3A_36 = arith.muli %arg1, %mul3A_35 : i32
      "tpu.region"() ({
        %run_scoped3A = tpu.sem_alloc : memref<!tpu.dma_semaphore, #tpu.memory_space<semaphore_mem>>
        %dma_start3A = arith.constant 0 : i32
        %dma_start3A_37 = tpu.memref_slice %arg10[%mul3A_36, %dma_start3A] : memref<10000x128xf32, #tpu.memory_space<vmem_shared>> -> memref<640x128xf32, #tpu.memory_space<vmem_shared>>
        %dma_start3A_38 = arith.constant 0 : i32
        %dma_start3A_39 = tpu.memref_slice %arg6[%mul3A_34, %dma_start3A_38] : memref<10000x128xf32, #tpu.memory_space<hbm>> -> memref<640x128xf32, #tpu.memory_space<hbm>>
        tpu.enqueue_dma source(%dma_start3A_39 : memref<640x128xf32, #tpu.memory_space<hbm>>) target(%dma_start3A_37 : memref<640x128xf32, #tpu.memory_space<vmem_shared>>) target_semaphore(%run_scoped3A : memref<!tpu.dma_semaphore, #tpu.memory_space<semaphore_mem>>)
        %dma_wait3A = arith.constant 0 : i32
        %dma_wait3A_40 = tpu.memref_slice %arg10[%mul3A_36, %dma_wait3A] : memref<10000x128xf32, #tpu.memory_space<vmem_shared>> -> memref<640x128xf32, #tpu.memory_space<vmem_shared>>
        %dma_wait3A_41 = arith.constant 0 : i32
        %dma_wait3A_42 = tpu.memref_slice %arg6[%mul3A_34, %dma_wait3A_41] : memref<10000x128xf32, #tpu.memory_space<hbm>> -> memref<640x128xf32, #tpu.memory_space<hbm>>
        tpu.wait_dma2 semaphore(%run_scoped3A : memref<!tpu.dma_semaphore, #tpu.memory_space<semaphore_mem>>) src(%dma_wait3A_42 : memref<640x128xf32, #tpu.memory_space<hbm>>) dst(%dma_wait3A_40 : memref<640x128xf32, #tpu.memory_space<vmem_shared>>)
        tpu.yield
      }) : () -> ()
    } else {
    }
    %eq3A = arith.constant 15 : i32
    %eq3A_3 = arith.cmpi eq, %arg1, %eq3A : i32
    %convert_element_type3A_4 = arith.extui %eq3A_3 : i1 to i32
    %cond3A_5 = arith.constant 0 : i32
    %cond3A_6 = arith.cmpi ne, %convert_element_type3A_4, %cond3A_5 : i32
    scf.if %cond3A_6 {
      "tpu.region"() ({
        %run_scoped3A = tpu.sem_alloc : memref<!tpu.dma_semaphore, #tpu.memory_space<semaphore_mem>>
        %dma_start3A = arith.constant 9600 : i32
        %dma_start3A_33 = arith.constant 0 : i32
        %dma_start3A_34 = tpu.memref_slice %arg10[%dma_start3A, %dma_start3A_33] : memref<10000x128xf32, #tpu.memory_space<vmem_shared>> -> memref<400x128xf32, #tpu.memory_space<vmem_shared>>
        %dma_start3A_35 = arith.constant 9600 : i32
        %dma_start3A_36 = arith.constant 0 : i32
        %dma_start3A_37 = tpu.memref_slice %arg6[%dma_start3A_35, %dma_start3A_36] : memref<10000x128xf32, #tpu.memory_space<hbm>> -> memref<400x128xf32, #tpu.memory_space<hbm>>
        tpu.enqueue_dma source(%dma_start3A_37 : memref<400x128xf32, #tpu.memory_space<hbm>>) target(%dma_start3A_34 : memref<400x128xf32, #tpu.memory_space<vmem_shared>>) target_semaphore(%run_scoped3A : memref<!tpu.dma_semaphore, #tpu.memory_space<semaphore_mem>>)
        %dma_wait3A = arith.constant 9600 : i32
        %dma_wait3A_38 = arith.constant 0 : i32
        %dma_wait3A_39 = tpu.memref_slice %arg10[%dma_wait3A, %dma_wait3A_38] : memref<10000x128xf32, #tpu.memory_space<vmem_shared>> -> memref<400x128xf32, #tpu.memory_space<vmem_shared>>
        %dma_wait3A_40 = arith.constant 9600 : i32
        %dma_wait3A_41 = arith.constant 0 : i32
        %dma_wait3A_42 = tpu.memref_slice %arg6[%dma_wait3A_40, %dma_wait3A_41] : memref<10000x128xf32, #tpu.memory_space<hbm>> -> memref<400x128xf32, #tpu.memory_space<hbm>>
        tpu.wait_dma2 semaphore(%run_scoped3A : memref<!tpu.dma_semaphore, #tpu.memory_space<semaphore_mem>>) src(%dma_wait3A_42 : memref<400x128xf32, #tpu.memory_space<hbm>>) dst(%dma_wait3A_39 : memref<400x128xf32, #tpu.memory_space<vmem_shared>>)
        tpu.yield
      }) : () -> ()
    } else {
    }
    %barrier3A = arith.constant 0 : index
    tpu.barrier barrier_id(%barrier3A)
    %mul3A_7 = arith.constant 1280 : i32
    %mul3A_8 = arith.muli %add3A, %mul3A_7 : i32
    %scan3A = arith.constant 0 : i32
    %scan3A_9 = arith.constant 0 : i32
    %scan3A_10 = arith.constant 10 : i32
    %scan3A_11 = arith.addi %scan3A_9, %scan3A_10 : i32
    %scan3A_12 = arith.constant 1 : i32
    scf.for %scan3A_33 = %scan3A_9 to %scan3A_11 step %scan3A_12  : i32 {
      %mul3A_34 = arith.constant 128 : i32
      %mul3A_35 = arith.muli %scan3A_33, %mul3A_34 : i32
      %add3A_36 = arith.addi %mul3A_8, %mul3A_35 : i32
      "tpu.region"() ({
        %run_scoped3A = tpu.sem_alloc : memref<!tpu.dma_semaphore, #tpu.memory_space<semaphore_mem>>
        %dma_start3A = tpu.memref_slice %arg4[%add3A_36] : memref<40960xi32, #tpu.memory_space<hbm>> -> memref<128xi32, #tpu.memory_space<hbm>>
        %dma_start3A_37 = tpu.memref_slice %arg4[%add3A_36] : memref<40960xi32, #tpu.memory_space<hbm>> -> memref<128xi32, #tpu.memory_space<hbm>>
        tpu.enqueue_dma source(%dma_start3A_37 : memref<128xi32, #tpu.memory_space<hbm>>) target(%arg8 : memref<128xi32, #tpu.memory_space<vmem>>) target_semaphore(%run_scoped3A : memref<!tpu.dma_semaphore, #tpu.memory_space<semaphore_mem>>)
        %dma_wait3A = tpu.memref_slice %arg4[%add3A_36] : memref<40960xi32, #tpu.memory_space<hbm>> -> memref<128xi32, #tpu.memory_space<hbm>>
        %dma_wait3A_38 = tpu.memref_slice %arg4[%add3A_36] : memref<40960xi32, #tpu.memory_space<hbm>> -> memref<128xi32, #tpu.memory_space<hbm>>
        tpu.wait_dma2 semaphore(%run_scoped3A : memref<!tpu.dma_semaphore, #tpu.memory_space<semaphore_mem>>) src(%dma_wait3A_38 : memref<128xi32, #tpu.memory_space<hbm>>) dst(%arg8 : memref<128xi32, #tpu.memory_space<vmem>>)
        tpu.yield
      }) : () -> ()
      "tpu.region"() ({
        %run_scoped3A = tpu.sem_alloc : memref<!tpu.dma_semaphore, #tpu.memory_space<semaphore_mem>>
        %dma_start3A = arith.constant 0 : i32
        %dma_start3A_37 = tpu.memref_slice %arg2[%add3A_36, %dma_start3A] : memref<40960x128xf32, #tpu.memory_space<hbm>> -> memref<128x128xf32, #tpu.memory_space<hbm>>
        %dma_start3A_38 = arith.constant 0 : i32
        %dma_start3A_39 = tpu.memref_slice %arg2[%add3A_36, %dma_start3A_38] : memref<40960x128xf32, #tpu.memory_space<hbm>> -> memref<128x128xf32, #tpu.memory_space<hbm>>
        tpu.enqueue_dma source(%dma_start3A_39 : memref<128x128xf32, #tpu.memory_space<hbm>>) target(%arg9 : memref<128x128xf32, #tpu.memory_space<vmem>>) target_semaphore(%run_scoped3A : memref<!tpu.dma_semaphore, #tpu.memory_space<semaphore_mem>>)
        %dma_wait3A = arith.constant 0 : i32
        %dma_wait3A_40 = tpu.memref_slice %arg2[%add3A_36, %dma_wait3A] : memref<40960x128xf32, #tpu.memory_space<hbm>> -> memref<128x128xf32, #tpu.memory_space<hbm>>
        %dma_wait3A_41 = arith.constant 0 : i32
        %dma_wait3A_42 = tpu.memref_slice %arg2[%add3A_36, %dma_wait3A_41] : memref<40960x128xf32, #tpu.memory_space<hbm>> -> memref<128x128xf32, #tpu.memory_space<hbm>>
        tpu.wait_dma2 semaphore(%run_scoped3A : memref<!tpu.dma_semaphore, #tpu.memory_space<semaphore_mem>>) src(%dma_wait3A_42 : memref<128x128xf32, #tpu.memory_space<hbm>>) dst(%arg9 : memref<128x128xf32, #tpu.memory_space<vmem>>)
        tpu.yield
      }) : () -> ()
      "tpu.region"() ({
        %run_scoped3A = tpu.sem_alloc : memref<!tpu.dma_semaphore, #tpu.memory_space<semaphore_mem>>
        %dma_start3A = arith.constant 0 : i32
        %dma_start3A_37 = arith.constant 0 : i32
        %dma_start3A_38 = tpu.memref_slice %arg10[%dma_start3A, %dma_start3A_37] : memref<10000x128xf32, #tpu.memory_space<vmem_shared>> -> memref<10000x128xf32, #tpu.memory_space<vmem_shared>>
        tpu.enqueue_indirect_dma source(%arg9 : memref<128x128xf32, #tpu.memory_space<vmem>>) target(%dma_start3A_38 : memref<10000x128xf32, #tpu.memory_space<vmem_shared>>) offsets(%arg8 : memref<128xi32, #tpu.memory_space<vmem>>) semaphore(%run_scoped3A : memref<!tpu.dma_semaphore, #tpu.memory_space<semaphore_mem>>) {add = true}
        %dma_wait3A = arith.constant 0 : i32
        %dma_wait3A_39 = arith.constant 0 : i32
        %dma_wait3A_40 = tpu.memref_slice %arg10[%dma_wait3A, %dma_wait3A_39] : memref<10000x128xf32, #tpu.memory_space<vmem_shared>> -> memref<10000x128xf32, #tpu.memory_space<vmem_shared>>
        tpu.wait_indirect_dma semaphore(%run_scoped3A : memref<!tpu.dma_semaphore, #tpu.memory_space<semaphore_mem>>) src(%arg9 : memref<128x128xf32, #tpu.memory_space<vmem>>) dst(%dma_wait3A_40 : memref<10000x128xf32, #tpu.memory_space<vmem_shared>>)
        tpu.yield
      }) : () -> ()
    }
    %scan3A_13 = arith.constant 10 : i32
    %mul3A_14 = arith.constant 1280 : i32
    %mul3A_15 = arith.muli %add3A, %mul3A_14 : i32
    %scan3A_16 = arith.constant 0 : i32
    %scan3A_17 = arith.constant 0 : i32
    %scan3A_18 = arith.constant 10 : i32
    %scan3A_19 = arith.addi %scan3A_17, %scan3A_18 : i32
    %scan3A_20 = arith.constant 1 : i32
    scf.for %scan3A_33 = %scan3A_17 to %scan3A_19 step %scan3A_20  : i32 {
      %mul3A_34 = arith.constant 128 : i32
      %mul3A_35 = arith.muli %scan3A_33, %mul3A_34 : i32
      %add3A_36 = arith.addi %mul3A_15, %mul3A_35 : i32
      "tpu.region"() ({
        %run_scoped3A = tpu.sem_alloc : memref<!tpu.dma_semaphore, #tpu.memory_space<semaphore_mem>>
        %dma_start3A = tpu.memref_slice %arg5[%add3A_36] : memref<40960xi32, #tpu.memory_space<hbm>> -> memref<128xi32, #tpu.memory_space<hbm>>
        %dma_start3A_37 = tpu.memref_slice %arg5[%add3A_36] : memref<40960xi32, #tpu.memory_space<hbm>> -> memref<128xi32, #tpu.memory_space<hbm>>
        tpu.enqueue_dma source(%dma_start3A_37 : memref<128xi32, #tpu.memory_space<hbm>>) target(%arg8 : memref<128xi32, #tpu.memory_space<vmem>>) target_semaphore(%run_scoped3A : memref<!tpu.dma_semaphore, #tpu.memory_space<semaphore_mem>>)
        %dma_wait3A = tpu.memref_slice %arg5[%add3A_36] : memref<40960xi32, #tpu.memory_space<hbm>> -> memref<128xi32, #tpu.memory_space<hbm>>
        %dma_wait3A_38 = tpu.memref_slice %arg5[%add3A_36] : memref<40960xi32, #tpu.memory_space<hbm>> -> memref<128xi32, #tpu.memory_space<hbm>>
        tpu.wait_dma2 semaphore(%run_scoped3A : memref<!tpu.dma_semaphore, #tpu.memory_space<semaphore_mem>>) src(%dma_wait3A_38 : memref<128xi32, #tpu.memory_space<hbm>>) dst(%arg8 : memref<128xi32, #tpu.memory_space<vmem>>)
        tpu.yield
      }) : () -> ()
      "tpu.region"() ({
        %run_scoped3A = tpu.sem_alloc : memref<!tpu.dma_semaphore, #tpu.memory_space<semaphore_mem>>
        %dma_start3A = arith.constant 0 : i32
        %dma_start3A_37 = tpu.memref_slice %arg3[%add3A_36, %dma_start3A] : memref<40960x128xf32, #tpu.memory_space<hbm>> -> memref<128x128xf32, #tpu.memory_space<hbm>>
        %dma_start3A_38 = arith.constant 0 : i32
        %dma_start3A_39 = tpu.memref_slice %arg3[%add3A_36, %dma_start3A_38] : memref<40960x128xf32, #tpu.memory_space<hbm>> -> memref<128x128xf32, #tpu.memory_space<hbm>>
        tpu.enqueue_dma source(%dma_start3A_39 : memref<128x128xf32, #tpu.memory_space<hbm>>) target(%arg9 : memref<128x128xf32, #tpu.memory_space<vmem>>) target_semaphore(%run_scoped3A : memref<!tpu.dma_semaphore, #tpu.memory_space<semaphore_mem>>)
        %dma_wait3A = arith.constant 0 : i32
        %dma_wait3A_40 = tpu.memref_slice %arg3[%add3A_36, %dma_wait3A] : memref<40960x128xf32, #tpu.memory_space<hbm>> -> memref<128x128xf32, #tpu.memory_space<hbm>>
        %dma_wait3A_41 = arith.constant 0 : i32
        %dma_wait3A_42 = tpu.memref_slice %arg3[%add3A_36, %dma_wait3A_41] : memref<40960x128xf32, #tpu.memory_space<hbm>> -> memref<128x128xf32, #tpu.memory_space<hbm>>
        tpu.wait_dma2 semaphore(%run_scoped3A : memref<!tpu.dma_semaphore, #tpu.memory_space<semaphore_mem>>) src(%dma_wait3A_42 : memref<128x128xf32, #tpu.memory_space<hbm>>) dst(%arg9 : memref<128x128xf32, #tpu.memory_space<vmem>>)
        tpu.yield
      }) : () -> ()
      "tpu.region"() ({
        %run_scoped3A = tpu.sem_alloc : memref<!tpu.dma_semaphore, #tpu.memory_space<semaphore_mem>>
        %dma_start3A = arith.constant 0 : i32
        %dma_start3A_37 = arith.constant 0 : i32
        %dma_start3A_38 = tpu.memref_slice %arg10[%dma_start3A, %dma_start3A_37] : memref<10000x128xf32, #tpu.memory_space<vmem_shared>> -> memref<10000x128xf32, #tpu.memory_space<vmem_shared>>
        tpu.enqueue_indirect_dma source(%arg9 : memref<128x128xf32, #tpu.memory_space<vmem>>) target(%dma_start3A_38 : memref<10000x128xf32, #tpu.memory_space<vmem_shared>>) offsets(%arg8 : memref<128xi32, #tpu.memory_space<vmem>>) semaphore(%run_scoped3A : memref<!tpu.dma_semaphore, #tpu.memory_space<semaphore_mem>>) {add = true}
        %dma_wait3A = arith.constant 0 : i32
        %dma_wait3A_39 = arith.constant 0 : i32
        %dma_wait3A_40 = tpu.memref_slice %arg10[%dma_wait3A, %dma_wait3A_39] : memref<10000x128xf32, #tpu.memory_space<vmem_shared>> -> memref<10000x128xf32, #tpu.memory_space<vmem_shared>>
        tpu.wait_indirect_dma semaphore(%run_scoped3A : memref<!tpu.dma_semaphore, #tpu.memory_space<semaphore_mem>>) src(%arg9 : memref<128x128xf32, #tpu.memory_space<vmem>>) dst(%dma_wait3A_40 : memref<10000x128xf32, #tpu.memory_space<vmem_shared>>)
        tpu.yield
      }) : () -> ()
    }
    %scan3A_21 = arith.constant 10 : i32
    %barrier3A_22 = arith.constant 0 : index
    tpu.barrier barrier_id(%barrier3A_22)
    %lt3A_23 = arith.constant 15 : i32
    %lt3A_24 = arith.cmpi slt, %arg1, %lt3A_23 : i32
    %convert_element_type3A_25 = arith.extui %lt3A_24 : i1 to i32
    %cond3A_26 = arith.constant 0 : i32
    %cond3A_27 = arith.cmpi ne, %convert_element_type3A_25, %cond3A_26 : i32
    scf.if %cond3A_27 {
      %mul3A_33 = arith.constant 640 : i32
      %mul3A_34 = arith.muli %arg1, %mul3A_33 : i32
      %mul3A_35 = arith.constant 640 : i32
      %mul3A_36 = arith.muli %arg1, %mul3A_35 : i32
      "tpu.region"() ({
        %run_scoped3A = tpu.sem_alloc : memref<!tpu.dma_semaphore, #tpu.memory_space<semaphore_mem>>
        %dma_start3A = arith.constant 0 : i32
        %dma_start3A_37 = tpu.memref_slice %arg7[%arg0, %mul3A_36, %dma_start3A] : memref<2x10000x128xf32, #tpu.memory_space<hbm>> -> memref<1x640x128xf32, #tpu.memory_space<hbm>>
        %dma_start3A_38 = tpu.memref_squeeze %dma_start3A_37 : memref<1x640x128xf32, #tpu.memory_space<hbm>> -> memref<640x128xf32, #tpu.memory_space<hbm>>
        %dma_start3A_39 = arith.constant 0 : i32
        %dma_start3A_40 = tpu.memref_slice %arg10[%mul3A_34, %dma_start3A_39] : memref<10000x128xf32, #tpu.memory_space<vmem_shared>> -> memref<640x128xf32, #tpu.memory_space<vmem_shared>>
        tpu.enqueue_dma source(%dma_start3A_40 : memref<640x128xf32, #tpu.memory_space<vmem_shared>>) target(%dma_start3A_38 : memref<640x128xf32, #tpu.memory_space<hbm>>) target_semaphore(%run_scoped3A : memref<!tpu.dma_semaphore, #tpu.memory_space<semaphore_mem>>)
        %dma_wait3A = arith.constant 0 : i32
        %dma_wait3A_41 = tpu.memref_slice %arg7[%arg0, %mul3A_36, %dma_wait3A] : memref<2x10000x128xf32, #tpu.memory_space<hbm>> -> memref<1x640x128xf32, #tpu.memory_space<hbm>>
        %dma_wait3A_42 = tpu.memref_squeeze %dma_wait3A_41 : memref<1x640x128xf32, #tpu.memory_space<hbm>> -> memref<640x128xf32, #tpu.memory_space<hbm>>
        %dma_wait3A_43 = arith.constant 0 : i32
        %dma_wait3A_44 = tpu.memref_slice %arg10[%mul3A_34, %dma_wait3A_43] : memref<10000x128xf32, #tpu.memory_space<vmem_shared>> -> memref<640x128xf32, #tpu.memory_space<vmem_shared>>
        tpu.wait_dma2 semaphore(%run_scoped3A : memref<!tpu.dma_semaphore, #tpu.memory_space<semaphore_mem>>) src(%dma_wait3A_44 : memref<640x128xf32, #tpu.memory_space<vmem_shared>>) dst(%dma_wait3A_42 : memref<640x128xf32, #tpu.memory_space<hbm>>)
        tpu.yield
      }) : () -> ()
    } else {
    }
    %eq3A_28 = arith.constant 15 : i32
    %eq3A_29 = arith.cmpi eq, %arg1, %eq3A_28 : i32
    %convert_element_type3A_30 = arith.extui %eq3A_29 : i1 to i32
    %cond3A_31 = arith.constant 0 : i32
    %cond3A_32 = arith.cmpi ne, %convert_element_type3A_30, %cond3A_31 : i32
    scf.if %cond3A_32 {
      "tpu.region"() ({
        %run_scoped3A = tpu.sem_alloc : memref<!tpu.dma_semaphore, #tpu.memory_space<semaphore_mem>>
        %dma_start3A = arith.constant 9600 : i32
        %dma_start3A_33 = arith.constant 0 : i32
        %dma_start3A_34 = tpu.memref_slice %arg7[%arg0, %dma_start3A, %dma_start3A_33] : memref<2x10000x128xf32, #tpu.memory_space<hbm>> -> memref<1x400x128xf32, #tpu.memory_space<hbm>>
        %dma_start3A_35 = tpu.memref_squeeze %dma_start3A_34 : memref<1x400x128xf32, #tpu.memory_space<hbm>> -> memref<400x128xf32, #tpu.memory_space<hbm>>
        %dma_start3A_36 = arith.constant 9600 : i32
        %dma_start3A_37 = arith.constant 0 : i32
        %dma_start3A_38 = tpu.memref_slice %arg10[%dma_start3A_36, %dma_start3A_37] : memref<10000x128xf32, #tpu.memory_space<vmem_shared>> -> memref<400x128xf32, #tpu.memory_space<vmem_shared>>
        tpu.enqueue_dma source(%dma_start3A_38 : memref<400x128xf32, #tpu.memory_space<vmem_shared>>) target(%dma_start3A_35 : memref<400x128xf32, #tpu.memory_space<hbm>>) target_semaphore(%run_scoped3A : memref<!tpu.dma_semaphore, #tpu.memory_space<semaphore_mem>>)
        %dma_wait3A = arith.constant 9600 : i32
        %dma_wait3A_39 = arith.constant 0 : i32
        %dma_wait3A_40 = tpu.memref_slice %arg7[%arg0, %dma_wait3A, %dma_wait3A_39] : memref<2x10000x128xf32, #tpu.memory_space<hbm>> -> memref<1x400x128xf32, #tpu.memory_space<hbm>>
        %dma_wait3A_41 = tpu.memref_squeeze %dma_wait3A_40 : memref<1x400x128xf32, #tpu.memory_space<hbm>> -> memref<400x128xf32, #tpu.memory_space<hbm>>
        %dma_wait3A_42 = arith.constant 9600 : i32
        %dma_wait3A_43 = arith.constant 0 : i32
        %dma_wait3A_44 = tpu.memref_slice %arg10[%dma_wait3A_42, %dma_wait3A_43] : memref<10000x128xf32, #tpu.memory_space<vmem_shared>> -> memref<400x128xf32, #tpu.memory_space<vmem_shared>>
        tpu.wait_dma2 semaphore(%run_scoped3A : memref<!tpu.dma_semaphore, #tpu.memory_space<semaphore_mem>>) src(%dma_wait3A_44 : memref<400x128xf32, #tpu.memory_space<vmem_shared>>) dst(%dma_wait3A_41 : memref<400x128xf32, #tpu.memory_space<hbm>>)
        tpu.yield
      }) : () -> ()
    } else {
    }
    return
  }
}

#map = affine_map<(d0, d1) -> (0, 0)>
#map1 = affine_map<(d0, d1) -> (0)>
#map2 = affine_map<(d0, d1) -> (0, 0, 0)>
module attributes {stable_mosaic.version = 14 : i64} {
  func.func @k(%arg0: i32, %arg1: i32, %arg2: memref<40960x128xf32, #tpu.memory_space<hbm>>, %arg3: memref<37120x128xf32, #tpu.memory_space<hbm>>, %arg4: memref<40960xi32, #tpu.memory_space<hbm>>, %arg5: memref<37120xi32, #tpu.memory_space<hbm>>, %arg6: memref<10000x128xf32, #tpu.memory_space<hbm>>, %arg7: memref<2x10000x128xf32, #tpu.memory_space<hbm>>, %arg8: memref<128xi32, #tpu.memory_space<vmem>>, %arg9: memref<128x128xf32, #tpu.memory_space<vmem>>, %arg10: memref<8xi32, #tpu.memory_space<vmem>>, %arg11: memref<8x128xf32, #tpu.memory_space<vmem>>, %arg12: memref<10000x128xf32, #tpu.memory_space<vmem_shared>>) attributes {dimension_semantics = [#tpu.dimension_semantics<core_parallel>, #tpu.dimension_semantics<subcore_parallel>], iteration_bounds = array<i64: 2, 16>, scalar_prefetch = 0 : i64, scratch_operands = 5 : i64, tpu.core_type = #tpu.core_type<sc_vector_subcore>, window_params = [{transform_indices = #map}, {transform_indices = #map}, {transform_indices = #map1}, {transform_indices = #map1}, {transform_indices = #map}, {transform_indices = #map2}]} {
    %mul3A = arith.constant 2 : i32
    %mul3A_0 = arith.muli %arg1, %mul3A : i32
    %add3A = arith.addi %mul3A_0, %arg0 : i32
    %lt3A = arith.constant 15 : i32
    %lt3A_1 = arith.cmpi slt, %arg1, %lt3A : i32
    %convert_element_type3A = arith.extui %lt3A_1 : i1 to i32
    %cond3A = arith.constant 0 : i32
    %cond3A_2 = arith.cmpi ne, %convert_element_type3A, %cond3A : i32
    scf.if %cond3A_2 {
      %mul3A_35 = arith.constant 640 : i32
      %mul3A_36 = arith.muli %arg1, %mul3A_35 : i32
      %mul3A_37 = arith.constant 640 : i32
      %mul3A_38 = arith.muli %arg1, %mul3A_37 : i32
      "tpu.region"() ({
        %run_scoped3A = tpu.sem_alloc : memref<!tpu.dma_semaphore, #tpu.memory_space<semaphore_mem>>
        %dma_start3A = arith.constant 0 : i32
        %dma_start3A_39 = tpu.memref_slice %arg12[%mul3A_38, %dma_start3A] : memref<10000x128xf32, #tpu.memory_space<vmem_shared>> -> memref<640x128xf32, #tpu.memory_space<vmem_shared>>
        %dma_start3A_40 = arith.constant 0 : i32
        %dma_start3A_41 = tpu.memref_slice %arg6[%mul3A_36, %dma_start3A_40] : memref<10000x128xf32, #tpu.memory_space<hbm>> -> memref<640x128xf32, #tpu.memory_space<hbm>>
        tpu.enqueue_dma source(%dma_start3A_41 : memref<640x128xf32, #tpu.memory_space<hbm>>) target(%dma_start3A_39 : memref<640x128xf32, #tpu.memory_space<vmem_shared>>) target_semaphore(%run_scoped3A : memref<!tpu.dma_semaphore, #tpu.memory_space<semaphore_mem>>)
        %dma_wait3A = arith.constant 0 : i32
        %dma_wait3A_42 = tpu.memref_slice %arg12[%mul3A_38, %dma_wait3A] : memref<10000x128xf32, #tpu.memory_space<vmem_shared>> -> memref<640x128xf32, #tpu.memory_space<vmem_shared>>
        %dma_wait3A_43 = arith.constant 0 : i32
        %dma_wait3A_44 = tpu.memref_slice %arg6[%mul3A_36, %dma_wait3A_43] : memref<10000x128xf32, #tpu.memory_space<hbm>> -> memref<640x128xf32, #tpu.memory_space<hbm>>
        tpu.wait_dma2 semaphore(%run_scoped3A : memref<!tpu.dma_semaphore, #tpu.memory_space<semaphore_mem>>) src(%dma_wait3A_44 : memref<640x128xf32, #tpu.memory_space<hbm>>) dst(%dma_wait3A_42 : memref<640x128xf32, #tpu.memory_space<vmem_shared>>)
        tpu.yield
      }) : () -> ()
    } else {
    }
    %eq3A = arith.constant 15 : i32
    %eq3A_3 = arith.cmpi eq, %arg1, %eq3A : i32
    %convert_element_type3A_4 = arith.extui %eq3A_3 : i1 to i32
    %cond3A_5 = arith.constant 0 : i32
    %cond3A_6 = arith.cmpi ne, %convert_element_type3A_4, %cond3A_5 : i32
    scf.if %cond3A_6 {
      "tpu.region"() ({
        %run_scoped3A = tpu.sem_alloc : memref<!tpu.dma_semaphore, #tpu.memory_space<semaphore_mem>>
        %dma_start3A = arith.constant 9600 : i32
        %dma_start3A_35 = arith.constant 0 : i32
        %dma_start3A_36 = tpu.memref_slice %arg12[%dma_start3A, %dma_start3A_35] : memref<10000x128xf32, #tpu.memory_space<vmem_shared>> -> memref<400x128xf32, #tpu.memory_space<vmem_shared>>
        %dma_start3A_37 = arith.constant 9600 : i32
        %dma_start3A_38 = arith.constant 0 : i32
        %dma_start3A_39 = tpu.memref_slice %arg6[%dma_start3A_37, %dma_start3A_38] : memref<10000x128xf32, #tpu.memory_space<hbm>> -> memref<400x128xf32, #tpu.memory_space<hbm>>
        tpu.enqueue_dma source(%dma_start3A_39 : memref<400x128xf32, #tpu.memory_space<hbm>>) target(%dma_start3A_36 : memref<400x128xf32, #tpu.memory_space<vmem_shared>>) target_semaphore(%run_scoped3A : memref<!tpu.dma_semaphore, #tpu.memory_space<semaphore_mem>>)
        %dma_wait3A = arith.constant 9600 : i32
        %dma_wait3A_40 = arith.constant 0 : i32
        %dma_wait3A_41 = tpu.memref_slice %arg12[%dma_wait3A, %dma_wait3A_40] : memref<10000x128xf32, #tpu.memory_space<vmem_shared>> -> memref<400x128xf32, #tpu.memory_space<vmem_shared>>
        %dma_wait3A_42 = arith.constant 9600 : i32
        %dma_wait3A_43 = arith.constant 0 : i32
        %dma_wait3A_44 = tpu.memref_slice %arg6[%dma_wait3A_42, %dma_wait3A_43] : memref<10000x128xf32, #tpu.memory_space<hbm>> -> memref<400x128xf32, #tpu.memory_space<hbm>>
        tpu.wait_dma2 semaphore(%run_scoped3A : memref<!tpu.dma_semaphore, #tpu.memory_space<semaphore_mem>>) src(%dma_wait3A_44 : memref<400x128xf32, #tpu.memory_space<hbm>>) dst(%dma_wait3A_41 : memref<400x128xf32, #tpu.memory_space<vmem_shared>>)
        tpu.yield
      }) : () -> ()
    } else {
    }
    %barrier3A = arith.constant 0 : index
    tpu.barrier barrier_id(%barrier3A)
    %mul3A_7 = arith.constant 1280 : i32
    %mul3A_8 = arith.muli %add3A, %mul3A_7 : i32
    %scan3A = arith.constant 0 : i32
    %scan3A_9 = arith.constant 0 : i32
    %scan3A_10 = arith.constant 10 : i32
    %scan3A_11 = arith.addi %scan3A_9, %scan3A_10 : i32
    %scan3A_12 = arith.constant 1 : i32
    scf.for %scan3A_35 = %scan3A_9 to %scan3A_11 step %scan3A_12  : i32 {
      %mul3A_36 = arith.constant 128 : i32
      %mul3A_37 = arith.muli %scan3A_35, %mul3A_36 : i32
      %add3A_38 = arith.addi %mul3A_8, %mul3A_37 : i32
      "tpu.region"() ({
        %run_scoped3A = tpu.sem_alloc : memref<!tpu.dma_semaphore, #tpu.memory_space<semaphore_mem>>
        %dma_start3A = tpu.memref_slice %arg4[%add3A_38] : memref<40960xi32, #tpu.memory_space<hbm>> -> memref<128xi32, #tpu.memory_space<hbm>>
        %dma_start3A_39 = tpu.memref_slice %arg4[%add3A_38] : memref<40960xi32, #tpu.memory_space<hbm>> -> memref<128xi32, #tpu.memory_space<hbm>>
        tpu.enqueue_dma source(%dma_start3A_39 : memref<128xi32, #tpu.memory_space<hbm>>) target(%arg8 : memref<128xi32, #tpu.memory_space<vmem>>) target_semaphore(%run_scoped3A : memref<!tpu.dma_semaphore, #tpu.memory_space<semaphore_mem>>)
        %dma_wait3A = tpu.memref_slice %arg4[%add3A_38] : memref<40960xi32, #tpu.memory_space<hbm>> -> memref<128xi32, #tpu.memory_space<hbm>>
        %dma_wait3A_40 = tpu.memref_slice %arg4[%add3A_38] : memref<40960xi32, #tpu.memory_space<hbm>> -> memref<128xi32, #tpu.memory_space<hbm>>
        tpu.wait_dma2 semaphore(%run_scoped3A : memref<!tpu.dma_semaphore, #tpu.memory_space<semaphore_mem>>) src(%dma_wait3A_40 : memref<128xi32, #tpu.memory_space<hbm>>) dst(%arg8 : memref<128xi32, #tpu.memory_space<vmem>>)
        tpu.yield
      }) : () -> ()
      "tpu.region"() ({
        %run_scoped3A = tpu.sem_alloc : memref<!tpu.dma_semaphore, #tpu.memory_space<semaphore_mem>>
        %dma_start3A = arith.constant 0 : i32
        %dma_start3A_39 = tpu.memref_slice %arg2[%add3A_38, %dma_start3A] : memref<40960x128xf32, #tpu.memory_space<hbm>> -> memref<128x128xf32, #tpu.memory_space<hbm>>
        %dma_start3A_40 = arith.constant 0 : i32
        %dma_start3A_41 = tpu.memref_slice %arg2[%add3A_38, %dma_start3A_40] : memref<40960x128xf32, #tpu.memory_space<hbm>> -> memref<128x128xf32, #tpu.memory_space<hbm>>
        tpu.enqueue_dma source(%dma_start3A_41 : memref<128x128xf32, #tpu.memory_space<hbm>>) target(%arg9 : memref<128x128xf32, #tpu.memory_space<vmem>>) target_semaphore(%run_scoped3A : memref<!tpu.dma_semaphore, #tpu.memory_space<semaphore_mem>>)
        %dma_wait3A = arith.constant 0 : i32
        %dma_wait3A_42 = tpu.memref_slice %arg2[%add3A_38, %dma_wait3A] : memref<40960x128xf32, #tpu.memory_space<hbm>> -> memref<128x128xf32, #tpu.memory_space<hbm>>
        %dma_wait3A_43 = arith.constant 0 : i32
        %dma_wait3A_44 = tpu.memref_slice %arg2[%add3A_38, %dma_wait3A_43] : memref<40960x128xf32, #tpu.memory_space<hbm>> -> memref<128x128xf32, #tpu.memory_space<hbm>>
        tpu.wait_dma2 semaphore(%run_scoped3A : memref<!tpu.dma_semaphore, #tpu.memory_space<semaphore_mem>>) src(%dma_wait3A_44 : memref<128x128xf32, #tpu.memory_space<hbm>>) dst(%arg9 : memref<128x128xf32, #tpu.memory_space<vmem>>)
        tpu.yield
      }) : () -> ()
      "tpu.region"() ({
        %run_scoped3A = tpu.sem_alloc : memref<!tpu.dma_semaphore, #tpu.memory_space<semaphore_mem>>
        %dma_start3A = arith.constant 0 : i32
        %dma_start3A_39 = arith.constant 0 : i32
        %dma_start3A_40 = tpu.memref_slice %arg12[%dma_start3A, %dma_start3A_39] : memref<10000x128xf32, #tpu.memory_space<vmem_shared>> -> memref<10000x128xf32, #tpu.memory_space<vmem_shared>>
        tpu.enqueue_indirect_dma source(%arg9 : memref<128x128xf32, #tpu.memory_space<vmem>>) target(%dma_start3A_40 : memref<10000x128xf32, #tpu.memory_space<vmem_shared>>) offsets(%arg8 : memref<128xi32, #tpu.memory_space<vmem>>) semaphore(%run_scoped3A : memref<!tpu.dma_semaphore, #tpu.memory_space<semaphore_mem>>) {add = true}
        %dma_wait3A = arith.constant 0 : i32
        %dma_wait3A_41 = arith.constant 0 : i32
        %dma_wait3A_42 = tpu.memref_slice %arg12[%dma_wait3A, %dma_wait3A_41] : memref<10000x128xf32, #tpu.memory_space<vmem_shared>> -> memref<10000x128xf32, #tpu.memory_space<vmem_shared>>
        tpu.wait_indirect_dma semaphore(%run_scoped3A : memref<!tpu.dma_semaphore, #tpu.memory_space<semaphore_mem>>) src(%arg9 : memref<128x128xf32, #tpu.memory_space<vmem>>) dst(%dma_wait3A_42 : memref<10000x128xf32, #tpu.memory_space<vmem_shared>>)
        tpu.yield
      }) : () -> ()
    }
    %scan3A_13 = arith.constant 10 : i32
    %mul3A_14 = arith.constant 1160 : i32
    %mul3A_15 = arith.muli %add3A, %mul3A_14 : i32
    %scan3A_16 = arith.constant 0 : i32
    %scan3A_17 = arith.constant 0 : i32
    %scan3A_18 = arith.constant 9 : i32
    %scan3A_19 = arith.addi %scan3A_17, %scan3A_18 : i32
    %scan3A_20 = arith.constant 1 : i32
    scf.for %scan3A_35 = %scan3A_17 to %scan3A_19 step %scan3A_20  : i32 {
      %mul3A_36 = arith.constant 128 : i32
      %mul3A_37 = arith.muli %scan3A_35, %mul3A_36 : i32
      %add3A_38 = arith.addi %mul3A_15, %mul3A_37 : i32
      "tpu.region"() ({
        %run_scoped3A = tpu.sem_alloc : memref<!tpu.dma_semaphore, #tpu.memory_space<semaphore_mem>>
        %dma_start3A = tpu.memref_slice %arg5[%add3A_38] : memref<37120xi32, #tpu.memory_space<hbm>> -> memref<128xi32, #tpu.memory_space<hbm>>
        %dma_start3A_39 = tpu.memref_slice %arg5[%add3A_38] : memref<37120xi32, #tpu.memory_space<hbm>> -> memref<128xi32, #tpu.memory_space<hbm>>
        tpu.enqueue_dma source(%dma_start3A_39 : memref<128xi32, #tpu.memory_space<hbm>>) target(%arg8 : memref<128xi32, #tpu.memory_space<vmem>>) target_semaphore(%run_scoped3A : memref<!tpu.dma_semaphore, #tpu.memory_space<semaphore_mem>>)
        %dma_wait3A = tpu.memref_slice %arg5[%add3A_38] : memref<37120xi32, #tpu.memory_space<hbm>> -> memref<128xi32, #tpu.memory_space<hbm>>
        %dma_wait3A_40 = tpu.memref_slice %arg5[%add3A_38] : memref<37120xi32, #tpu.memory_space<hbm>> -> memref<128xi32, #tpu.memory_space<hbm>>
        tpu.wait_dma2 semaphore(%run_scoped3A : memref<!tpu.dma_semaphore, #tpu.memory_space<semaphore_mem>>) src(%dma_wait3A_40 : memref<128xi32, #tpu.memory_space<hbm>>) dst(%arg8 : memref<128xi32, #tpu.memory_space<vmem>>)
        tpu.yield
      }) : () -> ()
      "tpu.region"() ({
        %run_scoped3A = tpu.sem_alloc : memref<!tpu.dma_semaphore, #tpu.memory_space<semaphore_mem>>
        %dma_start3A = arith.constant 0 : i32
        %dma_start3A_39 = tpu.memref_slice %arg3[%add3A_38, %dma_start3A] : memref<37120x128xf32, #tpu.memory_space<hbm>> -> memref<128x128xf32, #tpu.memory_space<hbm>>
        %dma_start3A_40 = arith.constant 0 : i32
        %dma_start3A_41 = tpu.memref_slice %arg3[%add3A_38, %dma_start3A_40] : memref<37120x128xf32, #tpu.memory_space<hbm>> -> memref<128x128xf32, #tpu.memory_space<hbm>>
        tpu.enqueue_dma source(%dma_start3A_41 : memref<128x128xf32, #tpu.memory_space<hbm>>) target(%arg9 : memref<128x128xf32, #tpu.memory_space<vmem>>) target_semaphore(%run_scoped3A : memref<!tpu.dma_semaphore, #tpu.memory_space<semaphore_mem>>)
        %dma_wait3A = arith.constant 0 : i32
        %dma_wait3A_42 = tpu.memref_slice %arg3[%add3A_38, %dma_wait3A] : memref<37120x128xf32, #tpu.memory_space<hbm>> -> memref<128x128xf32, #tpu.memory_space<hbm>>
        %dma_wait3A_43 = arith.constant 0 : i32
        %dma_wait3A_44 = tpu.memref_slice %arg3[%add3A_38, %dma_wait3A_43] : memref<37120x128xf32, #tpu.memory_space<hbm>> -> memref<128x128xf32, #tpu.memory_space<hbm>>
        tpu.wait_dma2 semaphore(%run_scoped3A : memref<!tpu.dma_semaphore, #tpu.memory_space<semaphore_mem>>) src(%dma_wait3A_44 : memref<128x128xf32, #tpu.memory_space<hbm>>) dst(%arg9 : memref<128x128xf32, #tpu.memory_space<vmem>>)
        tpu.yield
      }) : () -> ()
      "tpu.region"() ({
        %run_scoped3A = tpu.sem_alloc : memref<!tpu.dma_semaphore, #tpu.memory_space<semaphore_mem>>
        %dma_start3A = arith.constant 0 : i32
        %dma_start3A_39 = arith.constant 0 : i32
        %dma_start3A_40 = tpu.memref_slice %arg12[%dma_start3A, %dma_start3A_39] : memref<10000x128xf32, #tpu.memory_space<vmem_shared>> -> memref<10000x128xf32, #tpu.memory_space<vmem_shared>>
        tpu.enqueue_indirect_dma source(%arg9 : memref<128x128xf32, #tpu.memory_space<vmem>>) target(%dma_start3A_40 : memref<10000x128xf32, #tpu.memory_space<vmem_shared>>) offsets(%arg8 : memref<128xi32, #tpu.memory_space<vmem>>) semaphore(%run_scoped3A : memref<!tpu.dma_semaphore, #tpu.memory_space<semaphore_mem>>) {add = true}
        %dma_wait3A = arith.constant 0 : i32
        %dma_wait3A_41 = arith.constant 0 : i32
        %dma_wait3A_42 = tpu.memref_slice %arg12[%dma_wait3A, %dma_wait3A_41] : memref<10000x128xf32, #tpu.memory_space<vmem_shared>> -> memref<10000x128xf32, #tpu.memory_space<vmem_shared>>
        tpu.wait_indirect_dma semaphore(%run_scoped3A : memref<!tpu.dma_semaphore, #tpu.memory_space<semaphore_mem>>) src(%arg9 : memref<128x128xf32, #tpu.memory_space<vmem>>) dst(%dma_wait3A_42 : memref<10000x128xf32, #tpu.memory_space<vmem_shared>>)
        tpu.yield
      }) : () -> ()
    }
    %scan3A_21 = arith.constant 9 : i32
    %add3A_22 = arith.constant 1152 : i32
    %add3A_23 = arith.addi %mul3A_15, %add3A_22 : i32
    "tpu.region"() ({
      %run_scoped3A = tpu.sem_alloc : memref<!tpu.dma_semaphore, #tpu.memory_space<semaphore_mem>>
      %dma_start3A = tpu.memref_slice %arg5[%add3A_23] : memref<37120xi32, #tpu.memory_space<hbm>> -> memref<8xi32, #tpu.memory_space<hbm>>
      %dma_start3A_35 = tpu.memref_slice %arg5[%add3A_23] : memref<37120xi32, #tpu.memory_space<hbm>> -> memref<8xi32, #tpu.memory_space<hbm>>
      tpu.enqueue_dma source(%dma_start3A_35 : memref<8xi32, #tpu.memory_space<hbm>>) target(%arg10 : memref<8xi32, #tpu.memory_space<vmem>>) target_semaphore(%run_scoped3A : memref<!tpu.dma_semaphore, #tpu.memory_space<semaphore_mem>>)
      %dma_wait3A = tpu.memref_slice %arg5[%add3A_23] : memref<37120xi32, #tpu.memory_space<hbm>> -> memref<8xi32, #tpu.memory_space<hbm>>
      %dma_wait3A_36 = tpu.memref_slice %arg5[%add3A_23] : memref<37120xi32, #tpu.memory_space<hbm>> -> memref<8xi32, #tpu.memory_space<hbm>>
      tpu.wait_dma2 semaphore(%run_scoped3A : memref<!tpu.dma_semaphore, #tpu.memory_space<semaphore_mem>>) src(%dma_wait3A_36 : memref<8xi32, #tpu.memory_space<hbm>>) dst(%arg10 : memref<8xi32, #tpu.memory_space<vmem>>)
      tpu.yield
    }) : () -> ()
    "tpu.region"() ({
      %run_scoped3A = tpu.sem_alloc : memref<!tpu.dma_semaphore, #tpu.memory_space<semaphore_mem>>
      %dma_start3A = arith.constant 0 : i32
      %dma_start3A_35 = tpu.memref_slice %arg3[%add3A_23, %dma_start3A] : memref<37120x128xf32, #tpu.memory_space<hbm>> -> memref<8x128xf32, #tpu.memory_space<hbm>>
      %dma_start3A_36 = arith.constant 0 : i32
      %dma_start3A_37 = tpu.memref_slice %arg3[%add3A_23, %dma_start3A_36] : memref<37120x128xf32, #tpu.memory_space<hbm>> -> memref<8x128xf32, #tpu.memory_space<hbm>>
      tpu.enqueue_dma source(%dma_start3A_37 : memref<8x128xf32, #tpu.memory_space<hbm>>) target(%arg11 : memref<8x128xf32, #tpu.memory_space<vmem>>) target_semaphore(%run_scoped3A : memref<!tpu.dma_semaphore, #tpu.memory_space<semaphore_mem>>)
      %dma_wait3A = arith.constant 0 : i32
      %dma_wait3A_38 = tpu.memref_slice %arg3[%add3A_23, %dma_wait3A] : memref<37120x128xf32, #tpu.memory_space<hbm>> -> memref<8x128xf32, #tpu.memory_space<hbm>>
      %dma_wait3A_39 = arith.constant 0 : i32
      %dma_wait3A_40 = tpu.memref_slice %arg3[%add3A_23, %dma_wait3A_39] : memref<37120x128xf32, #tpu.memory_space<hbm>> -> memref<8x128xf32, #tpu.memory_space<hbm>>
      tpu.wait_dma2 semaphore(%run_scoped3A : memref<!tpu.dma_semaphore, #tpu.memory_space<semaphore_mem>>) src(%dma_wait3A_40 : memref<8x128xf32, #tpu.memory_space<hbm>>) dst(%arg11 : memref<8x128xf32, #tpu.memory_space<vmem>>)
      tpu.yield
    }) : () -> ()
    "tpu.region"() ({
      %run_scoped3A = tpu.sem_alloc : memref<!tpu.dma_semaphore, #tpu.memory_space<semaphore_mem>>
      %dma_start3A = arith.constant 0 : i32
      %dma_start3A_35 = arith.constant 0 : i32
      %dma_start3A_36 = tpu.memref_slice %arg12[%dma_start3A, %dma_start3A_35] : memref<10000x128xf32, #tpu.memory_space<vmem_shared>> -> memref<10000x128xf32, #tpu.memory_space<vmem_shared>>
      tpu.enqueue_indirect_dma source(%arg11 : memref<8x128xf32, #tpu.memory_space<vmem>>) target(%dma_start3A_36 : memref<10000x128xf32, #tpu.memory_space<vmem_shared>>) offsets(%arg10 : memref<8xi32, #tpu.memory_space<vmem>>) semaphore(%run_scoped3A : memref<!tpu.dma_semaphore, #tpu.memory_space<semaphore_mem>>) {add = true}
      %dma_wait3A = arith.constant 0 : i32
      %dma_wait3A_37 = arith.constant 0 : i32
      %dma_wait3A_38 = tpu.memref_slice %arg12[%dma_wait3A, %dma_wait3A_37] : memref<10000x128xf32, #tpu.memory_space<vmem_shared>> -> memref<10000x128xf32, #tpu.memory_space<vmem_shared>>
      tpu.wait_indirect_dma semaphore(%run_scoped3A : memref<!tpu.dma_semaphore, #tpu.memory_space<semaphore_mem>>) src(%arg11 : memref<8x128xf32, #tpu.memory_space<vmem>>) dst(%dma_wait3A_38 : memref<10000x128xf32, #tpu.memory_space<vmem_shared>>)
      tpu.yield
    }) : () -> ()
    %barrier3A_24 = arith.constant 0 : index
    tpu.barrier barrier_id(%barrier3A_24)
    %lt3A_25 = arith.constant 15 : i32
    %lt3A_26 = arith.cmpi slt, %arg1, %lt3A_25 : i32
    %convert_element_type3A_27 = arith.extui %lt3A_26 : i1 to i32
    %cond3A_28 = arith.constant 0 : i32
    %cond3A_29 = arith.cmpi ne, %convert_element_type3A_27, %cond3A_28 : i32
    scf.if %cond3A_29 {
      %mul3A_35 = arith.constant 640 : i32
      %mul3A_36 = arith.muli %arg1, %mul3A_35 : i32
      %mul3A_37 = arith.constant 640 : i32
      %mul3A_38 = arith.muli %arg1, %mul3A_37 : i32
      "tpu.region"() ({
        %run_scoped3A = tpu.sem_alloc : memref<!tpu.dma_semaphore, #tpu.memory_space<semaphore_mem>>
        %dma_start3A = arith.constant 0 : i32
        %dma_start3A_39 = tpu.memref_slice %arg7[%arg0, %mul3A_38, %dma_start3A] : memref<2x10000x128xf32, #tpu.memory_space<hbm>> -> memref<1x640x128xf32, #tpu.memory_space<hbm>>
        %dma_start3A_40 = tpu.memref_squeeze %dma_start3A_39 : memref<1x640x128xf32, #tpu.memory_space<hbm>> -> memref<640x128xf32, #tpu.memory_space<hbm>>
        %dma_start3A_41 = arith.constant 0 : i32
        %dma_start3A_42 = tpu.memref_slice %arg12[%mul3A_36, %dma_start3A_41] : memref<10000x128xf32, #tpu.memory_space<vmem_shared>> -> memref<640x128xf32, #tpu.memory_space<vmem_shared>>
        tpu.enqueue_dma source(%dma_start3A_42 : memref<640x128xf32, #tpu.memory_space<vmem_shared>>) target(%dma_start3A_40 : memref<640x128xf32, #tpu.memory_space<hbm>>) target_semaphore(%run_scoped3A : memref<!tpu.dma_semaphore, #tpu.memory_space<semaphore_mem>>)
        %dma_wait3A = arith.constant 0 : i32
        %dma_wait3A_43 = tpu.memref_slice %arg7[%arg0, %mul3A_38, %dma_wait3A] : memref<2x10000x128xf32, #tpu.memory_space<hbm>> -> memref<1x640x128xf32, #tpu.memory_space<hbm>>
        %dma_wait3A_44 = tpu.memref_squeeze %dma_wait3A_43 : memref<1x640x128xf32, #tpu.memory_space<hbm>> -> memref<640x128xf32, #tpu.memory_space<hbm>>
        %dma_wait3A_45 = arith.constant 0 : i32
        %dma_wait3A_46 = tpu.memref_slice %arg12[%mul3A_36, %dma_wait3A_45] : memref<10000x128xf32, #tpu.memory_space<vmem_shared>> -> memref<640x128xf32, #tpu.memory_space<vmem_shared>>
        tpu.wait_dma2 semaphore(%run_scoped3A : memref<!tpu.dma_semaphore, #tpu.memory_space<semaphore_mem>>) src(%dma_wait3A_46 : memref<640x128xf32, #tpu.memory_space<vmem_shared>>) dst(%dma_wait3A_44 : memref<640x128xf32, #tpu.memory_space<hbm>>)
        tpu.yield
      }) : () -> ()
    } else {
    }
    %eq3A_30 = arith.constant 15 : i32
    %eq3A_31 = arith.cmpi eq, %arg1, %eq3A_30 : i32
    %convert_element_type3A_32 = arith.extui %eq3A_31 : i1 to i32
    %cond3A_33 = arith.constant 0 : i32
    %cond3A_34 = arith.cmpi ne, %convert_element_type3A_32, %cond3A_33 : i32
    scf.if %cond3A_34 {
      "tpu.region"() ({
        %run_scoped3A = tpu.sem_alloc : memref<!tpu.dma_semaphore, #tpu.memory_space<semaphore_mem>>
        %dma_start3A = arith.constant 9600 : i32
        %dma_start3A_35 = arith.constant 0 : i32
        %dma_start3A_36 = tpu.memref_slice %arg7[%arg0, %dma_start3A, %dma_start3A_35] : memref<2x10000x128xf32, #tpu.memory_space<hbm>> -> memref<1x400x128xf32, #tpu.memory_space<hbm>>
        %dma_start3A_37 = tpu.memref_squeeze %dma_start3A_36 : memref<1x400x128xf32, #tpu.memory_space<hbm>> -> memref<400x128xf32, #tpu.memory_space<hbm>>
        %dma_start3A_38 = arith.constant 9600 : i32
        %dma_start3A_39 = arith.constant 0 : i32
        %dma_start3A_40 = tpu.memref_slice %arg12[%dma_start3A_38, %dma_start3A_39] : memref<10000x128xf32, #tpu.memory_space<vmem_shared>> -> memref<400x128xf32, #tpu.memory_space<vmem_shared>>
        tpu.enqueue_dma source(%dma_start3A_40 : memref<400x128xf32, #tpu.memory_space<vmem_shared>>) target(%dma_start3A_37 : memref<400x128xf32, #tpu.memory_space<hbm>>) target_semaphore(%run_scoped3A : memref<!tpu.dma_semaphore, #tpu.memory_space<semaphore_mem>>)
        %dma_wait3A = arith.constant 9600 : i32
        %dma_wait3A_41 = arith.constant 0 : i32
        %dma_wait3A_42 = tpu.memref_slice %arg7[%arg0, %dma_wait3A, %dma_wait3A_41] : memref<2x10000x128xf32, #tpu.memory_space<hbm>> -> memref<1x400x128xf32, #tpu.memory_space<hbm>>
        %dma_wait3A_43 = tpu.memref_squeeze %dma_wait3A_42 : memref<1x400x128xf32, #tpu.memory_space<hbm>> -> memref<400x128xf32, #tpu.memory_space<hbm>>
        %dma_wait3A_44 = arith.constant 9600 : i32
        %dma_wait3A_45 = arith.constant 0 : i32
        %dma_wait3A_46 = tpu.memref_slice %arg12[%dma_wait3A_44, %dma_wait3A_45] : memref<10000x128xf32, #tpu.memory_space<vmem_shared>> -> memref<400x128xf32, #tpu.memory_space<vmem_shared>>
        tpu.wait_dma2 semaphore(%run_scoped3A : memref<!tpu.dma_semaphore, #tpu.memory_space<semaphore_mem>>) src(%dma_wait3A_46 : memref<400x128xf32, #tpu.memory_space<vmem_shared>>) dst(%dma_wait3A_43 : memref<400x128xf32, #tpu.memory_space<hbm>>)
        tpu.yield
      }) : () -> ()
    } else {
    }
    return
  }
}

module attributes {stable_mosaic.version = 14 : i64} {
  func.func @_msg_body(%arg0: i32, %arg1: memref<4x1280xf32, #tpu.memory_space<vmem>>, %arg2: memref<1280x128xf32, #tpu.memory_space<vmem>>, %arg3: memref<4x544xbf16, #tpu.memory_space<vmem>>, %arg4: memref<1x544xf32, #tpu.memory_space<vmem>>, %arg5: memref<128x544xbf16, #tpu.memory_space<vmem>>, %arg6: memref<544x32xbf16, #tpu.memory_space<vmem>>, %arg7: memref<1280x128xf32, #tpu.memory_space<vmem>>) attributes {dimension_semantics = [#tpu.dimension_semantics<arbitrary>], iteration_bounds = array<i64: 32>, scalar_prefetch = 0 : i64, scratch_operands = 0 : i64, tpu.core_type = #tpu.core_type<tc>, window_params = [{transform_indices = @transform_0, window_bounds = array<i64: 4, 1280>}, {transform_indices = @transform_1, window_bounds = array<i64: 1280, 128>}, {pipeline_mode = #tpu.pipeline_mode<synchronous>, transform_indices = @transform_2, window_bounds = array<i64: 4, 544>}, {pipeline_mode = #tpu.pipeline_mode<synchronous>, transform_indices = @transform_3, window_bounds = array<i64: 1, 544>}, {pipeline_mode = #tpu.pipeline_mode<synchronous>, transform_indices = @transform_4, window_bounds = array<i64: 128, 544>}, {pipeline_mode = #tpu.pipeline_mode<synchronous>, transform_indices = @transform_5, window_bounds = array<i64: 544, 32>}, {transform_indices = @transform_6, window_bounds = array<i64: 1280, 128>}]} {
    %get3A = arith.constant 0 : index
    %get3A_0 = arith.constant 0 : index
    %get3A_1 = vector.load %arg1[%get3A, %get3A_0] : memref<4x1280xf32, #tpu.memory_space<vmem>>, vector<4x1280xf32>
    %convert_element_type3A = arith.truncf %get3A_1 : vector<4x1280xf32> to vector<4x1280xbf16>
    %get3A_2 = arith.constant 0 : index
    %get3A_3 = arith.constant 0 : index
    %get3A_4 = vector.load %arg3[%get3A_2, %get3A_3] : memref<4x544xbf16, #tpu.memory_space<vmem>>, vector<4x544xbf16>
    %dot_general3A = arith.constant dense<0.000000e+00> : vector<1280x544xf32>
    %dot_general3A_5 = tpu.matmul %convert_element_type3A, %get3A_4, %dot_general3A {dimension_numbers = #tpu.dot_dimension_numbers<[0], [0], [1], [1], [0, 1, 1, 1], [], []>, transpose_lhs_hint = false} : vector<4x1280xbf16>, vector<4x544xbf16>, vector<1280x544xf32> -> vector<1280x544xf32>
    %get3A_6 = arith.constant 0 : index
    %get3A_7 = arith.constant 0 : index
    %get3A_8 = vector.load %arg4[%get3A_6, %get3A_7] : memref<1x544xf32, #tpu.memory_space<vmem>>, vector<1x544xf32>
    %add3A = vector.broadcast %get3A_8 : vector<1x544xf32> to vector<1280x544xf32>
    %add3A_9 = arith.addf %dot_general3A_5, %add3A : vector<1280x544xf32>
    %max3A = arith.constant 0.000000e+00 : f32
    %max3A_10 = vector.broadcast %max3A : f32 to vector<1280x544xf32>
    %max3A_11 = arith.maximumf %add3A_9, %max3A_10 : vector<1280x544xf32>
    %get3A_12 = arith.constant 0 : index
    %get3A_13 = arith.constant 0 : index
    %get3A_14 = vector.load %arg2[%get3A_12, %get3A_13] : memref<1280x128xf32, #tpu.memory_space<vmem>>, vector<1280x128xf32>
    %convert_element_type3A_15 = arith.truncf %get3A_14 : vector<1280x128xf32> to vector<1280x128xbf16>
    %get3A_16 = arith.constant 0 : index
    %get3A_17 = arith.constant 0 : index
    %get3A_18 = vector.load %arg5[%get3A_16, %get3A_17] : memref<128x544xbf16, #tpu.memory_space<vmem>>, vector<128x544xbf16>
    %dot_general3A_19 = arith.constant dense<0.000000e+00> : vector<1280x544xf32>
    %dot_general3A_20 = tpu.matmul %convert_element_type3A_15, %get3A_18, %dot_general3A_19 {dimension_numbers = #tpu.dot_dimension_numbers<[1], [0], [0], [1], [0, 0, 1, 1], [], []>, transpose_lhs_hint = false} : vector<1280x128xbf16>, vector<128x544xbf16>, vector<1280x544xf32> -> vector<1280x544xf32>
    %mul3A = arith.mulf %max3A_11, %dot_general3A_20 : vector<1280x544xf32>
    %convert_element_type3A_21 = arith.truncf %mul3A : vector<1280x544xf32> to vector<1280x544xbf16>
    %get3A_22 = arith.constant 0 : index
    %get3A_23 = arith.constant 0 : index
    %get3A_24 = vector.load %arg6[%get3A_22, %get3A_23] : memref<544x32xbf16, #tpu.memory_space<vmem>>, vector<544x32xbf16>
    %dot_general3A_25 = arith.constant dense<0.000000e+00> : vector<1280x32xf32>
    %dot_general3A_26 = tpu.matmul %convert_element_type3A_21, %get3A_24, %dot_general3A_25 {dimension_numbers = #tpu.dot_dimension_numbers<[1], [0], [0], [1], [0, 0, 1, 1], [], []>, transpose_lhs_hint = false} : vector<1280x544xbf16>, vector<544x32xbf16>, vector<1280x32xf32> -> vector<1280x32xf32>
    %broadcast_in_dim3A = arith.constant 0.000000e+00 : f32
    %broadcast_in_dim3A_27 = vector.broadcast %broadcast_in_dim3A : f32 to vector<1280x96xf32>
    %concatenate3A = tpu.concatenate %dot_general3A_26, %broadcast_in_dim3A_27 in 1 : vector<1280x32xf32>, vector<1280x96xf32> -> vector<1280x128xf32>
    %swap3A = arith.constant 0 : index
    %swap3A_28 = arith.constant 0 : index
    %swap3A_29 = vector.load %arg7[%swap3A, %swap3A_28] : memref<1280x128xf32, #tpu.memory_space<vmem>>, vector<1280x128xf32>
    tpu.vector_store %arg7[%swap3A, %swap3A_28], %concatenate3A {strides = array<i32>} : memref<1280x128xf32, #tpu.memory_space<vmem>>, vector<1280x128xf32>,
    return
  }
  func.func @transform_0(%arg0: i32) -> (i32, i32) {
    %c0_i32 = arith.constant 0 : i32
    %c0_i32_0 = arith.constant 0 : i32
    return %c0_i32, %arg0 : i32, i32
  }
  func.func @transform_1(%arg0: i32) -> (i32, i32) {
    %c0_i32 = arith.constant 0 : i32
    %c0_i32_0 = arith.constant 0 : i32
    return %arg0, %c0_i32 : i32, i32
  }
  func.func @transform_2(%arg0: i32) -> (i32, i32) {
    %c0_i32 = arith.constant 0 : i32
    %c0_i32_0 = arith.constant 0 : i32
    %c0_i32_1 = arith.constant 0 : i32
    return %c0_i32, %c0_i32_0 : i32, i32
  }
  func.func @transform_3(%arg0: i32) -> (i32, i32) {
    %c0_i32 = arith.constant 0 : i32
    %c0_i32_0 = arith.constant 0 : i32
    %c0_i32_1 = arith.constant 0 : i32
    return %c0_i32, %c0_i32_0 : i32, i32
  }
  func.func @transform_4(%arg0: i32) -> (i32, i32) {
    %c0_i32 = arith.constant 0 : i32
    %c0_i32_0 = arith.constant 0 : i32
    %c0_i32_1 = arith.constant 0 : i32
    return %c0_i32, %c0_i32_0 : i32, i32
  }
  func.func @transform_5(%arg0: i32) -> (i32, i32) {
    %c0_i32 = arith.constant 0 : i32
    %c0_i32_0 = arith.constant 0 : i32
    %c0_i32_1 = arith.constant 0 : i32
    return %c0_i32, %c0_i32_0 : i32, i32
  }
  func.func @transform_6(%arg0: i32) -> (i32, i32) {
    %c0_i32 = arith.constant 0 : i32
    %c0_i32_0 = arith.constant 0 : i32
    return %arg0, %c0_i32 : i32, i32
  }
}

module attributes {stable_mosaic.version = 14 : i64} {
  func.func @_msg_body(%arg0: i32, %arg1: memref<4x1280xf32, #tpu.memory_space<vmem>>, %arg2: memref<1280x128xf32, #tpu.memory_space<vmem>>, %arg3: memref<4x544xbf16, #tpu.memory_space<vmem>>, %arg4: memref<1x544xf32, #tpu.memory_space<vmem>>, %arg5: memref<128x544xbf16, #tpu.memory_space<vmem>>, %arg6: memref<544x32xbf16, #tpu.memory_space<vmem>>, %arg7: memref<1280x128xf32, #tpu.memory_space<vmem>>) attributes {dimension_semantics = [#tpu.dimension_semantics<arbitrary>], iteration_bounds = array<i64: 29>, scalar_prefetch = 0 : i64, scratch_operands = 0 : i64, tpu.core_type = #tpu.core_type<tc>, window_params = [{transform_indices = @transform_0, window_bounds = array<i64: 4, 1280>}, {transform_indices = @transform_1, window_bounds = array<i64: 1280, 128>}, {pipeline_mode = #tpu.pipeline_mode<synchronous>, transform_indices = @transform_2, window_bounds = array<i64: 4, 544>}, {pipeline_mode = #tpu.pipeline_mode<synchronous>, transform_indices = @transform_3, window_bounds = array<i64: 1, 544>}, {pipeline_mode = #tpu.pipeline_mode<synchronous>, transform_indices = @transform_4, window_bounds = array<i64: 128, 544>}, {pipeline_mode = #tpu.pipeline_mode<synchronous>, transform_indices = @transform_5, window_bounds = array<i64: 544, 32>}, {transform_indices = @transform_6, window_bounds = array<i64: 1280, 128>}]} {
    %get3A = arith.constant 0 : index
    %get3A_0 = arith.constant 0 : index
    %get3A_1 = vector.load %arg1[%get3A, %get3A_0] : memref<4x1280xf32, #tpu.memory_space<vmem>>, vector<4x1280xf32>
    %convert_element_type3A = arith.truncf %get3A_1 : vector<4x1280xf32> to vector<4x1280xbf16>
    %get3A_2 = arith.constant 0 : index
    %get3A_3 = arith.constant 0 : index
    %get3A_4 = vector.load %arg3[%get3A_2, %get3A_3] : memref<4x544xbf16, #tpu.memory_space<vmem>>, vector<4x544xbf16>
    %dot_general3A = arith.constant dense<0.000000e+00> : vector<1280x544xf32>
    %dot_general3A_5 = tpu.matmul %convert_element_type3A, %get3A_4, %dot_general3A {dimension_numbers = #tpu.dot_dimension_numbers<[0], [0], [1], [1], [0, 1, 1, 1], [], []>, transpose_lhs_hint = false} : vector<4x1280xbf16>, vector<4x544xbf16>, vector<1280x544xf32> -> vector<1280x544xf32>
    %get3A_6 = arith.constant 0 : index
    %get3A_7 = arith.constant 0 : index
    %get3A_8 = vector.load %arg4[%get3A_6, %get3A_7] : memref<1x544xf32, #tpu.memory_space<vmem>>, vector<1x544xf32>
    %add3A = vector.broadcast %get3A_8 : vector<1x544xf32> to vector<1280x544xf32>
    %add3A_9 = arith.addf %dot_general3A_5, %add3A : vector<1280x544xf32>
    %max3A = arith.constant 0.000000e+00 : f32
    %max3A_10 = vector.broadcast %max3A : f32 to vector<1280x544xf32>
    %max3A_11 = arith.maximumf %add3A_9, %max3A_10 : vector<1280x544xf32>
    %get3A_12 = arith.constant 0 : index
    %get3A_13 = arith.constant 0 : index
    %get3A_14 = vector.load %arg2[%get3A_12, %get3A_13] : memref<1280x128xf32, #tpu.memory_space<vmem>>, vector<1280x128xf32>
    %convert_element_type3A_15 = arith.truncf %get3A_14 : vector<1280x128xf32> to vector<1280x128xbf16>
    %get3A_16 = arith.constant 0 : index
    %get3A_17 = arith.constant 0 : index
    %get3A_18 = vector.load %arg5[%get3A_16, %get3A_17] : memref<128x544xbf16, #tpu.memory_space<vmem>>, vector<128x544xbf16>
    %dot_general3A_19 = arith.constant dense<0.000000e+00> : vector<1280x544xf32>
    %dot_general3A_20 = tpu.matmul %convert_element_type3A_15, %get3A_18, %dot_general3A_19 {dimension_numbers = #tpu.dot_dimension_numbers<[1], [0], [0], [1], [0, 0, 1, 1], [], []>, transpose_lhs_hint = false} : vector<1280x128xbf16>, vector<128x544xbf16>, vector<1280x544xf32> -> vector<1280x544xf32>
    %mul3A = arith.mulf %max3A_11, %dot_general3A_20 : vector<1280x544xf32>
    %convert_element_type3A_21 = arith.truncf %mul3A : vector<1280x544xf32> to vector<1280x544xbf16>
    %get3A_22 = arith.constant 0 : index
    %get3A_23 = arith.constant 0 : index
    %get3A_24 = vector.load %arg6[%get3A_22, %get3A_23] : memref<544x32xbf16, #tpu.memory_space<vmem>>, vector<544x32xbf16>
    %dot_general3A_25 = arith.constant dense<0.000000e+00> : vector<1280x32xf32>
    %dot_general3A_26 = tpu.matmul %convert_element_type3A_21, %get3A_24, %dot_general3A_25 {dimension_numbers = #tpu.dot_dimension_numbers<[1], [0], [0], [1], [0, 0, 1, 1], [], []>, transpose_lhs_hint = false} : vector<1280x544xbf16>, vector<544x32xbf16>, vector<1280x32xf32> -> vector<1280x32xf32>
    %broadcast_in_dim3A = arith.constant 0.000000e+00 : f32
    %broadcast_in_dim3A_27 = vector.broadcast %broadcast_in_dim3A : f32 to vector<1280x96xf32>
    %concatenate3A = tpu.concatenate %dot_general3A_26, %broadcast_in_dim3A_27 in 1 : vector<1280x32xf32>, vector<1280x96xf32> -> vector<1280x128xf32>
    %swap3A = arith.constant 0 : index
    %swap3A_28 = arith.constant 0 : index
    %swap3A_29 = vector.load %arg7[%swap3A, %swap3A_28] : memref<1280x128xf32, #tpu.memory_space<vmem>>, vector<1280x128xf32>
    tpu.vector_store %arg7[%swap3A, %swap3A_28], %concatenate3A {strides = array<i32>} : memref<1280x128xf32, #tpu.memory_space<vmem>>, vector<1280x128xf32>,
    return
  }
  func.func @transform_0(%arg0: i32) -> (i32, i32) {
    %c0_i32 = arith.constant 0 : i32
    %c0_i32_0 = arith.constant 0 : i32
    return %c0_i32, %arg0 : i32, i32
  }
  func.func @transform_1(%arg0: i32) -> (i32, i32) {
    %c0_i32 = arith.constant 0 : i32
    %c0_i32_0 = arith.constant 0 : i32
    return %arg0, %c0_i32 : i32, i32
  }
  func.func @transform_2(%arg0: i32) -> (i32, i32) {
    %c0_i32 = arith.constant 0 : i32
    %c0_i32_0 = arith.constant 0 : i32
    %c0_i32_1 = arith.constant 0 : i32
    return %c0_i32, %c0_i32_0 : i32, i32
  }
  func.func @transform_3(%arg0: i32) -> (i32, i32) {
    %c0_i32 = arith.constant 0 : i32
    %c0_i32_0 = arith.constant 0 : i32
    %c0_i32_1 = arith.constant 0 : i32
    return %c0_i32, %c0_i32_0 : i32, i32
  }
  func.func @transform_4(%arg0: i32) -> (i32, i32) {
    %c0_i32 = arith.constant 0 : i32
    %c0_i32_0 = arith.constant 0 : i32
    %c0_i32_1 = arith.constant 0 : i32
    return %c0_i32, %c0_i32_0 : i32, i32
  }
  func.func @transform_5(%arg0: i32) -> (i32, i32) {
    %c0_i32 = arith.constant 0 : i32
    %c0_i32_0 = arith.constant 0 : i32
    %c0_i32_1 = arith.constant 0 : i32
    return %c0_i32, %c0_i32_0 : i32, i32
  }
  func.func @transform_6(%arg0: i32) -> (i32, i32) {
    %c0_i32 = arith.constant 0 : i32
    %c0_i32_0 = arith.constant 0 : i32
    return %arg0, %c0_i32 : i32, i32
  }
}

module attributes {stable_mosaic.version = 14 : i64} {
  func.func @_node_body(%arg0: i32, %arg1: memref<1000x128xf32, #tpu.memory_space<vmem>>, %arg2: memref<1000x128xf32, #tpu.memory_space<vmem>>, %arg3: memref<1000x128xf32, #tpu.memory_space<vmem>>, %arg4: memref<1000x128xf32, #tpu.memory_space<vmem>>, %arg5: memref<1000x128xf32, #tpu.memory_space<vmem>>, %arg6: memref<128x32xf32, #tpu.memory_space<vmem>>, %arg7: memref<1x32xf32, #tpu.memory_space<vmem>>, %arg8: memref<1000x128xf32, #tpu.memory_space<vmem>>) attributes {dimension_semantics = [#tpu.dimension_semantics<arbitrary>], iteration_bounds = array<i64: 10>, scalar_prefetch = 0 : i64, scratch_operands = 0 : i64, tpu.core_type = #tpu.core_type<tc>, window_params = [{transform_indices = @transform_0, window_bounds = array<i64: 1000, 128>}, {transform_indices = @transform_1, window_bounds = array<i64: 1000, 128>}, {transform_indices = @transform_2, window_bounds = array<i64: 1000, 128>}, {transform_indices = @transform_3, window_bounds = array<i64: 1000, 128>}, {transform_indices = @transform_4, window_bounds = array<i64: 1000, 128>}, {pipeline_mode = #tpu.pipeline_mode<synchronous>, transform_indices = @transform_5, window_bounds = array<i64: 128, 32>}, {pipeline_mode = #tpu.pipeline_mode<synchronous>, transform_indices = @transform_6, window_bounds = array<i64: 1, 32>}, {transform_indices = @transform_7, window_bounds = array<i64: 1000, 128>}]} {
    %get3A = arith.constant 0 : index
    %get3A_0 = arith.constant 0 : index
    %get3A_1 = vector.load %arg1[%get3A, %get3A_0] : memref<1000x128xf32, #tpu.memory_space<vmem>>, vector<1000x128xf32>
    %get3A_2 = arith.constant 0 : index
    %get3A_3 = arith.constant 0 : index
    %get3A_4 = vector.load %arg6[%get3A_2, %get3A_3] : memref<128x32xf32, #tpu.memory_space<vmem>>, vector<128x32xf32>
    %dot_general3A = arith.constant dense<0.000000e+00> : vector<1000x32xf32>
    %dot_general3A_5 = tpu.matmul %get3A_1, %get3A_4, %dot_general3A {dimension_numbers = #tpu.dot_dimension_numbers<[1], [0], [0], [1], [0, 0, 1, 1], [], []>, transpose_lhs_hint = false} : vector<1000x128xf32>, vector<128x32xf32>, vector<1000x32xf32> -> vector<1000x32xf32>
    %get3A_6 = arith.constant 0 : index
    %get3A_7 = arith.constant 0 : index
    %get3A_8 = vector.load %arg2[%get3A_6, %get3A_7] : memref<1000x128xf32, #tpu.memory_space<vmem>>, vector<1000x128xf32>
    %slice3A = vector.extract_strided_slice %get3A_8 {offsets = [0, 0], sizes = [1000, 32], strides = [1, 1]} : vector<1000x128xf32> to vector<1000x32xf32>
    %add3A = arith.addf %dot_general3A_5, %slice3A : vector<1000x32xf32>
    %get3A_9 = arith.constant 0 : index
    %get3A_10 = arith.constant 0 : index
    %get3A_11 = vector.load %arg3[%get3A_9, %get3A_10] : memref<1000x128xf32, #tpu.memory_space<vmem>>, vector<1000x128xf32>
    %slice3A_12 = vector.extract_strided_slice %get3A_11 {offsets = [0, 0], sizes = [1000, 32], strides = [1, 1]} : vector<1000x128xf32> to vector<1000x32xf32>
    %add3A_13 = arith.addf %add3A, %slice3A_12 : vector<1000x32xf32>
    %get3A_14 = arith.constant 0 : index
    %get3A_15 = arith.constant 0 : index
    %get3A_16 = vector.load %arg4[%get3A_14, %get3A_15] : memref<1000x128xf32, #tpu.memory_space<vmem>>, vector<1000x128xf32>
    %slice3A_17 = vector.extract_strided_slice %get3A_16 {offsets = [0, 0], sizes = [1000, 32], strides = [1, 1]} : vector<1000x128xf32> to vector<1000x32xf32>
    %add3A_18 = arith.addf %add3A_13, %slice3A_17 : vector<1000x32xf32>
    %get3A_19 = arith.constant 0 : index
    %get3A_20 = arith.constant 0 : index
    %get3A_21 = vector.load %arg5[%get3A_19, %get3A_20] : memref<1000x128xf32, #tpu.memory_space<vmem>>, vector<1000x128xf32>
    %slice3A_22 = vector.extract_strided_slice %get3A_21 {offsets = [0, 0], sizes = [1000, 32], strides = [1, 1]} : vector<1000x128xf32> to vector<1000x32xf32>
    %add3A_23 = arith.addf %add3A_18, %slice3A_22 : vector<1000x32xf32>
    %get3A_24 = arith.constant 0 : index
    %get3A_25 = arith.constant 0 : index
    %get3A_26 = vector.load %arg7[%get3A_24, %get3A_25] : memref<1x32xf32, #tpu.memory_space<vmem>>, vector<1x32xf32>
    %add3A_27 = vector.broadcast %get3A_26 : vector<1x32xf32> to vector<1000x32xf32>
    %add3A_28 = arith.addf %add3A_23, %add3A_27 : vector<1000x32xf32>
    %max3A = arith.constant 0.000000e+00 : f32
    %max3A_29 = vector.broadcast %max3A : f32 to vector<1000x32xf32>
    %max3A_30 = arith.maximumf %add3A_28, %max3A_29 : vector<1000x32xf32>
    %broadcast_in_dim3A = arith.constant 0.000000e+00 : f32
    %broadcast_in_dim3A_31 = vector.broadcast %broadcast_in_dim3A : f32 to vector<1000x96xf32>
    %concatenate3A = tpu.concatenate %max3A_30, %broadcast_in_dim3A_31 in 1 : vector<1000x32xf32>, vector<1000x96xf32> -> vector<1000x128xf32>
    %swap3A = arith.constant 0 : index
    %swap3A_32 = arith.constant 0 : index
    %swap3A_33 = vector.load %arg8[%swap3A, %swap3A_32] : memref<1000x128xf32, #tpu.memory_space<vmem>>, vector<1000x128xf32>
    tpu.vector_store %arg8[%swap3A, %swap3A_32], %concatenate3A {strides = array<i32>} : memref<1000x128xf32, #tpu.memory_space<vmem>>, vector<1000x128xf32>,
    return
  }
  func.func @transform_0(%arg0: i32) -> (i32, i32) {
    %c0_i32 = arith.constant 0 : i32
    %c0_i32_0 = arith.constant 0 : i32
    return %arg0, %c0_i32 : i32, i32
  }
  func.func @transform_1(%arg0: i32) -> (i32, i32) {
    %c0_i32 = arith.constant 0 : i32
    %c0_i32_0 = arith.constant 0 : i32
    return %arg0, %c0_i32 : i32, i32
  }
  func.func @transform_2(%arg0: i32) -> (i32, i32) {
    %c0_i32 = arith.constant 0 : i32
    %c0_i32_0 = arith.constant 0 : i32
    return %arg0, %c0_i32 : i32, i32
  }
  func.func @transform_3(%arg0: i32) -> (i32, i32) {
    %c0_i32 = arith.constant 0 : i32
    %c0_i32_0 = arith.constant 0 : i32
    return %arg0, %c0_i32 : i32, i32
  }
  func.func @transform_4(%arg0: i32) -> (i32, i32) {
    %c0_i32 = arith.constant 0 : i32
    %c0_i32_0 = arith.constant 0 : i32
    return %arg0, %c0_i32 : i32, i32
  }
  func.func @transform_5(%arg0: i32) -> (i32, i32) {
    %c0_i32 = arith.constant 0 : i32
    %c0_i32_0 = arith.constant 0 : i32
    %c0_i32_1 = arith.constant 0 : i32
    return %c0_i32, %c0_i32_0 : i32, i32
  }
  func.func @transform_6(%arg0: i32) -> (i32, i32) {
    %c0_i32 = arith.constant 0 : i32
    %c0_i32_0 = arith.constant 0 : i32
    %c0_i32_1 = arith.constant 0 : i32
    return %c0_i32, %c0_i32_0 : i32, i32
  }
  func.func @transform_7(%arg0: i32) -> (i32, i32) {
    %c0_i32 = arith.constant 0 : i32
    %c0_i32_0 = arith.constant 0 : i32
    return %arg0, %c0_i32 : i32, i32
  }
}

module attributes {stable_mosaic.version = 14 : i64} {
  func.func @_msg_body(%arg0: i32, %arg1: memref<4x1280xf32, #tpu.memory_space<vmem>>, %arg2: memref<1280x128xf32, #tpu.memory_space<vmem>>, %arg3: memref<4x272xbf16, #tpu.memory_space<vmem>>, %arg4: memref<1x272xf32, #tpu.memory_space<vmem>>, %arg5: memref<32x272xbf16, #tpu.memory_space<vmem>>, %arg6: memref<272x16xbf16, #tpu.memory_space<vmem>>, %arg7: memref<1280x128xf32, #tpu.memory_space<vmem>>) attributes {dimension_semantics = [#tpu.dimension_semantics<arbitrary>], iteration_bounds = array<i64: 32>, scalar_prefetch = 0 : i64, scratch_operands = 0 : i64, tpu.core_type = #tpu.core_type<tc>, window_params = [{transform_indices = @transform_0, window_bounds = array<i64: 4, 1280>}, {transform_indices = @transform_1, window_bounds = array<i64: 1280, 128>}, {pipeline_mode = #tpu.pipeline_mode<synchronous>, transform_indices = @transform_2, window_bounds = array<i64: 4, 272>}, {pipeline_mode = #tpu.pipeline_mode<synchronous>, transform_indices = @transform_3, window_bounds = array<i64: 1, 272>}, {pipeline_mode = #tpu.pipeline_mode<synchronous>, transform_indices = @transform_4, window_bounds = array<i64: 32, 272>}, {pipeline_mode = #tpu.pipeline_mode<synchronous>, transform_indices = @transform_5, window_bounds = array<i64: 272, 16>}, {transform_indices = @transform_6, window_bounds = array<i64: 1280, 128>}]} {
    %get3A = arith.constant 0 : index
    %get3A_0 = arith.constant 0 : index
    %get3A_1 = vector.load %arg1[%get3A, %get3A_0] : memref<4x1280xf32, #tpu.memory_space<vmem>>, vector<4x1280xf32>
    %convert_element_type3A = arith.truncf %get3A_1 : vector<4x1280xf32> to vector<4x1280xbf16>
    %get3A_2 = arith.constant 0 : index
    %get3A_3 = arith.constant 0 : index
    %get3A_4 = vector.load %arg3[%get3A_2, %get3A_3] : memref<4x272xbf16, #tpu.memory_space<vmem>>, vector<4x272xbf16>
    %dot_general3A = arith.constant dense<0.000000e+00> : vector<1280x272xf32>
    %dot_general3A_5 = tpu.matmul %convert_element_type3A, %get3A_4, %dot_general3A {dimension_numbers = #tpu.dot_dimension_numbers<[0], [0], [1], [1], [0, 1, 1, 1], [], []>, transpose_lhs_hint = false} : vector<4x1280xbf16>, vector<4x272xbf16>, vector<1280x272xf32> -> vector<1280x272xf32>
    %get3A_6 = arith.constant 0 : index
    %get3A_7 = arith.constant 0 : index
    %get3A_8 = vector.load %arg4[%get3A_6, %get3A_7] : memref<1x272xf32, #tpu.memory_space<vmem>>, vector<1x272xf32>
    %add3A = vector.broadcast %get3A_8 : vector<1x272xf32> to vector<1280x272xf32>
    %add3A_9 = arith.addf %dot_general3A_5, %add3A : vector<1280x272xf32>
    %max3A = arith.constant 0.000000e+00 : f32
    %max3A_10 = vector.broadcast %max3A : f32 to vector<1280x272xf32>
    %max3A_11 = arith.maximumf %add3A_9, %max3A_10 : vector<1280x272xf32>
    %get3A_12 = arith.constant 0 : index
    %get3A_13 = arith.constant 0 : index
    %get3A_14 = vector.load %arg2[%get3A_12, %get3A_13] : memref<1280x128xf32, #tpu.memory_space<vmem>>, vector<1280x128xf32>
    %slice3A = vector.extract_strided_slice %get3A_14 {offsets = [0, 0], sizes = [1280, 32], strides = [1, 1]} : vector<1280x128xf32> to vector<1280x32xf32>
    %convert_element_type3A_15 = arith.truncf %slice3A : vector<1280x32xf32> to vector<1280x32xbf16>
    %get3A_16 = arith.constant 0 : index
    %get3A_17 = arith.constant 0 : index
    %get3A_18 = vector.load %arg5[%get3A_16, %get3A_17] : memref<32x272xbf16, #tpu.memory_space<vmem>>, vector<32x272xbf16>
    %dot_general3A_19 = arith.constant dense<0.000000e+00> : vector<1280x272xf32>
    %dot_general3A_20 = tpu.matmul %convert_element_type3A_15, %get3A_18, %dot_general3A_19 {dimension_numbers = #tpu.dot_dimension_numbers<[1], [0], [0], [1], [0, 0, 1, 1], [], []>, transpose_lhs_hint = false} : vector<1280x32xbf16>, vector<32x272xbf16>, vector<1280x272xf32> -> vector<1280x272xf32>
    %mul3A = arith.mulf %max3A_11, %dot_general3A_20 : vector<1280x272xf32>
    %convert_element_type3A_21 = arith.truncf %mul3A : vector<1280x272xf32> to vector<1280x272xbf16>
    %get3A_22 = arith.constant 0 : index
    %get3A_23 = arith.constant 0 : index
    %get3A_24 = vector.load %arg6[%get3A_22, %get3A_23] : memref<272x16xbf16, #tpu.memory_space<vmem>>, vector<272x16xbf16>
    %dot_general3A_25 = arith.constant dense<0.000000e+00> : vector<1280x16xf32>
    %dot_general3A_26 = tpu.matmul %convert_element_type3A_21, %get3A_24, %dot_general3A_25 {dimension_numbers = #tpu.dot_dimension_numbers<[1], [0], [0], [1], [0, 0, 1, 1], [], []>, transpose_lhs_hint = false} : vector<1280x272xbf16>, vector<272x16xbf16>, vector<1280x16xf32> -> vector<1280x16xf32>
    %broadcast_in_dim3A = arith.constant 0.000000e+00 : f32
    %broadcast_in_dim3A_27 = vector.broadcast %broadcast_in_dim3A : f32 to vector<1280x112xf32>
    %concatenate3A = tpu.concatenate %dot_general3A_26, %broadcast_in_dim3A_27 in 1 : vector<1280x16xf32>, vector<1280x112xf32> -> vector<1280x128xf32>
    %swap3A = arith.constant 0 : index
    %swap3A_28 = arith.constant 0 : index
    %swap3A_29 = vector.load %arg7[%swap3A, %swap3A_28] : memref<1280x128xf32, #tpu.memory_space<vmem>>, vector<1280x128xf32>
    tpu.vector_store %arg7[%swap3A, %swap3A_28], %concatenate3A {strides = array<i32>} : memref<1280x128xf32, #tpu.memory_space<vmem>>, vector<1280x128xf32>,
    return
  }
  func.func @transform_0(%arg0: i32) -> (i32, i32) {
    %c0_i32 = arith.constant 0 : i32
    %c0_i32_0 = arith.constant 0 : i32
    return %c0_i32, %arg0 : i32, i32
  }
  func.func @transform_1(%arg0: i32) -> (i32, i32) {
    %c0_i32 = arith.constant 0 : i32
    %c0_i32_0 = arith.constant 0 : i32
    return %arg0, %c0_i32 : i32, i32
  }
  func.func @transform_2(%arg0: i32) -> (i32, i32) {
    %c0_i32 = arith.constant 0 : i32
    %c0_i32_0 = arith.constant 0 : i32
    %c0_i32_1 = arith.constant 0 : i32
    return %c0_i32, %c0_i32_0 : i32, i32
  }
  func.func @transform_3(%arg0: i32) -> (i32, i32) {
    %c0_i32 = arith.constant 0 : i32
    %c0_i32_0 = arith.constant 0 : i32
    %c0_i32_1 = arith.constant 0 : i32
    return %c0_i32, %c0_i32_0 : i32, i32
  }
  func.func @transform_4(%arg0: i32) -> (i32, i32) {
    %c0_i32 = arith.constant 0 : i32
    %c0_i32_0 = arith.constant 0 : i32
    %c0_i32_1 = arith.constant 0 : i32
    return %c0_i32, %c0_i32_0 : i32, i32
  }
  func.func @transform_5(%arg0: i32) -> (i32, i32) {
    %c0_i32 = arith.constant 0 : i32
    %c0_i32_0 = arith.constant 0 : i32
    %c0_i32_1 = arith.constant 0 : i32
    return %c0_i32, %c0_i32_0 : i32, i32
  }
  func.func @transform_6(%arg0: i32) -> (i32, i32) {
    %c0_i32 = arith.constant 0 : i32
    %c0_i32_0 = arith.constant 0 : i32
    return %arg0, %c0_i32 : i32, i32
  }
}

module attributes {stable_mosaic.version = 14 : i64} {
  func.func @_msg_body(%arg0: i32, %arg1: memref<4x1280xf32, #tpu.memory_space<vmem>>, %arg2: memref<1280x128xf32, #tpu.memory_space<vmem>>, %arg3: memref<4x272xbf16, #tpu.memory_space<vmem>>, %arg4: memref<1x272xf32, #tpu.memory_space<vmem>>, %arg5: memref<32x272xbf16, #tpu.memory_space<vmem>>, %arg6: memref<272x16xbf16, #tpu.memory_space<vmem>>, %arg7: memref<1280x128xf32, #tpu.memory_space<vmem>>) attributes {dimension_semantics = [#tpu.dimension_semantics<arbitrary>], iteration_bounds = array<i64: 29>, scalar_prefetch = 0 : i64, scratch_operands = 0 : i64, tpu.core_type = #tpu.core_type<tc>, window_params = [{transform_indices = @transform_0, window_bounds = array<i64: 4, 1280>}, {transform_indices = @transform_1, window_bounds = array<i64: 1280, 128>}, {pipeline_mode = #tpu.pipeline_mode<synchronous>, transform_indices = @transform_2, window_bounds = array<i64: 4, 272>}, {pipeline_mode = #tpu.pipeline_mode<synchronous>, transform_indices = @transform_3, window_bounds = array<i64: 1, 272>}, {pipeline_mode = #tpu.pipeline_mode<synchronous>, transform_indices = @transform_4, window_bounds = array<i64: 32, 272>}, {pipeline_mode = #tpu.pipeline_mode<synchronous>, transform_indices = @transform_5, window_bounds = array<i64: 272, 16>}, {transform_indices = @transform_6, window_bounds = array<i64: 1280, 128>}]} {
    %get3A = arith.constant 0 : index
    %get3A_0 = arith.constant 0 : index
    %get3A_1 = vector.load %arg1[%get3A, %get3A_0] : memref<4x1280xf32, #tpu.memory_space<vmem>>, vector<4x1280xf32>
    %convert_element_type3A = arith.truncf %get3A_1 : vector<4x1280xf32> to vector<4x1280xbf16>
    %get3A_2 = arith.constant 0 : index
    %get3A_3 = arith.constant 0 : index
    %get3A_4 = vector.load %arg3[%get3A_2, %get3A_3] : memref<4x272xbf16, #tpu.memory_space<vmem>>, vector<4x272xbf16>
    %dot_general3A = arith.constant dense<0.000000e+00> : vector<1280x272xf32>
    %dot_general3A_5 = tpu.matmul %convert_element_type3A, %get3A_4, %dot_general3A {dimension_numbers = #tpu.dot_dimension_numbers<[0], [0], [1], [1], [0, 1, 1, 1], [], []>, transpose_lhs_hint = false} : vector<4x1280xbf16>, vector<4x272xbf16>, vector<1280x272xf32> -> vector<1280x272xf32>
    %get3A_6 = arith.constant 0 : index
    %get3A_7 = arith.constant 0 : index
    %get3A_8 = vector.load %arg4[%get3A_6, %get3A_7] : memref<1x272xf32, #tpu.memory_space<vmem>>, vector<1x272xf32>
    %add3A = vector.broadcast %get3A_8 : vector<1x272xf32> to vector<1280x272xf32>
    %add3A_9 = arith.addf %dot_general3A_5, %add3A : vector<1280x272xf32>
    %max3A = arith.constant 0.000000e+00 : f32
    %max3A_10 = vector.broadcast %max3A : f32 to vector<1280x272xf32>
    %max3A_11 = arith.maximumf %add3A_9, %max3A_10 : vector<1280x272xf32>
    %get3A_12 = arith.constant 0 : index
    %get3A_13 = arith.constant 0 : index
    %get3A_14 = vector.load %arg2[%get3A_12, %get3A_13] : memref<1280x128xf32, #tpu.memory_space<vmem>>, vector<1280x128xf32>
    %slice3A = vector.extract_strided_slice %get3A_14 {offsets = [0, 0], sizes = [1280, 32], strides = [1, 1]} : vector<1280x128xf32> to vector<1280x32xf32>
    %convert_element_type3A_15 = arith.truncf %slice3A : vector<1280x32xf32> to vector<1280x32xbf16>
    %get3A_16 = arith.constant 0 : index
    %get3A_17 = arith.constant 0 : index
    %get3A_18 = vector.load %arg5[%get3A_16, %get3A_17] : memref<32x272xbf16, #tpu.memory_space<vmem>>, vector<32x272xbf16>
    %dot_general3A_19 = arith.constant dense<0.000000e+00> : vector<1280x272xf32>
    %dot_general3A_20 = tpu.matmul %convert_element_type3A_15, %get3A_18, %dot_general3A_19 {dimension_numbers = #tpu.dot_dimension_numbers<[1], [0], [0], [1], [0, 0, 1, 1], [], []>, transpose_lhs_hint = false} : vector<1280x32xbf16>, vector<32x272xbf16>, vector<1280x272xf32> -> vector<1280x272xf32>
    %mul3A = arith.mulf %max3A_11, %dot_general3A_20 : vector<1280x272xf32>
    %convert_element_type3A_21 = arith.truncf %mul3A : vector<1280x272xf32> to vector<1280x272xbf16>
    %get3A_22 = arith.constant 0 : index
    %get3A_23 = arith.constant 0 : index
    %get3A_24 = vector.load %arg6[%get3A_22, %get3A_23] : memref<272x16xbf16, #tpu.memory_space<vmem>>, vector<272x16xbf16>
    %dot_general3A_25 = arith.constant dense<0.000000e+00> : vector<1280x16xf32>
    %dot_general3A_26 = tpu.matmul %convert_element_type3A_21, %get3A_24, %dot_general3A_25 {dimension_numbers = #tpu.dot_dimension_numbers<[1], [0], [0], [1], [0, 0, 1, 1], [], []>, transpose_lhs_hint = false} : vector<1280x272xbf16>, vector<272x16xbf16>, vector<1280x16xf32> -> vector<1280x16xf32>
    %broadcast_in_dim3A = arith.constant 0.000000e+00 : f32
    %broadcast_in_dim3A_27 = vector.broadcast %broadcast_in_dim3A : f32 to vector<1280x112xf32>
    %concatenate3A = tpu.concatenate %dot_general3A_26, %broadcast_in_dim3A_27 in 1 : vector<1280x16xf32>, vector<1280x112xf32> -> vector<1280x128xf32>
    %swap3A = arith.constant 0 : index
    %swap3A_28 = arith.constant 0 : index
    %swap3A_29 = vector.load %arg7[%swap3A, %swap3A_28] : memref<1280x128xf32, #tpu.memory_space<vmem>>, vector<1280x128xf32>
    tpu.vector_store %arg7[%swap3A, %swap3A_28], %concatenate3A {strides = array<i32>} : memref<1280x128xf32, #tpu.memory_space<vmem>>, vector<1280x128xf32>,
    return
  }
  func.func @transform_0(%arg0: i32) -> (i32, i32) {
    %c0_i32 = arith.constant 0 : i32
    %c0_i32_0 = arith.constant 0 : i32
    return %c0_i32, %arg0 : i32, i32
  }
  func.func @transform_1(%arg0: i32) -> (i32, i32) {
    %c0_i32 = arith.constant 0 : i32
    %c0_i32_0 = arith.constant 0 : i32
    return %arg0, %c0_i32 : i32, i32
  }
  func.func @transform_2(%arg0: i32) -> (i32, i32) {
    %c0_i32 = arith.constant 0 : i32
    %c0_i32_0 = arith.constant 0 : i32
    %c0_i32_1 = arith.constant 0 : i32
    return %c0_i32, %c0_i32_0 : i32, i32
  }
  func.func @transform_3(%arg0: i32) -> (i32, i32) {
    %c0_i32 = arith.constant 0 : i32
    %c0_i32_0 = arith.constant 0 : i32
    %c0_i32_1 = arith.constant 0 : i32
    return %c0_i32, %c0_i32_0 : i32, i32
  }
  func.func @transform_4(%arg0: i32) -> (i32, i32) {
    %c0_i32 = arith.constant 0 : i32
    %c0_i32_0 = arith.constant 0 : i32
    %c0_i32_1 = arith.constant 0 : i32
    return %c0_i32, %c0_i32_0 : i32, i32
  }
  func.func @transform_5(%arg0: i32) -> (i32, i32) {
    %c0_i32 = arith.constant 0 : i32
    %c0_i32_0 = arith.constant 0 : i32
    %c0_i32_1 = arith.constant 0 : i32
    return %c0_i32, %c0_i32_0 : i32, i32
  }
  func.func @transform_6(%arg0: i32) -> (i32, i32) {
    %c0_i32 = arith.constant 0 : i32
    %c0_i32_0 = arith.constant 0 : i32
    return %arg0, %c0_i32 : i32, i32
  }
}

module attributes {stable_mosaic.version = 14 : i64} {
  func.func @_final_body(%arg0: i32, %arg1: memref<1000x128xf32, #tpu.memory_space<vmem>>, %arg2: memref<1000x128xf32, #tpu.memory_space<vmem>>, %arg3: memref<1000x128xf32, #tpu.memory_space<vmem>>, %arg4: memref<1000x128xf32, #tpu.memory_space<vmem>>, %arg5: memref<1000x128xf32, #tpu.memory_space<vmem>>, %arg6: memref<1000x1xi32, #tpu.memory_space<vmem>>, %arg7: memref<32x16xf32, #tpu.memory_space<vmem>>, %arg8: memref<1x16xf32, #tpu.memory_space<vmem>>, %arg9: memref<16x8xf32, #tpu.memory_space<vmem>>, %arg10: memref<1x8xf32, #tpu.memory_space<vmem>>, %arg11: memref<8x1xf32, #tpu.memory_space<vmem>>, %arg12: memref<1x1xf32, #tpu.memory_space<vmem>>, %arg13: memref<64x1xf32, #tpu.memory_space<vmem>>, %arg14: memref<64x16xf32, #tpu.memory_space<vmem>>, %arg15: memref<64x1xf32, #tpu.memory_space<vmem>>) attributes {dimension_semantics = [#tpu.dimension_semantics<arbitrary>], iteration_bounds = array<i64: 10>, scalar_prefetch = 0 : i64, scratch_operands = 2 : i64, tpu.core_type = #tpu.core_type<tc>, window_params = [{transform_indices = @transform_0, window_bounds = array<i64: 1000, 128>}, {transform_indices = @transform_1, window_bounds = array<i64: 1000, 128>}, {transform_indices = @transform_2, window_bounds = array<i64: 1000, 128>}, {transform_indices = @transform_3, window_bounds = array<i64: 1000, 128>}, {transform_indices = @transform_4, window_bounds = array<i64: 1000, 128>}, {transform_indices = @transform_5, window_bounds = array<i64: 1000, 1>}, {pipeline_mode = #tpu.pipeline_mode<synchronous>, transform_indices = @transform_6, window_bounds = array<i64: 32, 16>}, {pipeline_mode = #tpu.pipeline_mode<synchronous>, transform_indices = @transform_7, window_bounds = array<i64: 1, 16>}, {pipeline_mode = #tpu.pipeline_mode<synchronous>, transform_indices = @transform_8, window_bounds = array<i64: 16, 8>}, {pipeline_mode = #tpu.pipeline_mode<synchronous>, transform_indices = @transform_9, window_bounds = array<i64: 1, 8>}, {pipeline_mode = #tpu.pipeline_mode<synchronous>, transform_indices = @transform_10, window_bounds = array<i64: 8, 1>}, {pipeline_mode = #tpu.pipeline_mode<synchronous>, transform_indices = @transform_11, window_bounds = array<i64: 1, 1>}, {pipeline_mode = #tpu.pipeline_mode<synchronous>, transform_indices = @transform_12, window_bounds = array<i64: 64, 1>}]} {
    %eq3A = arith.constant 0 : i32
    %eq3A_0 = arith.cmpi eq, %arg0, %eq3A : i32
    %convert_element_type3A = arith.extui %eq3A_0 : i1 to i32
    %cond3A = arith.constant 0 : i32
    %cond3A_1 = arith.cmpi ne, %convert_element_type3A, %cond3A : i32
    scf.if %cond3A_1 {
      %broadcast_in_dim3A_64 = arith.constant 0.000000e+00 : f32
      %broadcast_in_dim3A_65 = vector.broadcast %broadcast_in_dim3A_64 : f32 to vector<64x16xf32>
      %swap3A_66 = arith.constant 0 : index
      %swap3A_67 = arith.constant 0 : index
      %swap3A_68 = vector.load %arg14[%swap3A_66, %swap3A_67] : memref<64x16xf32, #tpu.memory_space<vmem>>, vector<64x16xf32>
      tpu.vector_store %arg14[%swap3A_66, %swap3A_67], %broadcast_in_dim3A_65 {strides = array<i32>} : memref<64x16xf32, #tpu.memory_space<vmem>>, vector<64x16xf32>,
      %broadcast_in_dim3A_69 = arith.constant 0.000000e+00 : f32
      %broadcast_in_dim3A_70 = vector.broadcast %broadcast_in_dim3A_69 : f32 to vector<64x1xf32>
      %swap3A_71 = arith.constant 0 : index
      %swap3A_72 = arith.constant 0 : index
      %swap3A_73 = vector.load %arg15[%swap3A_71, %swap3A_72] : memref<64x1xf32, #tpu.memory_space<vmem>>, vector<64x1xf32>
      tpu.vector_store %arg15[%swap3A_71, %swap3A_72], %broadcast_in_dim3A_70 {strides = array<i32>} : memref<64x1xf32, #tpu.memory_space<vmem>>, vector<64x1xf32>,
    } else {
    }
    %get3A = arith.constant 0 : index
    %get3A_2 = arith.constant 0 : index
    %get3A_3 = vector.load %arg1[%get3A, %get3A_2] : memref<1000x128xf32, #tpu.memory_space<vmem>>, vector<1000x128xf32>
    %slice3A = vector.extract_strided_slice %get3A_3 {offsets = [0, 0], sizes = [1000, 32], strides = [1, 1]} : vector<1000x128xf32> to vector<1000x32xf32>
    %get3A_4 = arith.constant 0 : index
    %get3A_5 = arith.constant 0 : index
    %get3A_6 = vector.load %arg7[%get3A_4, %get3A_5] : memref<32x16xf32, #tpu.memory_space<vmem>>, vector<32x16xf32>
    %dot_general3A = arith.constant dense<0.000000e+00> : vector<1000x16xf32>
    %dot_general3A_7 = tpu.matmul %slice3A, %get3A_6, %dot_general3A {dimension_numbers = #tpu.dot_dimension_numbers<[1], [0], [0], [1], [0, 0, 1, 1], [], []>, transpose_lhs_hint = false} : vector<1000x32xf32>, vector<32x16xf32>, vector<1000x16xf32> -> vector<1000x16xf32>
    %get3A_8 = arith.constant 0 : index
    %get3A_9 = arith.constant 0 : index
    %get3A_10 = vector.load %arg2[%get3A_8, %get3A_9] : memref<1000x128xf32, #tpu.memory_space<vmem>>, vector<1000x128xf32>
    %slice3A_11 = vector.extract_strided_slice %get3A_10 {offsets = [0, 0], sizes = [1000, 16], strides = [1, 1]} : vector<1000x128xf32> to vector<1000x16xf32>
    %add3A = arith.addf %dot_general3A_7, %slice3A_11 : vector<1000x16xf32>
    %get3A_12 = arith.constant 0 : index
    %get3A_13 = arith.constant 0 : index
    %get3A_14 = vector.load %arg3[%get3A_12, %get3A_13] : memref<1000x128xf32, #tpu.memory_space<vmem>>, vector<1000x128xf32>
    %slice3A_15 = vector.extract_strided_slice %get3A_14 {offsets = [0, 0], sizes = [1000, 16], strides = [1, 1]} : vector<1000x128xf32> to vector<1000x16xf32>
    %add3A_16 = arith.addf %add3A, %slice3A_15 : vector<1000x16xf32>
    %get3A_17 = arith.constant 0 : index
    %get3A_18 = arith.constant 0 : index
    %get3A_19 = vector.load %arg4[%get3A_17, %get3A_18] : memref<1000x128xf32, #tpu.memory_space<vmem>>, vector<1000x128xf32>
    %slice3A_20 = vector.extract_strided_slice %get3A_19 {offsets = [0, 0], sizes = [1000, 16], strides = [1, 1]} : vector<1000x128xf32> to vector<1000x16xf32>
    %add3A_21 = arith.addf %add3A_16, %slice3A_20 : vector<1000x16xf32>
    %get3A_22 = arith.constant 0 : index
    %get3A_23 = arith.constant 0 : index
    %get3A_24 = vector.load %arg5[%get3A_22, %get3A_23] : memref<1000x128xf32, #tpu.memory_space<vmem>>, vector<1000x128xf32>
    %slice3A_25 = vector.extract_strided_slice %get3A_24 {offsets = [0, 0], sizes = [1000, 16], strides = [1, 1]} : vector<1000x128xf32> to vector<1000x16xf32>
    %add3A_26 = arith.addf %add3A_21, %slice3A_25 : vector<1000x16xf32>
    %get3A_27 = arith.constant 0 : index
    %get3A_28 = arith.constant 0 : index
    %get3A_29 = vector.load %arg8[%get3A_27, %get3A_28] : memref<1x16xf32, #tpu.memory_space<vmem>>, vector<1x16xf32>
    %add3A_30 = vector.broadcast %get3A_29 : vector<1x16xf32> to vector<1000x16xf32>
    %add3A_31 = arith.addf %add3A_26, %add3A_30 : vector<1000x16xf32>
    %max3A = arith.constant 0.000000e+00 : f32
    %max3A_32 = vector.broadcast %max3A : f32 to vector<1000x16xf32>
    %max3A_33 = arith.maximumf %add3A_31, %max3A_32 : vector<1000x16xf32>
    %iota3A = tpu.iota {dimensions = array<i32: 1>} : vector<1000x64xi32>
    %get3A_34 = arith.constant 0 : index
    %get3A_35 = arith.constant 0 : index
    %get3A_36 = vector.load %arg6[%get3A_34, %get3A_35] : memref<1000x1xi32, #tpu.memory_space<vmem>>, vector<1000x1xi32>
    %eq3A_37 = vector.broadcast %get3A_36 : vector<1000x1xi32> to vector<1000x64xi32>
    %eq3A_38 = arith.cmpi eq, %iota3A, %eq3A_37 : vector<1000x64xi32>
    %convert_element_type3A_39 = arith.extui %eq3A_38 : vector<1000x64xi1> to vector<1000x64xi32>
    %convert_element_type3A_40 = arith.sitofp %convert_element_type3A_39 : vector<1000x64xi32> to vector<1000x64xf32>
    %get3A_41 = arith.constant 0 : index
    %get3A_42 = arith.constant 0 : index
    %get3A_43 = vector.load %arg14[%get3A_41, %get3A_42] : memref<64x16xf32, #tpu.memory_space<vmem>>, vector<64x16xf32>
    %dot_general3A_44 = arith.constant dense<0.000000e+00> : vector<64x16xf32>
    %dot_general3A_45 = tpu.matmul %convert_element_type3A_40, %max3A_33, %dot_general3A_44 {dimension_numbers = #tpu.dot_dimension_numbers<[0], [0], [1], [1], [0, 1, 1, 1], [], []>, transpose_lhs_hint = false} : vector<1000x64xf32>, vector<1000x16xf32>, vector<64x16xf32> -> vector<64x16xf32>
    %add3A_46 = arith.addf %get3A_43, %dot_general3A_45 : vector<64x16xf32>
    %swap3A = arith.constant 0 : index
    %swap3A_47 = arith.constant 0 : index
    %swap3A_48 = vector.load %arg14[%swap3A, %swap3A_47] : memref<64x16xf32, #tpu.memory_space<vmem>>, vector<64x16xf32>
    tpu.vector_store %arg14[%swap3A, %swap3A_47], %add3A_46 {strides = array<i32>} : memref<64x16xf32, #tpu.memory_space<vmem>>, vector<64x16xf32>,
    %get3A_49 = arith.constant 0 : index
    %get3A_50 = arith.constant 0 : index
    %get3A_51 = vector.load %arg15[%get3A_49, %get3A_50] : memref<64x1xf32, #tpu.memory_space<vmem>>, vector<64x1xf32>
    %broadcast_in_dim3A = arith.constant 1.000000e+00 : f32
    %broadcast_in_dim3A_52 = vector.broadcast %broadcast_in_dim3A : f32 to vector<1000x1xf32>
    %dot_general3A_53 = arith.constant dense<0.000000e+00> : vector<64x1xf32>
    %dot_general3A_54 = tpu.matmul %convert_element_type3A_40, %broadcast_in_dim3A_52, %dot_general3A_53 {dimension_numbers = #tpu.dot_dimension_numbers<[0], [0], [1], [1], [0, 1, 1, 1], [], []>, transpose_lhs_hint = false} : vector<1000x64xf32>, vector<1000x1xf32>, vector<64x1xf32> -> vector<64x1xf32>
    %add3A_55 = arith.addf %get3A_51, %dot_general3A_54 : vector<64x1xf32>
    %swap3A_56 = arith.constant 0 : index
    %swap3A_57 = arith.constant 0 : index
    %swap3A_58 = vector.load %arg15[%swap3A_56, %swap3A_57] : memref<64x1xf32, #tpu.memory_space<vmem>>, vector<64x1xf32>
    tpu.vector_store %arg15[%swap3A_56, %swap3A_57], %add3A_55 {strides = array<i32>} : memref<64x1xf32, #tpu.memory_space<vmem>>, vector<64x1xf32>,
    %eq3A_59 = arith.constant 9 : i32
    %eq3A_60 = arith.cmpi eq, %arg0, %eq3A_59 : i32
    %convert_element_type3A_61 = arith.extui %eq3A_60 : i1 to i32
    %cond3A_62 = arith.constant 0 : i32
    %cond3A_63 = arith.cmpi ne, %convert_element_type3A_61, %cond3A_62 : i32
    scf.if %cond3A_63 {
      %get3A_64 = arith.constant 0 : index
      %get3A_65 = arith.constant 0 : index
      %get3A_66 = vector.load %arg14[%get3A_64, %get3A_65] : memref<64x16xf32, #tpu.memory_space<vmem>>, vector<64x16xf32>
      %get3A_67 = arith.constant 0 : index
      %get3A_68 = arith.constant 0 : index
      %get3A_69 = vector.load %arg15[%get3A_67, %get3A_68] : memref<64x1xf32, #tpu.memory_space<vmem>>, vector<64x1xf32>
      %max3A_70 = arith.constant 1.000000e+00 : f32
      %max3A_71 = vector.broadcast %max3A_70 : f32 to vector<64x1xf32>
      %max3A_72 = arith.maximumf %get3A_69, %max3A_71 : vector<64x1xf32>
      %div3A = vector.broadcast %max3A_72 : vector<64x1xf32> to vector<64x16xf32>
      %div3A_73 = arith.divf %get3A_66, %div3A : vector<64x16xf32>
      %get3A_74 = arith.constant 0 : index
      %get3A_75 = arith.constant 0 : index
      %get3A_76 = vector.load %arg9[%get3A_74, %get3A_75] : memref<16x8xf32, #tpu.memory_space<vmem>>, vector<16x8xf32>
      %dot_general3A_77 = arith.constant dense<0.000000e+00> : vector<64x8xf32>
      %dot_general3A_78 = tpu.matmul %div3A_73, %get3A_76, %dot_general3A_77 {dimension_numbers = #tpu.dot_dimension_numbers<[1], [0], [0], [1], [0, 0, 1, 1], [], []>, transpose_lhs_hint = false} : vector<64x16xf32>, vector<16x8xf32>, vector<64x8xf32> -> vector<64x8xf32>
      %get3A_79 = arith.constant 0 : index
      %get3A_80 = arith.constant 0 : index
      %get3A_81 = vector.load %arg10[%get3A_79, %get3A_80] : memref<1x8xf32, #tpu.memory_space<vmem>>, vector<1x8xf32>
      %add3A_82 = vector.broadcast %get3A_81 : vector<1x8xf32> to vector<64x8xf32>
      %add3A_83 = arith.addf %dot_general3A_78, %add3A_82 : vector<64x8xf32>
      %get3A_84 = arith.constant 0 : index
      %get3A_85 = arith.constant 0 : index
      %get3A_86 = vector.load %arg11[%get3A_84, %get3A_85] : memref<8x1xf32, #tpu.memory_space<vmem>>, vector<8x1xf32>
      %dot_general3A_87 = arith.constant dense<0.000000e+00> : vector<64x1xf32>
      %dot_general3A_88 = tpu.matmul %add3A_83, %get3A_86, %dot_general3A_87 {dimension_numbers = #tpu.dot_dimension_numbers<[1], [0], [0], [1], [0, 0, 1, 1], [], []>, transpose_lhs_hint = false} : vector<64x8xf32>, vector<8x1xf32>, vector<64x1xf32> -> vector<64x1xf32>
      %get3A_89 = arith.constant 0 : index
      %get3A_90 = arith.constant 0 : index
      %get3A_91 = vector.load %arg12[%get3A_89, %get3A_90] : memref<1x1xf32, #tpu.memory_space<vmem>>, vector<1x1xf32>
      %add3A_92 = vector.broadcast %get3A_91 : vector<1x1xf32> to vector<64x1xf32>
      %add3A_93 = arith.addf %dot_general3A_88, %add3A_92 : vector<64x1xf32>
      %swap3A_94 = arith.constant 0 : index
      %swap3A_95 = arith.constant 0 : index
      %swap3A_96 = vector.load %arg13[%swap3A_94, %swap3A_95] : memref<64x1xf32, #tpu.memory_space<vmem>>, vector<64x1xf32>
      tpu.vector_store %arg13[%swap3A_94, %swap3A_95], %add3A_93 {strides = array<i32>} : memref<64x1xf32, #tpu.memory_space<vmem>>, vector<64x1xf32>,
    } else {
    }
    return
  }
  func.func @transform_0(%arg0: i32) -> (i32, i32) {
    %c0_i32 = arith.constant 0 : i32
    %c0_i32_0 = arith.constant 0 : i32
    return %arg0, %c0_i32 : i32, i32
  }
  func.func @transform_1(%arg0: i32) -> (i32, i32) {
    %c0_i32 = arith.constant 0 : i32
    %c0_i32_0 = arith.constant 0 : i32
    return %arg0, %c0_i32 : i32, i32
  }
  func.func @transform_2(%arg0: i32) -> (i32, i32) {
    %c0_i32 = arith.constant 0 : i32
    %c0_i32_0 = arith.constant 0 : i32
    return %arg0, %c0_i32 : i32, i32
  }
  func.func @transform_3(%arg0: i32) -> (i32, i32) {
    %c0_i32 = arith.constant 0 : i32
    %c0_i32_0 = arith.constant 0 : i32
    return %arg0, %c0_i32 : i32, i32
  }
  func.func @transform_4(%arg0: i32) -> (i32, i32) {
    %c0_i32 = arith.constant 0 : i32
    %c0_i32_0 = arith.constant 0 : i32
    return %arg0, %c0_i32 : i32, i32
  }
  func.func @transform_5(%arg0: i32) -> (i32, i32) {
    %c0_i32 = arith.constant 0 : i32
    %c0_i32_0 = arith.constant 0 : i32
    return %arg0, %c0_i32 : i32, i32
  }
  func.func @transform_6(%arg0: i32) -> (i32, i32) {
    %c0_i32 = arith.constant 0 : i32
    %c0_i32_0 = arith.constant 0 : i32
    %c0_i32_1 = arith.constant 0 : i32
    return %c0_i32, %c0_i32_0 : i32, i32
  }
  func.func @transform_7(%arg0: i32) -> (i32, i32) {
    %c0_i32 = arith.constant 0 : i32
    %c0_i32_0 = arith.constant 0 : i32
    %c0_i32_1 = arith.constant 0 : i32
    return %c0_i32, %c0_i32_0 : i32, i32
  }
  func.func @transform_8(%arg0: i32) -> (i32, i32) {
    %c0_i32 = arith.constant 0 : i32
    %c0_i32_0 = arith.constant 0 : i32
    %c0_i32_1 = arith.constant 0 : i32
    return %c0_i32, %c0_i32_0 : i32, i32
  }
  func.func @transform_9(%arg0: i32) -> (i32, i32) {
    %c0_i32 = arith.constant 0 : i32
    %c0_i32_0 = arith.constant 0 : i32
    %c0_i32_1 = arith.constant 0 : i32
    return %c0_i32, %c0_i32_0 : i32, i32
  }
  func.func @transform_10(%arg0: i32) -> (i32, i32) {
    %c0_i32 = arith.constant 0 : i32
    %c0_i32_0 = arith.constant 0 : i32
    %c0_i32_1 = arith.constant 0 : i32
    return %c0_i32, %c0_i32_0 : i32, i32
  }
  func.func @transform_11(%arg0: i32) -> (i32, i32) {
    %c0_i32 = arith.constant 0 : i32
    %c0_i32_0 = arith.constant 0 : i32
    %c0_i32_1 = arith.constant 0 : i32
    return %c0_i32, %c0_i32_0 : i32, i32
  }
  func.func @transform_12(%arg0: i32) -> (i32, i32) {
    %c0_i32 = arith.constant 0 : i32
    %c0_i32_0 = arith.constant 0 : i32
    %c0_i32_1 = arith.constant 0 : i32
    return %c0_i32, %c0_i32_0 : i32, i32
  }
}

</mosaic_0001>

<sc_bundles>
// kernel: kernel.24.cloned.1.call-start
scs
__scs_entry_jumppad:
0x0: {  	(pc) =	sbr.rel $0x88, $3  }
0x1: {  	(tag) =	ssettag $0x0;
	lr =	simm.s32 $0x1  }
0x2: {  	[smem:$0x3F8D] =	sst lr;
	_ =	strace $0xD0000000  }
0x3: {  	_ = 	snop  }
0x4: {  	_ = 	snop  }
0x5: {  	_ = 	snop  }
0x6: {  	_ = 	snop  }
0x7: {  	_ = 	snop  }
__scs_overlays_trampoline_lowered:
0x8: {  	[smem:$0x3F9C] =	sst s0  }
0x9: {  	[smem:$0x3F9D] =	sst s1  }
0xa: {  	[smem:$0x3F9E] =	sst s2  }
0xb: {  	[smem:$0x3F9F] =	sst s3  }
0xc: {  	[smem:$0x3FA0] =	sst s4  }
0xd: {  	[smem:$0x3FA1] =	sst s5  }
0xe: {  	[smem:$0x3FA2] =	sst s6  }
0xf: {  	[smem:$0x3FA3] =	sst s7  }
0x10: {  	[smem:$0x3FA4] =	sst s8  }
0x11: {  	[smem:$0x3FA5] =	sst s9;
	s0 =	simm.s32 @!p0 $0x0  }
0x12: {  	s1 =	sld [smem:$0x3F8B];
	s0 =	simm.s32 @p0 $0x1  }
0x13: {  	[smem:$0x3FA6] =	sst s0;
	s0 =	simm.s32 @!p1 $0x0  }
0x14: {  	s2 =	sld [smem:$0x3F8A];
	s0 =	simm.s32 @p1 $0x1  }
0x15: {  	[smem:$0x3FA7] =	sst s0;
	s0 =	simm.s32 @!p2 $0x0  }
0x16: {  	s3 =	sld [smem:$0x3FDB];
	s0 =	simm.s32 @p2 $0x1  }
0x17: {  	s4 =	simm.s32 $0x1BF5;
	[smem:$0x3FA9] =	sst s0  }
0x18: {  	s0 =	sld [smem:$0x3F8C];
	_ =	swait.ge [sflag:s4], $0x0  }
0x19: {  	s7 =	sld [smem:$0x3F8D]  }
0x1a: {  	s8 =	sadd.s32 $0xFFFFE003, lr  }
0x1b: {  	s9 =	sadd.s32 $0xFFFFFEF7, lr;
	s5 =	simm.s32 $0xFFFFFFFF;
	p2 =	slt.u32 s8, $0xFFFFF086  }
0x1c: {  	p1 =	slt.u32 s9, $0xF7A;
	s5 =	simm.s32 @!p2 $0x0  }
0x1d: {  	s5 =	simm.s32 @p1 $0x1;
	p0 =	seq.s32 s7, s2  }
0x1e: {  	s7 =	smul.u32 @!p0 $0xF7A, s2;
	p2 =	seq.s32 @!p0 s5, $0x0  }
0x1f: {  	s9 =	smul.u32 $0xF7A, s1;
	s8 =	simm.s32 @!p0 $0x1BF5;
	p2 =	por !p2, p0  }
0x20: {  	[sflag:s8] =	ssyncset.s32 @!p0 $0xFFFFF086;
	s6 =	sadd.s32 @!p0 s3, s7;
	s7 =	simm.s32 @!p0 $0x108  }
0x21: {  	s3 =	sadd.s32 s3, s9;
	s6 =	sadd.s32 @!p0 $0x88, s6;
	s7 =	simm.s32 @p2 $0x1082  }
0x22: {  	[simem:s7], [sflag:s8] =	dma.local @!p0 [hbm:s6], $0xF7A  }
0x23: {  	s9 =	sor.u32 $0xD0000000, s2;
	s6 =	simm.s32 $0x108;
	_ =	swait.ge @!p0 [sflag:s8], $0x0  }
0x24: {  	s3 =	sadd.s32 $0x88, s3;
	s6 =	simm.s32 @!p1 $0x1082;
	[sflag:s4] =	ssyncset.s32 $0xFFFFF086  }
0x25: {  	[simem:s6], [sflag:s4] =	dma.local [hbm:s3], $0xF7A  }
0x26: {  	[smem:$0x3F8D] =	sst s1;
	(tag) =	ssettag s2;
	_ =	strace s9  }
0x27: {  	s1 =	sld [smem:$0x3F9D]  }
0x28: {  	s2 =	sld [smem:$0x3F9E]  }
0x29: {  	s4 =	sld [smem:$0x3FA0]  }
0x2a: {  	p0 =	seq.s32 s5, $0x0;
	s5 =	sld [smem:$0x3FA1]  }
0x2b: {  	s6 =	sld [smem:$0x3FA2]  }
0x2c: {  	s7 =	sld [smem:$0x3FA3]  }
0x2d: {  	s3 =	simm.s32 $0x108;
	s8 =	sld [smem:$0x3FA4]  }
0x2e: {  	s3 =	simm.s32 @!p0 $0x1082;
	s9 =	sld [smem:$0x3FA5]  }
0x2f: {  	lr =	sadd.s32 s0, s3;
	s0 =	sld [smem:$0x3F9C]  }
0x30: {  	s3 =	sld [smem:$0x3F9F]  }
0x31: {  	[smem:$0x3FA8] =	sst s10  }
0x32: {  	s10 =	sld [smem:$0x3FA6];
	_ =	sdelay $0x3  }
0x33: {  	p0 =	seq.s32 s10, $0x1;
	s10 =	sld [smem:$0x3FA8];
	_ =	sdelay $0x3  }
0x34: {  	[smem:$0x3FA8] =	sst s10  }
0x35: {  	s10 =	sld [smem:$0x3FA7];
	_ =	sdelay $0x3  }
0x36: {  	p1 =	seq.s32 s10, $0x1;
	s10 =	sld [smem:$0x3FA8];
	_ =	sdelay $0x3  }
0x37: {  	[smem:$0x3FA8] =	sst s10  }
0x38: {  	s10 =	sld [smem:$0x3FA9]  }
0x39: {  	_ = 	snop;
	(pc) =	sbr.ind lr, $3  }
0x3a: {  	_ = 	snop  }
0x3b: {  	_ = 	snop  }
0x3c: {  	p2 =	seq.s32 s10, $0x1;
	s10 =	sld [smem:$0x3FA8]  }
0x3d: {  	_ =	shalt  }
0x3e: {  	_ =	shalt  }
0x3f: {  	_ =	shalt  }
0x40: {  	_ =	shalt  }
0x41: {  	_ =	shalt  }
0x42: {  	_ =	shalt  }
0x43: {  	_ =	shalt  }
0x44: {  	_ =	shalt  }
0x45: {  	_ =	shalt  }
0x46: {  	_ =	shalt  }
0x47: {  	_ =	shalt  }
0x48: {  	_ =	shalt  }
0x49: {  	_ =	shalt  }
0x4a: {  	_ =	shalt  }
0x4b: {  	_ =	shalt  }
0x4c: {  	_ =	shalt  }
0x4d: {  	_ =	shalt  }
0x4e: {  	_ =	shalt  }
0x4f: {  	_ =	shalt  }
0x50: {  	_ =	shalt  }
0x51: {  	_ =	shalt  }
0x52: {  	_ =	shalt  }
0x53: {  	_ =	shalt  }
0x54: {  	_ =	shalt  }
0x55: {  	_ =	shalt  }
0x56: {  	_ =	shalt  }
0x57: {  	_ =	shalt  }
0x58: {  	_ =	shalt  }
0x59: {  	_ =	shalt  }
0x5a: {  	_ =	shalt  }
0x5b: {  	_ =	shalt  }
0x5c: {  	_ =	shalt  }
0x5d: {  	_ =	shalt  }
0x5e: {  	_ =	shalt  }
0x5f: {  	_ =	shalt  }
0x60: {  	_ =	shalt  }
0x61: {  	_ =	shalt  }
0x62: {  	_ =	shalt  }
0x63: {  	_ =	shalt  }
0x64: {  	_ =	shalt  }
0x65: {  	_ =	shalt  }
0x66: {  	_ =	shalt  }
0x67: {  	_ =	shalt  }
0x68: {  	_ =	shalt  }
0x69: {  	_ =	shalt  }
0x6a: {  	_ =	shalt  }
0x6b: {  	_ =	shalt  }
0x6c: {  	_ =	shalt  }
0x6d: {  	_ =	shalt  }
0x6e: {  	_ =	shalt  }
0x6f: {  	_ =	shalt  }
0x70: {  	_ =	shalt  }
0x71: {  	_ =	shalt  }
0x72: {  	_ =	shalt  }
0x73: {  	_ =	shalt  }
0x74: {  	_ =	shalt  }
0x75: {  	_ =	shalt  }
0x76: {  	_ =	shalt  }
0x77: {  	_ =	shalt  }
0x78: {  	_ =	shalt  }
0x79: {  	_ =	shalt  }
0x7a: {  	_ =	shalt  }
0x7b: {  	_ =	shalt  }
0x7c: {  	_ =	shalt  }
0x7d: {  	_ =	shalt  }
0x7e: {  	_ =	shalt  }
0x7f: {  	_ =	shalt  }
0x80: {  	_ =	shalt  }
0x81: {  	_ =	shalt  }
0x82: {  	_ =	shalt  }
0x83: {  	_ =	shalt  }
0x84: {  	_ =	shalt  }
0x85: {  	_ =	shalt  }
0x86: {  	_ =	shalt  }
0x87: {  	_ =	shalt  }
.Lfunc_end0:
.L_simem_size_0:
called_computation_lowered:
.L_overlay_start_0:
0x88: {  	s2 =	sld [smem:$0x3FD9]  }
0x89: {  	s3 =	sld [smem:$0x3FFE];
	_ =	sdelay $0x1  }
0x8a: {  	s1 =	srdreg.scid  }
0x8b: {  	s0 =	sand.u32 $0x1, s1  }
0x8c: {  	s17 =	sshll.u32 s0, $0xA;
	s2 =	sadd.s32 s3, s2  }
0x8d: {  	s2 =	sadd.s32 s2, s17  }
0x8e: {  	[smem:$0x3FB4] =	sst s2  }
0x8f: {  	_ = 	snop  }
0x90: {  	s2 =	sld [smem:$0x3FC9];
	(tm) =	ssettm $0x1  }
0x91: {  	s18 =	sld [smem:$0x3FFB];
	_ =	sdelay $0x3  }
0x92: {  	_ =	strace s18  }
0x93: {  	s3 =	sld [smem:$0x3FFC];
	_ =	sdelay $0x3  }
0x94: {  	_ =	strace s3  }
0x95: {  	s3 =	sld [smem:$0x3FFD];
	_ =	sdelay $0x3  }
0x96: {  	_ =	strace s3  }
0x97: {  	_ =	strace $0x8FFFFFFF  }
0x98: {  	s19 =	sld [smem:$0x3FDB];
	_ =	sdelay $0x1  }
0x99: {  	s4 =	simm.s32 $_scs_section_size  }
0x9a: {  	s5 =	simm.s32 $_size__tile_overlayer_lowered;
	s6 =	simm.s32 $_tile_overlayer_lowered  }
0x9b: {  	s22 =	simm.s32 $0x1BFF;
	s21 =	sshll.u32 s6, $0x1;
	s3 =	sadd.s32 s4, s19  }
0x9c: {  	s7 =	simm.s32 $0x0;
	s20 =	sshll.u32 s5, $0x1;
	s5 =	sadd.s32 s21, s3  }
0x9d: {  	[timem:s7], [sflag:s22] =	dma.local [hbm:s5], s20  }
0x9e: {  	_ =	swait.ge [sflag:s22], s20  }
0x9f: {  	s4 =	ssub.s32 $0x0, s20;
	[sflag:s22] =	ssyncset.done $0x0  }
0xa0: {  	[sflag:s22] =	ssyncadd.s32 s4;
	_ =	sdelay $0x1  }
0xa1: {  	s23 =	simm.s32 $0x1B8B  }
0xa2: {  	_ =	swait.ge [sflag:s23], $0x1  }
0xa3: {  	[sflag:s23] =	ssyncset.done $0x0  }
0xa4: {  	s25 =	simm.s32 $0x1B8E;
	s24 =	sld [smem:$0x3FFE];
	[sflag:s23] =	ssyncadd.s32 $0xFFFFFFFF  }
0xa5: {  	s26 =	simm.s32 $execute0_lowered;
	[smem:$0x3FD2] =	sst s25  }
0xa6: {  	s5 =	sshll.u32 s26, $0x1;
	_ =	strace $0x80000046;
	[dreg:$0x1] =	wrdreg $0xFFFFFFFF  }
0xa7: {  	s28 =	simm.s32 $_size_execute0_lowered;
	s3 =	sadd.s32 s3, s5;
	[dreg:$0x0] =	wrdreg $0x0  }
0xa8: {  	s5 =	sshll.u32 s28, $0x1;
	[dreg:$0x2] =	wrdreg s3  }
0xa9: {  	[dreg:$0x3] =	wrdreg s5  }
0xaa: {  	[dreg:$0x4] =	wrdreg $0xC0  }
0xab: {  	_ =	task [dreg:s7], $0x5FFFF  }
0xac: {  	[dreg:$0x1] =	wrdreg $0xFFFFFFFF  }
0xad: {  	[dreg:$0x0] =	wrdreg $0x60  }
0xae: {  	[dreg:$0x2] =	wrdreg s2  }
0xaf: {  	[dreg:$0x3] =	wrdreg s24  }
0xb0: {  	[dreg:$0x4] =	wrdreg $0xB  }
0xb1: {  	_ =	task.clear_ibuf [dreg:s7], $0x5FFFF;
	_ =	strace $0x90000046  }
0xb2: {  	s29 =	simm.s32 $0xB;
	_ =	strace $0x80000048  }
0xb3: {  	_ =	swait.ge [sflag:s29], $0x1  }
0xb4: {  	[sflag:s29] =	ssyncadd.s32 $0xFFFFFFFF  }
0xb5: {  	_ =	strace $0x90000048  }
0xb6: {  	_ =	sfence  }
0xb7: {  	s30 =	sld [smem:$0x0];
	_ =	sdelay $0x2  }
0xb8: {  	s31 =	sshll.u32 s1, $0xD;
	s1 =	sshrl.u32 s1, $0x2  }
0xb9: {  	s3 =	sand.u32 $0x4000, s31;
	s1 =	sadd.s32 s1, s30  }
0xba: {  	s0 =	sor.u32 s3, s0;
	s1 =	sshll.u32 s1, $0x11  }
0xbb: {  	s0 =	sor.u32 s1, s0  }
0xbc: {  	s0 =	sadd.s32 $0x8F2B, s0  }
0xbd: {  	[sflag:s0] =	ssyncadd.remote.s32 $0x1  }
0xbe: {  	_ =	sfence.sel $0xFFFF  }
0xbf: {  	[dreg:$0x0] =	wrdreg $0xFFFFFFFF;
	(pc) =	sbr.abs _section_cstart, $3  }
0xc0: {  	[dreg:$0x1] =	wrdreg $0xFFFFFFFF  }
0xc1: {  	_ =	task.clear_ibuf [dreg:s7], $0x2FFFF;
	_ =	strace $0x9FFFFFFF  }
0xc2: {  	(tm) =	ssettm $0x7FFFFFFF  }
0xc3: {  	_ =	shalt  }
tec
execute0_lowered:
.L_overlay_start_1:
0x0: {  	(tag) =	ssettag $0x1  }
0x1: {  	s2 =	rddreg [dreg:$0x0]  }
0x2: {  	s4 =	rddreg [dreg:$0x1]  }
0x3: {  	s0 =	rddreg [dreg:$0x2];
	s1 =	stileid.u32  }
0x4: {  	s5 =	srdreg.scid;
	s3 =	simm.s32 $0x0;
	s6 =	smul.u32 $0xA00, s1  }
0x5: {  	s10 =	simm.s32 $0x0;
	s5 =	sand.u32 $0x1, s5;
	s8 =	smul.u32 $0xA000, s1  }
0x6: {  	[smem:$0x7FF] =	sst s3;
	s7 =	smul.u32 $0x500, s5;
	s9 =	ssub.s32 $0x2, s5  }
0x7: {  	_ =	strace $0x80000047;
	s5 =	smul.u32 $0x5000, s5;
	s31 =	sshrl.u32 s9, $0x1  }
0x8: {  	s8 =	sadd.s32 s8, s4;
	s6 =	sadd.s32 s7, s6;
	s7 =	ssub.s32 s9, s31  }
0x9: {  	s5 =	sadd.s32 s5, s8;
	s8 =	simm.s32 $0x80;
	s6 =	sshrl.u32 s6, $0x3  }
0xa: {  	s9 =	simm.s32 $0x1;
	s5 =	sadd.s32 $0xB600, s5;
	s6 =	sadd.s32 s6, s4  }
0xb: {  	s4 =	smax.u32 s7, $0x1;
	s7 =	simm.s32 $0x2;
	s6 =	sadd.s32 $0x8E00, s6  }
.LBB2_1:
0xc: {  	s11 =	sadd.s32 $0x0, s6  }
0xd: {  	[tilespmem:s3], [sflag:$0x2] =	stream.linear.gather [hbm4b:s11+s3], $0x80, $0x38;
	[tilespmem:$0x4080] =	vst v63  }
0xe: {  	_ =	swait.ge [sflag:s7], $0x80  }
0xf: {  	[sflag:s7] =	ssyncset.done $0x0  }
0x10: {  	[sflag:s7] =	ssyncadd.s32 $0xFFFFFF80  }
0x11: {  	[tilespmem:s8], [sflag:$0x1] =	stream.indirect.gather [hbm4b:s2+s8], $0x80, s3, s8, $0xb8;
	[tilespmem:$0x4080] =	vst v63  }
0x12: {  	_ =	swait.ge [sflag:s9], $0x4000  }
0x13: {  	[sflag:s9] =	ssyncset.done $0x0  }
0x14: {  	[sflag:s9] =	ssyncadd.s32 $0xFFFFC000  }
0x15: {  	[hbm4b:s5+s3] =	stream.linear.scatter [tilespmem:s8], [sflag:$0x2], $0x4000, $0x38;
	[tilespmem:$0x4080] =	vst v63  }
0x16: {  	s12 =	simm.s32 $0x10;
	_ =	swait.ge [sflag:s7], $0x4000  }
0x17: {  	s13 =	simm.s32 $0x20;
	s11 =	sadd.s32 $0x800, s5;
	[sflag:s7] =	ssyncset.done $0x0  }
.LBB2_2:
0x18: {  	s14 =	sadd.s32 s12, s6  }
0x19: {  	[sflag:s7] =	ssyncadd.s32 $0xFFFFC000;
	s12 =	smov.u32 s13;
	s15 =	sadd.s32 $0x10, s13  }
0x1a: {  	[tilespmem:s3], [sflag:$0x2] =	stream.linear.gather [hbm4b:s14+s3], $0x80, $0x38;
	[tilespmem:$0x4080] =	vst v63  }
0x1b: {  	p0 =	sne.s32 s13, $0x90;
	_ =	swait.ge [sflag:s7], $0x80  }
0x1c: {  	[sflag:s7] =	ssyncset.done $0x0  }
0x1d: {  	[sflag:s7] =	ssyncadd.s32 $0xFFFFFF80  }
0x1e: {  	[tilespmem:s8], [sflag:$0x1] =	stream.indirect.gather [hbm4b:s2+s8], $0x80, s3, s8, $0xb8;
	[tilespmem:$0x4080] =	vst v63  }
0x1f: {  	_ =	swait.ge [sflag:s9], $0x4000  }
.Ltmp0:
0x20: {  	[sflag:s9] =	ssyncset.done $0x0;
	(pc) =	sbr.rel @p0 .LBB2_2-.Ltmp0, $4  }
0x21: {  	[sflag:s9] =	ssyncadd.s32 $0xFFFFC000  }
0x22: {  	[hbm4b:s11+s3] =	stream.linear.scatter [tilespmem:s8], [sflag:$0x2], $0x4000, $0x38;
	[tilespmem:$0x4080] =	vst v63  }
0x23: {  	_ =	swait.ge [sflag:s7], $0x4000  }
0x24: {  	s13 =	smov.u32 s15;
	s11 =	sadd.s32 $0x800, s11;
	[sflag:s7] =	ssyncset.done $0x0  }
0x25: {  	s12 =	sadd.s32 s12, s6;
	[sflag:s7] =	ssyncadd.s32 $0xFFFFC000  }
0x26: {  	[tilespmem:s3], [sflag:$0x2] =	stream.linear.gather [hbm4b:s12+s3], $0x80, $0x38;
	[tilespmem:$0x4080] =	vst v63  }
0x27: {  	_ =	swait.ge [sflag:s7], $0x80  }
0x28: {  	[sflag:s7] =	ssyncset.done $0x0  }
0x29: {  	[sflag:s7] =	ssyncadd.s32 $0xFFFFFF80  }
0x2a: {  	[tilespmem:s8], [sflag:$0x1] =	stream.indirect.gather [hbm4b:s2+s8], $0x80, s3, s8, $0xb8;
	[tilespmem:$0x4080] =	vst v63  }
0x2b: {  	s10 =	sadd.s32 $0x1, s10;
	_ =	swait.ge [sflag:s9], $0x4000  }
0x2c: {  	p0 =	sne.s32 s10, s4;
	[sflag:s9] =	ssyncset.done $0x0  }
.Ltmp1:
0x2d: {  	[sflag:s9] =	ssyncadd.s32 $0xFFFFC000;
	(pc) =	sbr.rel @p0 .LBB2_1-.Ltmp1, $4  }
0x2e: {  	[hbm4b:s11+s3] =	stream.linear.scatter [tilespmem:s8], [sflag:$0x2], $0x4000, $0x38;
	[tilespmem:$0x4080] =	vst v63  }
0x2f: {  	_ =	swait.ge [sflag:s7], $0x4000  }
0x30: {  	[sflag:s7] =	ssyncset.done $0x0  }
0x31: {  	[sflag:s7] =	ssyncadd.s32 $0xFFFFC000  }
0x32: {  	_ =	sfence.sel $0x180000  }
0x33: {  	[bflag:$0x0] =	sbarrier.arrive $0xFFFF  }
0x34: {  	p0 =	sne.s32 s1, $0x0;
	_ =	strace $0x90000047  }
0x35: {  	s0 =	sadd.s32 @!p0 $0x100000, s0;
	[bflag:$0x2] =	sbarrier.arrive $0xFFFF  }
0x36: {  	[sflag:s0] =	ssyncadd.tile.s32 @!p0 $0x1;
	_ =	shalt  }
.Lfunc_end2:
_tile_overlayer_lowered:
.L_overlay_start_2:
0x37: {  	(tag) =	ssettag $0x2  }
0x38: {  	s0 =	rddreg [dreg:$0x0];
	s2 =	stileid.u32  }
0x39: {  	s1 =	rddreg [dreg:$0x1];
	p0 =	sne.s32 s2, $0x0  }
0x3a: {  	s3 =	rddreg [dreg:$0x2];
	[bflag:$0x3] =	sbarrier.arrive $0xFFFF;
	s2 =	simm.s32 @!p0 $0x1C02  }
0x3b: {  	[timem:s3], [sflag:s2] =	dma.local @!p0 [hbm:s0], s1  }
0x3c: {  	s0 =	simm.s32 @!p0 $0x2  }
0x3d: {  	_ =	swait.ge @!p0 [sflag:s0], s1  }
0x3e: {  	s1 =	ssub.s32 @!p0 $0x0, s1;
	[sflag:s0] =	ssyncset.done @!p0 $0x0  }
0x3f: {  	[sflag:s0] =	ssyncadd.s32 @!p0 s1  }
0x40: {  	[bflag:$0x3] =	sbarrier.arrive $0xFFFF  }
0x41: {  	_ =	shalt  }

// kernel: kernel.27.cloned.1.call-start
scs
__scs_entry_jumppad:
0x0: {  	(pc) =	sbr.rel $0x88, $3  }
0x1: {  	(tag) =	ssettag $0x0;
	lr =	simm.s32 $0x1  }
0x2: {  	[smem:$0x3F8D] =	sst lr;
	_ =	strace $0xD0000000  }
0x3: {  	_ = 	snop  }
0x4: {  	_ = 	snop  }
0x5: {  	_ = 	snop  }
0x6: {  	_ = 	snop  }
0x7: {  	_ = 	snop  }
__scs_overlays_trampoline_lowered:
0x8: {  	[smem:$0x3F9C] =	sst s0  }
0x9: {  	[smem:$0x3F9D] =	sst s1  }
0xa: {  	[smem:$0x3F9E] =	sst s2  }
0xb: {  	[smem:$0x3F9F] =	sst s3  }
0xc: {  	[smem:$0x3FA0] =	sst s4  }
0xd: {  	[smem:$0x3FA1] =	sst s5  }
0xe: {  	[smem:$0x3FA2] =	sst s6  }
0xf: {  	[smem:$0x3FA3] =	sst s7  }
0x10: {  	[smem:$0x3FA4] =	sst s8  }
0x11: {  	[smem:$0x3FA5] =	sst s9;
	s0 =	simm.s32 @!p0 $0x0  }
0x12: {  	s1 =	sld [smem:$0x3F8B];
	s0 =	simm.s32 @p0 $0x1  }
0x13: {  	[smem:$0x3FA6] =	sst s0;
	s0 =	simm.s32 @!p1 $0x0  }
0x14: {  	s2 =	sld [smem:$0x3F8A];
	s0 =	simm.s32 @p1 $0x1  }
0x15: {  	[smem:$0x3FA7] =	sst s0;
	s0 =	simm.s32 @!p2 $0x0  }
0x16: {  	s3 =	sld [smem:$0x3FDB];
	s0 =	simm.s32 @p2 $0x1  }
0x17: {  	s4 =	simm.s32 $0x1BF5;
	[smem:$0x3FA9] =	sst s0  }
0x18: {  	s0 =	sld [smem:$0x3F8C];
	_ =	swait.ge [sflag:s4], $0x0  }
0x19: {  	s7 =	sld [smem:$0x3F8D]  }
0x1a: {  	s8 =	sadd.s32 $0xFFFFE003, lr  }
0x1b: {  	s9 =	sadd.s32 $0xFFFFFEF7, lr;
	s5 =	simm.s32 $0xFFFFFFFF;
	p2 =	slt.u32 s8, $0xFFFFF086  }
0x1c: {  	p1 =	slt.u32 s9, $0xF7A;
	s5 =	simm.s32 @!p2 $0x0  }
0x1d: {  	s5 =	simm.s32 @p1 $0x1;
	p0 =	seq.s32 s7, s2  }
0x1e: {  	s7 =	smul.u32 @!p0 $0xF7A, s2;
	p2 =	seq.s32 @!p0 s5, $0x0  }
0x1f: {  	s9 =	smul.u32 $0xF7A, s1;
	s8 =	simm.s32 @!p0 $0x1BF5;
	p2 =	por !p2, p0  }
0x20: {  	[sflag:s8] =	ssyncset.s32 @!p0 $0xFFFFF086;
	s6 =	sadd.s32 @!p0 s3, s7;
	s7 =	simm.s32 @!p0 $0x108  }
0x21: {  	s3 =	sadd.s32 s3, s9;
	s6 =	sadd.s32 @!p0 $0x88, s6;
	s7 =	simm.s32 @p2 $0x1082  }
0x22: {  	[simem:s7], [sflag:s8] =	dma.local @!p0 [hbm:s6], $0xF7A  }
0x23: {  	s9 =	sor.u32 $0xD0000000, s2;
	s6 =	simm.s32 $0x108;
	_ =	swait.ge @!p0 [sflag:s8], $0x0  }
0x24: {  	s3 =	sadd.s32 $0x88, s3;
	s6 =	simm.s32 @!p1 $0x1082;
	[sflag:s4] =	ssyncset.s32 $0xFFFFF086  }
0x25: {  	[simem:s6], [sflag:s4] =	dma.local [hbm:s3], $0xF7A  }
0x26: {  	[smem:$0x3F8D] =	sst s1;
	(tag) =	ssettag s2;
	_ =	strace s9  }
0x27: {  	s1 =	sld [smem:$0x3F9D]  }
0x28: {  	s2 =	sld [smem:$0x3F9E]  }
0x29: {  	s4 =	sld [smem:$0x3FA0]  }
0x2a: {  	p0 =	seq.s32 s5, $0x0;
	s5 =	sld [smem:$0x3FA1]  }
0x2b: {  	s6 =	sld [smem:$0x3FA2]  }
0x2c: {  	s7 =	sld [smem:$0x3FA3]  }
0x2d: {  	s3 =	simm.s32 $0x108;
	s8 =	sld [smem:$0x3FA4]  }
0x2e: {  	s3 =	simm.s32 @!p0 $0x1082;
	s9 =	sld [smem:$0x3FA5]  }
0x2f: {  	lr =	sadd.s32 s0, s3;
	s0 =	sld [smem:$0x3F9C]  }
0x30: {  	s3 =	sld [smem:$0x3F9F]  }
0x31: {  	[smem:$0x3FA8] =	sst s10  }
0x32: {  	s10 =	sld [smem:$0x3FA6];
	_ =	sdelay $0x3  }
0x33: {  	p0 =	seq.s32 s10, $0x1;
	s10 =	sld [smem:$0x3FA8];
	_ =	sdelay $0x3  }
0x34: {  	[smem:$0x3FA8] =	sst s10  }
0x35: {  	s10 =	sld [smem:$0x3FA7];
	_ =	sdelay $0x3  }
0x36: {  	p1 =	seq.s32 s10, $0x1;
	s10 =	sld [smem:$0x3FA8];
	_ =	sdelay $0x3  }
0x37: {  	[smem:$0x3FA8] =	sst s10  }
0x38: {  	s10 =	sld [smem:$0x3FA9]  }
0x39: {  	_ = 	snop;
	(pc) =	sbr.ind lr, $3  }
0x3a: {  	_ = 	snop  }
0x3b: {  	_ = 	snop  }
0x3c: {  	p2 =	seq.s32 s10, $0x1;
	s10 =	sld [smem:$0x3FA8]  }
0x3d: {  	_ =	shalt  }
0x3e: {  	_ =	shalt  }
0x3f: {  	_ =	shalt  }
0x40: {  	_ =	shalt  }
0x41: {  	_ =	shalt  }
0x42: {  	_ =	shalt  }
0x43: {  	_ =	shalt  }
0x44: {  	_ =	shalt  }
0x45: {  	_ =	shalt  }
0x46: {  	_ =	shalt  }
0x47: {  	_ =	shalt  }
0x48: {  	_ =	shalt  }
0x49: {  	_ =	shalt  }
0x4a: {  	_ =	shalt  }
0x4b: {  	_ =	shalt  }
0x4c: {  	_ =	shalt  }
0x4d: {  	_ =	shalt  }
0x4e: {  	_ =	shalt  }
0x4f: {  	_ =	shalt  }
0x50: {  	_ =	shalt  }
0x51: {  	_ =	shalt  }
0x52: {  	_ =	shalt  }
0x53: {  	_ =	shalt  }
0x54: {  	_ =	shalt  }
0x55: {  	_ =	shalt  }
0x56: {  	_ =	shalt  }
0x57: {  	_ =	shalt  }
0x58: {  	_ =	shalt  }
0x59: {  	_ =	shalt  }
0x5a: {  	_ =	shalt  }
0x5b: {  	_ =	shalt  }
0x5c: {  	_ =	shalt  }
0x5d: {  	_ =	shalt  }
0x5e: {  	_ =	shalt  }
0x5f: {  	_ =	shalt  }
0x60: {  	_ =	shalt  }
0x61: {  	_ =	shalt  }
0x62: {  	_ =	shalt  }
0x63: {  	_ =	shalt  }
0x64: {  	_ =	shalt  }
0x65: {  	_ =	shalt  }
0x66: {  	_ =	shalt  }
0x67: {  	_ =	shalt  }
0x68: {  	_ =	shalt  }
0x69: {  	_ =	shalt  }
0x6a: {  	_ =	shalt  }
0x6b: {  	_ =	shalt  }
0x6c: {  	_ =	shalt  }
0x6d: {  	_ =	shalt  }
0x6e: {  	_ =	shalt  }
0x6f: {  	_ =	shalt  }
0x70: {  	_ =	shalt  }
0x71: {  	_ =	shalt  }
0x72: {  	_ =	shalt  }
0x73: {  	_ =	shalt  }
0x74: {  	_ =	shalt  }
0x75: {  	_ =	shalt  }
0x76: {  	_ =	shalt  }
0x77: {  	_ =	shalt  }
0x78: {  	_ =	shalt  }
0x79: {  	_ =	shalt  }
0x7a: {  	_ =	shalt  }
0x7b: {  	_ =	shalt  }
0x7c: {  	_ =	shalt  }
0x7d: {  	_ =	shalt  }
0x7e: {  	_ =	shalt  }
0x7f: {  	_ =	shalt  }
0x80: {  	_ =	shalt  }
0x81: {  	_ =	shalt  }
0x82: {  	_ =	shalt  }
0x83: {  	_ =	shalt  }
0x84: {  	_ =	shalt  }
0x85: {  	_ =	shalt  }
0x86: {  	_ =	shalt  }
0x87: {  	_ =	shalt  }
.Lfunc_end0:
.L_simem_size_0:
called_computation.1_lowered:
.L_overlay_start_0:
0x88: {  	s2 =	sld [smem:$0x3FD9]  }
0x89: {  	s3 =	sld [smem:$0x3FFE];
	_ =	sdelay $0x1  }
0x8a: {  	s1 =	srdreg.scid  }
0x8b: {  	s0 =	sand.u32 $0x1, s1  }
0x8c: {  	s17 =	sshll.u32 s0, $0xA;
	s2 =	sadd.s32 s3, s2  }
0x8d: {  	s2 =	sadd.s32 s2, s17  }
0x8e: {  	[smem:$0x3FB4] =	sst s2  }
0x8f: {  	_ = 	snop  }
0x90: {  	s18 =	sld [smem:$0x3FC9];
	(tm) =	ssettm $0x1  }
0x91: {  	s19 =	sld [smem:$0x3FFB];
	_ =	sdelay $0x3  }
0x92: {  	_ =	strace s19  }
0x93: {  	s2 =	sld [smem:$0x3FFC];
	_ =	sdelay $0x3  }
0x94: {  	_ =	strace s2  }
0x95: {  	s2 =	sld [smem:$0x3FFD];
	_ =	sdelay $0x3  }
0x96: {  	_ =	strace s2  }
0x97: {  	_ =	strace $0x8FFFFFFF  }
0x98: {  	s20 =	sld [smem:$0x3FDB];
	_ =	sdelay $0x1  }
0x99: {  	s4 =	simm.s32 $_scs_section_size  }
0x9a: {  	s5 =	simm.s32 $_size__tile_overlayer_lowered;
	s6 =	simm.s32 $_tile_overlayer_lowered  }
0x9b: {  	s7 =	simm.s32 $0x1BFF;
	s21 =	sshll.u32 s6, $0x1;
	s4 =	sadd.s32 s4, s20  }
0x9c: {  	s22 =	simm.s32 $0x0;
	s5 =	sshll.u32 s5, $0x1;
	s6 =	sadd.s32 s21, s4  }
0x9d: {  	[timem:s22], [sflag:s7] =	dma.local [hbm:s6], s5  }
0x9e: {  	_ =	swait.ge [sflag:s7], s5  }
0x9f: {  	s5 =	ssub.s32 $0x0, s5;
	[sflag:s7] =	ssyncset.done $0x0  }
0xa0: {  	[sflag:s7] =	ssyncadd.s32 s5;
	_ =	sdelay $0x1  }
0xa1: {  	s23 =	simm.s32 $0x1B8B  }
0xa2: {  	_ =	swait.ge [sflag:s23], $0x1  }
0xa3: {  	[sflag:s23] =	ssyncset.done $0x0  }
0xa4: {  	[sflag:s23] =	ssyncadd.s32 $0xFFFFFFFF  }
0xa5: {  	s5 =	sld [smem:$0x0]  }
0xa6: {  	s6 =	sand.u32 $0xFFFFFFFE, s1  }
0xa7: {  	p0 =	sne.s32 s1, s6  }
0xa8: {  	s6 =	sshll.u32 @p0 s6, $0xE  }
0xa9: {  	s6 =	sadd.s32 @p0 $0x11B8D, s6;
	s7 =	sshll.u32 @p0 s5, $0x11  }
0xaa: {  	s6 =	sor.u32 @p0 s7, s6  }
0xab: {  	[sflag:s6] =	ssyncadd.remote.s32 @p0 $0x1;
	_ =	sdelay $0x1  }
0xac: {  	s6 =	simm.s32 @p0 $0x1B8D  }
0xad: {  	_ =	swait.eq @p0 [sflag:s6], $0x1  }
0xae: {  	[sflag:s6] =	ssyncadd.s32 @p0 $0xFFFFFFFF  }
0xaf: {  	s7 =	sshll.u32 @!p0 s1, $0xE  }
0xb0: {  	s7 =	sor.u32 @!p0 $0x4000, s7;
	s6 =	simm.s32 @!p0 $0x1B8D  }
0xb1: {  	s5 =	sshll.u32 @!p0 s5, $0x11;
	s7 =	sadd.s32 @!p0 $0x11B8D, s7;
	_ =	swait.eq @!p0 [sflag:s6], $0x1  }
0xb2: {  	s5 =	sor.u32 @!p0 s5, s7;
	[sflag:s6] =	ssyncadd.s32 @!p0 $0xFFFFFFFF  }
0xb3: {  	s25 =	simm.s32 $0x1B8E;
	s24 =	sld [smem:$0x3FFE];
	[sflag:s5] =	ssyncadd.remote.s32 @!p0 $0x1  }
0xb4: {  	s26 =	simm.s32 $execute0_lowered;
	[smem:$0x3FD2] =	sst s25  }
0xb5: {  	s6 =	sshll.u32 s26, $0x1;
	_ =	strace $0x80000049;
	[dreg:$0x1] =	wrdreg $0xFFFFFFFF  }
0xb6: {  	s28 =	simm.s32 $_size_execute0_lowered;
	s4 =	sadd.s32 s4, s6;
	[dreg:$0x0] =	wrdreg $0x0  }
0xb7: {  	s6 =	sshll.u32 s28, $0x1;
	[dreg:$0x2] =	wrdreg s4  }
0xb8: {  	[dreg:$0x3] =	wrdreg s6  }
0xb9: {  	[dreg:$0x4] =	wrdreg $0xC0  }
0xba: {  	_ =	task [dreg:s22], $0x5FFFF  }
0xbb: {  	[dreg:$0x1] =	wrdreg $0xFFFFFFFF  }
0xbc: {  	[dreg:$0x0] =	wrdreg $0x60  }
0xbd: {  	[dreg:$0x2] =	wrdreg s18  }
0xbe: {  	[dreg:$0x3] =	wrdreg s24  }
0xbf: {  	[dreg:$0x4] =	wrdreg $0xC  }
0xc0: {  	_ =	task.clear_ibuf [dreg:s22], $0x5FFFF;
	_ =	strace $0x90000049  }
0xc1: {  	s29 =	simm.s32 $0xC;
	_ =	strace $0x8000004B  }
0xc2: {  	_ =	swait.ge [sflag:s29], $0x1  }
0xc3: {  	[sflag:s29] =	ssyncadd.s32 $0xFFFFFFFF  }
0xc4: {  	_ =	strace $0x9000004B  }
0xc5: {  	_ =	sfence  }
0xc6: {  	s30 =	sld [smem:$0x0];
	_ =	sdelay $0x2  }
0xc7: {  	s31 =	sshll.u32 s1, $0xD;
	s1 =	sshrl.u32 s1, $0x2  }
0xc8: {  	s4 =	sand.u32 $0x4000, s31;
	s1 =	sadd.s32 s1, s30  }
0xc9: {  	s0 =	sor.u32 s4, s0;
	s1 =	sshll.u32 s1, $0x11  }
0xca: {  	s0 =	sor.u32 s1, s0  }
0xcb: {  	s0 =	sadd.s32 $0x8F2B, s0  }
0xcc: {  	[sflag:s0] =	ssyncadd.remote.s32 $0x1  }
0xcd: {  	_ =	sfence.sel $0xFFFF  }
0xce: {  	[dreg:$0x0] =	wrdreg $0xFFFFFFFF;
	(pc) =	sbr.abs _section_cstart, $3  }
0xcf: {  	[dreg:$0x1] =	wrdreg $0xFFFFFFFF  }
0xd0: {  	_ =	task.clear_ibuf [dreg:s22], $0x2FFFF;
	_ =	strace $0x9FFFFFFF  }
0xd1: {  	(tm) =	ssettm $0x7FFFFFFF  }
tec
execute0_lowered:
.L_overlay_start_1:
0x0: {  	(tag) =	ssettag $0x1  }
0x1: {  	s2 =	rddreg [dreg:$0x0]  }
0x2: {  	s4 =	rddreg [dreg:$0x1]  }
0x3: {  	s0 =	rddreg [dreg:$0x2];
	s1 =	stileid.u32  }
0x4: {  	s5 =	srdreg.scid;
	s3 =	simm.s32 $0x0;
	s6 =	smul.u32 $0xA00, s1  }
0x5: {  	s10 =	simm.s32 $0x0;
	s5 =	sand.u32 $0x1, s5;
	s8 =	smul.u32 $0xA000, s1  }
0x6: {  	[smem:$0x7FF] =	sst s3;
	s7 =	smul.u32 $0x500, s5;
	s9 =	ssub.s32 $0x2, s5  }
0x7: {  	_ =	strace $0x8000004A;
	s5 =	smul.u32 $0x5000, s5;
	s31 =	sshrl.u32 s9, $0x1  }
0x8: {  	s8 =	sadd.s32 s8, s4;
	s6 =	sadd.s32 s7, s6;
	s7 =	ssub.s32 s9, s31  }
0x9: {  	s5 =	sadd.s32 s5, s8;
	s8 =	simm.s32 $0x80;
	s6 =	sshrl.u32 s6, $0x3  }
0xa: {  	s9 =	simm.s32 $0x1;
	s5 =	sadd.s32 $0xB5600, s5;
	s6 =	sadd.s32 s6, s4  }
0xb: {  	s4 =	smax.u32 s7, $0x1;
	s7 =	simm.s32 $0x2;
	s6 =	sadd.s32 $0xB0600, s6  }
.LBB2_1:
0xc: {  	s11 =	sadd.s32 $0x0, s6  }
0xd: {  	[tilespmem:s3], [sflag:$0x2] =	stream.linear.gather [hbm4b:s11+s3], $0x80, $0x38;
	[tilespmem:$0x4080] =	vst v63  }
0xe: {  	_ =	swait.ge [sflag:s7], $0x80  }
0xf: {  	[sflag:s7] =	ssyncset.done $0x0  }
0x10: {  	[sflag:s7] =	ssyncadd.s32 $0xFFFFFF80  }
0x11: {  	[tilespmem:s8], [sflag:$0x1] =	stream.indirect.gather [hbm4b:s2+s8], $0x80, s3, s8, $0xb8;
	[tilespmem:$0x4080] =	vst v63  }
0x12: {  	_ =	swait.ge [sflag:s9], $0x4000  }
0x13: {  	[sflag:s9] =	ssyncset.done $0x0  }
0x14: {  	[sflag:s9] =	ssyncadd.s32 $0xFFFFC000  }
0x15: {  	[hbm4b:s5+s3] =	stream.linear.scatter [tilespmem:s8], [sflag:$0x2], $0x4000, $0x38;
	[tilespmem:$0x4080] =	vst v63  }
0x16: {  	s12 =	simm.s32 $0x10;
	_ =	swait.ge [sflag:s7], $0x4000  }
0x17: {  	s13 =	simm.s32 $0x20;
	s11 =	sadd.s32 $0x800, s5;
	[sflag:s7] =	ssyncset.done $0x0  }
.LBB2_2:
0x18: {  	s14 =	sadd.s32 s12, s6  }
0x19: {  	[sflag:s7] =	ssyncadd.s32 $0xFFFFC000;
	s12 =	smov.u32 s13;
	s15 =	sadd.s32 $0x10, s13  }
0x1a: {  	[tilespmem:s3], [sflag:$0x2] =	stream.linear.gather [hbm4b:s14+s3], $0x80, $0x38;
	[tilespmem:$0x4080] =	vst v63  }
0x1b: {  	p0 =	sne.s32 s13, $0x90;
	_ =	swait.ge [sflag:s7], $0x80  }
0x1c: {  	[sflag:s7] =	ssyncset.done $0x0  }
0x1d: {  	[sflag:s7] =	ssyncadd.s32 $0xFFFFFF80  }
0x1e: {  	[tilespmem:s8], [sflag:$0x1] =	stream.indirect.gather [hbm4b:s2+s8], $0x80, s3, s8, $0xb8;
	[tilespmem:$0x4080] =	vst v63  }
0x1f: {  	_ =	swait.ge [sflag:s9], $0x4000  }
.Ltmp0:
0x20: {  	[sflag:s9] =	ssyncset.done $0x0;
	(pc) =	sbr.rel @p0 .LBB2_2-.Ltmp0, $4  }
0x21: {  	[sflag:s9] =	ssyncadd.s32 $0xFFFFC000  }
0x22: {  	[hbm4b:s11+s3] =	stream.linear.scatter [tilespmem:s8], [sflag:$0x2], $0x4000, $0x38;
	[tilespmem:$0x4080] =	vst v63  }
0x23: {  	_ =	swait.ge [sflag:s7], $0x4000  }
0x24: {  	s13 =	smov.u32 s15;
	s11 =	sadd.s32 $0x800, s11;
	[sflag:s7] =	ssyncset.done $0x0  }
0x25: {  	s12 =	sadd.s32 s12, s6;
	[sflag:s7] =	ssyncadd.s32 $0xFFFFC000  }
0x26: {  	[tilespmem:s3], [sflag:$0x2] =	stream.linear.gather [hbm4b:s12+s3], $0x80, $0x38;
	[tilespmem:$0x4080] =	vst v63  }
0x27: {  	_ =	swait.ge [sflag:s7], $0x80  }
0x28: {  	[sflag:s7] =	ssyncset.done $0x0  }
0x29: {  	[sflag:s7] =	ssyncadd.s32 $0xFFFFFF80  }
0x2a: {  	[tilespmem:s8], [sflag:$0x1] =	stream.indirect.gather [hbm4b:s2+s8], $0x80, s3, s8, $0xb8;
	[tilespmem:$0x4080] =	vst v63  }
0x2b: {  	s10 =	sadd.s32 $0x1, s10;
	_ =	swait.ge [sflag:s9], $0x4000  }
0x2c: {  	p0 =	sne.s32 s10, s4;
	[sflag:s9] =	ssyncset.done $0x0  }
.Ltmp1:
0x2d: {  	[sflag:s9] =	ssyncadd.s32 $0xFFFFC000;
	(pc) =	sbr.rel @p0 .LBB2_1-.Ltmp1, $4  }
0x2e: {  	[hbm4b:s11+s3] =	stream.linear.scatter [tilespmem:s8], [sflag:$0x2], $0x4000, $0x38;
	[tilespmem:$0x4080] =	vst v63  }
0x2f: {  	_ =	swait.ge [sflag:s7], $0x4000  }
0x30: {  	[sflag:s7] =	ssyncset.done $0x0  }
0x31: {  	[sflag:s7] =	ssyncadd.s32 $0xFFFFC000  }
0x32: {  	_ =	sfence.sel $0x180000  }
0x33: {  	[bflag:$0x0] =	sbarrier.arrive $0xFFFF  }
0x34: {  	p0 =	sne.s32 s1, $0x0;
	_ =	strace $0x9000004A  }
0x35: {  	s0 =	sadd.s32 @!p0 $0x100000, s0;
	[bflag:$0x2] =	sbarrier.arrive $0xFFFF  }
0x36: {  	[sflag:s0] =	ssyncadd.tile.s32 @!p0 $0x1;
	_ =	shalt  }
.Lfunc_end2:
_tile_overlayer_lowered:
.L_overlay_start_2:
0x37: {  	(tag) =	ssettag $0x2  }
0x38: {  	s0 =	rddreg [dreg:$0x0];
	s2 =	stileid.u32  }
0x39: {  	s1 =	rddreg [dreg:$0x1];
	p0 =	sne.s32 s2, $0x0  }
0x3a: {  	s3 =	rddreg [dreg:$0x2];
	[bflag:$0x3] =	sbarrier.arrive $0xFFFF;
	s2 =	simm.s32 @!p0 $0x1C02  }
0x3b: {  	[timem:s3], [sflag:s2] =	dma.local @!p0 [hbm:s0], s1  }
0x3c: {  	s0 =	simm.s32 @!p0 $0x2  }
0x3d: {  	_ =	swait.ge @!p0 [sflag:s0], s1  }
0x3e: {  	s1 =	ssub.s32 @!p0 $0x0, s1;
	[sflag:s0] =	ssyncset.done @!p0 $0x0  }
0x3f: {  	[sflag:s0] =	ssyncadd.s32 @!p0 s1  }
0x40: {  	[bflag:$0x3] =	sbarrier.arrive $0xFFFF  }
0x41: {  	_ =	shalt  }

// kernel: kernel.30.cloned.1.call-start
scs
__scs_entry_jumppad:
0x0: {  	(pc) =	sbr.rel $0x88, $3  }
0x1: {  	(tag) =	ssettag $0x0;
	lr =	simm.s32 $0x1  }
0x2: {  	[smem:$0x3F8D] =	sst lr;
	_ =	strace $0xD0000000  }
0x3: {  	_ = 	snop  }
0x4: {  	_ = 	snop  }
0x5: {  	_ = 	snop  }
0x6: {  	_ = 	snop  }
0x7: {  	_ = 	snop  }
__scs_overlays_trampoline_lowered:
0x8: {  	[smem:$0x3F9C] =	sst s0  }
0x9: {  	[smem:$0x3F9D] =	sst s1  }
0xa: {  	[smem:$0x3F9E] =	sst s2  }
0xb: {  	[smem:$0x3F9F] =	sst s3  }
0xc: {  	[smem:$0x3FA0] =	sst s4  }
0xd: {  	[smem:$0x3FA1] =	sst s5  }
0xe: {  	[smem:$0x3FA2] =	sst s6  }
0xf: {  	[smem:$0x3FA3] =	sst s7  }
0x10: {  	[smem:$0x3FA4] =	sst s8  }
0x11: {  	[smem:$0x3FA5] =	sst s9;
	s0 =	simm.s32 @!p0 $0x0  }
0x12: {  	s1 =	sld [smem:$0x3F8B];
	s0 =	simm.s32 @p0 $0x1  }
0x13: {  	[smem:$0x3FA6] =	sst s0;
	s0 =	simm.s32 @!p1 $0x0  }
0x14: {  	s2 =	sld [smem:$0x3F8A];
	s0 =	simm.s32 @p1 $0x1  }
0x15: {  	[smem:$0x3FA7] =	sst s0;
	s0 =	simm.s32 @!p2 $0x0  }
0x16: {  	s3 =	sld [smem:$0x3FDB];
	s0 =	simm.s32 @p2 $0x1  }
0x17: {  	s4 =	simm.s32 $0x1BF5;
	[smem:$0x3FA9] =	sst s0  }
0x18: {  	s0 =	sld [smem:$0x3F8C];
	_ =	swait.ge [sflag:s4], $0x0  }
0x19: {  	s7 =	sld [smem:$0x3F8D]  }
0x1a: {  	s8 =	sadd.s32 $0xFFFFE003, lr  }
0x1b: {  	s9 =	sadd.s32 $0xFFFFFEF7, lr;
	s5 =	simm.s32 $0xFFFFFFFF;
	p2 =	slt.u32 s8, $0xFFFFF086  }
0x1c: {  	p1 =	slt.u32 s9, $0xF7A;
	s5 =	simm.s32 @!p2 $0x0  }
0x1d: {  	s5 =	simm.s32 @p1 $0x1;
	p0 =	seq.s32 s7, s2  }
0x1e: {  	s7 =	smul.u32 @!p0 $0xF7A, s2;
	p2 =	seq.s32 @!p0 s5, $0x0  }
0x1f: {  	s9 =	smul.u32 $0xF7A, s1;
	s8 =	simm.s32 @!p0 $0x1BF5;
	p2 =	por !p2, p0  }
0x20: {  	[sflag:s8] =	ssyncset.s32 @!p0 $0xFFFFF086;
	s6 =	sadd.s32 @!p0 s3, s7;
	s7 =	simm.s32 @!p0 $0x108  }
0x21: {  	s3 =	sadd.s32 s3, s9;
	s6 =	sadd.s32 @!p0 $0x88, s6;
	s7 =	simm.s32 @p2 $0x1082  }
0x22: {  	[simem:s7], [sflag:s8] =	dma.local @!p0 [hbm:s6], $0xF7A  }
0x23: {  	s9 =	sor.u32 $0xD0000000, s2;
	s6 =	simm.s32 $0x108;
	_ =	swait.ge @!p0 [sflag:s8], $0x0  }
0x24: {  	s3 =	sadd.s32 $0x88, s3;
	s6 =	simm.s32 @!p1 $0x1082;
	[sflag:s4] =	ssyncset.s32 $0xFFFFF086  }
0x25: {  	[simem:s6], [sflag:s4] =	dma.local [hbm:s3], $0xF7A  }
0x26: {  	[smem:$0x3F8D] =	sst s1;
	(tag) =	ssettag s2;
	_ =	strace s9  }
0x27: {  	s1 =	sld [smem:$0x3F9D]  }
0x28: {  	s2 =	sld [smem:$0x3F9E]  }
0x29: {  	s4 =	sld [smem:$0x3FA0]  }
0x2a: {  	p0 =	seq.s32 s5, $0x0;
	s5 =	sld [smem:$0x3FA1]  }
0x2b: {  	s6 =	sld [smem:$0x3FA2]  }
0x2c: {  	s7 =	sld [smem:$0x3FA3]  }
0x2d: {  	s3 =	simm.s32 $0x108;
	s8 =	sld [smem:$0x3FA4]  }
0x2e: {  	s3 =	simm.s32 @!p0 $0x1082;
	s9 =	sld [smem:$0x3FA5]  }
0x2f: {  	lr =	sadd.s32 s0, s3;
	s0 =	sld [smem:$0x3F9C]  }
0x30: {  	s3 =	sld [smem:$0x3F9F]  }
0x31: {  	[smem:$0x3FA8] =	sst s10  }
0x32: {  	s10 =	sld [smem:$0x3FA6];
	_ =	sdelay $0x3  }
0x33: {  	p0 =	seq.s32 s10, $0x1;
	s10 =	sld [smem:$0x3FA8];
	_ =	sdelay $0x3  }
0x34: {  	[smem:$0x3FA8] =	sst s10  }
0x35: {  	s10 =	sld [smem:$0x3FA7];
	_ =	sdelay $0x3  }
0x36: {  	p1 =	seq.s32 s10, $0x1;
	s10 =	sld [smem:$0x3FA8];
	_ =	sdelay $0x3  }
0x37: {  	[smem:$0x3FA8] =	sst s10  }
0x38: {  	s10 =	sld [smem:$0x3FA9]  }
0x39: {  	_ = 	snop;
	(pc) =	sbr.ind lr, $3  }
0x3a: {  	_ = 	snop  }
0x3b: {  	_ = 	snop  }
0x3c: {  	p2 =	seq.s32 s10, $0x1;
	s10 =	sld [smem:$0x3FA8]  }
0x3d: {  	_ =	shalt  }
0x3e: {  	_ =	shalt  }
0x3f: {  	_ =	shalt  }
0x40: {  	_ =	shalt  }
0x41: {  	_ =	shalt  }
0x42: {  	_ =	shalt  }
0x43: {  	_ =	shalt  }
0x44: {  	_ =	shalt  }
0x45: {  	_ =	shalt  }
0x46: {  	_ =	shalt  }
0x47: {  	_ =	shalt  }
0x48: {  	_ =	shalt  }
0x49: {  	_ =	shalt  }
0x4a: {  	_ =	shalt  }
0x4b: {  	_ =	shalt  }
0x4c: {  	_ =	shalt  }
0x4d: {  	_ =	shalt  }
0x4e: {  	_ =	shalt  }
0x4f: {  	_ =	shalt  }
0x50: {  	_ =	shalt  }
0x51: {  	_ =	shalt  }
0x52: {  	_ =	shalt  }
0x53: {  	_ =	shalt  }
0x54: {  	_ =	shalt  }
0x55: {  	_ =	shalt  }
0x56: {  	_ =	shalt  }
0x57: {  	_ =	shalt  }
0x58: {  	_ =	shalt  }
0x59: {  	_ =	shalt  }
0x5a: {  	_ =	shalt  }
0x5b: {  	_ =	shalt  }
0x5c: {  	_ =	shalt  }
0x5d: {  	_ =	shalt  }
0x5e: {  	_ =	shalt  }
0x5f: {  	_ =	shalt  }
0x60: {  	_ =	shalt  }
0x61: {  	_ =	shalt  }
0x62: {  	_ =	shalt  }
0x63: {  	_ =	shalt  }
0x64: {  	_ =	shalt  }
0x65: {  	_ =	shalt  }
0x66: {  	_ =	shalt  }
0x67: {  	_ =	shalt  }
0x68: {  	_ =	shalt  }
0x69: {  	_ =	shalt  }
0x6a: {  	_ =	shalt  }
0x6b: {  	_ =	shalt  }
0x6c: {  	_ =	shalt  }
0x6d: {  	_ =	shalt  }
0x6e: {  	_ =	shalt  }
0x6f: {  	_ =	shalt  }
0x70: {  	_ =	shalt  }
0x71: {  	_ =	shalt  }
0x72: {  	_ =	shalt  }
0x73: {  	_ =	shalt  }
0x74: {  	_ =	shalt  }
0x75: {  	_ =	shalt  }
0x76: {  	_ =	shalt  }
0x77: {  	_ =	shalt  }
0x78: {  	_ =	shalt  }
0x79: {  	_ =	shalt  }
0x7a: {  	_ =	shalt  }
0x7b: {  	_ =	shalt  }
0x7c: {  	_ =	shalt  }
0x7d: {  	_ =	shalt  }
0x7e: {  	_ =	shalt  }
0x7f: {  	_ =	shalt  }
0x80: {  	_ =	shalt  }
0x81: {  	_ =	shalt  }
0x82: {  	_ =	shalt  }
0x83: {  	_ =	shalt  }
0x84: {  	_ =	shalt  }
0x85: {  	_ =	shalt  }
0x86: {  	_ =	shalt  }
0x87: {  	_ =	shalt  }
.Lfunc_end0:
.L_simem_size_0:
called_computation.2_lowered:
.L_overlay_start_0:
0x88: {  	s2 =	sld [smem:$0x3FD9]  }
0x89: {  	s3 =	sld [smem:$0x3FFE];
	_ =	sdelay $0x1  }
0x8a: {  	s1 =	srdreg.scid  }
0x8b: {  	s0 =	sand.u32 $0x1, s1  }
0x8c: {  	s17 =	sshll.u32 s0, $0xA;
	s2 =	sadd.s32 s3, s2  }
0x8d: {  	s2 =	sadd.s32 s2, s17  }
0x8e: {  	[smem:$0x3FB4] =	sst s2  }
0x8f: {  	_ = 	snop  }
0x90: {  	s18 =	sld [smem:$0x3FC9];
	(tm) =	ssettm $0x1  }
0x91: {  	s19 =	sld [smem:$0x3FFB];
	_ =	sdelay $0x3  }
0x92: {  	_ =	strace s19  }
0x93: {  	s2 =	sld [smem:$0x3FFC];
	_ =	sdelay $0x3  }
0x94: {  	_ =	strace s2  }
0x95: {  	s2 =	sld [smem:$0x3FFD];
	_ =	sdelay $0x3  }
0x96: {  	_ =	strace s2  }
0x97: {  	_ =	strace $0x8FFFFFFF  }
0x98: {  	s20 =	sld [smem:$0x3FDB];
	_ =	sdelay $0x1  }
0x99: {  	s4 =	simm.s32 $_scs_section_size  }
0x9a: {  	s5 =	simm.s32 $_size__tile_overlayer_lowered;
	s6 =	simm.s32 $_tile_overlayer_lowered  }
0x9b: {  	s7 =	simm.s32 $0x1BFF;
	s21 =	sshll.u32 s6, $0x1;
	s4 =	sadd.s32 s4, s20  }
0x9c: {  	s22 =	simm.s32 $0x0;
	s5 =	sshll.u32 s5, $0x1;
	s6 =	sadd.s32 s21, s4  }
0x9d: {  	[timem:s22], [sflag:s7] =	dma.local [hbm:s6], s5  }
0x9e: {  	_ =	swait.ge [sflag:s7], s5  }
0x9f: {  	s5 =	ssub.s32 $0x0, s5;
	[sflag:s7] =	ssyncset.done $0x0  }
0xa0: {  	[sflag:s7] =	ssyncadd.s32 s5;
	_ =	sdelay $0x1  }
0xa1: {  	s23 =	simm.s32 $0x1B8B  }
0xa2: {  	_ =	swait.ge [sflag:s23], $0x1  }
0xa3: {  	[sflag:s23] =	ssyncset.done $0x0  }
0xa4: {  	[sflag:s23] =	ssyncadd.s32 $0xFFFFFFFF  }
0xa5: {  	s5 =	sld [smem:$0x0]  }
0xa6: {  	s6 =	sand.u32 $0xFFFFFFFE, s1  }
0xa7: {  	p0 =	sne.s32 s1, s6  }
0xa8: {  	s6 =	sshll.u32 @p0 s6, $0xE  }
0xa9: {  	s6 =	sadd.s32 @p0 $0x11B8D, s6;
	s7 =	sshll.u32 @p0 s5, $0x11  }
0xaa: {  	s6 =	sor.u32 @p0 s7, s6  }
0xab: {  	[sflag:s6] =	ssyncadd.remote.s32 @p0 $0x1;
	_ =	sdelay $0x1  }
0xac: {  	s6 =	simm.s32 @p0 $0x1B8D  }
0xad: {  	_ =	swait.eq @p0 [sflag:s6], $0x1  }
0xae: {  	[sflag:s6] =	ssyncadd.s32 @p0 $0xFFFFFFFF  }
0xaf: {  	s7 =	sshll.u32 @!p0 s1, $0xE  }
0xb0: {  	s7 =	sor.u32 @!p0 $0x4000, s7;
	s6 =	simm.s32 @!p0 $0x1B8D  }
0xb1: {  	s5 =	sshll.u32 @!p0 s5, $0x11;
	s7 =	sadd.s32 @!p0 $0x11B8D, s7;
	_ =	swait.eq @!p0 [sflag:s6], $0x1  }
0xb2: {  	s5 =	sor.u32 @!p0 s5, s7;
	[sflag:s6] =	ssyncadd.s32 @!p0 $0xFFFFFFFF  }
0xb3: {  	s25 =	simm.s32 $0x1B8E;
	s24 =	sld [smem:$0x3FFE];
	[sflag:s5] =	ssyncadd.remote.s32 @!p0 $0x1  }
0xb4: {  	s26 =	simm.s32 $execute0_lowered;
	[smem:$0x3FD2] =	sst s25  }
0xb5: {  	s6 =	sshll.u32 s26, $0x1;
	_ =	strace $0x8000004C;
	[dreg:$0x1] =	wrdreg $0xFFFFFFFF  }
0xb6: {  	s28 =	simm.s32 $_size_execute0_lowered;
	s4 =	sadd.s32 s4, s6;
	[dreg:$0x0] =	wrdreg $0x0  }
0xb7: {  	s6 =	sshll.u32 s28, $0x1;
	[dreg:$0x2] =	wrdreg s4  }
0xb8: {  	[dreg:$0x3] =	wrdreg s6  }
0xb9: {  	[dreg:$0x4] =	wrdreg $0xC0  }
0xba: {  	_ =	task [dreg:s22], $0x5FFFF  }
0xbb: {  	[dreg:$0x1] =	wrdreg $0xFFFFFFFF  }
0xbc: {  	[dreg:$0x0] =	wrdreg $0x60  }
0xbd: {  	[dreg:$0x2] =	wrdreg s18  }
0xbe: {  	[dreg:$0x3] =	wrdreg s24  }
0xbf: {  	[dreg:$0x4] =	wrdreg $0x9  }
0xc0: {  	_ =	task.clear_ibuf [dreg:s22], $0x5FFFF;
	_ =	strace $0x9000004C  }
0xc1: {  	s29 =	simm.s32 $0x9;
	_ =	strace $0x8000004E  }
0xc2: {  	_ =	swait.ge [sflag:s29], $0x1  }
0xc3: {  	[sflag:s29] =	ssyncadd.s32 $0xFFFFFFFF  }
0xc4: {  	_ =	strace $0x9000004E  }
0xc5: {  	_ =	sfence  }
0xc6: {  	s30 =	sld [smem:$0x0];
	_ =	sdelay $0x2  }
0xc7: {  	s31 =	sshll.u32 s1, $0xD;
	s1 =	sshrl.u32 s1, $0x2  }
0xc8: {  	s4 =	sand.u32 $0x4000, s31;
	s1 =	sadd.s32 s1, s30  }
0xc9: {  	s0 =	sor.u32 s4, s0;
	s1 =	sshll.u32 s1, $0x11  }
0xca: {  	s0 =	sor.u32 s1, s0  }
0xcb: {  	s0 =	sadd.s32 $0x8F2B, s0  }
0xcc: {  	[sflag:s0] =	ssyncadd.remote.s32 $0x1  }
0xcd: {  	_ =	sfence.sel $0xFFFF  }
0xce: {  	[dreg:$0x0] =	wrdreg $0xFFFFFFFF;
	(pc) =	sbr.abs _section_cstart, $3  }
0xcf: {  	[dreg:$0x1] =	wrdreg $0xFFFFFFFF  }
0xd0: {  	_ =	task.clear_ibuf [dreg:s22], $0x2FFFF;
	_ =	strace $0x9FFFFFFF  }
0xd1: {  	(tm) =	ssettm $0x7FFFFFFF  }
tec
execute0_lowered:
.L_overlay_start_1:
0x0: {  	(tag) =	ssettag $0x1  }
0x1: {  	s2 =	rddreg [dreg:$0x0]  }
0x2: {  	s4 =	rddreg [dreg:$0x1]  }
0x3: {  	s0 =	rddreg [dreg:$0x2];
	s1 =	stileid.u32  }
0x4: {  	s5 =	srdreg.scid;
	s3 =	simm.s32 $0x0;
	s6 =	smul.u32 $0xA00, s1  }
0x5: {  	s10 =	simm.s32 $0x0;
	s5 =	sand.u32 $0x1, s5;
	s8 =	smul.u32 $0xA000, s1  }
0x6: {  	[smem:$0x7FF] =	sst s3;
	s7 =	smul.u32 $0x500, s5;
	s9 =	ssub.s32 $0x2, s5  }
0x7: {  	_ =	strace $0x8000004D;
	s5 =	smul.u32 $0x5000, s5;
	s31 =	sshrl.u32 s9, $0x1  }
0x8: {  	s8 =	sadd.s32 s8, s4;
	s6 =	sadd.s32 s7, s6;
	s7 =	ssub.s32 s9, s31  }
0x9: {  	s5 =	sadd.s32 s5, s8;
	s8 =	simm.s32 $0x80;
	s6 =	sshrl.u32 s6, $0x3  }
0xa: {  	s9 =	simm.s32 $0x1;
	s5 =	sadd.s32 $0x155600, s5;
	s6 =	sadd.s32 s6, s4  }
0xb: {  	s4 =	smax.u32 s7, $0x1;
	s7 =	simm.s32 $0x2;
	s6 =	sadd.s32 $0xB1A00, s6  }
.LBB2_1:
0xc: {  	s11 =	sadd.s32 $0x0, s6  }
0xd: {  	[tilespmem:s3], [sflag:$0x2] =	stream.linear.gather [hbm4b:s11+s3], $0x80, $0x38;
	[tilespmem:$0x4080] =	vst v63  }
0xe: {  	_ =	swait.ge [sflag:s7], $0x80  }
0xf: {  	[sflag:s7] =	ssyncset.done $0x0  }
0x10: {  	[sflag:s7] =	ssyncadd.s32 $0xFFFFFF80  }
0x11: {  	[tilespmem:s8], [sflag:$0x1] =	stream.indirect.gather [hbm4b:s2+s8], $0x80, s3, s8, $0xb8;
	[tilespmem:$0x4080] =	vst v63  }
0x12: {  	_ =	swait.ge [sflag:s9], $0x4000  }
0x13: {  	[sflag:s9] =	ssyncset.done $0x0  }
0x14: {  	[sflag:s9] =	ssyncadd.s32 $0xFFFFC000  }
0x15: {  	[hbm4b:s5+s3] =	stream.linear.scatter [tilespmem:s8], [sflag:$0x2], $0x4000, $0x38;
	[tilespmem:$0x4080] =	vst v63  }
0x16: {  	s12 =	simm.s32 $0x10;
	_ =	swait.ge [sflag:s7], $0x4000  }
0x17: {  	s13 =	simm.s32 $0x20;
	s11 =	sadd.s32 $0x800, s5;
	[sflag:s7] =	ssyncset.done $0x0  }
.LBB2_2:
0x18: {  	s14 =	sadd.s32 s12, s6  }
0x19: {  	[sflag:s7] =	ssyncadd.s32 $0xFFFFC000;
	s12 =	smov.u32 s13;
	s15 =	sadd.s32 $0x10, s13  }
0x1a: {  	[tilespmem:s3], [sflag:$0x2] =	stream.linear.gather [hbm4b:s14+s3], $0x80, $0x38;
	[tilespmem:$0x4080] =	vst v63  }
0x1b: {  	p0 =	sne.s32 s13, $0x90;
	_ =	swait.ge [sflag:s7], $0x80  }
0x1c: {  	[sflag:s7] =	ssyncset.done $0x0  }
0x1d: {  	[sflag:s7] =	ssyncadd.s32 $0xFFFFFF80  }
0x1e: {  	[tilespmem:s8], [sflag:$0x1] =	stream.indirect.gather [hbm4b:s2+s8], $0x80, s3, s8, $0xb8;
	[tilespmem:$0x4080] =	vst v63  }
0x1f: {  	_ =	swait.ge [sflag:s9], $0x4000  }
.Ltmp0:
0x20: {  	[sflag:s9] =	ssyncset.done $0x0;
	(pc) =	sbr.rel @p0 .LBB2_2-.Ltmp0, $4  }
0x21: {  	[sflag:s9] =	ssyncadd.s32 $0xFFFFC000  }
0x22: {  	[hbm4b:s11+s3] =	stream.linear.scatter [tilespmem:s8], [sflag:$0x2], $0x4000, $0x38;
	[tilespmem:$0x4080] =	vst v63  }
0x23: {  	_ =	swait.ge [sflag:s7], $0x4000  }
0x24: {  	s13 =	smov.u32 s15;
	s11 =	sadd.s32 $0x800, s11;
	[sflag:s7] =	ssyncset.done $0x0  }
0x25: {  	s12 =	sadd.s32 s12, s6;
	[sflag:s7] =	ssyncadd.s32 $0xFFFFC000  }
0x26: {  	[tilespmem:s3], [sflag:$0x2] =	stream.linear.gather [hbm4b:s12+s3], $0x80, $0x38;
	[tilespmem:$0x4080] =	vst v63  }
0x27: {  	_ =	swait.ge [sflag:s7], $0x80  }
0x28: {  	[sflag:s7] =	ssyncset.done $0x0  }
0x29: {  	[sflag:s7] =	ssyncadd.s32 $0xFFFFFF80  }
0x2a: {  	[tilespmem:s8], [sflag:$0x1] =	stream.indirect.gather [hbm4b:s2+s8], $0x80, s3, s8, $0xb8;
	[tilespmem:$0x4080] =	vst v63  }
0x2b: {  	s10 =	sadd.s32 $0x1, s10;
	_ =	swait.ge [sflag:s9], $0x4000  }
0x2c: {  	p0 =	sne.s32 s10, s4;
	[sflag:s9] =	ssyncset.done $0x0  }
.Ltmp1:
0x2d: {  	[sflag:s9] =	ssyncadd.s32 $0xFFFFC000;
	(pc) =	sbr.rel @p0 .LBB2_1-.Ltmp1, $4  }
0x2e: {  	[hbm4b:s11+s3] =	stream.linear.scatter [tilespmem:s8], [sflag:$0x2], $0x4000, $0x38;
	[tilespmem:$0x4080] =	vst v63  }
0x2f: {  	_ =	swait.ge [sflag:s7], $0x4000  }
0x30: {  	[sflag:s7] =	ssyncset.done $0x0  }
0x31: {  	[sflag:s7] =	ssyncadd.s32 $0xFFFFC000  }
0x32: {  	_ =	sfence.sel $0x180000  }
0x33: {  	[bflag:$0x0] =	sbarrier.arrive $0xFFFF  }
0x34: {  	p0 =	sne.s32 s1, $0x0;
	_ =	strace $0x9000004D  }
0x35: {  	s0 =	sadd.s32 @!p0 $0x100000, s0;
	[bflag:$0x2] =	sbarrier.arrive $0xFFFF  }
0x36: {  	[sflag:s0] =	ssyncadd.tile.s32 @!p0 $0x1;
	_ =	shalt  }
.Lfunc_end2:
_tile_overlayer_lowered:
.L_overlay_start_2:
0x37: {  	(tag) =	ssettag $0x2  }
0x38: {  	s0 =	rddreg [dreg:$0x0];
	s2 =	stileid.u32  }
0x39: {  	s1 =	rddreg [dreg:$0x1];
	p0 =	sne.s32 s2, $0x0  }
0x3a: {  	s3 =	rddreg [dreg:$0x2];
	[bflag:$0x3] =	sbarrier.arrive $0xFFFF;
	s2 =	simm.s32 @!p0 $0x1C02  }
0x3b: {  	[timem:s3], [sflag:s2] =	dma.local @!p0 [hbm:s0], s1  }
0x3c: {  	s0 =	simm.s32 @!p0 $0x2  }
0x3d: {  	_ =	swait.ge @!p0 [sflag:s0], s1  }
0x3e: {  	s1 =	ssub.s32 @!p0 $0x0, s1;
	[sflag:s0] =	ssyncset.done @!p0 $0x0  }
0x3f: {  	[sflag:s0] =	ssyncadd.s32 @!p0 s1  }
0x40: {  	[bflag:$0x3] =	sbarrier.arrive $0xFFFF  }
0x41: {  	_ =	shalt  }

// kernel: kernel.33.cloned.1.call-start
scs
__scs_entry_jumppad:
0x0: {  	(pc) =	sbr.rel $0x88, $3  }
0x1: {  	(tag) =	ssettag $0x0;
	lr =	simm.s32 $0x1  }
0x2: {  	[smem:$0x3F8D] =	sst lr;
	_ =	strace $0xD0000000  }
0x3: {  	_ = 	snop  }
0x4: {  	_ = 	snop  }
0x5: {  	_ = 	snop  }
0x6: {  	_ = 	snop  }
0x7: {  	_ = 	snop  }
__scs_overlays_trampoline_lowered:
0x8: {  	[smem:$0x3F9C] =	sst s0  }
0x9: {  	[smem:$0x3F9D] =	sst s1  }
0xa: {  	[smem:$0x3F9E] =	sst s2  }
0xb: {  	[smem:$0x3F9F] =	sst s3  }
0xc: {  	[smem:$0x3FA0] =	sst s4  }
0xd: {  	[smem:$0x3FA1] =	sst s5  }
0xe: {  	[smem:$0x3FA2] =	sst s6  }
0xf: {  	[smem:$0x3FA3] =	sst s7  }
0x10: {  	[smem:$0x3FA4] =	sst s8  }
0x11: {  	[smem:$0x3FA5] =	sst s9;
	s0 =	simm.s32 @!p0 $0x0  }
0x12: {  	s1 =	sld [smem:$0x3F8B];
	s0 =	simm.s32 @p0 $0x1  }
0x13: {  	[smem:$0x3FA6] =	sst s0;
	s0 =	simm.s32 @!p1 $0x0  }
0x14: {  	s2 =	sld [smem:$0x3F8A];
	s0 =	simm.s32 @p1 $0x1  }
0x15: {  	[smem:$0x3FA7] =	sst s0;
	s0 =	simm.s32 @!p2 $0x0  }
0x16: {  	s3 =	sld [smem:$0x3FDB];
	s0 =	simm.s32 @p2 $0x1  }
0x17: {  	s4 =	simm.s32 $0x1BF5;
	[smem:$0x3FA9] =	sst s0  }
0x18: {  	s0 =	sld [smem:$0x3F8C];
	_ =	swait.ge [sflag:s4], $0x0  }
0x19: {  	s7 =	sld [smem:$0x3F8D]  }
0x1a: {  	s8 =	sadd.s32 $0xFFFFE003, lr  }
0x1b: {  	s9 =	sadd.s32 $0xFFFFFEF7, lr;
	s5 =	simm.s32 $0xFFFFFFFF;
	p2 =	slt.u32 s8, $0xFFFFF086  }
0x1c: {  	p1 =	slt.u32 s9, $0xF7A;
	s5 =	simm.s32 @!p2 $0x0  }
0x1d: {  	s5 =	simm.s32 @p1 $0x1;
	p0 =	seq.s32 s7, s2  }
0x1e: {  	s7 =	smul.u32 @!p0 $0xF7A, s2;
	p2 =	seq.s32 @!p0 s5, $0x0  }
0x1f: {  	s9 =	smul.u32 $0xF7A, s1;
	s8 =	simm.s32 @!p0 $0x1BF5;
	p2 =	por !p2, p0  }
0x20: {  	[sflag:s8] =	ssyncset.s32 @!p0 $0xFFFFF086;
	s6 =	sadd.s32 @!p0 s3, s7;
	s7 =	simm.s32 @!p0 $0x108  }
0x21: {  	s3 =	sadd.s32 s3, s9;
	s6 =	sadd.s32 @!p0 $0x88, s6;
	s7 =	simm.s32 @p2 $0x1082  }
0x22: {  	[simem:s7], [sflag:s8] =	dma.local @!p0 [hbm:s6], $0xF7A  }
0x23: {  	s9 =	sor.u32 $0xD0000000, s2;
	s6 =	simm.s32 $0x108;
	_ =	swait.ge @!p0 [sflag:s8], $0x0  }
0x24: {  	s3 =	sadd.s32 $0x88, s3;
	s6 =	simm.s32 @!p1 $0x1082;
	[sflag:s4] =	ssyncset.s32 $0xFFFFF086  }
0x25: {  	[simem:s6], [sflag:s4] =	dma.local [hbm:s3], $0xF7A  }
0x26: {  	[smem:$0x3F8D] =	sst s1;
	(tag) =	ssettag s2;
	_ =	strace s9  }
0x27: {  	s1 =	sld [smem:$0x3F9D]  }
0x28: {  	s2 =	sld [smem:$0x3F9E]  }
0x29: {  	s4 =	sld [smem:$0x3FA0]  }
0x2a: {  	p0 =	seq.s32 s5, $0x0;
	s5 =	sld [smem:$0x3FA1]  }
0x2b: {  	s6 =	sld [smem:$0x3FA2]  }
0x2c: {  	s7 =	sld [smem:$0x3FA3]  }
0x2d: {  	s3 =	simm.s32 $0x108;
	s8 =	sld [smem:$0x3FA4]  }
0x2e: {  	s3 =	simm.s32 @!p0 $0x1082;
	s9 =	sld [smem:$0x3FA5]  }
0x2f: {  	lr =	sadd.s32 s0, s3;
	s0 =	sld [smem:$0x3F9C]  }
0x30: {  	s3 =	sld [smem:$0x3F9F]  }
0x31: {  	[smem:$0x3FA8] =	sst s10  }
0x32: {  	s10 =	sld [smem:$0x3FA6];
	_ =	sdelay $0x3  }
0x33: {  	p0 =	seq.s32 s10, $0x1;
	s10 =	sld [smem:$0x3FA8];
	_ =	sdelay $0x3  }
0x34: {  	[smem:$0x3FA8] =	sst s10  }
0x35: {  	s10 =	sld [smem:$0x3FA7];
	_ =	sdelay $0x3  }
0x36: {  	p1 =	seq.s32 s10, $0x1;
	s10 =	sld [smem:$0x3FA8];
	_ =	sdelay $0x3  }
0x37: {  	[smem:$0x3FA8] =	sst s10  }
0x38: {  	s10 =	sld [smem:$0x3FA9]  }
0x39: {  	_ = 	snop;
	(pc) =	sbr.ind lr, $3  }
0x3a: {  	_ = 	snop  }
0x3b: {  	_ = 	snop  }
0x3c: {  	p2 =	seq.s32 s10, $0x1;
	s10 =	sld [smem:$0x3FA8]  }
0x3d: {  	_ =	shalt  }
0x3e: {  	_ =	shalt  }
0x3f: {  	_ =	shalt  }
0x40: {  	_ =	shalt  }
0x41: {  	_ =	shalt  }
0x42: {  	_ =	shalt  }
0x43: {  	_ =	shalt  }
0x44: {  	_ =	shalt  }
0x45: {  	_ =	shalt  }
0x46: {  	_ =	shalt  }
0x47: {  	_ =	shalt  }
0x48: {  	_ =	shalt  }
0x49: {  	_ =	shalt  }
0x4a: {  	_ =	shalt  }
0x4b: {  	_ =	shalt  }
0x4c: {  	_ =	shalt  }
0x4d: {  	_ =	shalt  }
0x4e: {  	_ =	shalt  }
0x4f: {  	_ =	shalt  }
0x50: {  	_ =	shalt  }
0x51: {  	_ =	shalt  }
0x52: {  	_ =	shalt  }
0x53: {  	_ =	shalt  }
0x54: {  	_ =	shalt  }
0x55: {  	_ =	shalt  }
0x56: {  	_ =	shalt  }
0x57: {  	_ =	shalt  }
0x58: {  	_ =	shalt  }
0x59: {  	_ =	shalt  }
0x5a: {  	_ =	shalt  }
0x5b: {  	_ =	shalt  }
0x5c: {  	_ =	shalt  }
0x5d: {  	_ =	shalt  }
0x5e: {  	_ =	shalt  }
0x5f: {  	_ =	shalt  }
0x60: {  	_ =	shalt  }
0x61: {  	_ =	shalt  }
0x62: {  	_ =	shalt  }
0x63: {  	_ =	shalt  }
0x64: {  	_ =	shalt  }
0x65: {  	_ =	shalt  }
0x66: {  	_ =	shalt  }
0x67: {  	_ =	shalt  }
0x68: {  	_ =	shalt  }
0x69: {  	_ =	shalt  }
0x6a: {  	_ =	shalt  }
0x6b: {  	_ =	shalt  }
0x6c: {  	_ =	shalt  }
0x6d: {  	_ =	shalt  }
0x6e: {  	_ =	shalt  }
0x6f: {  	_ =	shalt  }
0x70: {  	_ =	shalt  }
0x71: {  	_ =	shalt  }
0x72: {  	_ =	shalt  }
0x73: {  	_ =	shalt  }
0x74: {  	_ =	shalt  }
0x75: {  	_ =	shalt  }
0x76: {  	_ =	shalt  }
0x77: {  	_ =	shalt  }
0x78: {  	_ =	shalt  }
0x79: {  	_ =	shalt  }
0x7a: {  	_ =	shalt  }
0x7b: {  	_ =	shalt  }
0x7c: {  	_ =	shalt  }
0x7d: {  	_ =	shalt  }
0x7e: {  	_ =	shalt  }
0x7f: {  	_ =	shalt  }
0x80: {  	_ =	shalt  }
0x81: {  	_ =	shalt  }
0x82: {  	_ =	shalt  }
0x83: {  	_ =	shalt  }
0x84: {  	_ =	shalt  }
0x85: {  	_ =	shalt  }
0x86: {  	_ =	shalt  }
0x87: {  	_ =	shalt  }
.Lfunc_end0:
.L_simem_size_0:
called_computation.3_lowered:
.L_overlay_start_0:
0x88: {  	s2 =	sld [smem:$0x3FD9]  }
0x89: {  	s3 =	sld [smem:$0x3FFE];
	_ =	sdelay $0x1  }
0x8a: {  	s1 =	srdreg.scid  }
0x8b: {  	s0 =	sand.u32 $0x1, s1  }
0x8c: {  	s17 =	sshll.u32 s0, $0xA;
	s2 =	sadd.s32 s3, s2  }
0x8d: {  	s2 =	sadd.s32 s2, s17  }
0x8e: {  	[smem:$0x3FB4] =	sst s2  }
0x8f: {  	_ = 	snop  }
0x90: {  	s18 =	sld [smem:$0x3FC9];
	(tm) =	ssettm $0x1  }
0x91: {  	s19 =	sld [smem:$0x3FFB];
	_ =	sdelay $0x3  }
0x92: {  	_ =	strace s19  }
0x93: {  	s2 =	sld [smem:$0x3FFC];
	_ =	sdelay $0x3  }
0x94: {  	_ =	strace s2  }
0x95: {  	s2 =	sld [smem:$0x3FFD];
	_ =	sdelay $0x3  }
0x96: {  	_ =	strace s2  }
0x97: {  	_ =	strace $0x8FFFFFFF  }
0x98: {  	s20 =	sld [smem:$0x3FDB];
	_ =	sdelay $0x1  }
0x99: {  	s4 =	simm.s32 $_scs_section_size  }
0x9a: {  	s5 =	simm.s32 $_size__tile_overlayer_lowered;
	s6 =	simm.s32 $_tile_overlayer_lowered  }
0x9b: {  	s7 =	simm.s32 $0x1BFF;
	s21 =	sshll.u32 s6, $0x1;
	s4 =	sadd.s32 s4, s20  }
0x9c: {  	s22 =	simm.s32 $0x0;
	s5 =	sshll.u32 s5, $0x1;
	s6 =	sadd.s32 s21, s4  }
0x9d: {  	[timem:s22], [sflag:s7] =	dma.local [hbm:s6], s5  }
0x9e: {  	_ =	swait.ge [sflag:s7], s5  }
0x9f: {  	s5 =	ssub.s32 $0x0, s5;
	[sflag:s7] =	ssyncset.done $0x0  }
0xa0: {  	[sflag:s7] =	ssyncadd.s32 s5;
	_ =	sdelay $0x1  }
0xa1: {  	s23 =	simm.s32 $0x1B8B  }
0xa2: {  	_ =	swait.ge [sflag:s23], $0x1  }
0xa3: {  	[sflag:s23] =	ssyncset.done $0x0  }
0xa4: {  	[sflag:s23] =	ssyncadd.s32 $0xFFFFFFFF  }
0xa5: {  	s5 =	sld [smem:$0x0]  }
0xa6: {  	s6 =	sand.u32 $0xFFFFFFFE, s1  }
0xa7: {  	p0 =	sne.s32 s1, s6  }
0xa8: {  	s6 =	sshll.u32 @p0 s6, $0xE  }
0xa9: {  	s6 =	sadd.s32 @p0 $0x11B8D, s6;
	s7 =	sshll.u32 @p0 s5, $0x11  }
0xaa: {  	s6 =	sor.u32 @p0 s7, s6  }
0xab: {  	[sflag:s6] =	ssyncadd.remote.s32 @p0 $0x1;
	_ =	sdelay $0x1  }
0xac: {  	s6 =	simm.s32 @p0 $0x1B8D  }
0xad: {  	_ =	swait.eq @p0 [sflag:s6], $0x1  }
0xae: {  	[sflag:s6] =	ssyncadd.s32 @p0 $0xFFFFFFFF  }
0xaf: {  	s7 =	sshll.u32 @!p0 s1, $0xE  }
0xb0: {  	s7 =	sor.u32 @!p0 $0x4000, s7;
	s6 =	simm.s32 @!p0 $0x1B8D  }
0xb1: {  	s5 =	sshll.u32 @!p0 s5, $0x11;
	s7 =	sadd.s32 @!p0 $0x11B8D, s7;
	_ =	swait.eq @!p0 [sflag:s6], $0x1  }
0xb2: {  	s5 =	sor.u32 @!p0 s5, s7;
	[sflag:s6] =	ssyncadd.s32 @!p0 $0xFFFFFFFF  }
0xb3: {  	s25 =	simm.s32 $0x1B8E;
	s24 =	sld [smem:$0x3FFE];
	[sflag:s5] =	ssyncadd.remote.s32 @!p0 $0x1  }
0xb4: {  	s26 =	simm.s32 $execute0_lowered;
	[smem:$0x3FD2] =	sst s25  }
0xb5: {  	s6 =	sshll.u32 s26, $0x1;
	_ =	strace $0x8000004F;
	[dreg:$0x1] =	wrdreg $0xFFFFFFFF  }
0xb6: {  	s28 =	simm.s32 $_size_execute0_lowered;
	s4 =	sadd.s32 s4, s6;
	[dreg:$0x0] =	wrdreg $0x0  }
0xb7: {  	s6 =	sshll.u32 s28, $0x1;
	[dreg:$0x2] =	wrdreg s4  }
0xb8: {  	[dreg:$0x3] =	wrdreg s6  }
0xb9: {  	[dreg:$0x4] =	wrdreg $0xC0  }
0xba: {  	_ =	task [dreg:s22], $0x5FFFF  }
0xbb: {  	[dreg:$0x1] =	wrdreg $0xFFFFFFFF  }
0xbc: {  	[dreg:$0x0] =	wrdreg $0x60  }
0xbd: {  	[dreg:$0x2] =	wrdreg s18  }
0xbe: {  	[dreg:$0x3] =	wrdreg s24  }
0xbf: {  	[dreg:$0x4] =	wrdreg $0xA  }
0xc0: {  	_ =	task.clear_ibuf [dreg:s22], $0x5FFFF;
	_ =	strace $0x9000004F  }
0xc1: {  	s29 =	simm.s32 $0xA;
	_ =	strace $0x80000051  }
0xc2: {  	_ =	swait.ge [sflag:s29], $0x1  }
0xc3: {  	[sflag:s29] =	ssyncadd.s32 $0xFFFFFFFF  }
0xc4: {  	_ =	strace $0x90000051  }
0xc5: {  	_ =	sfence  }
0xc6: {  	s30 =	sld [smem:$0x0];
	_ =	sdelay $0x2  }
0xc7: {  	s31 =	sshll.u32 s1, $0xD;
	s1 =	sshrl.u32 s1, $0x2  }
0xc8: {  	s4 =	sand.u32 $0x4000, s31;
	s1 =	sadd.s32 s1, s30  }
0xc9: {  	s0 =	sor.u32 s4, s0;
	s1 =	sshll.u32 s1, $0x11  }
0xca: {  	s0 =	sor.u32 s1, s0  }
0xcb: {  	s0 =	sadd.s32 $0x8F2B, s0  }
0xcc: {  	[sflag:s0] =	ssyncadd.remote.s32 $0x1  }
0xcd: {  	_ =	sfence.sel $0xFFFF  }
0xce: {  	[dreg:$0x0] =	wrdreg $0xFFFFFFFF;
	(pc) =	sbr.abs _section_cstart, $3  }
0xcf: {  	[dreg:$0x1] =	wrdreg $0xFFFFFFFF  }
0xd0: {  	_ =	task.clear_ibuf [dreg:s22], $0x2FFFF;
	_ =	strace $0x9FFFFFFF  }
0xd1: {  	(tm) =	ssettm $0x7FFFFFFF  }
tec
execute0_lowered:
.L_overlay_start_1:
0x0: {  	(tag) =	ssettag $0x1  }
0x1: {  	s2 =	rddreg [dreg:$0x0]  }
0x2: {  	s4 =	rddreg [dreg:$0x1]  }
0x3: {  	s0 =	rddreg [dreg:$0x2]  }
0x4: {  	s5 =	srdreg.scid;
	s1 =	stileid.u32;
	s3 =	simm.s32 $0x0  }
0x5: {  	s6 =	sand.u32 $0x1, s5;
	s29 =	sshll.u32 s1, $0x1;
	s11 =	smul.u32 $0x910, s1  }
0x6: {  	[smem:$0x7FF] =	sst s3;
	s8 =	sadd.s32 $0x1F5600, s4;
	s12 =	smul.u32 $0x9100, s1  }
0x7: {  	s5 =	sor.u32 s6, s29;
	s30 =	ssub.s32 $0x2, s6;
	s31 =	smul.u32 $0x488, s6  }
0x8: {  	s7 =	sadd.s32 $0x1F6A00, s4;
	s5 =	smul.u32 $0x488, s5;
	s9 =	sshrl.u32 s30, $0x1  }
0x9: {  	_ =	strace $0x80000050;
	s13 =	smul.u32 $0x4880, s6;
	s4 =	ssub.s32 s30, s9  }
0xa: {  	s9 =	sadd.s32 s31, s11;
	s11 =	simm.s32 $0x1;
	s10 =	sadd.s32 $0x408, s5  }
0xb: {  	s4 =	smax.u32 s4, $0x1;
	s5 =	sshrl.u32 s10, $0x3;
	s10 =	sshll.u32 s10, $0x4  }
0xc: {  	s9 =	sshrl.u32 s9, $0x3;
	s5 =	sadd.s32 s8, s5;
	s6 =	sadd.s32 s7, s10  }
0xd: {  	s7 =	sadd.s32 s12, s7;
	s8 =	sadd.s32 s9, s8;
	s9 =	simm.s32 $0x2  }
0xe: {  	s10 =	simm.s32 $0x80;
	s12 =	simm.s32 $0x0;
	s7 =	sadd.s32 s13, s7  }
.LBB2_1:
0xf: {  	s13 =	sadd.s32 $0x0, s8  }
0x10: {  	[tilespmem:s3], [sflag:$0x2] =	stream.linear.gather [hbm4b:s13+s3], $0x80, $0x38;
	[tilespmem:$0x4080] =	vst v63  }
0x11: {  	_ =	swait.ge [sflag:s9], $0x80  }
0x12: {  	[sflag:s9] =	ssyncset.done $0x0  }
0x13: {  	[sflag:s9] =	ssyncadd.s32 $0xFFFFFF80  }
0x14: {  	[tilespmem:s10], [sflag:$0x1] =	stream.indirect.gather [hbm4b:s2+s10], $0x80, s3, s10, $0xb8;
	[tilespmem:$0x4080] =	vst v63  }
0x15: {  	_ =	swait.ge [sflag:s11], $0x4000  }
0x16: {  	[sflag:s11] =	ssyncset.done $0x0  }
0x17: {  	[sflag:s11] =	ssyncadd.s32 $0xFFFFC000  }
0x18: {  	[hbm4b:s7+s3] =	stream.linear.scatter [tilespmem:s10], [sflag:$0x2], $0x4000, $0x38;
	[tilespmem:$0x4080] =	vst v63  }
0x19: {  	s14 =	simm.s32 $0x10;
	_ =	swait.ge [sflag:s9], $0x4000  }
0x1a: {  	s15 =	simm.s32 $0x20;
	s13 =	sadd.s32 $0x800, s7;
	[sflag:s9] =	ssyncset.done $0x0  }
.LBB2_2:
0x1b: {  	s16 =	sadd.s32 s14, s8  }
0x1c: {  	[sflag:s9] =	ssyncadd.s32 $0xFFFFC000;
	s14 =	smov.u32 s15;
	s17 =	sadd.s32 $0x10, s15  }
0x1d: {  	[tilespmem:s3], [sflag:$0x2] =	stream.linear.gather [hbm4b:s16+s3], $0x80, $0x38;
	[tilespmem:$0x4080] =	vst v63  }
0x1e: {  	p0 =	sne.s32 s15, $0x80;
	_ =	swait.ge [sflag:s9], $0x80  }
0x1f: {  	[sflag:s9] =	ssyncset.done $0x0  }
0x20: {  	[sflag:s9] =	ssyncadd.s32 $0xFFFFFF80  }
0x21: {  	[tilespmem:s10], [sflag:$0x1] =	stream.indirect.gather [hbm4b:s2+s10], $0x80, s3, s10, $0xb8;
	[tilespmem:$0x4080] =	vst v63  }
0x22: {  	_ =	swait.ge [sflag:s11], $0x4000  }
.Ltmp0:
0x23: {  	[sflag:s11] =	ssyncset.done $0x0;
	(pc) =	sbr.rel @p0 .LBB2_2-.Ltmp0, $4  }
0x24: {  	[sflag:s11] =	ssyncadd.s32 $0xFFFFC000  }
0x25: {  	[hbm4b:s13+s3] =	stream.linear.scatter [tilespmem:s10], [sflag:$0x2], $0x4000, $0x38;
	[tilespmem:$0x4080] =	vst v63  }
0x26: {  	_ =	swait.ge [sflag:s9], $0x4000  }
0x27: {  	s15 =	smov.u32 s17;
	s13 =	sadd.s32 $0x800, s13;
	[sflag:s9] =	ssyncset.done $0x0  }
0x28: {  	s14 =	sadd.s32 s14, s8;
	[sflag:s9] =	ssyncadd.s32 $0xFFFFC000  }
0x29: {  	[tilespmem:s3], [sflag:$0x2] =	stream.linear.gather [hbm4b:s14+s3], $0x80, $0x38;
	[tilespmem:$0x4080] =	vst v63  }
0x2a: {  	_ =	swait.ge [sflag:s9], $0x80  }
0x2b: {  	[sflag:s9] =	ssyncset.done $0x0  }
0x2c: {  	[sflag:s9] =	ssyncadd.s32 $0xFFFFFF80  }
0x2d: {  	[tilespmem:s10], [sflag:$0x1] =	stream.indirect.gather [hbm4b:s2+s10], $0x80, s3, s10, $0xb8;
	[tilespmem:$0x4080] =	vst v63  }
0x2e: {  	_ =	swait.ge [sflag:s11], $0x4000  }
0x2f: {  	[sflag:s11] =	ssyncset.done $0x0  }
0x30: {  	[sflag:s11] =	ssyncadd.s32 $0xFFFFC000  }
0x31: {  	[hbm4b:s13+s3] =	stream.linear.scatter [tilespmem:s10], [sflag:$0x2], $0x4000, $0x38;
	[tilespmem:$0x4080] =	vst v63  }
0x32: {  	_ =	swait.ge [sflag:s9], $0x4000  }
0x33: {  	[sflag:s9] =	ssyncset.done $0x0  }
0x34: {  	[sflag:s9] =	ssyncadd.s32 $0xFFFFC000  }
0x35: {  	[tilespmem:s3], [sflag:$0x2] =	stream.linear.gather [hbm4b:s5+s3], $0x80, $0x38;
	[tilespmem:$0x4080] =	vst v63  }
0x36: {  	_ =	swait.ge [sflag:s9], $0x80  }
0x37: {  	[sflag:s9] =	ssyncset.done $0x0  }
0x38: {  	[sflag:s9] =	ssyncadd.s32 $0xFFFFFF80  }
0x39: {  	[tilespmem:s10], [sflag:$0x1] =	stream.indirect.gather [hbm4b:s2+s10], $0x80, s3, s10, $0xb8;
	[tilespmem:$0x4080] =	vst v63  }
0x3a: {  	s12 =	sadd.s32 $0x1, s12;
	_ =	swait.ge [sflag:s11], $0x4000  }
0x3b: {  	p0 =	sne.s32 s12, s4;
	[sflag:s11] =	ssyncset.done $0x0  }
.Ltmp1:
0x3c: {  	[sflag:s11] =	ssyncadd.s32 $0xFFFFC000;
	(pc) =	sbr.rel @p0 .LBB2_1-.Ltmp1, $4  }
0x3d: {  	[hbm4b:s6+s3] =	stream.linear.scatter [tilespmem:s10], [sflag:$0x2], $0x4000, $0x38;
	[tilespmem:$0x4080] =	vst v63  }
0x3e: {  	_ =	swait.ge [sflag:s9], $0x4000  }
0x3f: {  	[sflag:s9] =	ssyncset.done $0x0  }
0x40: {  	[sflag:s9] =	ssyncadd.s32 $0xFFFFC000  }
0x41: {  	_ =	sfence.sel $0x180000  }
0x42: {  	[bflag:$0x0] =	sbarrier.arrive $0xFFFF  }
0x43: {  	p0 =	sne.s32 s1, $0x0;
	_ =	strace $0x90000050  }
0x44: {  	s0 =	sadd.s32 @!p0 $0x100000, s0;
	[bflag:$0x2] =	sbarrier.arrive $0xFFFF  }
0x45: {  	[sflag:s0] =	ssyncadd.tile.s32 @!p0 $0x1;
	_ =	shalt  }
.Lfunc_end2:
_tile_overlayer_lowered:
.L_overlay_start_2:
0x46: {  	(tag) =	ssettag $0x2  }
0x47: {  	s0 =	rddreg [dreg:$0x0];
	s2 =	stileid.u32  }
0x48: {  	s1 =	rddreg [dreg:$0x1];
	p0 =	sne.s32 s2, $0x0  }
0x49: {  	s3 =	rddreg [dreg:$0x2];
	[bflag:$0x3] =	sbarrier.arrive $0xFFFF;
	s2 =	simm.s32 @!p0 $0x1C02  }
0x4a: {  	[timem:s3], [sflag:s2] =	dma.local @!p0 [hbm:s0], s1  }
0x4b: {  	s0 =	simm.s32 @!p0 $0x2  }
0x4c: {  	_ =	swait.ge @!p0 [sflag:s0], s1  }
0x4d: {  	s1 =	ssub.s32 @!p0 $0x0, s1;
	[sflag:s0] =	ssyncset.done @!p0 $0x0  }
0x4e: {  	[sflag:s0] =	ssyncadd.s32 @!p0 s1  }
0x4f: {  	[bflag:$0x3] =	sbarrier.arrive $0xFFFF  }
0x50: {  	_ =	shalt  }

// kernel: kernel.36.cloned.1.call-start
scs
__scs_entry_jumppad:
0x0: {  	(pc) =	sbr.rel $0x88, $3  }
0x1: {  	(tag) =	ssettag $0x0;
	lr =	simm.s32 $0x1  }
0x2: {  	[smem:$0x3F8D] =	sst lr;
	_ =	strace $0xD0000000  }
0x3: {  	_ = 	snop  }
0x4: {  	_ = 	snop  }
0x5: {  	_ = 	snop  }
0x6: {  	_ = 	snop  }
0x7: {  	_ = 	snop  }
__scs_overlays_trampoline_lowered:
0x8: {  	[smem:$0x3F9C] =	sst s0  }
0x9: {  	[smem:$0x3F9D] =	sst s1  }
0xa: {  	[smem:$0x3F9E] =	sst s2  }
0xb: {  	[smem:$0x3F9F] =	sst s3  }
0xc: {  	[smem:$0x3FA0] =	sst s4  }
0xd: {  	[smem:$0x3FA1] =	sst s5  }
0xe: {  	[smem:$0x3FA2] =	sst s6  }
0xf: {  	[smem:$0x3FA3] =	sst s7  }
0x10: {  	[smem:$0x3FA4] =	sst s8  }
0x11: {  	[smem:$0x3FA5] =	sst s9;
	s0 =	simm.s32 @!p0 $0x0  }
0x12: {  	s1 =	sld [smem:$0x3F8B];
	s0 =	simm.s32 @p0 $0x1  }
0x13: {  	[smem:$0x3FA6] =	sst s0;
	s0 =	simm.s32 @!p1 $0x0  }
0x14: {  	s2 =	sld [smem:$0x3F8A];
	s0 =	simm.s32 @p1 $0x1  }
0x15: {  	[smem:$0x3FA7] =	sst s0;
	s0 =	simm.s32 @!p2 $0x0  }
0x16: {  	s3 =	sld [smem:$0x3FDB];
	s0 =	simm.s32 @p2 $0x1  }
0x17: {  	s4 =	simm.s32 $0x1BF5;
	[smem:$0x3FA9] =	sst s0  }
0x18: {  	s0 =	sld [smem:$0x3F8C];
	_ =	swait.ge [sflag:s4], $0x0  }
0x19: {  	s7 =	sld [smem:$0x3F8D]  }
0x1a: {  	s8 =	sadd.s32 $0xFFFFE003, lr  }
0x1b: {  	s9 =	sadd.s32 $0xFFFFFEF7, lr;
	s5 =	simm.s32 $0xFFFFFFFF;
	p2 =	slt.u32 s8, $0xFFFFF086  }
0x1c: {  	p1 =	slt.u32 s9, $0xF7A;
	s5 =	simm.s32 @!p2 $0x0  }
0x1d: {  	s5 =	simm.s32 @p1 $0x1;
	p0 =	seq.s32 s7, s2  }
0x1e: {  	s7 =	smul.u32 @!p0 $0xF7A, s2;
	p2 =	seq.s32 @!p0 s5, $0x0  }
0x1f: {  	s9 =	smul.u32 $0xF7A, s1;
	s8 =	simm.s32 @!p0 $0x1BF5;
	p2 =	por !p2, p0  }
0x20: {  	[sflag:s8] =	ssyncset.s32 @!p0 $0xFFFFF086;
	s6 =	sadd.s32 @!p0 s3, s7;
	s7 =	simm.s32 @!p0 $0x108  }
0x21: {  	s3 =	sadd.s32 s3, s9;
	s6 =	sadd.s32 @!p0 $0x88, s6;
	s7 =	simm.s32 @p2 $0x1082  }
0x22: {  	[simem:s7], [sflag:s8] =	dma.local @!p0 [hbm:s6], $0xF7A  }
0x23: {  	s9 =	sor.u32 $0xD0000000, s2;
	s6 =	simm.s32 $0x108;
	_ =	swait.ge @!p0 [sflag:s8], $0x0  }
0x24: {  	s3 =	sadd.s32 $0x88, s3;
	s6 =	simm.s32 @!p1 $0x1082;
	[sflag:s4] =	ssyncset.s32 $0xFFFFF086  }
0x25: {  	[simem:s6], [sflag:s4] =	dma.local [hbm:s3], $0xF7A  }
0x26: {  	[smem:$0x3F8D] =	sst s1;
	(tag) =	ssettag s2;
	_ =	strace s9  }
0x27: {  	s1 =	sld [smem:$0x3F9D]  }
0x28: {  	s2 =	sld [smem:$0x3F9E]  }
0x29: {  	s4 =	sld [smem:$0x3FA0]  }
0x2a: {  	p0 =	seq.s32 s5, $0x0;
	s5 =	sld [smem:$0x3FA1]  }
0x2b: {  	s6 =	sld [smem:$0x3FA2]  }
0x2c: {  	s7 =	sld [smem:$0x3FA3]  }
0x2d: {  	s3 =	simm.s32 $0x108;
	s8 =	sld [smem:$0x3FA4]  }
0x2e: {  	s3 =	simm.s32 @!p0 $0x1082;
	s9 =	sld [smem:$0x3FA5]  }
0x2f: {  	lr =	sadd.s32 s0, s3;
	s0 =	sld [smem:$0x3F9C]  }
0x30: {  	s3 =	sld [smem:$0x3F9F]  }
0x31: {  	[smem:$0x3FA8] =	sst s10  }
0x32: {  	s10 =	sld [smem:$0x3FA6];
	_ =	sdelay $0x3  }
0x33: {  	p0 =	seq.s32 s10, $0x1;
	s10 =	sld [smem:$0x3FA8];
	_ =	sdelay $0x3  }
0x34: {  	[smem:$0x3FA8] =	sst s10  }
0x35: {  	s10 =	sld [smem:$0x3FA7];
	_ =	sdelay $0x3  }
0x36: {  	p1 =	seq.s32 s10, $0x1;
	s10 =	sld [smem:$0x3FA8];
	_ =	sdelay $0x3  }
0x37: {  	[smem:$0x3FA8] =	sst s10  }
0x38: {  	s10 =	sld [smem:$0x3FA9]  }
0x39: {  	_ = 	snop;
	(pc) =	sbr.ind lr, $3  }
0x3a: {  	_ = 	snop  }
0x3b: {  	_ = 	snop  }
0x3c: {  	p2 =	seq.s32 s10, $0x1;
	s10 =	sld [smem:$0x3FA8]  }
0x3d: {  	_ =	shalt  }
0x3e: {  	_ =	shalt  }
0x3f: {  	_ =	shalt  }
0x40: {  	_ =	shalt  }
0x41: {  	_ =	shalt  }
0x42: {  	_ =	shalt  }
0x43: {  	_ =	shalt  }
0x44: {  	_ =	shalt  }
0x45: {  	_ =	shalt  }
0x46: {  	_ =	shalt  }
0x47: {  	_ =	shalt  }
0x48: {  	_ =	shalt  }
0x49: {  	_ =	shalt  }
0x4a: {  	_ =	shalt  }
0x4b: {  	_ =	shalt  }
0x4c: {  	_ =	shalt  }
0x4d: {  	_ =	shalt  }
0x4e: {  	_ =	shalt  }
0x4f: {  	_ =	shalt  }
0x50: {  	_ =	shalt  }
0x51: {  	_ =	shalt  }
0x52: {  	_ =	shalt  }
0x53: {  	_ =	shalt  }
0x54: {  	_ =	shalt  }
0x55: {  	_ =	shalt  }
0x56: {  	_ =	shalt  }
0x57: {  	_ =	shalt  }
0x58: {  	_ =	shalt  }
0x59: {  	_ =	shalt  }
0x5a: {  	_ =	shalt  }
0x5b: {  	_ =	shalt  }
0x5c: {  	_ =	shalt  }
0x5d: {  	_ =	shalt  }
0x5e: {  	_ =	shalt  }
0x5f: {  	_ =	shalt  }
0x60: {  	_ =	shalt  }
0x61: {  	_ =	shalt  }
0x62: {  	_ =	shalt  }
0x63: {  	_ =	shalt  }
0x64: {  	_ =	shalt  }
0x65: {  	_ =	shalt  }
0x66: {  	_ =	shalt  }
0x67: {  	_ =	shalt  }
0x68: {  	_ =	shalt  }
0x69: {  	_ =	shalt  }
0x6a: {  	_ =	shalt  }
0x6b: {  	_ =	shalt  }
0x6c: {  	_ =	shalt  }
0x6d: {  	_ =	shalt  }
0x6e: {  	_ =	shalt  }
0x6f: {  	_ =	shalt  }
0x70: {  	_ =	shalt  }
0x71: {  	_ =	shalt  }
0x72: {  	_ =	shalt  }
0x73: {  	_ =	shalt  }
0x74: {  	_ =	shalt  }
0x75: {  	_ =	shalt  }
0x76: {  	_ =	shalt  }
0x77: {  	_ =	shalt  }
0x78: {  	_ =	shalt  }
0x79: {  	_ =	shalt  }
0x7a: {  	_ =	shalt  }
0x7b: {  	_ =	shalt  }
0x7c: {  	_ =	shalt  }
0x7d: {  	_ =	shalt  }
0x7e: {  	_ =	shalt  }
0x7f: {  	_ =	shalt  }
0x80: {  	_ =	shalt  }
0x81: {  	_ =	shalt  }
0x82: {  	_ =	shalt  }
0x83: {  	_ =	shalt  }
0x84: {  	_ =	shalt  }
0x85: {  	_ =	shalt  }
0x86: {  	_ =	shalt  }
0x87: {  	_ =	shalt  }
.Lfunc_end0:
.L_simem_size_0:
called_computation.4_lowered:
.L_overlay_start_0:
0x88: {  	s2 =	sld [smem:$0x3FD9]  }
0x89: {  	s3 =	sld [smem:$0x3FFE];
	_ =	sdelay $0x1  }
0x8a: {  	s1 =	srdreg.scid  }
0x8b: {  	s0 =	sand.u32 $0x1, s1  }
0x8c: {  	s17 =	sshll.u32 s0, $0xA;
	s2 =	sadd.s32 s3, s2  }
0x8d: {  	s2 =	sadd.s32 s2, s17  }
0x8e: {  	[smem:$0x3FB4] =	sst s2  }
0x8f: {  	_ = 	snop  }
0x90: {  	(tm) =	ssettm $0x1  }
0x91: {  	s18 =	sld [smem:$0x3FFB];
	_ =	sdelay $0x3  }
0x92: {  	_ =	strace s18  }
0x93: {  	s2 =	sld [smem:$0x3FFC];
	_ =	sdelay $0x3  }
0x94: {  	_ =	strace s2  }
0x95: {  	s2 =	sld [smem:$0x3FFD];
	_ =	sdelay $0x3  }
0x96: {  	_ =	strace s2  }
0x97: {  	_ =	strace $0x8FFFFFFF  }
0x98: {  	s19 =	sld [smem:$0x3FDB];
	_ =	sdelay $0x1  }
0x99: {  	s20 =	simm.s32 $_scs_section_size  }
0x9a: {  	s4 =	simm.s32 $_size__tile_overlayer_lowered;
	s5 =	simm.s32 $_tile_overlayer_lowered  }
0x9b: {  	s6 =	simm.s32 $0x1BFF;
	s21 =	sshll.u32 s5, $0x1;
	s3 =	sadd.s32 s20, s19  }
0x9c: {  	s22 =	simm.s32 $0x0;
	s4 =	sshll.u32 s4, $0x1;
	s5 =	sadd.s32 s21, s3  }
0x9d: {  	[timem:s22], [sflag:s6] =	dma.local [hbm:s5], s4  }
0x9e: {  	_ =	swait.ge [sflag:s6], s4  }
0x9f: {  	s4 =	ssub.s32 $0x0, s4;
	[sflag:s6] =	ssyncset.done $0x0  }
0xa0: {  	[sflag:s6] =	ssyncadd.s32 s4;
	_ =	sdelay $0x1  }
0xa1: {  	s23 =	simm.s32 $0x1B8B  }
0xa2: {  	_ =	swait.ge [sflag:s23], $0x1  }
0xa3: {  	[sflag:s23] =	ssyncset.done $0x0  }
0xa4: {  	[sflag:s23] =	ssyncadd.s32 $0xFFFFFFFF  }
0xa5: {  	s4 =	sld [smem:$0x0]  }
0xa6: {  	s5 =	sand.u32 $0xFFFFFFFE, s1  }
0xa7: {  	p0 =	sne.s32 s1, s5  }
0xa8: {  	s5 =	sshll.u32 @p0 s5, $0xE  }
0xa9: {  	s5 =	sadd.s32 @p0 $0x11B8D, s5;
	s6 =	sshll.u32 @p0 s4, $0x11  }
0xaa: {  	s5 =	sor.u32 @p0 s6, s5  }
0xab: {  	[sflag:s5] =	ssyncadd.remote.s32 @p0 $0x1;
	_ =	sdelay $0x1  }
0xac: {  	s5 =	simm.s32 @p0 $0x1B8D  }
0xad: {  	_ =	swait.eq @p0 [sflag:s5], $0x1  }
0xae: {  	[sflag:s5] =	ssyncadd.s32 @p0 $0xFFFFFFFF  }
0xaf: {  	s6 =	sshll.u32 @!p0 s1, $0xE  }
0xb0: {  	s6 =	sor.u32 @!p0 $0x4000, s6;
	s5 =	simm.s32 @!p0 $0x1B8D  }
0xb1: {  	s4 =	sshll.u32 @!p0 s4, $0x11;
	s6 =	sadd.s32 @!p0 $0x11B8D, s6;
	_ =	swait.eq @!p0 [sflag:s5], $0x1  }
0xb2: {  	s4 =	sor.u32 @!p0 s4, s6;
	[sflag:s5] =	ssyncadd.s32 @!p0 $0xFFFFFFFF  }
0xb3: {  	s25 =	simm.s32 $0x1B8E;
	s24 =	sld [smem:$0x3FFE];
	[sflag:s4] =	ssyncadd.remote.s32 @!p0 $0x1  }
0xb4: {  	s26 =	simm.s32 $execute0_lowered;
	[smem:$0x3FD2] =	sst s25  }
0xb5: {  	s5 =	sshll.u32 s26, $0x1;
	_ =	strace $0x80000052;
	[dreg:$0x1] =	wrdreg $0xFFFFFFFF  }
0xb6: {  	s28 =	simm.s32 $_size_execute0_lowered;
	s3 =	sadd.s32 s3, s5;
	[dreg:$0x0] =	wrdreg $0x0  }
0xb7: {  	s5 =	sshll.u32 s28, $0x1;
	[dreg:$0x2] =	wrdreg s3  }
0xb8: {  	[dreg:$0x3] =	wrdreg s5  }
0xb9: {  	[dreg:$0x4] =	wrdreg $0xC0  }
0xba: {  	_ =	task [dreg:s22], $0x5FFFF  }
0xbb: {  	[dreg:$0x1] =	wrdreg $0xFFFFFFFF  }
0xbc: {  	[dreg:$0x0] =	wrdreg $0x60  }
0xbd: {  	[dreg:$0x2] =	wrdreg s24  }
0xbe: {  	[dreg:$0x3] =	wrdreg $0x40800  }
0xbf: {  	[dreg:$0x4] =	wrdreg $0xB  }
0xc0: {  	_ =	task.clear_ibuf [dreg:s22], $0x5FFFF;
	_ =	strace $0x90000052  }
0xc1: {  	s29 =	simm.s32 $0xB;
	_ =	strace $0x80000054  }
0xc2: {  	_ =	swait.ge [sflag:s29], $0x1  }
0xc3: {  	[sflag:s29] =	ssyncadd.s32 $0xFFFFFFFF  }
0xc4: {  	_ =	strace $0x90000054  }
0xc5: {  	_ =	sfence  }
0xc6: {  	s30 =	sld [smem:$0x0];
	_ =	sdelay $0x2  }
0xc7: {  	s31 =	sshll.u32 s1, $0xD;
	s1 =	sshrl.u32 s1, $0x2  }
0xc8: {  	s4 =	sand.u32 $0x4000, s31;
	s1 =	sadd.s32 s1, s30  }
0xc9: {  	s0 =	sor.u32 s4, s0;
	s1 =	sshll.u32 s1, $0x11  }
0xca: {  	s0 =	sor.u32 s1, s0  }
0xcb: {  	s0 =	sadd.s32 $0x8F2B, s0  }
0xcc: {  	[sflag:s0] =	ssyncadd.remote.s32 $0x1  }
0xcd: {  	_ =	sfence.sel $0xFFFF  }
0xce: {  	[dreg:$0x0] =	wrdreg $0xFFFFFFFF;
	(pc) =	sbr.abs _section_cstart, $3  }
0xcf: {  	[dreg:$0x1] =	wrdreg $0xFFFFFFFF  }
0xd0: {  	_ =	task.clear_ibuf [dreg:s22], $0x2FFFF;
	_ =	strace $0x9FFFFFFF  }
0xd1: {  	(tm) =	ssettm $0x7FFFFFFF  }
tec
execute0_lowered:
.L_overlay_start_1:
0x0: {  	(tag) =	ssettag $0x1  }
0x1: {  	s0 =	stileid.u32;
	s1 =	srdreg.scid  }
0x2: {  	s5 =	rddreg [dreg:$0x0];
	s4 =	smul.u32 $0xA00, s0  }
0x3: {  	s2 =	rddreg [dreg:$0x1];
	s8 =	smul.u32 $0xA000, s0  }
0x4: {  	s3 =	simm.s32 $0x0;
	s17 =	simm.s32 $0x80;
	s25 =	smul.u32 $0x2800, s0  }
0x5: {  	s18 =	simm.s32 $0x0;
	s6 =	sand.u32 $0x1, s1;
	s26 =	smul.u32 $0x50000, s0  }
0x6: {  	[smem:$0x7FF] =	sst s3;
	s13 =	smul.u32 $0x14000, s0;
	s14 =	sadd.s32 $0x2BDC00, s5  }
0x7: {  	s16 =	sadd.s32 $0x12C000, s2;
	p0 =	seq.s32 s0, $0xF;
	s7 =	smul.u32 $0x500, s6  }
0x8: {  	s1 =	rddreg [dreg:$0x2];
	_ =	strace $0x80000053;
	s10 =	smul.u32 $0x138800, s6  }
0x9: {  	s28 =	ssub.s32 $0x2, s6;
	s30 =	smul.u32 $0x5000, s6;
	s9 =	sadd.s32 s8, s5  }
0xa: {  	s11 =	sshrl.u32 s28, $0x1;
	s4 =	sadd.s32 s7, s4;
	s7 =	sadd.s32 s25, s5  }
0xb: {  	s8 =	ssub.s32 s28, s11;
	s29 =	sadd.s32 s13, s10;
	s10 =	sshrl.u32 s10, $0x3  }
0xc: {  	s11 =	sadd.s32 s30, s9;
	s13 =	sshrl.u32 @p0 s16, $0x3;
	s16 =	simm.s32 $0x1  }
0xd: {  	s4 =	sshrl.u32 s4, $0x3;
	s31 =	sadd.s32 s14, s10;
	s8 =	smax.u32 s8, $0x1  }
0xe: {  	s9 =	sadd.s32 $0xB600, s11;
	s12 =	sadd.s32 s4, s5;
	s4 =	sshrl.u32 s26, $0x2  }
0xf: {  	s11 =	sadd.s32 $0xB5600, s11;
	s5 =	sadd.s32 $0x2BC200, s5;
	s15 =	sadd.s32 s4, s2  }
0x10: {  	s4 =	sadd.s32 $0x296A00, s7;
	s7 =	sshrl.u32 s29, $0x3;
	s10 =	sadd.s32 $0xA200, s12  }
0x11: {  	s12 =	sadd.s32 $0xB2E00, s12;
	s6 =	sadd.s32 s14, s7;
	s14 =	sshll.u32 @!p0 s0, $0x6  }
0x12: {  	s7 =	sadd.s32 $0x25800, s31;
	s15 =	sshrl.u32 @!p0 s15, $0x3;
	s14 =	sor.u32 @!p0 $0x1C01, s14  }
.LBB2_1:
0x13: {  	s19 =	simm.s32 @p0 $0x1FC1  }
0x14: {  	[spmem:s13], [sflag:s19] =	dma.local @p0 [hbm:s5], $0x1900  }
0x15: {  	s19 =	simm.s32 @p0 $0x1  }
0x16: {  	_ =	swait.ge @p0 [sflag:s19], $0x1900  }
0x17: {  	[sflag:s19] =	ssyncset.done @p0 $0x0  }
0x18: {  	[sflag:s19] =	ssyncadd.s32 @p0 $0xFFFFE700;
	s19 =	simm.s32 @!p0 $0x1  }
0x19: {  	[spmem:s15], [sflag:s14] =	dma.local @!p0 [hbm:s4], $0x2800  }
0x1a: {  	_ =	swait.ge @!p0 [sflag:s19], $0x2800  }
0x1b: {  	[sflag:s19] =	ssyncset.done @!p0 $0x0  }
0x1c: {  	[sflag:s19] =	ssyncadd.s32 @!p0 $0xFFFFD800  }
0x1d: {  	s31 =	sadd.s32 $0x0, s10;
	[bflag:$0x0] =	sbarrier.arrive $0xFFFF  }
0x1e: {  	[tilespmem:s3], [sflag:$0x1] =	stream.linear.gather [hbm4b:s31+s3], $0x80, $0x38;
	[tilespmem:$0x17900] =	vst v63  }
0x1f: {  	_ =	swait.ge [sflag:s16], $0x80  }
0x20: {  	[sflag:s16] =	ssyncset.done $0x0  }
0x21: {  	[sflag:s16] =	ssyncadd.s32 $0xFFFFFF80  }
0x22: {  	[tilespmem:s17], [sflag:$0x1] =	stream.linear.gather [hbm4b:s9+s3], $0x4000, $0x38;
	[tilespmem:$0x17900] =	vst v63  }
0x23: {  	_ =	swait.ge [sflag:s16], $0x4000  }
0x24: {  	[sflag:s16] =	ssyncset.done $0x0  }
0x25: {  	[sflag:s16] =	ssyncadd.s32 $0xFFFFC000  }
0x26: {  	[spmem:s2] =	stream.indirect.scatter.add.f32 [tilespmem:s17], [sflag:$0x1], $0x80, s3, s17, $0xb8;
	[tilespmem:$0x17900] =	vst v63  }
0x27: {  	s22 =	sadd.s32 $0x10, s10;
	_ =	swait.ge [sflag:s16], $0x4000  }
0x28: {  	s21 =	simm.s32 $0x20;
	s19 =	sadd.s32 $0x800, s9;
	[sflag:s16] =	ssyncset.done $0x0  }
.LBB2_2:
0x29: {  	s23 =	sadd.s32 s21, s10;
	s20 =	simm.s32 $0x0;
	[sflag:s16] =	ssyncadd.s32 $0xFFFFC000  }
0x2a: {  	[tilespmem:s20], [sflag:$0x1] =	stream.linear.gather [hbm4b:s22+s20], $0x80, $0x38;
	[tilespmem:$0x17900] =	vst v63  }
0x2b: {  	p1 =	sne.s32 s21, $0x90;
	s21 =	sadd.s32 $0x10, s21;
	_ =	swait.ge [sflag:s16], $0x80  }
0x2c: {  	s22 =	smov.u32 s23;
	[sflag:s16] =	ssyncset.done $0x0  }
0x2d: {  	[sflag:s16] =	ssyncadd.s32 $0xFFFFFF80  }
0x2e: {  	[tilespmem:s17], [sflag:$0x1] =	stream.linear.gather [hbm4b:s19+s20], $0x4000, $0x38;
	[tilespmem:$0x17900] =	vst v63  }
0x2f: {  	_ =	swait.ge [sflag:s16], $0x4000  }
.Ltmp0:
0x30: {  	[sflag:s16] =	ssyncset.done $0x0;
	(pc) =	sbr.rel @p1 .LBB2_2-.Ltmp0, $4  }
0x31: {  	[sflag:s16] =	ssyncadd.s32 $0xFFFFC000  }
0x32: {  	[spmem:s2] =	stream.indirect.scatter.add.f32 [tilespmem:s17], [sflag:$0x1], $0x80, s20, s17, $0xb8;
	[tilespmem:$0x17900] =	vst v63  }
0x33: {  	_ =	swait.ge [sflag:s16], $0x4000  }
0x34: {  	s19 =	sadd.s32 $0x800, s19;
	[sflag:s16] =	ssyncset.done $0x0  }
0x35: {  	[sflag:s16] =	ssyncadd.s32 $0xFFFFC000  }
0x36: {  	[tilespmem:s20], [sflag:$0x1] =	stream.linear.gather [hbm4b:s22+s20], $0x80, $0x38;
	[tilespmem:$0x17900] =	vst v63  }
0x37: {  	_ =	swait.ge [sflag:s16], $0x80  }
0x38: {  	[sflag:s16] =	ssyncset.done $0x0  }
0x39: {  	[sflag:s16] =	ssyncadd.s32 $0xFFFFFF80  }
0x3a: {  	[tilespmem:s17], [sflag:$0x1] =	stream.linear.gather [hbm4b:s19+s20], $0x4000, $0x38;
	[tilespmem:$0x17900] =	vst v63  }
0x3b: {  	_ =	swait.ge [sflag:s16], $0x4000  }
0x3c: {  	p2 =	por $0x1, $0x1;
	[sflag:s16] =	ssyncset.done $0x0  }
.Ltmp1:
0x3d: {  	[sflag:s16] =	ssyncadd.s32 $0xFFFFC000;
	(pc) =	sbr.rel @!p2 .LBB2_8-.Ltmp1, $4  }
0x3e: {  	[spmem:s2] =	stream.indirect.scatter.add.f32 [tilespmem:s17], [sflag:$0x1], $0x80, s20, s17, $0xb8;
	[tilespmem:$0x17900] =	vst v63  }
0x3f: {  	_ =	swait.ge [sflag:s16], $0x4000  }
0x40: {  	p1 =	por $0x0, $0x0;
	[sflag:s16] =	ssyncset.done $0x0  }
0x41: {  	s21 =	smov.u32 s11;
	s19 =	simm.s32 $0x10;
	[sflag:s16] =	ssyncadd.s32 $0xFFFFC000  }
0x42: {  	s20 =	sadd.s32 $0x0, s12  }
0x43: {  	[tilespmem:s3], [sflag:$0x1] =	stream.linear.gather [hbm4b:s20+s3], $0x80, $0x38;
	[tilespmem:$0x17900] =	vst v63  }
0x44: {  	_ =	swait.ge [sflag:s16], $0x80  }
0x45: {  	[sflag:s16] =	ssyncset.done $0x0  }
0x46: {  	[sflag:s16] =	ssyncadd.s32 $0xFFFFFF80  }
0x47: {  	[tilespmem:s17], [sflag:$0x1] =	stream.linear.gather [hbm4b:s11+s3], $0x4000, $0x38;
	[tilespmem:$0x17900] =	vst v63  }
0x48: {  	p2 =	por $0x1, $0x1;
	_ =	swait.ge [sflag:s16], $0x4000  }
.Ltmp2:
0x49: {  	[sflag:s16] =	ssyncset.done $0x0;
	(pc) =	sbr.rel @!p2 .LBB2_5-.Ltmp2, $4  }
0x4a: {  	[sflag:s16] =	ssyncadd.s32 $0xFFFFC000  }
0x4b: {  	[spmem:s2] =	stream.indirect.scatter.add.f32 [tilespmem:s17], [sflag:$0x1], $0x80, s3, s17, $0xb8;
	[tilespmem:$0x17900] =	vst v63  }
0x4c: {  	s21 =	sadd.s32 $0x800, s11;
	_ =	swait.ge [sflag:s16], $0x4000  }
0x4d: {  	p1 =	por $0x1, $0x1;
	s20 =	simm.s32 $0x20;
	[sflag:s16] =	ssyncset.done $0x0  }
.LBB2_6:
0x4e: {  	s22 =	sadd.s32 s19, s12  }
0x4f: {  	[sflag:s16] =	ssyncadd.s32 $0xFFFFC000;
	s19 =	smov.u32 s20;
	s23 =	sadd.s32 $0x10, s20  }
0x50: {  	[tilespmem:s3], [sflag:$0x1] =	stream.linear.gather [hbm4b:s22+s3], $0x80, $0x38;
	[tilespmem:$0x17900] =	vst v63  }
0x51: {  	p2 =	sne.s32 s20, $0x90;
	_ =	swait.ge [sflag:s16], $0x80  }
0x52: {  	[sflag:s16] =	ssyncset.done $0x0  }
0x53: {  	[sflag:s16] =	ssyncadd.s32 $0xFFFFFF80  }
0x54: {  	[tilespmem:s17], [sflag:$0x1] =	stream.linear.gather [hbm4b:s21+s3], $0x4000, $0x38;
	[tilespmem:$0x17900] =	vst v63  }
0x55: {  	_ =	swait.ge [sflag:s16], $0x4000  }
.Ltmp3:
0x56: {  	[sflag:s16] =	ssyncset.done $0x0;
	(pc) =	sbr.rel @p2 .LBB2_6-.Ltmp3, $4  }
0x57: {  	[sflag:s16] =	ssyncadd.s32 $0xFFFFC000  }
0x58: {  	[spmem:s2] =	stream.indirect.scatter.add.f32 [tilespmem:s17], [sflag:$0x1], $0x80, s3, s17, $0xb8;
	[tilespmem:$0x17900] =	vst v63  }
0x59: {  	_ =	swait.ge [sflag:s16], $0x4000  }
0x5a: {  	s20 =	smov.u32 s23;
	s21 =	sadd.s32 $0x800, s21;
	[sflag:s16] =	ssyncset.done $0x0  }
0x5b: {  	s20 =	smov.u32 s19  }
.LBB2_8:
0x5c: {  	s19 =	sadd.s32 s20, s12;
	[sflag:s16] =	ssyncadd.s32 @p1 $0xFFFFC000  }
0x5d: {  	[tilespmem:s3], [sflag:$0x1] =	stream.linear.gather [hbm4b:s19+s3], $0x80, $0x38;
	[tilespmem:$0x17900] =	vst v63  }
0x5e: {  	_ =	swait.ge [sflag:s16], $0x80  }
0x5f: {  	[sflag:s16] =	ssyncset.done $0x0  }
0x60: {  	[sflag:s16] =	ssyncadd.s32 $0xFFFFFF80  }
0x61: {  	[tilespmem:s17], [sflag:$0x1] =	stream.linear.gather [hbm4b:s21+s3], $0x4000, $0x38;
	[tilespmem:$0x17900] =	vst v63  }
0x62: {  	_ =	swait.ge [sflag:s16], $0x4000  }
0x63: {  	[sflag:s16] =	ssyncset.done $0x0  }
0x64: {  	[sflag:s16] =	ssyncadd.s32 $0xFFFFC000  }
0x65: {  	[spmem:s2] =	stream.indirect.scatter.add.f32 [tilespmem:s17], [sflag:$0x1], $0x80, s3, s17, $0xb8;
	[tilespmem:$0x17900] =	vst v63  }
0x66: {  	_ =	swait.ge [sflag:s16], $0x4000  }
0x67: {  	[sflag:s16] =	ssyncset.done $0x0  }
0x68: {  	[sflag:s16] =	ssyncadd.s32 $0xFFFFC000  }
0x69: {  	s19 =	simm.s32 @p0 $0x1FC1;
	[bflag:$0x0] =	sbarrier.arrive $0xFFFF  }
0x6a: {  	[hbm:s7], [sflag:s19] =	dma.local @p0 [spmem:s13], $0x1900  }
0x6b: {  	s19 =	simm.s32 @p0 $0x1  }
0x6c: {  	_ =	swait.ge @p0 [sflag:s19], $0x1900  }
0x6d: {  	s18 =	sadd.s32 $0x1, s18;
	[sflag:s19] =	ssyncset.done @p0 $0x0  }
0x6e: {  	p1 =	sne.s32 s18, s8;
	[sflag:s19] =	ssyncadd.s32 @p0 $0xFFFFE700  }
0x6f: {  	[hbm:s6], [sflag:s14] =	dma.local @!p0 [spmem:s15], $0x2800  }
.Ltmp4:
0x70: {  	_ = 	snop;
	(pc) =	sbr.rel @p1 .LBB2_1-.Ltmp4, $4  }
.Ltmp5:
0x71: {  	s19 =	simm.s32 @!p0 $0x1;
	(pc) =	sbr.rel @!p1 .LBB2_9-.Ltmp5, $4  }
0x72: {  	_ =	swait.ge @!p0 [sflag:s19], $0x2800  }
0x73: {  	[sflag:s19] =	ssyncset.done @!p0 $0x0  }
0x74: {  	[sflag:s19] =	ssyncadd.s32 @!p0 $0xFFFFD800  }
0x75: {  	_ = 	snop  }
.LBB2_5:
.Ltmp6:
0x76: {  	(pc) =	sbr.rel .LBB2_8-.Ltmp6, $2  }
0x77: {  	_ =	sdelay $0x2  }
0x78: {  	s20 =	simm.s32 $0x10  }
.LBB2_9:
0x79: {  	_ =	sfence.sel $0x180000  }
0x7a: {  	[bflag:$0x0] =	sbarrier.arrive $0xFFFF  }
0x7b: {  	p0 =	sne.s32 s0, $0x0;
	_ =	strace $0x90000053  }
0x7c: {  	s0 =	sadd.s32 @!p0 $0x100000, s1;
	[bflag:$0x2] =	sbarrier.arrive $0xFFFF  }
0x7d: {  	[sflag:s0] =	ssyncadd.tile.s32 @!p0 $0x1;
	_ =	shalt  }
.Lfunc_end2:
_tile_overlayer_lowered:
.L_overlay_start_2:
0x7e: {  	(tag) =	ssettag $0x2  }
0x7f: {  	s0 =	rddreg [dreg:$0x0];
	s2 =	stileid.u32  }
0x80: {  	s1 =	rddreg [dreg:$0x1];
	p0 =	sne.s32 s2, $0x0  }
0x81: {  	s3 =	rddreg [dreg:$0x2];
	[bflag:$0x3] =	sbarrier.arrive $0xFFFF;
	s2 =	simm.s32 @!p0 $0x1C01  }
0x82: {  	[timem:s3], [sflag:s2] =	dma.local @!p0 [hbm:s0], s1  }
0x83: {  	s0 =	simm.s32 @!p0 $0x1  }
0x84: {  	_ =	swait.ge @!p0 [sflag:s0], s1  }
0x85: {  	s1 =	ssub.s32 @!p0 $0x0, s1;
	[sflag:s0] =	ssyncset.done @!p0 $0x0  }
0x86: {  	[sflag:s0] =	ssyncadd.s32 @!p0 s1  }
0x87: {  	[bflag:$0x3] =	sbarrier.arrive $0xFFFF  }
0x88: {  	_ =	shalt  }

// kernel: kernel.39.cloned.1.call-start
scs
__scs_entry_jumppad:
0x0: {  	(pc) =	sbr.rel $0x88, $3  }
0x1: {  	(tag) =	ssettag $0x0;
	lr =	simm.s32 $0x1  }
0x2: {  	[smem:$0x3F8D] =	sst lr;
	_ =	strace $0xD0000000  }
0x3: {  	_ = 	snop  }
0x4: {  	_ = 	snop  }
0x5: {  	_ = 	snop  }
0x6: {  	_ = 	snop  }
0x7: {  	_ = 	snop  }
__scs_overlays_trampoline_lowered:
0x8: {  	[smem:$0x3F9C] =	sst s0  }
0x9: {  	[smem:$0x3F9D] =	sst s1  }
0xa: {  	[smem:$0x3F9E] =	sst s2  }
0xb: {  	[smem:$0x3F9F] =	sst s3  }
0xc: {  	[smem:$0x3FA0] =	sst s4  }
0xd: {  	[smem:$0x3FA1] =	sst s5  }
0xe: {  	[smem:$0x3FA2] =	sst s6  }
0xf: {  	[smem:$0x3FA3] =	sst s7  }
0x10: {  	[smem:$0x3FA4] =	sst s8  }
0x11: {  	[smem:$0x3FA5] =	sst s9;
	s0 =	simm.s32 @!p0 $0x0  }
0x12: {  	s1 =	sld [smem:$0x3F8B];
	s0 =	simm.s32 @p0 $0x1  }
0x13: {  	[smem:$0x3FA6] =	sst s0;
	s0 =	simm.s32 @!p1 $0x0  }
0x14: {  	s2 =	sld [smem:$0x3F8A];
	s0 =	simm.s32 @p1 $0x1  }
0x15: {  	[smem:$0x3FA7] =	sst s0;
	s0 =	simm.s32 @!p2 $0x0  }
0x16: {  	s3 =	sld [smem:$0x3FDB];
	s0 =	simm.s32 @p2 $0x1  }
0x17: {  	s4 =	simm.s32 $0x1BF5;
	[smem:$0x3FA9] =	sst s0  }
0x18: {  	s0 =	sld [smem:$0x3F8C];
	_ =	swait.ge [sflag:s4], $0x0  }
0x19: {  	s7 =	sld [smem:$0x3F8D]  }
0x1a: {  	s8 =	sadd.s32 $0xFFFFE003, lr  }
0x1b: {  	s9 =	sadd.s32 $0xFFFFFEF7, lr;
	s5 =	simm.s32 $0xFFFFFFFF;
	p2 =	slt.u32 s8, $0xFFFFF086  }
0x1c: {  	p1 =	slt.u32 s9, $0xF7A;
	s5 =	simm.s32 @!p2 $0x0  }
0x1d: {  	s5 =	simm.s32 @p1 $0x1;
	p0 =	seq.s32 s7, s2  }
0x1e: {  	s7 =	smul.u32 @!p0 $0xF7A, s2;
	p2 =	seq.s32 @!p0 s5, $0x0  }
0x1f: {  	s9 =	smul.u32 $0xF7A, s1;
	s8 =	simm.s32 @!p0 $0x1BF5;
	p2 =	por !p2, p0  }
0x20: {  	[sflag:s8] =	ssyncset.s32 @!p0 $0xFFFFF086;
	s6 =	sadd.s32 @!p0 s3, s7;
	s7 =	simm.s32 @!p0 $0x108  }
0x21: {  	s3 =	sadd.s32 s3, s9;
	s6 =	sadd.s32 @!p0 $0x88, s6;
	s7 =	simm.s32 @p2 $0x1082  }
0x22: {  	[simem:s7], [sflag:s8] =	dma.local @!p0 [hbm:s6], $0xF7A  }
0x23: {  	s9 =	sor.u32 $0xD0000000, s2;
	s6 =	simm.s32 $0x108;
	_ =	swait.ge @!p0 [sflag:s8], $0x0  }
0x24: {  	s3 =	sadd.s32 $0x88, s3;
	s6 =	simm.s32 @!p1 $0x1082;
	[sflag:s4] =	ssyncset.s32 $0xFFFFF086  }
0x25: {  	[simem:s6], [sflag:s4] =	dma.local [hbm:s3], $0xF7A  }
0x26: {  	[smem:$0x3F8D] =	sst s1;
	(tag) =	ssettag s2;
	_ =	strace s9  }
0x27: {  	s1 =	sld [smem:$0x3F9D]  }
0x28: {  	s2 =	sld [smem:$0x3F9E]  }
0x29: {  	s4 =	sld [smem:$0x3FA0]  }
0x2a: {  	p0 =	seq.s32 s5, $0x0;
	s5 =	sld [smem:$0x3FA1]  }
0x2b: {  	s6 =	sld [smem:$0x3FA2]  }
0x2c: {  	s7 =	sld [smem:$0x3FA3]  }
0x2d: {  	s3 =	simm.s32 $0x108;
	s8 =	sld [smem:$0x3FA4]  }
0x2e: {  	s3 =	simm.s32 @!p0 $0x1082;
	s9 =	sld [smem:$0x3FA5]  }
0x2f: {  	lr =	sadd.s32 s0, s3;
	s0 =	sld [smem:$0x3F9C]  }
0x30: {  	s3 =	sld [smem:$0x3F9F]  }
0x31: {  	[smem:$0x3FA8] =	sst s10  }
0x32: {  	s10 =	sld [smem:$0x3FA6];
	_ =	sdelay $0x3  }
0x33: {  	p0 =	seq.s32 s10, $0x1;
	s10 =	sld [smem:$0x3FA8];
	_ =	sdelay $0x3  }
0x34: {  	[smem:$0x3FA8] =	sst s10  }
0x35: {  	s10 =	sld [smem:$0x3FA7];
	_ =	sdelay $0x3  }
0x36: {  	p1 =	seq.s32 s10, $0x1;
	s10 =	sld [smem:$0x3FA8];
	_ =	sdelay $0x3  }
0x37: {  	[smem:$0x3FA8] =	sst s10  }
0x38: {  	s10 =	sld [smem:$0x3FA9]  }
0x39: {  	_ = 	snop;
	(pc) =	sbr.ind lr, $3  }
0x3a: {  	_ = 	snop  }
0x3b: {  	_ = 	snop  }
0x3c: {  	p2 =	seq.s32 s10, $0x1;
	s10 =	sld [smem:$0x3FA8]  }
0x3d: {  	_ =	shalt  }
0x3e: {  	_ =	shalt  }
0x3f: {  	_ =	shalt  }
0x40: {  	_ =	shalt  }
0x41: {  	_ =	shalt  }
0x42: {  	_ =	shalt  }
0x43: {  	_ =	shalt  }
0x44: {  	_ =	shalt  }
0x45: {  	_ =	shalt  }
0x46: {  	_ =	shalt  }
0x47: {  	_ =	shalt  }
0x48: {  	_ =	shalt  }
0x49: {  	_ =	shalt  }
0x4a: {  	_ =	shalt  }
0x4b: {  	_ =	shalt  }
0x4c: {  	_ =	shalt  }
0x4d: {  	_ =	shalt  }
0x4e: {  	_ =	shalt  }
0x4f: {  	_ =	shalt  }
0x50: {  	_ =	shalt  }
0x51: {  	_ =	shalt  }
0x52: {  	_ =	shalt  }
0x53: {  	_ =	shalt  }
0x54: {  	_ =	shalt  }
0x55: {  	_ =	shalt  }
0x56: {  	_ =	shalt  }
0x57: {  	_ =	shalt  }
0x58: {  	_ =	shalt  }
0x59: {  	_ =	shalt  }
0x5a: {  	_ =	shalt  }
0x5b: {  	_ =	shalt  }
0x5c: {  	_ =	shalt  }
0x5d: {  	_ =	shalt  }
0x5e: {  	_ =	shalt  }
0x5f: {  	_ =	shalt  }
0x60: {  	_ =	shalt  }
0x61: {  	_ =	shalt  }
0x62: {  	_ =	shalt  }
0x63: {  	_ =	shalt  }
0x64: {  	_ =	shalt  }
0x65: {  	_ =	shalt  }
0x66: {  	_ =	shalt  }
0x67: {  	_ =	shalt  }
0x68: {  	_ =	shalt  }
0x69: {  	_ =	shalt  }
0x6a: {  	_ =	shalt  }
0x6b: {  	_ =	shalt  }
0x6c: {  	_ =	shalt  }
0x6d: {  	_ =	shalt  }
0x6e: {  	_ =	shalt  }
0x6f: {  	_ =	shalt  }
0x70: {  	_ =	shalt  }
0x71: {  	_ =	shalt  }
0x72: {  	_ =	shalt  }
0x73: {  	_ =	shalt  }
0x74: {  	_ =	shalt  }
0x75: {  	_ =	shalt  }
0x76: {  	_ =	shalt  }
0x77: {  	_ =	shalt  }
0x78: {  	_ =	shalt  }
0x79: {  	_ =	shalt  }
0x7a: {  	_ =	shalt  }
0x7b: {  	_ =	shalt  }
0x7c: {  	_ =	shalt  }
0x7d: {  	_ =	shalt  }
0x7e: {  	_ =	shalt  }
0x7f: {  	_ =	shalt  }
0x80: {  	_ =	shalt  }
0x81: {  	_ =	shalt  }
0x82: {  	_ =	shalt  }
0x83: {  	_ =	shalt  }
0x84: {  	_ =	shalt  }
0x85: {  	_ =	shalt  }
0x86: {  	_ =	shalt  }
0x87: {  	_ =	shalt  }
.Lfunc_end0:
.L_simem_size_0:
called_computation.5_lowered:
.L_overlay_start_0:
0x88: {  	s2 =	sld [smem:$0x3FD9]  }
0x89: {  	s3 =	sld [smem:$0x3FFE];
	_ =	sdelay $0x1  }
0x8a: {  	s1 =	srdreg.scid  }
0x8b: {  	s0 =	sand.u32 $0x1, s1  }
0x8c: {  	s17 =	sshll.u32 s0, $0xA;
	s2 =	sadd.s32 s3, s2  }
0x8d: {  	s2 =	sadd.s32 s2, s17  }
0x8e: {  	[smem:$0x3FB4] =	sst s2  }
0x8f: {  	_ = 	snop  }
0x90: {  	(tm) =	ssettm $0x1  }
0x91: {  	s18 =	sld [smem:$0x3FFB];
	_ =	sdelay $0x3  }
0x92: {  	_ =	strace s18  }
0x93: {  	s2 =	sld [smem:$0x3FFC];
	_ =	sdelay $0x3  }
0x94: {  	_ =	strace s2  }
0x95: {  	s2 =	sld [smem:$0x3FFD];
	_ =	sdelay $0x3  }
0x96: {  	_ =	strace s2  }
0x97: {  	_ =	strace $0x8FFFFFFF  }
0x98: {  	s19 =	sld [smem:$0x3FDB];
	_ =	sdelay $0x1  }
0x99: {  	s20 =	simm.s32 $_scs_section_size  }
0x9a: {  	s4 =	simm.s32 $_size__tile_overlayer_lowered;
	s5 =	simm.s32 $_tile_overlayer_lowered  }
0x9b: {  	s6 =	simm.s32 $0x1BFF;
	s21 =	sshll.u32 s5, $0x1;
	s3 =	sadd.s32 s20, s19  }
0x9c: {  	s22 =	simm.s32 $0x0;
	s4 =	sshll.u32 s4, $0x1;
	s5 =	sadd.s32 s21, s3  }
0x9d: {  	[timem:s22], [sflag:s6] =	dma.local [hbm:s5], s4  }
0x9e: {  	_ =	swait.ge [sflag:s6], s4  }
0x9f: {  	s4 =	ssub.s32 $0x0, s4;
	[sflag:s6] =	ssyncset.done $0x0  }
0xa0: {  	[sflag:s6] =	ssyncadd.s32 s4;
	_ =	sdelay $0x1  }
0xa1: {  	s23 =	simm.s32 $0x1B8B  }
0xa2: {  	_ =	swait.ge [sflag:s23], $0x1  }
0xa3: {  	[sflag:s23] =	ssyncset.done $0x0  }
0xa4: {  	[sflag:s23] =	ssyncadd.s32 $0xFFFFFFFF  }
0xa5: {  	s4 =	sld [smem:$0x0]  }
0xa6: {  	s5 =	sand.u32 $0xFFFFFFFE, s1  }
0xa7: {  	p0 =	sne.s32 s1, s5  }
0xa8: {  	s5 =	sshll.u32 @p0 s5, $0xE  }
0xa9: {  	s5 =	sadd.s32 @p0 $0x11B8D, s5;
	s6 =	sshll.u32 @p0 s4, $0x11  }
0xaa: {  	s5 =	sor.u32 @p0 s6, s5  }
0xab: {  	[sflag:s5] =	ssyncadd.remote.s32 @p0 $0x1;
	_ =	sdelay $0x1  }
0xac: {  	s5 =	simm.s32 @p0 $0x1B8D  }
0xad: {  	_ =	swait.eq @p0 [sflag:s5], $0x1  }
0xae: {  	[sflag:s5] =	ssyncadd.s32 @p0 $0xFFFFFFFF  }
0xaf: {  	s6 =	sshll.u32 @!p0 s1, $0xE  }
0xb0: {  	s6 =	sor.u32 @!p0 $0x4000, s6;
	s5 =	simm.s32 @!p0 $0x1B8D  }
0xb1: {  	s4 =	sshll.u32 @!p0 s4, $0x11;
	s6 =	sadd.s32 @!p0 $0x11B8D, s6;
	_ =	swait.eq @!p0 [sflag:s5], $0x1  }
0xb2: {  	s4 =	sor.u32 @!p0 s4, s6;
	[sflag:s5] =	ssyncadd.s32 @!p0 $0xFFFFFFFF  }
0xb3: {  	s25 =	simm.s32 $0x1B8E;
	s24 =	sld [smem:$0x3FFE];
	[sflag:s4] =	ssyncadd.remote.s32 @!p0 $0x1  }
0xb4: {  	s26 =	simm.s32 $execute0_lowered;
	[smem:$0x3FD2] =	sst s25  }
0xb5: {  	s5 =	sshll.u32 s26, $0x1;
	_ =	strace $0x80000055;
	[dreg:$0x1] =	wrdreg $0xFFFFFFFF  }
0xb6: {  	s28 =	simm.s32 $_size_execute0_lowered;
	s3 =	sadd.s32 s3, s5;
	[dreg:$0x0] =	wrdreg $0x0  }
0xb7: {  	s5 =	sshll.u32 s28, $0x1;
	[dreg:$0x2] =	wrdreg s3  }
0xb8: {  	[dreg:$0x3] =	wrdreg s5  }
0xb9: {  	[dreg:$0x4] =	wrdreg $0xC0  }
0xba: {  	_ =	task [dreg:s22], $0x5FFFF  }
0xbb: {  	[dreg:$0x1] =	wrdreg $0xFFFFFFFF  }
0xbc: {  	[dreg:$0x0] =	wrdreg $0x60  }
0xbd: {  	[dreg:$0x2] =	wrdreg s24  }
0xbe: {  	[dreg:$0x3] =	wrdreg $0x45000  }
0xbf: {  	[dreg:$0x4] =	wrdreg $0x9  }
0xc0: {  	_ =	task.clear_ibuf [dreg:s22], $0x5FFFF;
	_ =	strace $0x90000055  }
0xc1: {  	s29 =	simm.s32 $0x9;
	_ =	strace $0x80000057  }
0xc2: {  	_ =	swait.ge [sflag:s29], $0x1  }
0xc3: {  	[sflag:s29] =	ssyncadd.s32 $0xFFFFFFFF  }
0xc4: {  	_ =	strace $0x90000057  }
0xc5: {  	_ =	sfence  }
0xc6: {  	s30 =	sld [smem:$0x0];
	_ =	sdelay $0x2  }
0xc7: {  	s31 =	sshll.u32 s1, $0xD;
	s1 =	sshrl.u32 s1, $0x2  }
0xc8: {  	s4 =	sand.u32 $0x4000, s31;
	s1 =	sadd.s32 s1, s30  }
0xc9: {  	s0 =	sor.u32 s4, s0;
	s1 =	sshll.u32 s1, $0x11  }
0xca: {  	s0 =	sor.u32 s1, s0  }
0xcb: {  	s0 =	sadd.s32 $0x8F2B, s0  }
0xcc: {  	[sflag:s0] =	ssyncadd.remote.s32 $0x1  }
0xcd: {  	_ =	sfence.sel $0xFFFF  }
0xce: {  	[dreg:$0x0] =	wrdreg $0xFFFFFFFF;
	(pc) =	sbr.abs _section_cstart, $3  }
0xcf: {  	[dreg:$0x1] =	wrdreg $0xFFFFFFFF  }
0xd0: {  	_ =	task.clear_ibuf [dreg:s22], $0x2FFFF;
	_ =	strace $0x9FFFFFFF  }
0xd1: {  	(tm) =	ssettm $0x7FFFFFFF  }
tec
execute0_lowered:
.L_overlay_start_1:
0x0: {  	(tag) =	ssettag $0x1  }
0x1: {  	s0 =	stileid.u32  }
0x2: {  	s4 =	smul.u32 $0xA00, s0  }
0x3: {  	s5 =	rddreg [dreg:$0x0];
	s7 =	smul.u32 $0xA000, s0  }
0x4: {  	s1 =	srdreg.scid;
	s19 =	smul.u32 $0x2800, s0  }
0x5: {  	s2 =	rddreg [dreg:$0x1];
	s8 =	smul.u32 $0x50000, s0  }
0x6: {  	s3 =	simm.s32 $0x0;
	s13 =	sand.u32 $0x1, s1;
	s18 =	smul.u32 $0x14000, s0  }
0x7: {  	s1 =	rddreg [dreg:$0x2];
	s14 =	sadd.s32 $0x1F6A00, s5;
	s28 =	smul.u32 $0x910, s0  }
0x8: {  	[smem:$0x7FF] =	sst s3;
	s15 =	sadd.s32 $0x310800, s5;
	s31 =	smul.u32 $0x9100, s0  }
0x9: {  	s22 =	sshll.u32 s0, $0x1;
	s9 =	sadd.s32 $0x311C00, s5;
	s6 =	smul.u32 $0x500, s13  }
0xa: {  	s16 =	sadd.s32 $0x12C000, s2;
	p0 =	seq.s32 s0, $0xF;
	s24 =	smul.u32 $0x138800, s13  }
0xb: {  	_ =	strace $0x80000056;
	s21 =	ssub.s32 $0x2, s13;
	s30 =	smul.u32 $0x488, s13  }
0xc: {  	s10 =	sadd.s32 s7, s5;
	s20 =	sadd.s32 s19, s5;
	s11 =	sshrl.u32 s21, $0x1  }
0xd: {  	s7 =	sor.u32 s13, s22;
	s23 =	sshrl.u32 s8, $0x2;
	s22 =	simm.s32 $0x8  }
0xe: {  	s4 =	sadd.s32 s6, s4;
	s11 =	ssub.s32 s21, s11;
	s7 =	smul.u32 $0x488, s7  }
0xf: {  	s17 =	sadd.s32 s23, s2;
	s18 =	sadd.s32 s18, s24;
	s26 =	sshrl.u32 s24, $0x3  }
0x10: {  	s21 =	simm.s32 $0x4100;
	s23 =	simm.s32 $0x0;
	s4 =	sshrl.u32 s4, $0x3  }
0x11: {  	s18 =	sshrl.u32 s18, $0x3;
	s12 =	sadd.s32 s4, s5;
	s4 =	sadd.s32 $0x296A00, s20  }
0x12: {  	s17 =	sshrl.u32 @!p0 s17, $0x3;
	s25 =	sadd.s32 $0x480, s7;
	s5 =	sadd.s32 $0x2BC200, s5  }
0x13: {  	s20 =	smul.u32 $0x5000, s13;
	s8 =	sadd.s32 s9, s18;
	s9 =	sadd.s32 s9, s26  }
0x14: {  	s13 =	smul.u32 $0x4880, s13;
	s18 =	sadd.s32 s30, s28;
	s7 =	sshrl.u32 s25, $0x3  }
0x15: {  	s19 =	sshll.u32 s25, $0x4;
	s9 =	sadd.s32 $0x25800, s9;
	s12 =	sadd.s32 $0xB4200, s12  }
0x16: {  	s18 =	sshrl.u32 s18, $0x3;
	s6 =	sadd.s32 s15, s7;
	s7 =	sadd.s32 s14, s19  }
0x17: {  	s29 =	sadd.s32 s20, s10;
	s10 =	smax.u32 s11, $0x1;
	s14 =	sadd.s32 s31, s14  }
0x18: {  	s19 =	simm.s32 $0x80;
	s20 =	simm.s32 $0x4080;
	s11 =	sadd.s32 $0x155600, s29  }
0x19: {  	s13 =	sadd.s32 s13, s14;
	s14 =	sadd.s32 s18, s15;
	s18 =	sshll.u32 @!p0 s0, $0x6  }
0x1a: {  	s15 =	sshrl.u32 @p0 s16, $0x3;
	s16 =	sor.u32 @!p0 $0x1C01, s18;
	s18 =	simm.s32 $0x1  }
.LBB2_1:
0x1b: {  	s24 =	simm.s32 @p0 $0x1FC1  }
0x1c: {  	[spmem:s15], [sflag:s24] =	dma.local @p0 [hbm:s5], $0x1900  }
0x1d: {  	s24 =	simm.s32 @p0 $0x1  }
0x1e: {  	_ =	swait.ge @p0 [sflag:s24], $0x1900  }
0x1f: {  	[sflag:s24] =	ssyncset.done @p0 $0x0  }
0x20: {  	[sflag:s24] =	ssyncadd.s32 @p0 $0xFFFFE700;
	s24 =	simm.s32 @!p0 $0x1  }
0x21: {  	[spmem:s17], [sflag:s16] =	dma.local @!p0 [hbm:s4], $0x2800  }
0x22: {  	_ =	swait.ge @!p0 [sflag:s24], $0x2800  }
0x23: {  	[sflag:s24] =	ssyncset.done @!p0 $0x0  }
0x24: {  	[sflag:s24] =	ssyncadd.s32 @!p0 $0xFFFFD800  }
0x25: {  	s31 =	sadd.s32 $0x0, s12;
	[bflag:$0x0] =	sbarrier.arrive $0xFFFF  }
0x26: {  	[tilespmem:s3], [sflag:$0x1] =	stream.linear.gather [hbm4b:s31+s3], $0x80, $0x38;
	[tilespmem:$0x17D80] =	vst v63  }
0x27: {  	_ =	swait.ge [sflag:s18], $0x80  }
0x28: {  	[sflag:s18] =	ssyncset.done $0x0  }
0x29: {  	[sflag:s18] =	ssyncadd.s32 $0xFFFFFF80  }
0x2a: {  	[tilespmem:s19], [sflag:$0x1] =	stream.linear.gather [hbm4b:s11+s3], $0x4000, $0x38;
	[tilespmem:$0x17D80] =	vst v63  }
0x2b: {  	_ =	swait.ge [sflag:s18], $0x4000  }
0x2c: {  	[sflag:s18] =	ssyncset.done $0x0  }
0x2d: {  	[sflag:s18] =	ssyncadd.s32 $0xFFFFC000  }
0x2e: {  	[spmem:s2] =	stream.indirect.scatter.add.f32 [tilespmem:s19], [sflag:$0x1], $0x80, s3, s19, $0xb8;
	[tilespmem:$0x17D80] =	vst v63  }
0x2f: {  	s28 =	sadd.s32 $0x10, s12;
	_ =	swait.ge [sflag:s18], $0x4000  }
0x30: {  	s26 =	simm.s32 $0x20;
	s24 =	sadd.s32 $0x800, s11;
	[sflag:s18] =	ssyncset.done $0x0  }
.LBB2_2:
0x31: {  	s29 =	sadd.s32 s26, s12;
	s25 =	simm.s32 $0x0;
	[sflag:s18] =	ssyncadd.s32 $0xFFFFC000  }
0x32: {  	[tilespmem:s25], [sflag:$0x1] =	stream.linear.gather [hbm4b:s28+s25], $0x80, $0x38;
	[tilespmem:$0x17D80] =	vst v63  }
0x33: {  	p1 =	sne.s32 s26, $0x90;
	s26 =	sadd.s32 $0x10, s26;
	_ =	swait.ge [sflag:s18], $0x80  }
0x34: {  	s28 =	smov.u32 s29;
	[sflag:s18] =	ssyncset.done $0x0  }
0x35: {  	[sflag:s18] =	ssyncadd.s32 $0xFFFFFF80  }
0x36: {  	[tilespmem:s19], [sflag:$0x1] =	stream.linear.gather [hbm4b:s24+s25], $0x4000, $0x38;
	[tilespmem:$0x17D80] =	vst v63  }
0x37: {  	_ =	swait.ge [sflag:s18], $0x4000  }
.Ltmp0:
0x38: {  	[sflag:s18] =	ssyncset.done $0x0;
	(pc) =	sbr.rel @p1 .LBB2_2-.Ltmp0, $4  }
0x39: {  	[sflag:s18] =	ssyncadd.s32 $0xFFFFC000  }
0x3a: {  	[spmem:s2] =	stream.indirect.scatter.add.f32 [tilespmem:s19], [sflag:$0x1], $0x80, s25, s19, $0xb8;
	[tilespmem:$0x17D80] =	vst v63  }
0x3b: {  	_ =	swait.ge [sflag:s18], $0x4000  }
0x3c: {  	s24 =	sadd.s32 $0x800, s24;
	[sflag:s18] =	ssyncset.done $0x0  }
0x3d: {  	[sflag:s18] =	ssyncadd.s32 $0xFFFFC000  }
0x3e: {  	[tilespmem:s25], [sflag:$0x1] =	stream.linear.gather [hbm4b:s28+s25], $0x80, $0x38;
	[tilespmem:$0x17D80] =	vst v63  }
0x3f: {  	_ =	swait.ge [sflag:s18], $0x80  }
0x40: {  	[sflag:s18] =	ssyncset.done $0x0  }
0x41: {  	[sflag:s18] =	ssyncadd.s32 $0xFFFFFF80  }
0x42: {  	[tilespmem:s19], [sflag:$0x1] =	stream.linear.gather [hbm4b:s24+s25], $0x4000, $0x38;
	[tilespmem:$0x17D80] =	vst v63  }
0x43: {  	_ =	swait.ge [sflag:s18], $0x4000  }
0x44: {  	p2 =	por $0x1, $0x1;
	[sflag:s18] =	ssyncset.done $0x0  }
.Ltmp1:
0x45: {  	[sflag:s18] =	ssyncadd.s32 $0xFFFFC000;
	(pc) =	sbr.rel @!p2 .LBB2_8-.Ltmp1, $4  }
0x46: {  	[spmem:s2] =	stream.indirect.scatter.add.f32 [tilespmem:s19], [sflag:$0x1], $0x80, s25, s19, $0xb8;
	[tilespmem:$0x17D80] =	vst v63  }
0x47: {  	_ =	swait.ge [sflag:s18], $0x4000  }
0x48: {  	p1 =	por $0x0, $0x0;
	[sflag:s18] =	ssyncset.done $0x0  }
0x49: {  	s26 =	smov.u32 s13;
	s24 =	simm.s32 $0x10;
	[sflag:s18] =	ssyncadd.s32 $0xFFFFC000  }
0x4a: {  	s25 =	sadd.s32 $0x0, s14  }
0x4b: {  	[tilespmem:s3], [sflag:$0x1] =	stream.linear.gather [hbm4b:s25+s3], $0x80, $0x38;
	[tilespmem:$0x17D80] =	vst v63  }
0x4c: {  	_ =	swait.ge [sflag:s18], $0x80  }
0x4d: {  	[sflag:s18] =	ssyncset.done $0x0  }
0x4e: {  	[sflag:s18] =	ssyncadd.s32 $0xFFFFFF80  }
0x4f: {  	[tilespmem:s19], [sflag:$0x1] =	stream.linear.gather [hbm4b:s13+s3], $0x4000, $0x38;
	[tilespmem:$0x17D80] =	vst v63  }
0x50: {  	p2 =	por $0x1, $0x1;
	_ =	swait.ge [sflag:s18], $0x4000  }
.Ltmp2:
0x51: {  	[sflag:s18] =	ssyncset.done $0x0;
	(pc) =	sbr.rel @!p2 .LBB2_5-.Ltmp2, $4  }
0x52: {  	[sflag:s18] =	ssyncadd.s32 $0xFFFFC000  }
0x53: {  	[spmem:s2] =	stream.indirect.scatter.add.f32 [tilespmem:s19], [sflag:$0x1], $0x80, s3, s19, $0xb8;
	[tilespmem:$0x17D80] =	vst v63  }
0x54: {  	s26 =	sadd.s32 $0x800, s13;
	_ =	swait.ge [sflag:s18], $0x4000  }
0x55: {  	p1 =	por $0x1, $0x1;
	s25 =	simm.s32 $0x20;
	[sflag:s18] =	ssyncset.done $0x0  }
.LBB2_6:
0x56: {  	s28 =	sadd.s32 s24, s14  }
0x57: {  	[sflag:s18] =	ssyncadd.s32 $0xFFFFC000;
	s24 =	smov.u32 s25;
	s29 =	sadd.s32 $0x10, s25  }
0x58: {  	[tilespmem:s3], [sflag:$0x1] =	stream.linear.gather [hbm4b:s28+s3], $0x80, $0x38;
	[tilespmem:$0x17D80] =	vst v63  }
0x59: {  	p2 =	sne.s32 s25, $0x80;
	_ =	swait.ge [sflag:s18], $0x80  }
0x5a: {  	[sflag:s18] =	ssyncset.done $0x0  }
0x5b: {  	[sflag:s18] =	ssyncadd.s32 $0xFFFFFF80  }
0x5c: {  	[tilespmem:s19], [sflag:$0x1] =	stream.linear.gather [hbm4b:s26+s3], $0x4000, $0x38;
	[tilespmem:$0x17D80] =	vst v63  }
0x5d: {  	_ =	swait.ge [sflag:s18], $0x4000  }
.Ltmp3:
0x5e: {  	[sflag:s18] =	ssyncset.done $0x0;
	(pc) =	sbr.rel @p2 .LBB2_6-.Ltmp3, $4  }
0x5f: {  	[sflag:s18] =	ssyncadd.s32 $0xFFFFC000  }
0x60: {  	[spmem:s2] =	stream.indirect.scatter.add.f32 [tilespmem:s19], [sflag:$0x1], $0x80, s3, s19, $0xb8;
	[tilespmem:$0x17D80] =	vst v63  }
0x61: {  	_ =	swait.ge [sflag:s18], $0x4000  }
0x62: {  	s25 =	smov.u32 s29;
	s26 =	sadd.s32 $0x800, s26;
	[sflag:s18] =	ssyncset.done $0x0  }
0x63: {  	s25 =	smov.u32 s24  }
.LBB2_8:
0x64: {  	s24 =	sadd.s32 s25, s14;
	[sflag:s18] =	ssyncadd.s32 @p1 $0xFFFFC000  }
0x65: {  	[tilespmem:s3], [sflag:$0x1] =	stream.linear.gather [hbm4b:s24+s3], $0x80, $0x38;
	[tilespmem:$0x17D80] =	vst v63  }
0x66: {  	_ =	swait.ge [sflag:s18], $0x80  }
0x67: {  	[sflag:s18] =	ssyncset.done $0x0  }
0x68: {  	[sflag:s18] =	ssyncadd.s32 $0xFFFFFF80  }
0x69: {  	[tilespmem:s19], [sflag:$0x1] =	stream.linear.gather [hbm4b:s26+s3], $0x4000, $0x38;
	[tilespmem:$0x17D80] =	vst v63  }
0x6a: {  	_ =	swait.ge [sflag:s18], $0x4000  }
0x6b: {  	[sflag:s18] =	ssyncset.done $0x0  }
0x6c: {  	[sflag:s18] =	ssyncadd.s32 $0xFFFFC000  }
0x6d: {  	[spmem:s2] =	stream.indirect.scatter.add.f32 [tilespmem:s19], [sflag:$0x1], $0x80, s3, s19, $0xb8;
	[tilespmem:$0x17D80] =	vst v63  }
0x6e: {  	_ =	swait.ge [sflag:s18], $0x4000  }
0x6f: {  	[sflag:s18] =	ssyncset.done $0x0  }
0x70: {  	[sflag:s18] =	ssyncadd.s32 $0xFFFFC000  }
0x71: {  	[tilespmem:s20], [sflag:$0x1] =	stream.linear.gather [hbm4b:s6+s3], $0x8, $0x38;
	[tilespmem:$0x17D80] =	vst v63  }
0x72: {  	_ =	swait.ge [sflag:s18], $0x8  }
0x73: {  	[sflag:s18] =	ssyncset.done $0x0  }
0x74: {  	[sflag:s18] =	ssyncadd.s32 $0xFFFFFFF8  }
0x75: {  	[tilespmem:s21], [sflag:$0x1] =	stream.linear.gather [hbm4b:s7+s3], $0x400, $0x38;
	[tilespmem:$0x17D80] =	vst v63  }
0x76: {  	_ =	swait.ge [sflag:s18], $0x400  }
0x77: {  	[sflag:s18] =	ssyncset.done $0x0  }
0x78: {  	[sflag:s18] =	ssyncadd.s32 $0xFFFFFC00  }
0x79: {  	[spmem:s2] =	stream.indirect.scatter.add.f32 [tilespmem:s21], [sflag:$0x1], $0x80, s20, s22, $0xb8;
	[tilespmem:$0x17D80] =	vst v63  }
0x7a: {  	_ =	swait.ge [sflag:s18], $0x400  }
0x7b: {  	[sflag:s18] =	ssyncset.done $0x0  }
0x7c: {  	[sflag:s18] =	ssyncadd.s32 $0xFFFFFC00  }
0x7d: {  	s24 =	simm.s32 @p0 $0x1FC1;
	[bflag:$0x0] =	sbarrier.arrive $0xFFFF  }
0x7e: {  	[hbm:s9], [sflag:s24] =	dma.local @p0 [spmem:s15], $0x1900  }
0x7f: {  	s24 =	simm.s32 @p0 $0x1  }
0x80: {  	_ =	swait.ge @p0 [sflag:s24], $0x1900  }
0x81: {  	s23 =	sadd.s32 $0x1, s23;
	[sflag:s24] =	ssyncset.done @p0 $0x0  }
0x82: {  	p1 =	sne.s32 s23, s10;
	[sflag:s24] =	ssyncadd.s32 @p0 $0xFFFFE700  }
0x83: {  	[hbm:s8], [sflag:s16] =	dma.local @!p0 [spmem:s17], $0x2800  }
.Ltmp4:
0x84: {  	_ = 	snop;
	(pc) =	sbr.rel @p1 .LBB2_1-.Ltmp4, $4  }
.Ltmp5:
0x85: {  	s24 =	simm.s32 @!p0 $0x1;
	(pc) =	sbr.rel @!p1 .LBB2_9-.Ltmp5, $4  }
0x86: {  	_ =	swait.ge @!p0 [sflag:s24], $0x2800  }
0x87: {  	[sflag:s24] =	ssyncset.done @!p0 $0x0  }
0x88: {  	[sflag:s24] =	ssyncadd.s32 @!p0 $0xFFFFD800  }
0x89: {  	_ = 	snop  }
.LBB2_5:
.Ltmp6:
0x8a: {  	(pc) =	sbr.rel .LBB2_8-.Ltmp6, $2  }
0x8b: {  	_ =	sdelay $0x2  }
0x8c: {  	s25 =	simm.s32 $0x10  }
.LBB2_9:
0x8d: {  	_ =	sfence.sel $0x180000  }
0x8e: {  	[bflag:$0x0] =	sbarrier.arrive $0xFFFF  }
0x8f: {  	p0 =	sne.s32 s0, $0x0;
	_ =	strace $0x90000056  }
0x90: {  	s0 =	sadd.s32 @!p0 $0x100000, s1;
	[bflag:$0x2] =	sbarrier.arrive $0xFFFF  }
0x91: {  	[sflag:s0] =	ssyncadd.tile.s32 @!p0 $0x1;
	_ =	shalt  }
.Lfunc_end2:
_tile_overlayer_lowered:
.L_overlay_start_2:
0x92: {  	(tag) =	ssettag $0x2  }
0x93: {  	s0 =	rddreg [dreg:$0x0];
	s2 =	stileid.u32  }
0x94: {  	s1 =	rddreg [dreg:$0x1];
	p0 =	sne.s32 s2, $0x0  }
0x95: {  	s3 =	rddreg [dreg:$0x2];
	[bflag:$0x3] =	sbarrier.arrive $0xFFFF;
	s2 =	simm.s32 @!p0 $0x1C01  }
0x96: {  	[timem:s3], [sflag:s2] =	dma.local @!p0 [hbm:s0], s1  }
0x97: {  	s0 =	simm.s32 @!p0 $0x1  }
0x98: {  	_ =	swait.ge @!p0 [sflag:s0], s1  }
0x99: {  	s1 =	ssub.s32 @!p0 $0x0, s1;
	[sflag:s0] =	ssyncset.done @!p0 $0x0  }
0x9a: {  	[sflag:s0] =	ssyncadd.s32 @!p0 s1  }
0x9b: {  	[bflag:$0x3] =	sbarrier.arrive $0xFFFF  }
0x9c: {  	_ =	shalt  }

// kernel: kernel.42.cloned.1.call-start
scs
__scs_entry_jumppad:
0x0: {  	(pc) =	sbr.rel $0x88, $3  }
0x1: {  	(tag) =	ssettag $0x0;
	lr =	simm.s32 $0x1  }
0x2: {  	[smem:$0x3F8D] =	sst lr;
	_ =	strace $0xD0000000  }
0x3: {  	_ = 	snop  }
0x4: {  	_ = 	snop  }
0x5: {  	_ = 	snop  }
0x6: {  	_ = 	snop  }
0x7: {  	_ = 	snop  }
__scs_overlays_trampoline_lowered:
0x8: {  	[smem:$0x3F9C] =	sst s0  }
0x9: {  	[smem:$0x3F9D] =	sst s1  }
0xa: {  	[smem:$0x3F9E] =	sst s2  }
0xb: {  	[smem:$0x3F9F] =	sst s3  }
0xc: {  	[smem:$0x3FA0] =	sst s4  }
0xd: {  	[smem:$0x3FA1] =	sst s5  }
0xe: {  	[smem:$0x3FA2] =	sst s6  }
0xf: {  	[smem:$0x3FA3] =	sst s7  }
0x10: {  	[smem:$0x3FA4] =	sst s8  }
0x11: {  	[smem:$0x3FA5] =	sst s9;
	s0 =	simm.s32 @!p0 $0x0  }
0x12: {  	s1 =	sld [smem:$0x3F8B];
	s0 =	simm.s32 @p0 $0x1  }
0x13: {  	[smem:$0x3FA6] =	sst s0;
	s0 =	simm.s32 @!p1 $0x0  }
0x14: {  	s2 =	sld [smem:$0x3F8A];
	s0 =	simm.s32 @p1 $0x1  }
0x15: {  	[smem:$0x3FA7] =	sst s0;
	s0 =	simm.s32 @!p2 $0x0  }
0x16: {  	s3 =	sld [smem:$0x3FDB];
	s0 =	simm.s32 @p2 $0x1  }
0x17: {  	s4 =	simm.s32 $0x1BF5;
	[smem:$0x3FA9] =	sst s0  }
0x18: {  	s0 =	sld [smem:$0x3F8C];
	_ =	swait.ge [sflag:s4], $0x0  }
0x19: {  	s7 =	sld [smem:$0x3F8D]  }
0x1a: {  	s8 =	sadd.s32 $0xFFFFE003, lr  }
0x1b: {  	s9 =	sadd.s32 $0xFFFFFEF7, lr;
	s5 =	simm.s32 $0xFFFFFFFF;
	p2 =	slt.u32 s8, $0xFFFFF086  }
0x1c: {  	p1 =	slt.u32 s9, $0xF7A;
	s5 =	simm.s32 @!p2 $0x0  }
0x1d: {  	s5 =	simm.s32 @p1 $0x1;
	p0 =	seq.s32 s7, s2  }
0x1e: {  	s7 =	smul.u32 @!p0 $0xF7A, s2;
	p2 =	seq.s32 @!p0 s5, $0x0  }
0x1f: {  	s9 =	smul.u32 $0xF7A, s1;
	s8 =	simm.s32 @!p0 $0x1BF5;
	p2 =	por !p2, p0  }
0x20: {  	[sflag:s8] =	ssyncset.s32 @!p0 $0xFFFFF086;
	s6 =	sadd.s32 @!p0 s3, s7;
	s7 =	simm.s32 @!p0 $0x108  }
0x21: {  	s3 =	sadd.s32 s3, s9;
	s6 =	sadd.s32 @!p0 $0x88, s6;
	s7 =	simm.s32 @p2 $0x1082  }
0x22: {  	[simem:s7], [sflag:s8] =	dma.local @!p0 [hbm:s6], $0xF7A  }
0x23: {  	s9 =	sor.u32 $0xD0000000, s2;
	s6 =	simm.s32 $0x108;
	_ =	swait.ge @!p0 [sflag:s8], $0x0  }
0x24: {  	s3 =	sadd.s32 $0x88, s3;
	s6 =	simm.s32 @!p1 $0x1082;
	[sflag:s4] =	ssyncset.s32 $0xFFFFF086  }
0x25: {  	[simem:s6], [sflag:s4] =	dma.local [hbm:s3], $0xF7A  }
0x26: {  	[smem:$0x3F8D] =	sst s1;
	(tag) =	ssettag s2;
	_ =	strace s9  }
0x27: {  	s1 =	sld [smem:$0x3F9D]  }
0x28: {  	s2 =	sld [smem:$0x3F9E]  }
0x29: {  	s4 =	sld [smem:$0x3FA0]  }
0x2a: {  	p0 =	seq.s32 s5, $0x0;
	s5 =	sld [smem:$0x3FA1]  }
0x2b: {  	s6 =	sld [smem:$0x3FA2]  }
0x2c: {  	s7 =	sld [smem:$0x3FA3]  }
0x2d: {  	s3 =	simm.s32 $0x108;
	s8 =	sld [smem:$0x3FA4]  }
0x2e: {  	s3 =	simm.s32 @!p0 $0x1082;
	s9 =	sld [smem:$0x3FA5]  }
0x2f: {  	lr =	sadd.s32 s0, s3;
	s0 =	sld [smem:$0x3F9C]  }
0x30: {  	s3 =	sld [smem:$0x3F9F]  }
0x31: {  	[smem:$0x3FA8] =	sst s10  }
0x32: {  	s10 =	sld [smem:$0x3FA6];
	_ =	sdelay $0x3  }
0x33: {  	p0 =	seq.s32 s10, $0x1;
	s10 =	sld [smem:$0x3FA8];
	_ =	sdelay $0x3  }
0x34: {  	[smem:$0x3FA8] =	sst s10  }
0x35: {  	s10 =	sld [smem:$0x3FA7];
	_ =	sdelay $0x3  }
0x36: {  	p1 =	seq.s32 s10, $0x1;
	s10 =	sld [smem:$0x3FA8];
	_ =	sdelay $0x3  }
0x37: {  	[smem:$0x3FA8] =	sst s10  }
0x38: {  	s10 =	sld [smem:$0x3FA9]  }
0x39: {  	_ = 	snop;
	(pc) =	sbr.ind lr, $3  }
0x3a: {  	_ = 	snop  }
0x3b: {  	_ = 	snop  }
0x3c: {  	p2 =	seq.s32 s10, $0x1;
	s10 =	sld [smem:$0x3FA8]  }
0x3d: {  	_ =	shalt  }
0x3e: {  	_ =	shalt  }
0x3f: {  	_ =	shalt  }
0x40: {  	_ =	shalt  }
0x41: {  	_ =	shalt  }
0x42: {  	_ =	shalt  }
0x43: {  	_ =	shalt  }
0x44: {  	_ =	shalt  }
0x45: {  	_ =	shalt  }
0x46: {  	_ =	shalt  }
0x47: {  	_ =	shalt  }
0x48: {  	_ =	shalt  }
0x49: {  	_ =	shalt  }
0x4a: {  	_ =	shalt  }
0x4b: {  	_ =	shalt  }
0x4c: {  	_ =	shalt  }
0x4d: {  	_ =	shalt  }
0x4e: {  	_ =	shalt  }
0x4f: {  	_ =	shalt  }
0x50: {  	_ =	shalt  }
0x51: {  	_ =	shalt  }
0x52: {  	_ =	shalt  }
0x53: {  	_ =	shalt  }
0x54: {  	_ =	shalt  }
0x55: {  	_ =	shalt  }
0x56: {  	_ =	shalt  }
0x57: {  	_ =	shalt  }
0x58: {  	_ =	shalt  }
0x59: {  	_ =	shalt  }
0x5a: {  	_ =	shalt  }
0x5b: {  	_ =	shalt  }
0x5c: {  	_ =	shalt  }
0x5d: {  	_ =	shalt  }
0x5e: {  	_ =	shalt  }
0x5f: {  	_ =	shalt  }
0x60: {  	_ =	shalt  }
0x61: {  	_ =	shalt  }
0x62: {  	_ =	shalt  }
0x63: {  	_ =	shalt  }
0x64: {  	_ =	shalt  }
0x65: {  	_ =	shalt  }
0x66: {  	_ =	shalt  }
0x67: {  	_ =	shalt  }
0x68: {  	_ =	shalt  }
0x69: {  	_ =	shalt  }
0x6a: {  	_ =	shalt  }
0x6b: {  	_ =	shalt  }
0x6c: {  	_ =	shalt  }
0x6d: {  	_ =	shalt  }
0x6e: {  	_ =	shalt  }
0x6f: {  	_ =	shalt  }
0x70: {  	_ =	shalt  }
0x71: {  	_ =	shalt  }
0x72: {  	_ =	shalt  }
0x73: {  	_ =	shalt  }
0x74: {  	_ =	shalt  }
0x75: {  	_ =	shalt  }
0x76: {  	_ =	shalt  }
0x77: {  	_ =	shalt  }
0x78: {  	_ =	shalt  }
0x79: {  	_ =	shalt  }
0x7a: {  	_ =	shalt  }
0x7b: {  	_ =	shalt  }
0x7c: {  	_ =	shalt  }
0x7d: {  	_ =	shalt  }
0x7e: {  	_ =	shalt  }
0x7f: {  	_ =	shalt  }
0x80: {  	_ =	shalt  }
0x81: {  	_ =	shalt  }
0x82: {  	_ =	shalt  }
0x83: {  	_ =	shalt  }
0x84: {  	_ =	shalt  }
0x85: {  	_ =	shalt  }
0x86: {  	_ =	shalt  }
0x87: {  	_ =	shalt  }
.Lfunc_end0:
.L_simem_size_0:
called_computation.6_lowered:
.L_overlay_start_0:
0x88: {  	s2 =	sld [smem:$0x3FD9]  }
0x89: {  	s3 =	sld [smem:$0x3FFE];
	_ =	sdelay $0x1  }
0x8a: {  	s1 =	srdreg.scid  }
0x8b: {  	s0 =	sand.u32 $0x1, s1  }
0x8c: {  	s16 =	sshll.u32 s0, $0xA;
	s2 =	sadd.s32 s3, s2  }
0x8d: {  	s2 =	sadd.s32 s2, s16  }
0x8e: {  	[smem:$0x3FB4] =	sst s2  }
0x8f: {  	_ = 	snop  }
0x90: {  	(tm) =	ssettm $0x1  }
0x91: {  	s17 =	sld [smem:$0x3FFB];
	_ =	sdelay $0x3  }
0x92: {  	_ =	strace s17  }
0x93: {  	s2 =	sld [smem:$0x3FFC];
	_ =	sdelay $0x3  }
0x94: {  	_ =	strace s2  }
0x95: {  	s2 =	sld [smem:$0x3FFD];
	_ =	sdelay $0x3  }
0x96: {  	_ =	strace s2  }
0x97: {  	_ =	strace $0x8FFFFFFF  }
0x98: {  	s18 =	sld [smem:$0x3FDB];
	_ =	sdelay $0x1  }
0x99: {  	s19 =	simm.s32 $_scs_section_size  }
0x9a: {  	s4 =	simm.s32 $_size__tile_overlayer_lowered;
	s5 =	simm.s32 $_tile_overlayer_lowered  }
0x9b: {  	s22 =	simm.s32 $0x1BFF;
	s21 =	sshll.u32 s5, $0x1;
	s2 =	sadd.s32 s19, s18  }
0x9c: {  	s6 =	simm.s32 $0x0;
	s20 =	sshll.u32 s4, $0x1;
	s4 =	sadd.s32 s21, s2  }
0x9d: {  	[timem:s6], [sflag:s22] =	dma.local [hbm:s4], s20  }
0x9e: {  	_ =	swait.ge [sflag:s22], s20  }
0x9f: {  	s3 =	ssub.s32 $0x0, s20;
	[sflag:s22] =	ssyncset.done $0x0  }
0xa0: {  	[sflag:s22] =	ssyncadd.s32 s3;
	_ =	sdelay $0x1  }
0xa1: {  	s23 =	simm.s32 $0x1B8B  }
0xa2: {  	_ =	swait.ge [sflag:s23], $0x1  }
0xa3: {  	[sflag:s23] =	ssyncset.done $0x0  }
0xa4: {  	s25 =	simm.s32 $0x1B8E;
	s24 =	sld [smem:$0x3FFE];
	[sflag:s23] =	ssyncadd.s32 $0xFFFFFFFF  }
0xa5: {  	s26 =	simm.s32 $execute0_lowered;
	[smem:$0x3FD2] =	sst s25  }
0xa6: {  	s4 =	sshll.u32 s26, $0x1;
	_ =	strace $0x80000058;
	[dreg:$0x1] =	wrdreg $0xFFFFFFFF  }
0xa7: {  	s28 =	simm.s32 $_size_execute0_lowered;
	s2 =	sadd.s32 s2, s4;
	[dreg:$0x0] =	wrdreg $0x0  }
0xa8: {  	s4 =	sshll.u32 s28, $0x1;
	[dreg:$0x2] =	wrdreg s2  }
0xa9: {  	[dreg:$0x3] =	wrdreg s4  }
0xaa: {  	[dreg:$0x4] =	wrdreg $0xC0  }
0xab: {  	_ =	task [dreg:s6], $0x5FFFF  }
0xac: {  	[dreg:$0x1] =	wrdreg $0xFFFFFFFF  }
0xad: {  	[dreg:$0x0] =	wrdreg $0x60  }
0xae: {  	[dreg:$0x2] =	wrdreg s24  }
0xaf: {  	[dreg:$0x3] =	wrdreg $0xB  }
0xb0: {  	_ =	task.clear_ibuf [dreg:s6], $0x4FFFF;
	_ =	strace $0x90000058  }
0xb1: {  	s29 =	simm.s32 $0xB;
	_ =	strace $0x8000005A  }
0xb2: {  	_ =	swait.ge [sflag:s29], $0x1  }
0xb3: {  	[sflag:s29] =	ssyncadd.s32 $0xFFFFFFFF  }
0xb4: {  	_ =	strace $0x9000005A  }
0xb5: {  	_ =	sfence  }
0xb6: {  	s30 =	sld [smem:$0x0];
	_ =	sdelay $0x2  }
0xb7: {  	s31 =	sshll.u32 s1, $0xD;
	s1 =	sshrl.u32 s1, $0x2  }
0xb8: {  	s3 =	sand.u32 $0x4000, s31;
	s1 =	sadd.s32 s1, s30  }
0xb9: {  	s0 =	sor.u32 s3, s0;
	s1 =	sshll.u32 s1, $0x11  }
0xba: {  	s0 =	sor.u32 s1, s0  }
0xbb: {  	s0 =	sadd.s32 $0x8F2B, s0  }
0xbc: {  	[sflag:s0] =	ssyncadd.remote.s32 $0x1  }
0xbd: {  	_ =	sfence.sel $0xFFFF  }
0xbe: {  	[dreg:$0x0] =	wrdreg $0xFFFFFFFF;
	(pc) =	sbr.abs _section_cstart, $3  }
0xbf: {  	[dreg:$0x1] =	wrdreg $0xFFFFFFFF  }
0xc0: {  	_ =	task.clear_ibuf [dreg:s6], $0x2FFFF;
	_ =	strace $0x9FFFFFFF  }
0xc1: {  	(tm) =	ssettm $0x7FFFFFFF  }
tec
execute0_lowered:
.L_overlay_start_1:
0x0: {  	(tag) =	ssettag $0x1  }
0x1: {  	s4 =	rddreg [dreg:$0x0]  }
0x2: {  	s0 =	rddreg [dreg:$0x1];
	s2 =	simm.s32 $0x0;
	s1 =	stileid.u32  }
0x3: {  	s3 =	srdreg.scid;
	s10 =	simm.s32 $0x0;
	s6 =	smul.u32 $0xA00, s1  }
0x4: {  	[smem:$0x7FF] =	sst s2;
	s5 =	sand.u32 $0x1, s3;
	s8 =	smul.u32 $0xA000, s1  }
0x5: {  	s3 =	sadd.s32 $0x2BDC00, s4;
	s7 =	smul.u32 $0x500, s5;
	s9 =	ssub.s32 $0x2, s5  }
0x6: {  	_ =	strace $0x80000059;
	s5 =	smul.u32 $0x5000, s5;
	s31 =	sshrl.u32 s9, $0x1  }
0x7: {  	s8 =	sadd.s32 s8, s4;
	s6 =	sadd.s32 s7, s6;
	s7 =	ssub.s32 s9, s31  }
0x8: {  	s5 =	sadd.s32 s5, s8;
	s8 =	simm.s32 $0x80;
	s6 =	sshrl.u32 s6, $0x3  }
0x9: {  	s9 =	simm.s32 $0x1;
	s5 =	sadd.s32 $0xB600, s5;
	s6 =	sadd.s32 s6, s4  }
0xa: {  	s4 =	smax.u32 s7, $0x1;
	s7 =	simm.s32 $0x2;
	s6 =	sadd.s32 $0x8E00, s6  }
.LBB2_1:
0xb: {  	s11 =	sadd.s32 $0x0, s6  }
0xc: {  	[tilespmem:s2], [sflag:$0x2] =	stream.linear.gather [hbm4b:s11+s2], $0x80, $0x38;
	[tilespmem:$0x4080] =	vst v63  }
0xd: {  	_ =	swait.ge [sflag:s7], $0x80  }
0xe: {  	[sflag:s7] =	ssyncset.done $0x0  }
0xf: {  	[sflag:s7] =	ssyncadd.s32 $0xFFFFFF80  }
0x10: {  	[tilespmem:s8], [sflag:$0x1] =	stream.indirect.gather [hbm4b:s3+s8], $0x80, s2, s8, $0xb8;
	[tilespmem:$0x4080] =	vst v63  }
0x11: {  	_ =	swait.ge [sflag:s9], $0x4000  }
0x12: {  	[sflag:s9] =	ssyncset.done $0x0  }
0x13: {  	[sflag:s9] =	ssyncadd.s32 $0xFFFFC000  }
0x14: {  	[hbm4b:s5+s2] =	stream.linear.scatter [tilespmem:s8], [sflag:$0x2], $0x4000, $0x38;
	[tilespmem:$0x4080] =	vst v63  }
0x15: {  	s12 =	simm.s32 $0x10;
	_ =	swait.ge [sflag:s7], $0x4000  }
0x16: {  	s13 =	simm.s32 $0x20;
	s11 =	sadd.s32 $0x800, s5;
	[sflag:s7] =	ssyncset.done $0x0  }
.LBB2_2:
0x17: {  	s14 =	sadd.s32 s12, s6  }
0x18: {  	[sflag:s7] =	ssyncadd.s32 $0xFFFFC000;
	s12 =	smov.u32 s13;
	s15 =	sadd.s32 $0x10, s13  }
0x19: {  	[tilespmem:s2], [sflag:$0x2] =	stream.linear.gather [hbm4b:s14+s2], $0x80, $0x38;
	[tilespmem:$0x4080] =	vst v63  }
0x1a: {  	p0 =	sne.s32 s13, $0x90;
	_ =	swait.ge [sflag:s7], $0x80  }
0x1b: {  	[sflag:s7] =	ssyncset.done $0x0  }
0x1c: {  	[sflag:s7] =	ssyncadd.s32 $0xFFFFFF80  }
0x1d: {  	[tilespmem:s8], [sflag:$0x1] =	stream.indirect.gather [hbm4b:s3+s8], $0x80, s2, s8, $0xb8;
	[tilespmem:$0x4080] =	vst v63  }
0x1e: {  	_ =	swait.ge [sflag:s9], $0x4000  }
.Ltmp0:
0x1f: {  	[sflag:s9] =	ssyncset.done $0x0;
	(pc) =	sbr.rel @p0 .LBB2_2-.Ltmp0, $4  }
0x20: {  	[sflag:s9] =	ssyncadd.s32 $0xFFFFC000  }
0x21: {  	[hbm4b:s11+s2] =	stream.linear.scatter [tilespmem:s8], [sflag:$0x2], $0x4000, $0x38;
	[tilespmem:$0x4080] =	vst v63  }
0x22: {  	_ =	swait.ge [sflag:s7], $0x4000  }
0x23: {  	s13 =	smov.u32 s15;
	s11 =	sadd.s32 $0x800, s11;
	[sflag:s7] =	ssyncset.done $0x0  }
0x24: {  	s12 =	sadd.s32 s12, s6;
	[sflag:s7] =	ssyncadd.s32 $0xFFFFC000  }
0x25: {  	[tilespmem:s2], [sflag:$0x2] =	stream.linear.gather [hbm4b:s12+s2], $0x80, $0x38;
	[tilespmem:$0x4080] =	vst v63  }
0x26: {  	_ =	swait.ge [sflag:s7], $0x80  }
0x27: {  	[sflag:s7] =	ssyncset.done $0x0  }
0x28: {  	[sflag:s7] =	ssyncadd.s32 $0xFFFFFF80  }
0x29: {  	[tilespmem:s8], [sflag:$0x1] =	stream.indirect.gather [hbm4b:s3+s8], $0x80, s2, s8, $0xb8;
	[tilespmem:$0x4080] =	vst v63  }
0x2a: {  	s10 =	sadd.s32 $0x1, s10;
	_ =	swait.ge [sflag:s9], $0x4000  }
0x2b: {  	p0 =	sne.s32 s10, s4;
	[sflag:s9] =	ssyncset.done $0x0  }
.Ltmp1:
0x2c: {  	[sflag:s9] =	ssyncadd.s32 $0xFFFFC000;
	(pc) =	sbr.rel @p0 .LBB2_1-.Ltmp1, $4  }
0x2d: {  	[hbm4b:s11+s2] =	stream.linear.scatter [tilespmem:s8], [sflag:$0x2], $0x4000, $0x38;
	[tilespmem:$0x4080] =	vst v63  }
0x2e: {  	_ =	swait.ge [sflag:s7], $0x4000  }
0x2f: {  	[sflag:s7] =	ssyncset.done $0x0  }
0x30: {  	[sflag:s7] =	ssyncadd.s32 $0xFFFFC000  }
0x31: {  	_ =	sfence.sel $0x180000  }
0x32: {  	[bflag:$0x0] =	sbarrier.arrive $0xFFFF  }
0x33: {  	p0 =	sne.s32 s1, $0x0;
	_ =	strace $0x90000059  }
0x34: {  	s0 =	sadd.s32 @!p0 $0x100000, s0;
	[bflag:$0x2] =	sbarrier.arrive $0xFFFF  }
0x35: {  	[sflag:s0] =	ssyncadd.tile.s32 @!p0 $0x1;
	_ =	shalt  }
.Lfunc_end2:
_tile_overlayer_lowered:
.L_overlay_start_2:
0x36: {  	(tag) =	ssettag $0x2  }
0x37: {  	s0 =	rddreg [dreg:$0x0];
	s2 =	stileid.u32  }
0x38: {  	s1 =	rddreg [dreg:$0x1];
	p0 =	sne.s32 s2, $0x0  }
0x39: {  	s3 =	rddreg [dreg:$0x2];
	[bflag:$0x3] =	sbarrier.arrive $0xFFFF;
	s2 =	simm.s32 @!p0 $0x1C02  }
0x3a: {  	[timem:s3], [sflag:s2] =	dma.local @!p0 [hbm:s0], s1  }
0x3b: {  	s0 =	simm.s32 @!p0 $0x2  }
0x3c: {  	_ =	swait.ge @!p0 [sflag:s0], s1  }
0x3d: {  	s1 =	ssub.s32 @!p0 $0x0, s1;
	[sflag:s0] =	ssyncset.done @!p0 $0x0  }
0x3e: {  	[sflag:s0] =	ssyncadd.s32 @!p0 s1  }
0x3f: {  	[bflag:$0x3] =	sbarrier.arrive $0xFFFF  }
0x40: {  	_ =	shalt  }

// kernel: kernel.45.cloned.1.call-start
scs
__scs_entry_jumppad:
0x0: {  	(pc) =	sbr.rel $0x88, $3  }
0x1: {  	(tag) =	ssettag $0x0;
	lr =	simm.s32 $0x1  }
0x2: {  	[smem:$0x3F8D] =	sst lr;
	_ =	strace $0xD0000000  }
0x3: {  	_ = 	snop  }
0x4: {  	_ = 	snop  }
0x5: {  	_ = 	snop  }
0x6: {  	_ = 	snop  }
0x7: {  	_ = 	snop  }
__scs_overlays_trampoline_lowered:
0x8: {  	[smem:$0x3F9C] =	sst s0  }
0x9: {  	[smem:$0x3F9D] =	sst s1  }
0xa: {  	[smem:$0x3F9E] =	sst s2  }
0xb: {  	[smem:$0x3F9F] =	sst s3  }
0xc: {  	[smem:$0x3FA0] =	sst s4  }
0xd: {  	[smem:$0x3FA1] =	sst s5  }
0xe: {  	[smem:$0x3FA2] =	sst s6  }
0xf: {  	[smem:$0x3FA3] =	sst s7  }
0x10: {  	[smem:$0x3FA4] =	sst s8  }
0x11: {  	[smem:$0x3FA5] =	sst s9;
	s0 =	simm.s32 @!p0 $0x0  }
0x12: {  	s1 =	sld [smem:$0x3F8B];
	s0 =	simm.s32 @p0 $0x1  }
0x13: {  	[smem:$0x3FA6] =	sst s0;
	s0 =	simm.s32 @!p1 $0x0  }
0x14: {  	s2 =	sld [smem:$0x3F8A];
	s0 =	simm.s32 @p1 $0x1  }
0x15: {  	[smem:$0x3FA7] =	sst s0;
	s0 =	simm.s32 @!p2 $0x0  }
0x16: {  	s3 =	sld [smem:$0x3FDB];
	s0 =	simm.s32 @p2 $0x1  }
0x17: {  	s4 =	simm.s32 $0x1BF5;
	[smem:$0x3FA9] =	sst s0  }
0x18: {  	s0 =	sld [smem:$0x3F8C];
	_ =	swait.ge [sflag:s4], $0x0  }
0x19: {  	s7 =	sld [smem:$0x3F8D]  }
0x1a: {  	s8 =	sadd.s32 $0xFFFFE003, lr  }
0x1b: {  	s9 =	sadd.s32 $0xFFFFFEF7, lr;
	s5 =	simm.s32 $0xFFFFFFFF;
	p2 =	slt.u32 s8, $0xFFFFF086  }
0x1c: {  	p1 =	slt.u32 s9, $0xF7A;
	s5 =	simm.s32 @!p2 $0x0  }
0x1d: {  	s5 =	simm.s32 @p1 $0x1;
	p0 =	seq.s32 s7, s2  }
0x1e: {  	s7 =	smul.u32 @!p0 $0xF7A, s2;
	p2 =	seq.s32 @!p0 s5, $0x0  }
0x1f: {  	s9 =	smul.u32 $0xF7A, s1;
	s8 =	simm.s32 @!p0 $0x1BF5;
	p2 =	por !p2, p0  }
0x20: {  	[sflag:s8] =	ssyncset.s32 @!p0 $0xFFFFF086;
	s6 =	sadd.s32 @!p0 s3, s7;
	s7 =	simm.s32 @!p0 $0x108  }
0x21: {  	s3 =	sadd.s32 s3, s9;
	s6 =	sadd.s32 @!p0 $0x88, s6;
	s7 =	simm.s32 @p2 $0x1082  }
0x22: {  	[simem:s7], [sflag:s8] =	dma.local @!p0 [hbm:s6], $0xF7A  }
0x23: {  	s9 =	sor.u32 $0xD0000000, s2;
	s6 =	simm.s32 $0x108;
	_ =	swait.ge @!p0 [sflag:s8], $0x0  }
0x24: {  	s3 =	sadd.s32 $0x88, s3;
	s6 =	simm.s32 @!p1 $0x1082;
	[sflag:s4] =	ssyncset.s32 $0xFFFFF086  }
0x25: {  	[simem:s6], [sflag:s4] =	dma.local [hbm:s3], $0xF7A  }
0x26: {  	[smem:$0x3F8D] =	sst s1;
	(tag) =	ssettag s2;
	_ =	strace s9  }
0x27: {  	s1 =	sld [smem:$0x3F9D]  }
0x28: {  	s2 =	sld [smem:$0x3F9E]  }
0x29: {  	s4 =	sld [smem:$0x3FA0]  }
0x2a: {  	p0 =	seq.s32 s5, $0x0;
	s5 =	sld [smem:$0x3FA1]  }
0x2b: {  	s6 =	sld [smem:$0x3FA2]  }
0x2c: {  	s7 =	sld [smem:$0x3FA3]  }
0x2d: {  	s3 =	simm.s32 $0x108;
	s8 =	sld [smem:$0x3FA4]  }
0x2e: {  	s3 =	simm.s32 @!p0 $0x1082;
	s9 =	sld [smem:$0x3FA5]  }
0x2f: {  	lr =	sadd.s32 s0, s3;
	s0 =	sld [smem:$0x3F9C]  }
0x30: {  	s3 =	sld [smem:$0x3F9F]  }
0x31: {  	[smem:$0x3FA8] =	sst s10  }
0x32: {  	s10 =	sld [smem:$0x3FA6];
	_ =	sdelay $0x3  }
0x33: {  	p0 =	seq.s32 s10, $0x1;
	s10 =	sld [smem:$0x3FA8];
	_ =	sdelay $0x3  }
0x34: {  	[smem:$0x3FA8] =	sst s10  }
0x35: {  	s10 =	sld [smem:$0x3FA7];
	_ =	sdelay $0x3  }
0x36: {  	p1 =	seq.s32 s10, $0x1;
	s10 =	sld [smem:$0x3FA8];
	_ =	sdelay $0x3  }
0x37: {  	[smem:$0x3FA8] =	sst s10  }
0x38: {  	s10 =	sld [smem:$0x3FA9]  }
0x39: {  	_ = 	snop;
	(pc) =	sbr.ind lr, $3  }
0x3a: {  	_ = 	snop  }
0x3b: {  	_ = 	snop  }
0x3c: {  	p2 =	seq.s32 s10, $0x1;
	s10 =	sld [smem:$0x3FA8]  }
0x3d: {  	_ =	shalt  }
0x3e: {  	_ =	shalt  }
0x3f: {  	_ =	shalt  }
0x40: {  	_ =	shalt  }
0x41: {  	_ =	shalt  }
0x42: {  	_ =	shalt  }
0x43: {  	_ =	shalt  }
0x44: {  	_ =	shalt  }
0x45: {  	_ =	shalt  }
0x46: {  	_ =	shalt  }
0x47: {  	_ =	shalt  }
0x48: {  	_ =	shalt  }
0x49: {  	_ =	shalt  }
0x4a: {  	_ =	shalt  }
0x4b: {  	_ =	shalt  }
0x4c: {  	_ =	shalt  }
0x4d: {  	_ =	shalt  }
0x4e: {  	_ =	shalt  }
0x4f: {  	_ =	shalt  }
0x50: {  	_ =	shalt  }
0x51: {  	_ =	shalt  }
0x52: {  	_ =	shalt  }
0x53: {  	_ =	shalt  }
0x54: {  	_ =	shalt  }
0x55: {  	_ =	shalt  }
0x56: {  	_ =	shalt  }
0x57: {  	_ =	shalt  }
0x58: {  	_ =	shalt  }
0x59: {  	_ =	shalt  }
0x5a: {  	_ =	shalt  }
0x5b: {  	_ =	shalt  }
0x5c: {  	_ =	shalt  }
0x5d: {  	_ =	shalt  }
0x5e: {  	_ =	shalt  }
0x5f: {  	_ =	shalt  }
0x60: {  	_ =	shalt  }
0x61: {  	_ =	shalt  }
0x62: {  	_ =	shalt  }
0x63: {  	_ =	shalt  }
0x64: {  	_ =	shalt  }
0x65: {  	_ =	shalt  }
0x66: {  	_ =	shalt  }
0x67: {  	_ =	shalt  }
0x68: {  	_ =	shalt  }
0x69: {  	_ =	shalt  }
0x6a: {  	_ =	shalt  }
0x6b: {  	_ =	shalt  }
0x6c: {  	_ =	shalt  }
0x6d: {  	_ =	shalt  }
0x6e: {  	_ =	shalt  }
0x6f: {  	_ =	shalt  }
0x70: {  	_ =	shalt  }
0x71: {  	_ =	shalt  }
0x72: {  	_ =	shalt  }
0x73: {  	_ =	shalt  }
0x74: {  	_ =	shalt  }
0x75: {  	_ =	shalt  }
0x76: {  	_ =	shalt  }
0x77: {  	_ =	shalt  }
0x78: {  	_ =	shalt  }
0x79: {  	_ =	shalt  }
0x7a: {  	_ =	shalt  }
0x7b: {  	_ =	shalt  }
0x7c: {  	_ =	shalt  }
0x7d: {  	_ =	shalt  }
0x7e: {  	_ =	shalt  }
0x7f: {  	_ =	shalt  }
0x80: {  	_ =	shalt  }
0x81: {  	_ =	shalt  }
0x82: {  	_ =	shalt  }
0x83: {  	_ =	shalt  }
0x84: {  	_ =	shalt  }
0x85: {  	_ =	shalt  }
0x86: {  	_ =	shalt  }
0x87: {  	_ =	shalt  }
.Lfunc_end0:
.L_simem_size_0:
called_computation.7_lowered:
.L_overlay_start_0:
0x88: {  	s2 =	sld [smem:$0x3FD9]  }
0x89: {  	s3 =	sld [smem:$0x3FFE];
	_ =	sdelay $0x1  }
0x8a: {  	s1 =	srdreg.scid  }
0x8b: {  	s0 =	sand.u32 $0x1, s1  }
0x8c: {  	s17 =	sshll.u32 s0, $0xA;
	s2 =	sadd.s32 s3, s2  }
0x8d: {  	s2 =	sadd.s32 s2, s17  }
0x8e: {  	[smem:$0x3FB4] =	sst s2  }
0x8f: {  	_ = 	snop  }
0x90: {  	(tm) =	ssettm $0x1  }
0x91: {  	s18 =	sld [smem:$0x3FFB];
	_ =	sdelay $0x3  }
0x92: {  	_ =	strace s18  }
0x93: {  	s2 =	sld [smem:$0x3FFC];
	_ =	sdelay $0x3  }
0x94: {  	_ =	strace s2  }
0x95: {  	s2 =	sld [smem:$0x3FFD];
	_ =	sdelay $0x3  }
0x96: {  	_ =	strace s2  }
0x97: {  	_ =	strace $0x8FFFFFFF  }
0x98: {  	s19 =	sld [smem:$0x3FDB];
	_ =	sdelay $0x1  }
0x99: {  	s20 =	simm.s32 $_scs_section_size  }
0x9a: {  	s4 =	simm.s32 $_size__tile_overlayer_lowered;
	s5 =	simm.s32 $_tile_overlayer_lowered  }
0x9b: {  	s6 =	simm.s32 $0x1BFF;
	s21 =	sshll.u32 s5, $0x1;
	s3 =	sadd.s32 s20, s19  }
0x9c: {  	s22 =	simm.s32 $0x0;
	s4 =	sshll.u32 s4, $0x1;
	s5 =	sadd.s32 s21, s3  }
0x9d: {  	[timem:s22], [sflag:s6] =	dma.local [hbm:s5], s4  }
0x9e: {  	_ =	swait.ge [sflag:s6], s4  }
0x9f: {  	s4 =	ssub.s32 $0x0, s4;
	[sflag:s6] =	ssyncset.done $0x0  }
0xa0: {  	[sflag:s6] =	ssyncadd.s32 s4;
	_ =	sdelay $0x1  }
0xa1: {  	s23 =	simm.s32 $0x1B8B  }
0xa2: {  	_ =	swait.ge [sflag:s23], $0x1  }
0xa3: {  	[sflag:s23] =	ssyncset.done $0x0  }
0xa4: {  	[sflag:s23] =	ssyncadd.s32 $0xFFFFFFFF  }
0xa5: {  	s4 =	sld [smem:$0x0]  }
0xa6: {  	s5 =	sand.u32 $0xFFFFFFFE, s1  }
0xa7: {  	p0 =	sne.s32 s1, s5  }
0xa8: {  	s5 =	sshll.u32 @p0 s5, $0xE  }
0xa9: {  	s5 =	sadd.s32 @p0 $0x11B8D, s5;
	s6 =	sshll.u32 @p0 s4, $0x11  }
0xaa: {  	s5 =	sor.u32 @p0 s6, s5  }
0xab: {  	[sflag:s5] =	ssyncadd.remote.s32 @p0 $0x1;
	_ =	sdelay $0x1  }
0xac: {  	s5 =	simm.s32 @p0 $0x1B8D  }
0xad: {  	_ =	swait.eq @p0 [sflag:s5], $0x1  }
0xae: {  	[sflag:s5] =	ssyncadd.s32 @p0 $0xFFFFFFFF  }
0xaf: {  	s6 =	sshll.u32 @!p0 s1, $0xE  }
0xb0: {  	s6 =	sor.u32 @!p0 $0x4000, s6;
	s5 =	simm.s32 @!p0 $0x1B8D  }
0xb1: {  	s4 =	sshll.u32 @!p0 s4, $0x11;
	s6 =	sadd.s32 @!p0 $0x11B8D, s6;
	_ =	swait.eq @!p0 [sflag:s5], $0x1  }
0xb2: {  	s4 =	sor.u32 @!p0 s4, s6;
	[sflag:s5] =	ssyncadd.s32 @!p0 $0xFFFFFFFF  }
0xb3: {  	s25 =	simm.s32 $0x1B8E;
	s24 =	sld [smem:$0x3FFE];
	[sflag:s4] =	ssyncadd.remote.s32 @!p0 $0x1  }
0xb4: {  	s26 =	simm.s32 $execute0_lowered;
	[smem:$0x3FD2] =	sst s25  }
0xb5: {  	s5 =	sshll.u32 s26, $0x1;
	_ =	strace $0x8000005B;
	[dreg:$0x1] =	wrdreg $0xFFFFFFFF  }
0xb6: {  	s28 =	simm.s32 $_size_execute0_lowered;
	s3 =	sadd.s32 s3, s5;
	[dreg:$0x0] =	wrdreg $0x0  }
0xb7: {  	s5 =	sshll.u32 s28, $0x1;
	[dreg:$0x2] =	wrdreg s3  }
0xb8: {  	[dreg:$0x3] =	wrdreg s5  }
0xb9: {  	[dreg:$0x4] =	wrdreg $0xC0  }
0xba: {  	_ =	task [dreg:s22], $0x5FFFF  }
0xbb: {  	[dreg:$0x1] =	wrdreg $0xFFFFFFFF  }
0xbc: {  	[dreg:$0x0] =	wrdreg $0x60  }
0xbd: {  	[dreg:$0x2] =	wrdreg s24  }
0xbe: {  	[dreg:$0x3] =	wrdreg $0xC  }
0xbf: {  	_ =	task.clear_ibuf [dreg:s22], $0x4FFFF;
	_ =	strace $0x9000005B  }
0xc0: {  	s29 =	simm.s32 $0xC;
	_ =	strace $0x8000005D  }
0xc1: {  	_ =	swait.ge [sflag:s29], $0x1  }
0xc2: {  	[sflag:s29] =	ssyncadd.s32 $0xFFFFFFFF  }
0xc3: {  	_ =	strace $0x9000005D  }
0xc4: {  	_ =	sfence  }
0xc5: {  	s30 =	sld [smem:$0x0];
	_ =	sdelay $0x2  }
0xc6: {  	s31 =	sshll.u32 s1, $0xD;
	s1 =	sshrl.u32 s1, $0x2  }
0xc7: {  	s4 =	sand.u32 $0x4000, s31;
	s1 =	sadd.s32 s1, s30  }
0xc8: {  	s0 =	sor.u32 s4, s0;
	s1 =	sshll.u32 s1, $0x11  }
0xc9: {  	s0 =	sor.u32 s1, s0  }
0xca: {  	s0 =	sadd.s32 $0x8F2B, s0  }
0xcb: {  	[sflag:s0] =	ssyncadd.remote.s32 $0x1  }
0xcc: {  	_ =	sfence.sel $0xFFFF  }
0xcd: {  	[dreg:$0x0] =	wrdreg $0xFFFFFFFF;
	(pc) =	sbr.abs _section_cstart, $3  }
0xce: {  	[dreg:$0x1] =	wrdreg $0xFFFFFFFF  }
0xcf: {  	_ =	task.clear_ibuf [dreg:s22], $0x2FFFF;
	_ =	strace $0x9FFFFFFF  }
0xd0: {  	(tm) =	ssettm $0x7FFFFFFF  }
0xd1: {  	_ =	shalt  }
tec
execute0_lowered:
.L_overlay_start_1:
0x0: {  	(tag) =	ssettag $0x1  }
0x1: {  	s4 =	rddreg [dreg:$0x0]  }
0x2: {  	s0 =	rddreg [dreg:$0x1];
	s2 =	simm.s32 $0x0;
	s1 =	stileid.u32  }
0x3: {  	s3 =	srdreg.scid;
	s10 =	simm.s32 $0x0;
	s6 =	smul.u32 $0xA00, s1  }
0x4: {  	[smem:$0x7FF] =	sst s2;
	s5 =	sand.u32 $0x1, s3;
	s8 =	smul.u32 $0xA000, s1  }
0x5: {  	s3 =	sadd.s32 $0x2BDC00, s4;
	s7 =	smul.u32 $0x500, s5;
	s9 =	ssub.s32 $0x2, s5  }
0x6: {  	_ =	strace $0x8000005C;
	s5 =	smul.u32 $0x5000, s5;
	s31 =	sshrl.u32 s9, $0x1  }
0x7: {  	s8 =	sadd.s32 s8, s4;
	s6 =	sadd.s32 s7, s6;
	s7 =	ssub.s32 s9, s31  }
0x8: {  	s5 =	sadd.s32 s5, s8;
	s8 =	simm.s32 $0x80;
	s6 =	sshrl.u32 s6, $0x3  }
0x9: {  	s9 =	simm.s32 $0x1;
	s5 =	sadd.s32 $0xB5600, s5;
	s6 =	sadd.s32 s6, s4  }
0xa: {  	s4 =	smax.u32 s7, $0x1;
	s7 =	simm.s32 $0x2;
	s6 =	sadd.s32 $0xB0600, s6  }
.LBB2_1:
0xb: {  	s11 =	sadd.s32 $0x0, s6  }
0xc: {  	[tilespmem:s2], [sflag:$0x2] =	stream.linear.gather [hbm4b:s11+s2], $0x80, $0x38;
	[tilespmem:$0x4080] =	vst v63  }
0xd: {  	_ =	swait.ge [sflag:s7], $0x80  }
0xe: {  	[sflag:s7] =	ssyncset.done $0x0  }
0xf: {  	[sflag:s7] =	ssyncadd.s32 $0xFFFFFF80  }
0x10: {  	[tilespmem:s8], [sflag:$0x1] =	stream.indirect.gather [hbm4b:s3+s8], $0x80, s2, s8, $0xb8;
	[tilespmem:$0x4080] =	vst v63  }
0x11: {  	_ =	swait.ge [sflag:s9], $0x4000  }
0x12: {  	[sflag:s9] =	ssyncset.done $0x0  }
0x13: {  	[sflag:s9] =	ssyncadd.s32 $0xFFFFC000  }
0x14: {  	[hbm4b:s5+s2] =	stream.linear.scatter [tilespmem:s8], [sflag:$0x2], $0x4000, $0x38;
	[tilespmem:$0x4080] =	vst v63  }
0x15: {  	s12 =	simm.s32 $0x10;
	_ =	swait.ge [sflag:s7], $0x4000  }
0x16: {  	s13 =	simm.s32 $0x20;
	s11 =	sadd.s32 $0x800, s5;
	[sflag:s7] =	ssyncset.done $0x0  }
.LBB2_2:
0x17: {  	s14 =	sadd.s32 s12, s6  }
0x18: {  	[sflag:s7] =	ssyncadd.s32 $0xFFFFC000;
	s12 =	smov.u32 s13;
	s15 =	sadd.s32 $0x10, s13  }
0x19: {  	[tilespmem:s2], [sflag:$0x2] =	stream.linear.gather [hbm4b:s14+s2], $0x80, $0x38;
	[tilespmem:$0x4080] =	vst v63  }
0x1a: {  	p0 =	sne.s32 s13, $0x90;
	_ =	swait.ge [sflag:s7], $0x80  }
0x1b: {  	[sflag:s7] =	ssyncset.done $0x0  }
0x1c: {  	[sflag:s7] =	ssyncadd.s32 $0xFFFFFF80  }
0x1d: {  	[tilespmem:s8], [sflag:$0x1] =	stream.indirect.gather [hbm4b:s3+s8], $0x80, s2, s8, $0xb8;
	[tilespmem:$0x4080] =	vst v63  }
0x1e: {  	_ =	swait.ge [sflag:s9], $0x4000  }
.Ltmp0:
0x1f: {  	[sflag:s9] =	ssyncset.done $0x0;
	(pc) =	sbr.rel @p0 .LBB2_2-.Ltmp0, $4  }
0x20: {  	[sflag:s9] =	ssyncadd.s32 $0xFFFFC000  }
0x21: {  	[hbm4b:s11+s2] =	stream.linear.scatter [tilespmem:s8], [sflag:$0x2], $0x4000, $0x38;
	[tilespmem:$0x4080] =	vst v63  }
0x22: {  	_ =	swait.ge [sflag:s7], $0x4000  }
0x23: {  	s13 =	smov.u32 s15;
	s11 =	sadd.s32 $0x800, s11;
	[sflag:s7] =	ssyncset.done $0x0  }
0x24: {  	s12 =	sadd.s32 s12, s6;
	[sflag:s7] =	ssyncadd.s32 $0xFFFFC000  }
0x25: {  	[tilespmem:s2], [sflag:$0x2] =	stream.linear.gather [hbm4b:s12+s2], $0x80, $0x38;
	[tilespmem:$0x4080] =	vst v63  }
0x26: {  	_ =	swait.ge [sflag:s7], $0x80  }
0x27: {  	[sflag:s7] =	ssyncset.done $0x0  }
0x28: {  	[sflag:s7] =	ssyncadd.s32 $0xFFFFFF80  }
0x29: {  	[tilespmem:s8], [sflag:$0x1] =	stream.indirect.gather [hbm4b:s3+s8], $0x80, s2, s8, $0xb8;
	[tilespmem:$0x4080] =	vst v63  }
0x2a: {  	s10 =	sadd.s32 $0x1, s10;
	_ =	swait.ge [sflag:s9], $0x4000  }
0x2b: {  	p0 =	sne.s32 s10, s4;
	[sflag:s9] =	ssyncset.done $0x0  }
.Ltmp1:
0x2c: {  	[sflag:s9] =	ssyncadd.s32 $0xFFFFC000;
	(pc) =	sbr.rel @p0 .LBB2_1-.Ltmp1, $4  }
0x2d: {  	[hbm4b:s11+s2] =	stream.linear.scatter [tilespmem:s8], [sflag:$0x2], $0x4000, $0x38;
	[tilespmem:$0x4080] =	vst v63  }
0x2e: {  	_ =	swait.ge [sflag:s7], $0x4000  }
0x2f: {  	[sflag:s7] =	ssyncset.done $0x0  }
0x30: {  	[sflag:s7] =	ssyncadd.s32 $0xFFFFC000  }
0x31: {  	_ =	sfence.sel $0x180000  }
0x32: {  	[bflag:$0x0] =	sbarrier.arrive $0xFFFF  }
0x33: {  	p0 =	sne.s32 s1, $0x0;
	_ =	strace $0x9000005C  }
0x34: {  	s0 =	sadd.s32 @!p0 $0x100000, s0;
	[bflag:$0x2] =	sbarrier.arrive $0xFFFF  }
0x35: {  	[sflag:s0] =	ssyncadd.tile.s32 @!p0 $0x1;
	_ =	shalt  }
.Lfunc_end2:
_tile_overlayer_lowered:
.L_overlay_start_2:
0x36: {  	(tag) =	ssettag $0x2  }
0x37: {  	s0 =	rddreg [dreg:$0x0];
	s2 =	stileid.u32  }
0x38: {  	s1 =	rddreg [dreg:$0x1];
	p0 =	sne.s32 s2, $0x0  }
0x39: {  	s3 =	rddreg [dreg:$0x2];
	[bflag:$0x3] =	sbarrier.arrive $0xFFFF;
	s2 =	simm.s32 @!p0 $0x1C02  }
0x3a: {  	[timem:s3], [sflag:s2] =	dma.local @!p0 [hbm:s0], s1  }
0x3b: {  	s0 =	simm.s32 @!p0 $0x2  }
0x3c: {  	_ =	swait.ge @!p0 [sflag:s0], s1  }
0x3d: {  	s1 =	ssub.s32 @!p0 $0x0, s1;
	[sflag:s0] =	ssyncset.done @!p0 $0x0  }
0x3e: {  	[sflag:s0] =	ssyncadd.s32 @!p0 s1  }
0x3f: {  	[bflag:$0x3] =	sbarrier.arrive $0xFFFF  }
0x40: {  	_ =	shalt  }

// kernel: kernel.48.cloned.1.call-start
scs
__scs_entry_jumppad:
0x0: {  	(pc) =	sbr.rel $0x88, $3  }
0x1: {  	(tag) =	ssettag $0x0;
	lr =	simm.s32 $0x1  }
0x2: {  	[smem:$0x3F8D] =	sst lr;
	_ =	strace $0xD0000000  }
0x3: {  	_ = 	snop  }
0x4: {  	_ = 	snop  }
0x5: {  	_ = 	snop  }
0x6: {  	_ = 	snop  }
0x7: {  	_ = 	snop  }
__scs_overlays_trampoline_lowered:
0x8: {  	[smem:$0x3F9C] =	sst s0  }
0x9: {  	[smem:$0x3F9D] =	sst s1  }
0xa: {  	[smem:$0x3F9E] =	sst s2  }
0xb: {  	[smem:$0x3F9F] =	sst s3  }
0xc: {  	[smem:$0x3FA0] =	sst s4  }
0xd: {  	[smem:$0x3FA1] =	sst s5  }
0xe: {  	[smem:$0x3FA2] =	sst s6  }
0xf: {  	[smem:$0x3FA3] =	sst s7  }
0x10: {  	[smem:$0x3FA4] =	sst s8  }
0x11: {  	[smem:$0x3FA5] =	sst s9;
	s0 =	simm.s32 @!p0 $0x0  }
0x12: {  	s1 =	sld [smem:$0x3F8B];
	s0 =	simm.s32 @p0 $0x1  }
0x13: {  	[smem:$0x3FA6] =	sst s0;
	s0 =	simm.s32 @!p1 $0x0  }
0x14: {  	s2 =	sld [smem:$0x3F8A];
	s0 =	simm.s32 @p1 $0x1  }
0x15: {  	[smem:$0x3FA7] =	sst s0;
	s0 =	simm.s32 @!p2 $0x0  }
0x16: {  	s3 =	sld [smem:$0x3FDB];
	s0 =	simm.s32 @p2 $0x1  }
0x17: {  	s4 =	simm.s32 $0x1BF5;
	[smem:$0x3FA9] =	sst s0  }
0x18: {  	s0 =	sld [smem:$0x3F8C];
	_ =	swait.ge [sflag:s4], $0x0  }
0x19: {  	s7 =	sld [smem:$0x3F8D]  }
0x1a: {  	s8 =	sadd.s32 $0xFFFFE003, lr  }
0x1b: {  	s9 =	sadd.s32 $0xFFFFFEF7, lr;
	s5 =	simm.s32 $0xFFFFFFFF;
	p2 =	slt.u32 s8, $0xFFFFF086  }
0x1c: {  	p1 =	slt.u32 s9, $0xF7A;
	s5 =	simm.s32 @!p2 $0x0  }
0x1d: {  	s5 =	simm.s32 @p1 $0x1;
	p0 =	seq.s32 s7, s2  }
0x1e: {  	s7 =	smul.u32 @!p0 $0xF7A, s2;
	p2 =	seq.s32 @!p0 s5, $0x0  }
0x1f: {  	s9 =	smul.u32 $0xF7A, s1;
	s8 =	simm.s32 @!p0 $0x1BF5;
	p2 =	por !p2, p0  }
0x20: {  	[sflag:s8] =	ssyncset.s32 @!p0 $0xFFFFF086;
	s6 =	sadd.s32 @!p0 s3, s7;
	s7 =	simm.s32 @!p0 $0x108  }
0x21: {  	s3 =	sadd.s32 s3, s9;
	s6 =	sadd.s32 @!p0 $0x88, s6;
	s7 =	simm.s32 @p2 $0x1082  }
0x22: {  	[simem:s7], [sflag:s8] =	dma.local @!p0 [hbm:s6], $0xF7A  }
0x23: {  	s9 =	sor.u32 $0xD0000000, s2;
	s6 =	simm.s32 $0x108;
	_ =	swait.ge @!p0 [sflag:s8], $0x0  }
0x24: {  	s3 =	sadd.s32 $0x88, s3;
	s6 =	simm.s32 @!p1 $0x1082;
	[sflag:s4] =	ssyncset.s32 $0xFFFFF086  }
0x25: {  	[simem:s6], [sflag:s4] =	dma.local [hbm:s3], $0xF7A  }
0x26: {  	[smem:$0x3F8D] =	sst s1;
	(tag) =	ssettag s2;
	_ =	strace s9  }
0x27: {  	s1 =	sld [smem:$0x3F9D]  }
0x28: {  	s2 =	sld [smem:$0x3F9E]  }
0x29: {  	s4 =	sld [smem:$0x3FA0]  }
0x2a: {  	p0 =	seq.s32 s5, $0x0;
	s5 =	sld [smem:$0x3FA1]  }
0x2b: {  	s6 =	sld [smem:$0x3FA2]  }
0x2c: {  	s7 =	sld [smem:$0x3FA3]  }
0x2d: {  	s3 =	simm.s32 $0x108;
	s8 =	sld [smem:$0x3FA4]  }
0x2e: {  	s3 =	simm.s32 @!p0 $0x1082;
	s9 =	sld [smem:$0x3FA5]  }
0x2f: {  	lr =	sadd.s32 s0, s3;
	s0 =	sld [smem:$0x3F9C]  }
0x30: {  	s3 =	sld [smem:$0x3F9F]  }
0x31: {  	[smem:$0x3FA8] =	sst s10  }
0x32: {  	s10 =	sld [smem:$0x3FA6];
	_ =	sdelay $0x3  }
0x33: {  	p0 =	seq.s32 s10, $0x1;
	s10 =	sld [smem:$0x3FA8];
	_ =	sdelay $0x3  }
0x34: {  	[smem:$0x3FA8] =	sst s10  }
0x35: {  	s10 =	sld [smem:$0x3FA7];
	_ =	sdelay $0x3  }
0x36: {  	p1 =	seq.s32 s10, $0x1;
	s10 =	sld [smem:$0x3FA8];
	_ =	sdelay $0x3  }
0x37: {  	[smem:$0x3FA8] =	sst s10  }
0x38: {  	s10 =	sld [smem:$0x3FA9]  }
0x39: {  	_ = 	snop;
	(pc) =	sbr.ind lr, $3  }
0x3a: {  	_ = 	snop  }
0x3b: {  	_ = 	snop  }
0x3c: {  	p2 =	seq.s32 s10, $0x1;
	s10 =	sld [smem:$0x3FA8]  }
0x3d: {  	_ =	shalt  }
0x3e: {  	_ =	shalt  }
0x3f: {  	_ =	shalt  }
0x40: {  	_ =	shalt  }
0x41: {  	_ =	shalt  }
0x42: {  	_ =	shalt  }
0x43: {  	_ =	shalt  }
0x44: {  	_ =	shalt  }
0x45: {  	_ =	shalt  }
0x46: {  	_ =	shalt  }
0x47: {  	_ =	shalt  }
0x48: {  	_ =	shalt  }
0x49: {  	_ =	shalt  }
0x4a: {  	_ =	shalt  }
0x4b: {  	_ =	shalt  }
0x4c: {  	_ =	shalt  }
0x4d: {  	_ =	shalt  }
0x4e: {  	_ =	shalt  }
0x4f: {  	_ =	shalt  }
0x50: {  	_ =	shalt  }
0x51: {  	_ =	shalt  }
0x52: {  	_ =	shalt  }
0x53: {  	_ =	shalt  }
0x54: {  	_ =	shalt  }
0x55: {  	_ =	shalt  }
0x56: {  	_ =	shalt  }
0x57: {  	_ =	shalt  }
0x58: {  	_ =	shalt  }
0x59: {  	_ =	shalt  }
0x5a: {  	_ =	shalt  }
0x5b: {  	_ =	shalt  }
0x5c: {  	_ =	shalt  }
0x5d: {  	_ =	shalt  }
0x5e: {  	_ =	shalt  }
0x5f: {  	_ =	shalt  }
0x60: {  	_ =	shalt  }
0x61: {  	_ =	shalt  }
0x62: {  	_ =	shalt  }
0x63: {  	_ =	shalt  }
0x64: {  	_ =	shalt  }
0x65: {  	_ =	shalt  }
0x66: {  	_ =	shalt  }
0x67: {  	_ =	shalt  }
0x68: {  	_ =	shalt  }
0x69: {  	_ =	shalt  }
0x6a: {  	_ =	shalt  }
0x6b: {  	_ =	shalt  }
0x6c: {  	_ =	shalt  }
0x6d: {  	_ =	shalt  }
0x6e: {  	_ =	shalt  }
0x6f: {  	_ =	shalt  }
0x70: {  	_ =	shalt  }
0x71: {  	_ =	shalt  }
0x72: {  	_ =	shalt  }
0x73: {  	_ =	shalt  }
0x74: {  	_ =	shalt  }
0x75: {  	_ =	shalt  }
0x76: {  	_ =	shalt  }
0x77: {  	_ =	shalt  }
0x78: {  	_ =	shalt  }
0x79: {  	_ =	shalt  }
0x7a: {  	_ =	shalt  }
0x7b: {  	_ =	shalt  }
0x7c: {  	_ =	shalt  }
0x7d: {  	_ =	shalt  }
0x7e: {  	_ =	shalt  }
0x7f: {  	_ =	shalt  }
0x80: {  	_ =	shalt  }
0x81: {  	_ =	shalt  }
0x82: {  	_ =	shalt  }
0x83: {  	_ =	shalt  }
0x84: {  	_ =	shalt  }
0x85: {  	_ =	shalt  }
0x86: {  	_ =	shalt  }
0x87: {  	_ =	shalt  }
.Lfunc_end0:
.L_simem_size_0:
called_computation.8_lowered:
.L_overlay_start_0:
0x88: {  	s2 =	sld [smem:$0x3FD9]  }
0x89: {  	s3 =	sld [smem:$0x3FFE];
	_ =	sdelay $0x1  }
0x8a: {  	s1 =	srdreg.scid  }
0x8b: {  	s0 =	sand.u32 $0x1, s1  }
0x8c: {  	s17 =	sshll.u32 s0, $0xA;
	s2 =	sadd.s32 s3, s2  }
0x8d: {  	s2 =	sadd.s32 s2, s17  }
0x8e: {  	[smem:$0x3FB4] =	sst s2  }
0x8f: {  	_ = 	snop  }
0x90: {  	(tm) =	ssettm $0x1  }
0x91: {  	s18 =	sld [smem:$0x3FFB];
	_ =	sdelay $0x3  }
0x92: {  	_ =	strace s18  }
0x93: {  	s2 =	sld [smem:$0x3FFC];
	_ =	sdelay $0x3  }
0x94: {  	_ =	strace s2  }
0x95: {  	s2 =	sld [smem:$0x3FFD];
	_ =	sdelay $0x3  }
0x96: {  	_ =	strace s2  }
0x97: {  	_ =	strace $0x8FFFFFFF  }
0x98: {  	s19 =	sld [smem:$0x3FDB];
	_ =	sdelay $0x1  }
0x99: {  	s20 =	simm.s32 $_scs_section_size  }
0x9a: {  	s4 =	simm.s32 $_size__tile_overlayer_lowered;
	s5 =	simm.s32 $_tile_overlayer_lowered  }
0x9b: {  	s6 =	simm.s32 $0x1BFF;
	s21 =	sshll.u32 s5, $0x1;
	s3 =	sadd.s32 s20, s19  }
0x9c: {  	s22 =	simm.s32 $0x0;
	s4 =	sshll.u32 s4, $0x1;
	s5 =	sadd.s32 s21, s3  }
0x9d: {  	[timem:s22], [sflag:s6] =	dma.local [hbm:s5], s4  }
0x9e: {  	_ =	swait.ge [sflag:s6], s4  }
0x9f: {  	s4 =	ssub.s32 $0x0, s4;
	[sflag:s6] =	ssyncset.done $0x0  }
0xa0: {  	[sflag:s6] =	ssyncadd.s32 s4;
	_ =	sdelay $0x1  }
0xa1: {  	s23 =	simm.s32 $0x1B8B  }
0xa2: {  	_ =	swait.ge [sflag:s23], $0x1  }
0xa3: {  	[sflag:s23] =	ssyncset.done $0x0  }
0xa4: {  	[sflag:s23] =	ssyncadd.s32 $0xFFFFFFFF  }
0xa5: {  	s4 =	sld [smem:$0x0]  }
0xa6: {  	s5 =	sand.u32 $0xFFFFFFFE, s1  }
0xa7: {  	p0 =	sne.s32 s1, s5  }
0xa8: {  	s5 =	sshll.u32 @p0 s5, $0xE  }
0xa9: {  	s5 =	sadd.s32 @p0 $0x11B8D, s5;
	s6 =	sshll.u32 @p0 s4, $0x11  }
0xaa: {  	s5 =	sor.u32 @p0 s6, s5  }
0xab: {  	[sflag:s5] =	ssyncadd.remote.s32 @p0 $0x1;
	_ =	sdelay $0x1  }
0xac: {  	s5 =	simm.s32 @p0 $0x1B8D  }
0xad: {  	_ =	swait.eq @p0 [sflag:s5], $0x1  }
0xae: {  	[sflag:s5] =	ssyncadd.s32 @p0 $0xFFFFFFFF  }
0xaf: {  	s6 =	sshll.u32 @!p0 s1, $0xE  }
0xb0: {  	s6 =	sor.u32 @!p0 $0x4000, s6;
	s5 =	simm.s32 @!p0 $0x1B8D  }
0xb1: {  	s4 =	sshll.u32 @!p0 s4, $0x11;
	s6 =	sadd.s32 @!p0 $0x11B8D, s6;
	_ =	swait.eq @!p0 [sflag:s5], $0x1  }
0xb2: {  	s4 =	sor.u32 @!p0 s4, s6;
	[sflag:s5] =	ssyncadd.s32 @!p0 $0xFFFFFFFF  }
0xb3: {  	s25 =	simm.s32 $0x1B8E;
	s24 =	sld [smem:$0x3FFE];
	[sflag:s4] =	ssyncadd.remote.s32 @!p0 $0x1  }
0xb4: {  	s26 =	simm.s32 $execute0_lowered;
	[smem:$0x3FD2] =	sst s25  }
0xb5: {  	s5 =	sshll.u32 s26, $0x1;
	_ =	strace $0x8000005E;
	[dreg:$0x1] =	wrdreg $0xFFFFFFFF  }
0xb6: {  	s28 =	simm.s32 $_size_execute0_lowered;
	s3 =	sadd.s32 s3, s5;
	[dreg:$0x0] =	wrdreg $0x0  }
0xb7: {  	s5 =	sshll.u32 s28, $0x1;
	[dreg:$0x2] =	wrdreg s3  }
0xb8: {  	[dreg:$0x3] =	wrdreg s5  }
0xb9: {  	[dreg:$0x4] =	wrdreg $0xC0  }
0xba: {  	_ =	task [dreg:s22], $0x5FFFF  }
0xbb: {  	[dreg:$0x1] =	wrdreg $0xFFFFFFFF  }
0xbc: {  	[dreg:$0x0] =	wrdreg $0x60  }
0xbd: {  	[dreg:$0x2] =	wrdreg s24  }
0xbe: {  	[dreg:$0x3] =	wrdreg $0x9  }
0xbf: {  	_ =	task.clear_ibuf [dreg:s22], $0x4FFFF;
	_ =	strace $0x9000005E  }
0xc0: {  	s29 =	simm.s32 $0x9;
	_ =	strace $0x80000060  }
0xc1: {  	_ =	swait.ge [sflag:s29], $0x1  }
0xc2: {  	[sflag:s29] =	ssyncadd.s32 $0xFFFFFFFF  }
0xc3: {  	_ =	strace $0x90000060  }
0xc4: {  	_ =	sfence  }
0xc5: {  	s30 =	sld [smem:$0x0];
	_ =	sdelay $0x2  }
0xc6: {  	s31 =	sshll.u32 s1, $0xD;
	s1 =	sshrl.u32 s1, $0x2  }
0xc7: {  	s4 =	sand.u32 $0x4000, s31;
	s1 =	sadd.s32 s1, s30  }
0xc8: {  	s0 =	sor.u32 s4, s0;
	s1 =	sshll.u32 s1, $0x11  }
0xc9: {  	s0 =	sor.u32 s1, s0  }
0xca: {  	s0 =	sadd.s32 $0x8F2B, s0  }
0xcb: {  	[sflag:s0] =	ssyncadd.remote.s32 $0x1  }
0xcc: {  	_ =	sfence.sel $0xFFFF  }
0xcd: {  	[dreg:$0x0] =	wrdreg $0xFFFFFFFF;
	(pc) =	sbr.abs _section_cstart, $3  }
0xce: {  	[dreg:$0x1] =	wrdreg $0xFFFFFFFF  }
0xcf: {  	_ =	task.clear_ibuf [dreg:s22], $0x2FFFF;
	_ =	strace $0x9FFFFFFF  }
0xd0: {  	(tm) =	ssettm $0x7FFFFFFF  }
0xd1: {  	_ =	shalt  }
tec
execute0_lowered:
.L_overlay_start_1:
0x0: {  	(tag) =	ssettag $0x1  }
0x1: {  	s4 =	rddreg [dreg:$0x0]  }
0x2: {  	s0 =	rddreg [dreg:$0x1];
	s2 =	simm.s32 $0x0;
	s1 =	stileid.u32  }
0x3: {  	s3 =	srdreg.scid;
	s10 =	simm.s32 $0x0;
	s6 =	smul.u32 $0xA00, s1  }
0x4: {  	[smem:$0x7FF] =	sst s2;
	s5 =	sand.u32 $0x1, s3;
	s8 =	smul.u32 $0xA000, s1  }
0x5: {  	s3 =	sadd.s32 $0x2BDC00, s4;
	s7 =	smul.u32 $0x500, s5;
	s9 =	ssub.s32 $0x2, s5  }
0x6: {  	_ =	strace $0x8000005F;
	s5 =	smul.u32 $0x5000, s5;
	s31 =	sshrl.u32 s9, $0x1  }
0x7: {  	s8 =	sadd.s32 s8, s4;
	s6 =	sadd.s32 s7, s6;
	s7 =	ssub.s32 s9, s31  }
0x8: {  	s5 =	sadd.s32 s5, s8;
	s8 =	simm.s32 $0x80;
	s6 =	sshrl.u32 s6, $0x3  }
0x9: {  	s9 =	simm.s32 $0x1;
	s5 =	sadd.s32 $0x155600, s5;
	s6 =	sadd.s32 s6, s4  }
0xa: {  	s4 =	smax.u32 s7, $0x1;
	s7 =	simm.s32 $0x2;
	s6 =	sadd.s32 $0xB1A00, s6  }
.LBB2_1:
0xb: {  	s11 =	sadd.s32 $0x0, s6  }
0xc: {  	[tilespmem:s2], [sflag:$0x2] =	stream.linear.gather [hbm4b:s11+s2], $0x80, $0x38;
	[tilespmem:$0x4080] =	vst v63  }
0xd: {  	_ =	swait.ge [sflag:s7], $0x80  }
0xe: {  	[sflag:s7] =	ssyncset.done $0x0  }
0xf: {  	[sflag:s7] =	ssyncadd.s32 $0xFFFFFF80  }
0x10: {  	[tilespmem:s8], [sflag:$0x1] =	stream.indirect.gather [hbm4b:s3+s8], $0x80, s2, s8, $0xb8;
	[tilespmem:$0x4080] =	vst v63  }
0x11: {  	_ =	swait.ge [sflag:s9], $0x4000  }
0x12: {  	[sflag:s9] =	ssyncset.done $0x0  }
0x13: {  	[sflag:s9] =	ssyncadd.s32 $0xFFFFC000  }
0x14: {  	[hbm4b:s5+s2] =	stream.linear.scatter [tilespmem:s8], [sflag:$0x2], $0x4000, $0x38;
	[tilespmem:$0x4080] =	vst v63  }
0x15: {  	s12 =	simm.s32 $0x10;
	_ =	swait.ge [sflag:s7], $0x4000  }
0x16: {  	s13 =	simm.s32 $0x20;
	s11 =	sadd.s32 $0x800, s5;
	[sflag:s7] =	ssyncset.done $0x0  }
.LBB2_2:
0x17: {  	s14 =	sadd.s32 s12, s6  }
0x18: {  	[sflag:s7] =	ssyncadd.s32 $0xFFFFC000;
	s12 =	smov.u32 s13;
	s15 =	sadd.s32 $0x10, s13  }
0x19: {  	[tilespmem:s2], [sflag:$0x2] =	stream.linear.gather [hbm4b:s14+s2], $0x80, $0x38;
	[tilespmem:$0x4080] =	vst v63  }
0x1a: {  	p0 =	sne.s32 s13, $0x90;
	_ =	swait.ge [sflag:s7], $0x80  }
0x1b: {  	[sflag:s7] =	ssyncset.done $0x0  }
0x1c: {  	[sflag:s7] =	ssyncadd.s32 $0xFFFFFF80  }
0x1d: {  	[tilespmem:s8], [sflag:$0x1] =	stream.indirect.gather [hbm4b:s3+s8], $0x80, s2, s8, $0xb8;
	[tilespmem:$0x4080] =	vst v63  }
0x1e: {  	_ =	swait.ge [sflag:s9], $0x4000  }
.Ltmp0:
0x1f: {  	[sflag:s9] =	ssyncset.done $0x0;
	(pc) =	sbr.rel @p0 .LBB2_2-.Ltmp0, $4  }
0x20: {  	[sflag:s9] =	ssyncadd.s32 $0xFFFFC000  }
0x21: {  	[hbm4b:s11+s2] =	stream.linear.scatter [tilespmem:s8], [sflag:$0x2], $0x4000, $0x38;
	[tilespmem:$0x4080] =	vst v63  }
0x22: {  	_ =	swait.ge [sflag:s7], $0x4000  }
0x23: {  	s13 =	smov.u32 s15;
	s11 =	sadd.s32 $0x800, s11;
	[sflag:s7] =	ssyncset.done $0x0  }
0x24: {  	s12 =	sadd.s32 s12, s6;
	[sflag:s7] =	ssyncadd.s32 $0xFFFFC000  }
0x25: {  	[tilespmem:s2], [sflag:$0x2] =	stream.linear.gather [hbm4b:s12+s2], $0x80, $0x38;
	[tilespmem:$0x4080] =	vst v63  }
0x26: {  	_ =	swait.ge [sflag:s7], $0x80  }
0x27: {  	[sflag:s7] =	ssyncset.done $0x0  }
0x28: {  	[sflag:s7] =	ssyncadd.s32 $0xFFFFFF80  }
0x29: {  	[tilespmem:s8], [sflag:$0x1] =	stream.indirect.gather [hbm4b:s3+s8], $0x80, s2, s8, $0xb8;
	[tilespmem:$0x4080] =	vst v63  }
0x2a: {  	s10 =	sadd.s32 $0x1, s10;
	_ =	swait.ge [sflag:s9], $0x4000  }
0x2b: {  	p0 =	sne.s32 s10, s4;
	[sflag:s9] =	ssyncset.done $0x0  }
.Ltmp1:
0x2c: {  	[sflag:s9] =	ssyncadd.s32 $0xFFFFC000;
	(pc) =	sbr.rel @p0 .LBB2_1-.Ltmp1, $4  }
0x2d: {  	[hbm4b:s11+s2] =	stream.linear.scatter [tilespmem:s8], [sflag:$0x2], $0x4000, $0x38;
	[tilespmem:$0x4080] =	vst v63  }
0x2e: {  	_ =	swait.ge [sflag:s7], $0x4000  }
0x2f: {  	[sflag:s7] =	ssyncset.done $0x0  }
0x30: {  	[sflag:s7] =	ssyncadd.s32 $0xFFFFC000  }
0x31: {  	_ =	sfence.sel $0x180000  }
0x32: {  	[bflag:$0x0] =	sbarrier.arrive $0xFFFF  }
0x33: {  	p0 =	sne.s32 s1, $0x0;
	_ =	strace $0x9000005F  }
0x34: {  	s0 =	sadd.s32 @!p0 $0x100000, s0;
	[bflag:$0x2] =	sbarrier.arrive $0xFFFF  }
0x35: {  	[sflag:s0] =	ssyncadd.tile.s32 @!p0 $0x1;
	_ =	shalt  }
.Lfunc_end2:
_tile_overlayer_lowered:
.L_overlay_start_2:
0x36: {  	(tag) =	ssettag $0x2  }
0x37: {  	s0 =	rddreg [dreg:$0x0];
	s2 =	stileid.u32  }
0x38: {  	s1 =	rddreg [dreg:$0x1];
	p0 =	sne.s32 s2, $0x0  }
0x39: {  	s3 =	rddreg [dreg:$0x2];
	[bflag:$0x3] =	sbarrier.arrive $0xFFFF;
	s2 =	simm.s32 @!p0 $0x1C02  }
0x3a: {  	[timem:s3], [sflag:s2] =	dma.local @!p0 [hbm:s0], s1  }
0x3b: {  	s0 =	simm.s32 @!p0 $0x2  }
0x3c: {  	_ =	swait.ge @!p0 [sflag:s0], s1  }
0x3d: {  	s1 =	ssub.s32 @!p0 $0x0, s1;
	[sflag:s0] =	ssyncset.done @!p0 $0x0  }
0x3e: {  	[sflag:s0] =	ssyncadd.s32 @!p0 s1  }
0x3f: {  	[bflag:$0x3] =	sbarrier.arrive $0xFFFF  }
0x40: {  	_ =	shalt  }

// kernel: kernel.51.cloned.1.call-start
scs
__scs_entry_jumppad:
0x0: {  	(pc) =	sbr.rel $0x88, $3  }
0x1: {  	(tag) =	ssettag $0x0;
	lr =	simm.s32 $0x1  }
0x2: {  	[smem:$0x3F8D] =	sst lr;
	_ =	strace $0xD0000000  }
0x3: {  	_ = 	snop  }
0x4: {  	_ = 	snop  }
0x5: {  	_ = 	snop  }
0x6: {  	_ = 	snop  }
0x7: {  	_ = 	snop  }
__scs_overlays_trampoline_lowered:
0x8: {  	[smem:$0x3F9C] =	sst s0  }
0x9: {  	[smem:$0x3F9D] =	sst s1  }
0xa: {  	[smem:$0x3F9E] =	sst s2  }
0xb: {  	[smem:$0x3F9F] =	sst s3  }
0xc: {  	[smem:$0x3FA0] =	sst s4  }
0xd: {  	[smem:$0x3FA1] =	sst s5  }
0xe: {  	[smem:$0x3FA2] =	sst s6  }
0xf: {  	[smem:$0x3FA3] =	sst s7  }
0x10: {  	[smem:$0x3FA4] =	sst s8  }
0x11: {  	[smem:$0x3FA5] =	sst s9;
	s0 =	simm.s32 @!p0 $0x0  }
0x12: {  	s1 =	sld [smem:$0x3F8B];
	s0 =	simm.s32 @p0 $0x1  }
0x13: {  	[smem:$0x3FA6] =	sst s0;
	s0 =	simm.s32 @!p1 $0x0  }
0x14: {  	s2 =	sld [smem:$0x3F8A];
	s0 =	simm.s32 @p1 $0x1  }
0x15: {  	[smem:$0x3FA7] =	sst s0;
	s0 =	simm.s32 @!p2 $0x0  }
0x16: {  	s3 =	sld [smem:$0x3FDB];
	s0 =	simm.s32 @p2 $0x1  }
0x17: {  	s4 =	simm.s32 $0x1BF5;
	[smem:$0x3FA9] =	sst s0  }
0x18: {  	s0 =	sld [smem:$0x3F8C];
	_ =	swait.ge [sflag:s4], $0x0  }
0x19: {  	s7 =	sld [smem:$0x3F8D]  }
0x1a: {  	s8 =	sadd.s32 $0xFFFFE003, lr  }
0x1b: {  	s9 =	sadd.s32 $0xFFFFFEF7, lr;
	s5 =	simm.s32 $0xFFFFFFFF;
	p2 =	slt.u32 s8, $0xFFFFF086  }
0x1c: {  	p1 =	slt.u32 s9, $0xF7A;
	s5 =	simm.s32 @!p2 $0x0  }
0x1d: {  	s5 =	simm.s32 @p1 $0x1;
	p0 =	seq.s32 s7, s2  }
0x1e: {  	s7 =	smul.u32 @!p0 $0xF7A, s2;
	p2 =	seq.s32 @!p0 s5, $0x0  }
0x1f: {  	s9 =	smul.u32 $0xF7A, s1;
	s8 =	simm.s32 @!p0 $0x1BF5;
	p2 =	por !p2, p0  }
0x20: {  	[sflag:s8] =	ssyncset.s32 @!p0 $0xFFFFF086;
	s6 =	sadd.s32 @!p0 s3, s7;
	s7 =	simm.s32 @!p0 $0x108  }
0x21: {  	s3 =	sadd.s32 s3, s9;
	s6 =	sadd.s32 @!p0 $0x88, s6;
	s7 =	simm.s32 @p2 $0x1082  }
0x22: {  	[simem:s7], [sflag:s8] =	dma.local @!p0 [hbm:s6], $0xF7A  }
0x23: {  	s9 =	sor.u32 $0xD0000000, s2;
	s6 =	simm.s32 $0x108;
	_ =	swait.ge @!p0 [sflag:s8], $0x0  }
0x24: {  	s3 =	sadd.s32 $0x88, s3;
	s6 =	simm.s32 @!p1 $0x1082;
	[sflag:s4] =	ssyncset.s32 $0xFFFFF086  }
0x25: {  	[simem:s6], [sflag:s4] =	dma.local [hbm:s3], $0xF7A  }
0x26: {  	[smem:$0x3F8D] =	sst s1;
	(tag) =	ssettag s2;
	_ =	strace s9  }
0x27: {  	s1 =	sld [smem:$0x3F9D]  }
0x28: {  	s2 =	sld [smem:$0x3F9E]  }
0x29: {  	s4 =	sld [smem:$0x3FA0]  }
0x2a: {  	p0 =	seq.s32 s5, $0x0;
	s5 =	sld [smem:$0x3FA1]  }
0x2b: {  	s6 =	sld [smem:$0x3FA2]  }
0x2c: {  	s7 =	sld [smem:$0x3FA3]  }
0x2d: {  	s3 =	simm.s32 $0x108;
	s8 =	sld [smem:$0x3FA4]  }
0x2e: {  	s3 =	simm.s32 @!p0 $0x1082;
	s9 =	sld [smem:$0x3FA5]  }
0x2f: {  	lr =	sadd.s32 s0, s3;
	s0 =	sld [smem:$0x3F9C]  }
0x30: {  	s3 =	sld [smem:$0x3F9F]  }
0x31: {  	[smem:$0x3FA8] =	sst s10  }
0x32: {  	s10 =	sld [smem:$0x3FA6];
	_ =	sdelay $0x3  }
0x33: {  	p0 =	seq.s32 s10, $0x1;
	s10 =	sld [smem:$0x3FA8];
	_ =	sdelay $0x3  }
0x34: {  	[smem:$0x3FA8] =	sst s10  }
0x35: {  	s10 =	sld [smem:$0x3FA7];
	_ =	sdelay $0x3  }
0x36: {  	p1 =	seq.s32 s10, $0x1;
	s10 =	sld [smem:$0x3FA8];
	_ =	sdelay $0x3  }
0x37: {  	[smem:$0x3FA8] =	sst s10  }
0x38: {  	s10 =	sld [smem:$0x3FA9]  }
0x39: {  	_ = 	snop;
	(pc) =	sbr.ind lr, $3  }
0x3a: {  	_ = 	snop  }
0x3b: {  	_ = 	snop  }
0x3c: {  	p2 =	seq.s32 s10, $0x1;
	s10 =	sld [smem:$0x3FA8]  }
0x3d: {  	_ =	shalt  }
0x3e: {  	_ =	shalt  }
0x3f: {  	_ =	shalt  }
0x40: {  	_ =	shalt  }
0x41: {  	_ =	shalt  }
0x42: {  	_ =	shalt  }
0x43: {  	_ =	shalt  }
0x44: {  	_ =	shalt  }
0x45: {  	_ =	shalt  }
0x46: {  	_ =	shalt  }
0x47: {  	_ =	shalt  }
0x48: {  	_ =	shalt  }
0x49: {  	_ =	shalt  }
0x4a: {  	_ =	shalt  }
0x4b: {  	_ =	shalt  }
0x4c: {  	_ =	shalt  }
0x4d: {  	_ =	shalt  }
0x4e: {  	_ =	shalt  }
0x4f: {  	_ =	shalt  }
0x50: {  	_ =	shalt  }
0x51: {  	_ =	shalt  }
0x52: {  	_ =	shalt  }
0x53: {  	_ =	shalt  }
0x54: {  	_ =	shalt  }
0x55: {  	_ =	shalt  }
0x56: {  	_ =	shalt  }
0x57: {  	_ =	shalt  }
0x58: {  	_ =	shalt  }
0x59: {  	_ =	shalt  }
0x5a: {  	_ =	shalt  }
0x5b: {  	_ =	shalt  }
0x5c: {  	_ =	shalt  }
0x5d: {  	_ =	shalt  }
0x5e: {  	_ =	shalt  }
0x5f: {  	_ =	shalt  }
0x60: {  	_ =	shalt  }
0x61: {  	_ =	shalt  }
0x62: {  	_ =	shalt  }
0x63: {  	_ =	shalt  }
0x64: {  	_ =	shalt  }
0x65: {  	_ =	shalt  }
0x66: {  	_ =	shalt  }
0x67: {  	_ =	shalt  }
0x68: {  	_ =	shalt  }
0x69: {  	_ =	shalt  }
0x6a: {  	_ =	shalt  }
0x6b: {  	_ =	shalt  }
0x6c: {  	_ =	shalt  }
0x6d: {  	_ =	shalt  }
0x6e: {  	_ =	shalt  }
0x6f: {  	_ =	shalt  }
0x70: {  	_ =	shalt  }
0x71: {  	_ =	shalt  }
0x72: {  	_ =	shalt  }
0x73: {  	_ =	shalt  }
0x74: {  	_ =	shalt  }
0x75: {  	_ =	shalt  }
0x76: {  	_ =	shalt  }
0x77: {  	_ =	shalt  }
0x78: {  	_ =	shalt  }
0x79: {  	_ =	shalt  }
0x7a: {  	_ =	shalt  }
0x7b: {  	_ =	shalt  }
0x7c: {  	_ =	shalt  }
0x7d: {  	_ =	shalt  }
0x7e: {  	_ =	shalt  }
0x7f: {  	_ =	shalt  }
0x80: {  	_ =	shalt  }
0x81: {  	_ =	shalt  }
0x82: {  	_ =	shalt  }
0x83: {  	_ =	shalt  }
0x84: {  	_ =	shalt  }
0x85: {  	_ =	shalt  }
0x86: {  	_ =	shalt  }
0x87: {  	_ =	shalt  }
.Lfunc_end0:
.L_simem_size_0:
called_computation.9_lowered:
.L_overlay_start_0:
0x88: {  	s2 =	sld [smem:$0x3FD9]  }
0x89: {  	s3 =	sld [smem:$0x3FFE];
	_ =	sdelay $0x1  }
0x8a: {  	s1 =	srdreg.scid  }
0x8b: {  	s0 =	sand.u32 $0x1, s1  }
0x8c: {  	s17 =	sshll.u32 s0, $0xA;
	s2 =	sadd.s32 s3, s2  }
0x8d: {  	s2 =	sadd.s32 s2, s17  }
0x8e: {  	[smem:$0x3FB4] =	sst s2  }
0x8f: {  	_ = 	snop  }
0x90: {  	(tm) =	ssettm $0x1  }
0x91: {  	s18 =	sld [smem:$0x3FFB];
	_ =	sdelay $0x3  }
0x92: {  	_ =	strace s18  }
0x93: {  	s2 =	sld [smem:$0x3FFC];
	_ =	sdelay $0x3  }
0x94: {  	_ =	strace s2  }
0x95: {  	s2 =	sld [smem:$0x3FFD];
	_ =	sdelay $0x3  }
0x96: {  	_ =	strace s2  }
0x97: {  	_ =	strace $0x8FFFFFFF  }
0x98: {  	s19 =	sld [smem:$0x3FDB];
	_ =	sdelay $0x1  }
0x99: {  	s20 =	simm.s32 $_scs_section_size  }
0x9a: {  	s4 =	simm.s32 $_size__tile_overlayer_lowered;
	s5 =	simm.s32 $_tile_overlayer_lowered  }
0x9b: {  	s6 =	simm.s32 $0x1BFF;
	s21 =	sshll.u32 s5, $0x1;
	s3 =	sadd.s32 s20, s19  }
0x9c: {  	s22 =	simm.s32 $0x0;
	s4 =	sshll.u32 s4, $0x1;
	s5 =	sadd.s32 s21, s3  }
0x9d: {  	[timem:s22], [sflag:s6] =	dma.local [hbm:s5], s4  }
0x9e: {  	_ =	swait.ge [sflag:s6], s4  }
0x9f: {  	s4 =	ssub.s32 $0x0, s4;
	[sflag:s6] =	ssyncset.done $0x0  }
0xa0: {  	[sflag:s6] =	ssyncadd.s32 s4;
	_ =	sdelay $0x1  }
0xa1: {  	s23 =	simm.s32 $0x1B8B  }
0xa2: {  	_ =	swait.ge [sflag:s23], $0x1  }
0xa3: {  	[sflag:s23] =	ssyncset.done $0x0  }
0xa4: {  	[sflag:s23] =	ssyncadd.s32 $0xFFFFFFFF  }
0xa5: {  	s4 =	sld [smem:$0x0]  }
0xa6: {  	s5 =	sand.u32 $0xFFFFFFFE, s1  }
0xa7: {  	p0 =	sne.s32 s1, s5  }
0xa8: {  	s5 =	sshll.u32 @p0 s5, $0xE  }
0xa9: {  	s5 =	sadd.s32 @p0 $0x11B8D, s5;
	s6 =	sshll.u32 @p0 s4, $0x11  }
0xaa: {  	s5 =	sor.u32 @p0 s6, s5  }
0xab: {  	[sflag:s5] =	ssyncadd.remote.s32 @p0 $0x1;
	_ =	sdelay $0x1  }
0xac: {  	s5 =	simm.s32 @p0 $0x1B8D  }
0xad: {  	_ =	swait.eq @p0 [sflag:s5], $0x1  }
0xae: {  	[sflag:s5] =	ssyncadd.s32 @p0 $0xFFFFFFFF  }
0xaf: {  	s6 =	sshll.u32 @!p0 s1, $0xE  }
0xb0: {  	s6 =	sor.u32 @!p0 $0x4000, s6;
	s5 =	simm.s32 @!p0 $0x1B8D  }
0xb1: {  	s4 =	sshll.u32 @!p0 s4, $0x11;
	s6 =	sadd.s32 @!p0 $0x11B8D, s6;
	_ =	swait.eq @!p0 [sflag:s5], $0x1  }
0xb2: {  	s4 =	sor.u32 @!p0 s4, s6;
	[sflag:s5] =	ssyncadd.s32 @!p0 $0xFFFFFFFF  }
0xb3: {  	s25 =	simm.s32 $0x1B8E;
	s24 =	sld [smem:$0x3FFE];
	[sflag:s4] =	ssyncadd.remote.s32 @!p0 $0x1  }
0xb4: {  	s26 =	simm.s32 $execute0_lowered;
	[smem:$0x3FD2] =	sst s25  }
0xb5: {  	s5 =	sshll.u32 s26, $0x1;
	_ =	strace $0x80000061;
	[dreg:$0x1] =	wrdreg $0xFFFFFFFF  }
0xb6: {  	s28 =	simm.s32 $_size_execute0_lowered;
	s3 =	sadd.s32 s3, s5;
	[dreg:$0x0] =	wrdreg $0x0  }
0xb7: {  	s5 =	sshll.u32 s28, $0x1;
	[dreg:$0x2] =	wrdreg s3  }
0xb8: {  	[dreg:$0x3] =	wrdreg s5  }
0xb9: {  	[dreg:$0x4] =	wrdreg $0xC0  }
0xba: {  	_ =	task [dreg:s22], $0x5FFFF  }
0xbb: {  	[dreg:$0x1] =	wrdreg $0xFFFFFFFF  }
0xbc: {  	[dreg:$0x0] =	wrdreg $0x60  }
0xbd: {  	[dreg:$0x2] =	wrdreg s24  }
0xbe: {  	[dreg:$0x3] =	wrdreg $0xA  }
0xbf: {  	_ =	task.clear_ibuf [dreg:s22], $0x4FFFF;
	_ =	strace $0x90000061  }
0xc0: {  	s29 =	simm.s32 $0xA;
	_ =	strace $0x80000063  }
0xc1: {  	_ =	swait.ge [sflag:s29], $0x1  }
0xc2: {  	[sflag:s29] =	ssyncadd.s32 $0xFFFFFFFF  }
0xc3: {  	_ =	strace $0x90000063  }
0xc4: {  	_ =	sfence  }
0xc5: {  	s30 =	sld [smem:$0x0];
	_ =	sdelay $0x2  }
0xc6: {  	s31 =	sshll.u32 s1, $0xD;
	s1 =	sshrl.u32 s1, $0x2  }
0xc7: {  	s4 =	sand.u32 $0x4000, s31;
	s1 =	sadd.s32 s1, s30  }
0xc8: {  	s0 =	sor.u32 s4, s0;
	s1 =	sshll.u32 s1, $0x11  }
0xc9: {  	s0 =	sor.u32 s1, s0  }
0xca: {  	s0 =	sadd.s32 $0x8F2B, s0  }
0xcb: {  	[sflag:s0] =	ssyncadd.remote.s32 $0x1  }
0xcc: {  	_ =	sfence.sel $0xFFFF  }
0xcd: {  	[dreg:$0x0] =	wrdreg $0xFFFFFFFF;
	(pc) =	sbr.abs _section_cstart, $3  }
0xce: {  	[dreg:$0x1] =	wrdreg $0xFFFFFFFF  }
0xcf: {  	_ =	task.clear_ibuf [dreg:s22], $0x2FFFF;
	_ =	strace $0x9FFFFFFF  }
0xd0: {  	(tm) =	ssettm $0x7FFFFFFF  }
0xd1: {  	_ =	shalt  }
tec
execute0_lowered:
.L_overlay_start_1:
0x0: {  	(tag) =	ssettag $0x1  }
0x1: {  	s4 =	rddreg [dreg:$0x0]  }
0x2: {  	s0 =	rddreg [dreg:$0x1];
	s2 =	simm.s32 $0x0;
	s3 =	srdreg.scid  }
0x3: {  	s1 =	stileid.u32;
	[smem:$0x7FF] =	sst s2  }
0x4: {  	s6 =	sand.u32 $0x1, s3;
	s3 =	sadd.s32 $0x2BDC00, s4;
	s11 =	smul.u32 $0x910, s1  }
0x5: {  	s29 =	sshll.u32 s1, $0x1;
	s8 =	sadd.s32 $0x1F5600, s4;
	s12 =	smul.u32 $0x9100, s1  }
0x6: {  	s5 =	sor.u32 s6, s29;
	s30 =	ssub.s32 $0x2, s6;
	s31 =	smul.u32 $0x488, s6  }
0x7: {  	s7 =	sadd.s32 $0x1F6A00, s4;
	s5 =	smul.u32 $0x488, s5;
	s9 =	sshrl.u32 s30, $0x1  }
0x8: {  	_ =	strace $0x80000062;
	s13 =	smul.u32 $0x4880, s6;
	s4 =	ssub.s32 s30, s9  }
0x9: {  	s9 =	sadd.s32 s31, s11;
	s11 =	simm.s32 $0x1;
	s10 =	sadd.s32 $0x408, s5  }
0xa: {  	s4 =	smax.u32 s4, $0x1;
	s5 =	sshrl.u32 s10, $0x3;
	s10 =	sshll.u32 s10, $0x4  }
0xb: {  	s9 =	sshrl.u32 s9, $0x3;
	s5 =	sadd.s32 s8, s5;
	s6 =	sadd.s32 s7, s10  }
0xc: {  	s7 =	sadd.s32 s12, s7;
	s8 =	sadd.s32 s9, s8;
	s9 =	simm.s32 $0x2  }
0xd: {  	s10 =	simm.s32 $0x80;
	s12 =	simm.s32 $0x0;
	s7 =	sadd.s32 s13, s7  }
.LBB2_1:
0xe: {  	s13 =	sadd.s32 $0x0, s8  }
0xf: {  	[tilespmem:s2], [sflag:$0x2] =	stream.linear.gather [hbm4b:s13+s2], $0x80, $0x38;
	[tilespmem:$0x4080] =	vst v63  }
0x10: {  	_ =	swait.ge [sflag:s9], $0x80  }
0x11: {  	[sflag:s9] =	ssyncset.done $0x0  }
0x12: {  	[sflag:s9] =	ssyncadd.s32 $0xFFFFFF80  }
0x13: {  	[tilespmem:s10], [sflag:$0x1] =	stream.indirect.gather [hbm4b:s3+s10], $0x80, s2, s10, $0xb8;
	[tilespmem:$0x4080] =	vst v63  }
0x14: {  	_ =	swait.ge [sflag:s11], $0x4000  }
0x15: {  	[sflag:s11] =	ssyncset.done $0x0  }
0x16: {  	[sflag:s11] =	ssyncadd.s32 $0xFFFFC000  }
0x17: {  	[hbm4b:s7+s2] =	stream.linear.scatter [tilespmem:s10], [sflag:$0x2], $0x4000, $0x38;
	[tilespmem:$0x4080] =	vst v63  }
0x18: {  	s14 =	simm.s32 $0x10;
	_ =	swait.ge [sflag:s9], $0x4000  }
0x19: {  	s15 =	simm.s32 $0x20;
	s13 =	sadd.s32 $0x800, s7;
	[sflag:s9] =	ssyncset.done $0x0  }
.LBB2_2:
0x1a: {  	s16 =	sadd.s32 s14, s8  }
0x1b: {  	[sflag:s9] =	ssyncadd.s32 $0xFFFFC000;
	s14 =	smov.u32 s15;
	s17 =	sadd.s32 $0x10, s15  }
0x1c: {  	[tilespmem:s2], [sflag:$0x2] =	stream.linear.gather [hbm4b:s16+s2], $0x80, $0x38;
	[tilespmem:$0x4080] =	vst v63  }
0x1d: {  	p0 =	sne.s32 s15, $0x80;
	_ =	swait.ge [sflag:s9], $0x80  }
0x1e: {  	[sflag:s9] =	ssyncset.done $0x0  }
0x1f: {  	[sflag:s9] =	ssyncadd.s32 $0xFFFFFF80  }
0x20: {  	[tilespmem:s10], [sflag:$0x1] =	stream.indirect.gather [hbm4b:s3+s10], $0x80, s2, s10, $0xb8;
	[tilespmem:$0x4080] =	vst v63  }
0x21: {  	_ =	swait.ge [sflag:s11], $0x4000  }
.Ltmp0:
0x22: {  	[sflag:s11] =	ssyncset.done $0x0;
	(pc) =	sbr.rel @p0 .LBB2_2-.Ltmp0, $4  }
0x23: {  	[sflag:s11] =	ssyncadd.s32 $0xFFFFC000  }
0x24: {  	[hbm4b:s13+s2] =	stream.linear.scatter [tilespmem:s10], [sflag:$0x2], $0x4000, $0x38;
	[tilespmem:$0x4080] =	vst v63  }
0x25: {  	_ =	swait.ge [sflag:s9], $0x4000  }
0x26: {  	s15 =	smov.u32 s17;
	s13 =	sadd.s32 $0x800, s13;
	[sflag:s9] =	ssyncset.done $0x0  }
0x27: {  	s14 =	sadd.s32 s14, s8;
	[sflag:s9] =	ssyncadd.s32 $0xFFFFC000  }
0x28: {  	[tilespmem:s2], [sflag:$0x2] =	stream.linear.gather [hbm4b:s14+s2], $0x80, $0x38;
	[tilespmem:$0x4080] =	vst v63  }
0x29: {  	_ =	swait.ge [sflag:s9], $0x80  }
0x2a: {  	[sflag:s9] =	ssyncset.done $0x0  }
0x2b: {  	[sflag:s9] =	ssyncadd.s32 $0xFFFFFF80  }
0x2c: {  	[tilespmem:s10], [sflag:$0x1] =	stream.indirect.gather [hbm4b:s3+s10], $0x80, s2, s10, $0xb8;
	[tilespmem:$0x4080] =	vst v63  }
0x2d: {  	_ =	swait.ge [sflag:s11], $0x4000  }
0x2e: {  	[sflag:s11] =	ssyncset.done $0x0  }
0x2f: {  	[sflag:s11] =	ssyncadd.s32 $0xFFFFC000  }
0x30: {  	[hbm4b:s13+s2] =	stream.linear.scatter [tilespmem:s10], [sflag:$0x2], $0x4000, $0x38;
	[tilespmem:$0x4080] =	vst v63  }
0x31: {  	_ =	swait.ge [sflag:s9], $0x4000  }
0x32: {  	[sflag:s9] =	ssyncset.done $0x0  }
0x33: {  	[sflag:s9] =	ssyncadd.s32 $0xFFFFC000  }
0x34: {  	[tilespmem:s2], [sflag:$0x2] =	stream.linear.gather [hbm4b:s5+s2], $0x80, $0x38;
	[tilespmem:$0x4080] =	vst v63  }
0x35: {  	_ =	swait.ge [sflag:s9], $0x80  }
0x36: {  	[sflag:s9] =	ssyncset.done $0x0  }
0x37: {  	[sflag:s9] =	ssyncadd.s32 $0xFFFFFF80  }
0x38: {  	[tilespmem:s10], [sflag:$0x1] =	stream.indirect.gather [hbm4b:s3+s10], $0x80, s2, s10, $0xb8;
	[tilespmem:$0x4080] =	vst v63  }
0x39: {  	s12 =	sadd.s32 $0x1, s12;
	_ =	swait.ge [sflag:s11], $0x4000  }
0x3a: {  	p0 =	sne.s32 s12, s4;
	[sflag:s11] =	ssyncset.done $0x0  }
.Ltmp1:
0x3b: {  	[sflag:s11] =	ssyncadd.s32 $0xFFFFC000;
	(pc) =	sbr.rel @p0 .LBB2_1-.Ltmp1, $4  }
0x3c: {  	[hbm4b:s6+s2] =	stream.linear.scatter [tilespmem:s10], [sflag:$0x2], $0x4000, $0x38;
	[tilespmem:$0x4080] =	vst v63  }
0x3d: {  	_ =	swait.ge [sflag:s9], $0x4000  }
0x3e: {  	[sflag:s9] =	ssyncset.done $0x0  }
0x3f: {  	[sflag:s9] =	ssyncadd.s32 $0xFFFFC000  }
0x40: {  	_ =	sfence.sel $0x180000  }
0x41: {  	[bflag:$0x0] =	sbarrier.arrive $0xFFFF  }
0x42: {  	p0 =	sne.s32 s1, $0x0;
	_ =	strace $0x90000062  }
0x43: {  	s0 =	sadd.s32 @!p0 $0x100000, s0;
	[bflag:$0x2] =	sbarrier.arrive $0xFFFF  }
0x44: {  	[sflag:s0] =	ssyncadd.tile.s32 @!p0 $0x1;
	_ =	shalt  }
.Lfunc_end2:
_tile_overlayer_lowered:
.L_overlay_start_2:
0x45: {  	(tag) =	ssettag $0x2  }
0x46: {  	s0 =	rddreg [dreg:$0x0];
	s2 =	stileid.u32  }
0x47: {  	s1 =	rddreg [dreg:$0x1];
	p0 =	sne.s32 s2, $0x0  }
0x48: {  	s3 =	rddreg [dreg:$0x2];
	[bflag:$0x3] =	sbarrier.arrive $0xFFFF;
	s2 =	simm.s32 @!p0 $0x1C02  }
0x49: {  	[timem:s3], [sflag:s2] =	dma.local @!p0 [hbm:s0], s1  }
0x4a: {  	s0 =	simm.s32 @!p0 $0x2  }
0x4b: {  	_ =	swait.ge @!p0 [sflag:s0], s1  }
0x4c: {  	s1 =	ssub.s32 @!p0 $0x0, s1;
	[sflag:s0] =	ssyncset.done @!p0 $0x0  }
0x4d: {  	[sflag:s0] =	ssyncadd.s32 @!p0 s1  }
0x4e: {  	[bflag:$0x3] =	sbarrier.arrive $0xFFFF  }
0x4f: {  	_ =	shalt  }

// kernel: kernel.54.cloned.1.call-start
scs
__scs_entry_jumppad:
0x0: {  	(pc) =	sbr.rel $0x88, $3  }
0x1: {  	(tag) =	ssettag $0x0;
	lr =	simm.s32 $0x1  }
0x2: {  	[smem:$0x3F8D] =	sst lr;
	_ =	strace $0xD0000000  }
0x3: {  	_ = 	snop  }
0x4: {  	_ = 	snop  }
0x5: {  	_ = 	snop  }
0x6: {  	_ = 	snop  }
0x7: {  	_ = 	snop  }
__scs_overlays_trampoline_lowered:
0x8: {  	[smem:$0x3F9C] =	sst s0  }
0x9: {  	[smem:$0x3F9D] =	sst s1  }
0xa: {  	[smem:$0x3F9E] =	sst s2  }
0xb: {  	[smem:$0x3F9F] =	sst s3  }
0xc: {  	[smem:$0x3FA0] =	sst s4  }
0xd: {  	[smem:$0x3FA1] =	sst s5  }
0xe: {  	[smem:$0x3FA2] =	sst s6  }
0xf: {  	[smem:$0x3FA3] =	sst s7  }
0x10: {  	[smem:$0x3FA4] =	sst s8  }
0x11: {  	[smem:$0x3FA5] =	sst s9;
	s0 =	simm.s32 @!p0 $0x0  }
0x12: {  	s1 =	sld [smem:$0x3F8B];
	s0 =	simm.s32 @p0 $0x1  }
0x13: {  	[smem:$0x3FA6] =	sst s0;
	s0 =	simm.s32 @!p1 $0x0  }
0x14: {  	s2 =	sld [smem:$0x3F8A];
	s0 =	simm.s32 @p1 $0x1  }
0x15: {  	[smem:$0x3FA7] =	sst s0;
	s0 =	simm.s32 @!p2 $0x0  }
0x16: {  	s3 =	sld [smem:$0x3FDB];
	s0 =	simm.s32 @p2 $0x1  }
0x17: {  	s4 =	simm.s32 $0x1BF5;
	[smem:$0x3FA9] =	sst s0  }
0x18: {  	s0 =	sld [smem:$0x3F8C];
	_ =	swait.ge [sflag:s4], $0x0  }
0x19: {  	s7 =	sld [smem:$0x3F8D]  }
0x1a: {  	s8 =	sadd.s32 $0xFFFFE003, lr  }
0x1b: {  	s9 =	sadd.s32 $0xFFFFFEF7, lr;
	s5 =	simm.s32 $0xFFFFFFFF;
	p2 =	slt.u32 s8, $0xFFFFF086  }
0x1c: {  	p1 =	slt.u32 s9, $0xF7A;
	s5 =	simm.s32 @!p2 $0x0  }
0x1d: {  	s5 =	simm.s32 @p1 $0x1;
	p0 =	seq.s32 s7, s2  }
0x1e: {  	s7 =	smul.u32 @!p0 $0xF7A, s2;
	p2 =	seq.s32 @!p0 s5, $0x0  }
0x1f: {  	s9 =	smul.u32 $0xF7A, s1;
	s8 =	simm.s32 @!p0 $0x1BF5;
	p2 =	por !p2, p0  }
0x20: {  	[sflag:s8] =	ssyncset.s32 @!p0 $0xFFFFF086;
	s6 =	sadd.s32 @!p0 s3, s7;
	s7 =	simm.s32 @!p0 $0x108  }
0x21: {  	s3 =	sadd.s32 s3, s9;
	s6 =	sadd.s32 @!p0 $0x88, s6;
	s7 =	simm.s32 @p2 $0x1082  }
0x22: {  	[simem:s7], [sflag:s8] =	dma.local @!p0 [hbm:s6], $0xF7A  }
0x23: {  	s9 =	sor.u32 $0xD0000000, s2;
	s6 =	simm.s32 $0x108;
	_ =	swait.ge @!p0 [sflag:s8], $0x0  }
0x24: {  	s3 =	sadd.s32 $0x88, s3;
	s6 =	simm.s32 @!p1 $0x1082;
	[sflag:s4] =	ssyncset.s32 $0xFFFFF086  }
0x25: {  	[simem:s6], [sflag:s4] =	dma.local [hbm:s3], $0xF7A  }
0x26: {  	[smem:$0x3F8D] =	sst s1;
	(tag) =	ssettag s2;
	_ =	strace s9  }
0x27: {  	s1 =	sld [smem:$0x3F9D]  }
0x28: {  	s2 =	sld [smem:$0x3F9E]  }
0x29: {  	s4 =	sld [smem:$0x3FA0]  }
0x2a: {  	p0 =	seq.s32 s5, $0x0;
	s5 =	sld [smem:$0x3FA1]  }
0x2b: {  	s6 =	sld [smem:$0x3FA2]  }
0x2c: {  	s7 =	sld [smem:$0x3FA3]  }
0x2d: {  	s3 =	simm.s32 $0x108;
	s8 =	sld [smem:$0x3FA4]  }
0x2e: {  	s3 =	simm.s32 @!p0 $0x1082;
	s9 =	sld [smem:$0x3FA5]  }
0x2f: {  	lr =	sadd.s32 s0, s3;
	s0 =	sld [smem:$0x3F9C]  }
0x30: {  	s3 =	sld [smem:$0x3F9F]  }
0x31: {  	[smem:$0x3FA8] =	sst s10  }
0x32: {  	s10 =	sld [smem:$0x3FA6];
	_ =	sdelay $0x3  }
0x33: {  	p0 =	seq.s32 s10, $0x1;
	s10 =	sld [smem:$0x3FA8];
	_ =	sdelay $0x3  }
0x34: {  	[smem:$0x3FA8] =	sst s10  }
0x35: {  	s10 =	sld [smem:$0x3FA7];
	_ =	sdelay $0x3  }
0x36: {  	p1 =	seq.s32 s10, $0x1;
	s10 =	sld [smem:$0x3FA8];
	_ =	sdelay $0x3  }
0x37: {  	[smem:$0x3FA8] =	sst s10  }
0x38: {  	s10 =	sld [smem:$0x3FA9]  }
0x39: {  	_ = 	snop;
	(pc) =	sbr.ind lr, $3  }
0x3a: {  	_ = 	snop  }
0x3b: {  	_ = 	snop  }
0x3c: {  	p2 =	seq.s32 s10, $0x1;
	s10 =	sld [smem:$0x3FA8]  }
0x3d: {  	_ =	shalt  }
0x3e: {  	_ =	shalt  }
0x3f: {  	_ =	shalt  }
0x40: {  	_ =	shalt  }
0x41: {  	_ =	shalt  }
0x42: {  	_ =	shalt  }
0x43: {  	_ =	shalt  }
0x44: {  	_ =	shalt  }
0x45: {  	_ =	shalt  }
0x46: {  	_ =	shalt  }
0x47: {  	_ =	shalt  }
0x48: {  	_ =	shalt  }
0x49: {  	_ =	shalt  }
0x4a: {  	_ =	shalt  }
0x4b: {  	_ =	shalt  }
0x4c: {  	_ =	shalt  }
0x4d: {  	_ =	shalt  }
0x4e: {  	_ =	shalt  }
0x4f: {  	_ =	shalt  }
0x50: {  	_ =	shalt  }
0x51: {  	_ =	shalt  }
0x52: {  	_ =	shalt  }
0x53: {  	_ =	shalt  }
0x54: {  	_ =	shalt  }
0x55: {  	_ =	shalt  }
0x56: {  	_ =	shalt  }
0x57: {  	_ =	shalt  }
0x58: {  	_ =	shalt  }
0x59: {  	_ =	shalt  }
0x5a: {  	_ =	shalt  }
0x5b: {  	_ =	shalt  }
0x5c: {  	_ =	shalt  }
0x5d: {  	_ =	shalt  }
0x5e: {  	_ =	shalt  }
0x5f: {  	_ =	shalt  }
0x60: {  	_ =	shalt  }
0x61: {  	_ =	shalt  }
0x62: {  	_ =	shalt  }
0x63: {  	_ =	shalt  }
0x64: {  	_ =	shalt  }
0x65: {  	_ =	shalt  }
0x66: {  	_ =	shalt  }
0x67: {  	_ =	shalt  }
0x68: {  	_ =	shalt  }
0x69: {  	_ =	shalt  }
0x6a: {  	_ =	shalt  }
0x6b: {  	_ =	shalt  }
0x6c: {  	_ =	shalt  }
0x6d: {  	_ =	shalt  }
0x6e: {  	_ =	shalt  }
0x6f: {  	_ =	shalt  }
0x70: {  	_ =	shalt  }
0x71: {  	_ =	shalt  }
0x72: {  	_ =	shalt  }
0x73: {  	_ =	shalt  }
0x74: {  	_ =	shalt  }
0x75: {  	_ =	shalt  }
0x76: {  	_ =	shalt  }
0x77: {  	_ =	shalt  }
0x78: {  	_ =	shalt  }
0x79: {  	_ =	shalt  }
0x7a: {  	_ =	shalt  }
0x7b: {  	_ =	shalt  }
0x7c: {  	_ =	shalt  }
0x7d: {  	_ =	shalt  }
0x7e: {  	_ =	shalt  }
0x7f: {  	_ =	shalt  }
0x80: {  	_ =	shalt  }
0x81: {  	_ =	shalt  }
0x82: {  	_ =	shalt  }
0x83: {  	_ =	shalt  }
0x84: {  	_ =	shalt  }
0x85: {  	_ =	shalt  }
0x86: {  	_ =	shalt  }
0x87: {  	_ =	shalt  }
.Lfunc_end0:
.L_simem_size_0:
called_computation.10_lowered:
.L_overlay_start_0:
0x88: {  	s2 =	sld [smem:$0x3FD9]  }
0x89: {  	s3 =	sld [smem:$0x3FFE];
	_ =	sdelay $0x1  }
0x8a: {  	s1 =	srdreg.scid  }
0x8b: {  	s0 =	sand.u32 $0x1, s1  }
0x8c: {  	s17 =	sshll.u32 s0, $0xA;
	s2 =	sadd.s32 s3, s2  }
0x8d: {  	s2 =	sadd.s32 s2, s17  }
0x8e: {  	[smem:$0x3FB4] =	sst s2  }
0x8f: {  	_ = 	snop  }
0x90: {  	(tm) =	ssettm $0x1  }
0x91: {  	s18 =	sld [smem:$0x3FFB];
	_ =	sdelay $0x3  }
0x92: {  	_ =	strace s18  }
0x93: {  	s2 =	sld [smem:$0x3FFC];
	_ =	sdelay $0x3  }
0x94: {  	_ =	strace s2  }
0x95: {  	s2 =	sld [smem:$0x3FFD];
	_ =	sdelay $0x3  }
0x96: {  	_ =	strace s2  }
0x97: {  	_ =	strace $0x8FFFFFFF  }
0x98: {  	s19 =	sld [smem:$0x3FDB];
	_ =	sdelay $0x1  }
0x99: {  	s20 =	simm.s32 $_scs_section_size  }
0x9a: {  	s4 =	simm.s32 $_size__tile_overlayer_lowered;
	s5 =	simm.s32 $_tile_overlayer_lowered  }
0x9b: {  	s6 =	simm.s32 $0x1BFF;
	s21 =	sshll.u32 s5, $0x1;
	s3 =	sadd.s32 s20, s19  }
0x9c: {  	s22 =	simm.s32 $0x0;
	s4 =	sshll.u32 s4, $0x1;
	s5 =	sadd.s32 s21, s3  }
0x9d: {  	[timem:s22], [sflag:s6] =	dma.local [hbm:s5], s4  }
0x9e: {  	_ =	swait.ge [sflag:s6], s4  }
0x9f: {  	s4 =	ssub.s32 $0x0, s4;
	[sflag:s6] =	ssyncset.done $0x0  }
0xa0: {  	[sflag:s6] =	ssyncadd.s32 s4;
	_ =	sdelay $0x1  }
0xa1: {  	s23 =	simm.s32 $0x1B8B  }
0xa2: {  	_ =	swait.ge [sflag:s23], $0x1  }
0xa3: {  	[sflag:s23] =	ssyncset.done $0x0  }
0xa4: {  	[sflag:s23] =	ssyncadd.s32 $0xFFFFFFFF  }
0xa5: {  	s4 =	sld [smem:$0x0]  }
0xa6: {  	s5 =	sand.u32 $0xFFFFFFFE, s1  }
0xa7: {  	p0 =	sne.s32 s1, s5  }
0xa8: {  	s5 =	sshll.u32 @p0 s5, $0xE  }
0xa9: {  	s5 =	sadd.s32 @p0 $0x11B8D, s5;
	s6 =	sshll.u32 @p0 s4, $0x11  }
0xaa: {  	s5 =	sor.u32 @p0 s6, s5  }
0xab: {  	[sflag:s5] =	ssyncadd.remote.s32 @p0 $0x1;
	_ =	sdelay $0x1  }
0xac: {  	s5 =	simm.s32 @p0 $0x1B8D  }
0xad: {  	_ =	swait.eq @p0 [sflag:s5], $0x1  }
0xae: {  	[sflag:s5] =	ssyncadd.s32 @p0 $0xFFFFFFFF  }
0xaf: {  	s6 =	sshll.u32 @!p0 s1, $0xE  }
0xb0: {  	s6 =	sor.u32 @!p0 $0x4000, s6;
	s5 =	simm.s32 @!p0 $0x1B8D  }
0xb1: {  	s4 =	sshll.u32 @!p0 s4, $0x11;
	s6 =	sadd.s32 @!p0 $0x11B8D, s6;
	_ =	swait.eq @!p0 [sflag:s5], $0x1  }
0xb2: {  	s4 =	sor.u32 @!p0 s4, s6;
	[sflag:s5] =	ssyncadd.s32 @!p0 $0xFFFFFFFF  }
0xb3: {  	s25 =	simm.s32 $0x1B8E;
	s24 =	sld [smem:$0x3FFE];
	[sflag:s4] =	ssyncadd.remote.s32 @!p0 $0x1  }
0xb4: {  	s26 =	simm.s32 $execute0_lowered;
	[smem:$0x3FD2] =	sst s25  }
0xb5: {  	s5 =	sshll.u32 s26, $0x1;
	_ =	strace $0x80000064;
	[dreg:$0x1] =	wrdreg $0xFFFFFFFF  }
0xb6: {  	s28 =	simm.s32 $_size_execute0_lowered;
	s3 =	sadd.s32 s3, s5;
	[dreg:$0x0] =	wrdreg $0x0  }
0xb7: {  	s5 =	sshll.u32 s28, $0x1;
	[dreg:$0x2] =	wrdreg s3  }
0xb8: {  	[dreg:$0x3] =	wrdreg s5  }
0xb9: {  	[dreg:$0x4] =	wrdreg $0xC0  }
0xba: {  	_ =	task [dreg:s22], $0x5FFFF  }
0xbb: {  	[dreg:$0x1] =	wrdreg $0xFFFFFFFF  }
0xbc: {  	[dreg:$0x0] =	wrdreg $0x60  }
0xbd: {  	[dreg:$0x2] =	wrdreg s24  }
0xbe: {  	[dreg:$0x3] =	wrdreg $0x40800  }
0xbf: {  	[dreg:$0x4] =	wrdreg $0xB  }
0xc0: {  	_ =	task.clear_ibuf [dreg:s22], $0x5FFFF;
	_ =	strace $0x90000064  }
0xc1: {  	s29 =	simm.s32 $0xB;
	_ =	strace $0x80000066  }
0xc2: {  	_ =	swait.ge [sflag:s29], $0x1  }
0xc3: {  	[sflag:s29] =	ssyncadd.s32 $0xFFFFFFFF  }
0xc4: {  	_ =	strace $0x90000066  }
0xc5: {  	_ =	sfence  }
0xc6: {  	s30 =	sld [smem:$0x0];
	_ =	sdelay $0x2  }
0xc7: {  	s31 =	sshll.u32 s1, $0xD;
	s1 =	sshrl.u32 s1, $0x2  }
0xc8: {  	s4 =	sand.u32 $0x4000, s31;
	s1 =	sadd.s32 s1, s30  }
0xc9: {  	s0 =	sor.u32 s4, s0;
	s1 =	sshll.u32 s1, $0x11  }
0xca: {  	s0 =	sor.u32 s1, s0  }
0xcb: {  	s0 =	sadd.s32 $0x8F2B, s0  }
0xcc: {  	[sflag:s0] =	ssyncadd.remote.s32 $0x1  }
0xcd: {  	_ =	sfence.sel $0xFFFF  }
0xce: {  	[dreg:$0x0] =	wrdreg $0xFFFFFFFF;
	(pc) =	sbr.abs _section_cstart, $3  }
0xcf: {  	[dreg:$0x1] =	wrdreg $0xFFFFFFFF  }
0xd0: {  	_ =	task.clear_ibuf [dreg:s22], $0x2FFFF;
	_ =	strace $0x9FFFFFFF  }
0xd1: {  	(tm) =	ssettm $0x7FFFFFFF  }
tec
execute0_lowered:
.L_overlay_start_1:
0x0: {  	(tag) =	ssettag $0x1  }
0x1: {  	s0 =	stileid.u32;
	s1 =	srdreg.scid  }
0x2: {  	s5 =	rddreg [dreg:$0x0];
	s4 =	smul.u32 $0xA00, s0  }
0x3: {  	s2 =	rddreg [dreg:$0x1];
	s8 =	smul.u32 $0xA000, s0  }
0x4: {  	s3 =	simm.s32 $0x0;
	s17 =	simm.s32 $0x80;
	s25 =	smul.u32 $0x2800, s0  }
0x5: {  	s18 =	simm.s32 $0x0;
	s6 =	sand.u32 $0x1, s1;
	s26 =	smul.u32 $0x50000, s0  }
0x6: {  	[smem:$0x7FF] =	sst s3;
	s13 =	smul.u32 $0x14000, s0;
	s14 =	sadd.s32 $0x311C00, s5  }
0x7: {  	s16 =	sadd.s32 $0x12C000, s2;
	p0 =	seq.s32 s0, $0xF;
	s7 =	smul.u32 $0x500, s6  }
0x8: {  	s1 =	rddreg [dreg:$0x2];
	_ =	strace $0x80000065;
	s10 =	smul.u32 $0x138800, s6  }
0x9: {  	s28 =	ssub.s32 $0x2, s6;
	s30 =	smul.u32 $0x5000, s6;
	s9 =	sadd.s32 s8, s5  }
0xa: {  	s11 =	sshrl.u32 s28, $0x1;
	s4 =	sadd.s32 s7, s4;
	s7 =	sadd.s32 s25, s5  }
0xb: {  	s8 =	ssub.s32 s28, s11;
	s29 =	sadd.s32 s13, s10;
	s10 =	sshrl.u32 s10, $0x3  }
0xc: {  	s11 =	sadd.s32 s30, s9;
	s13 =	sshrl.u32 @p0 s16, $0x3;
	s16 =	simm.s32 $0x1  }
0xd: {  	s4 =	sshrl.u32 s4, $0x3;
	s31 =	sadd.s32 s14, s10;
	s8 =	smax.u32 s8, $0x1  }
0xe: {  	s9 =	sadd.s32 $0xB600, s11;
	s12 =	sadd.s32 s4, s5;
	s4 =	sshrl.u32 s26, $0x2  }
0xf: {  	s11 =	sadd.s32 $0xB5600, s11;
	s5 =	sadd.s32 $0x2BC200, s5;
	s15 =	sadd.s32 s4, s2  }
0x10: {  	s4 =	sadd.s32 $0x296A00, s7;
	s7 =	sshrl.u32 s29, $0x3;
	s10 =	sadd.s32 $0xA200, s12  }
0x11: {  	s12 =	sadd.s32 $0xB2E00, s12;
	s6 =	sadd.s32 s14, s7;
	s14 =	sshll.u32 @!p0 s0, $0x6  }
0x12: {  	s7 =	sadd.s32 $0x25800, s31;
	s15 =	sshrl.u32 @!p0 s15, $0x3;
	s14 =	sor.u32 @!p0 $0x1C01, s14  }
.LBB2_1:
0x13: {  	s19 =	simm.s32 @p0 $0x1FC1  }
0x14: {  	[spmem:s13], [sflag:s19] =	dma.local @p0 [hbm:s5], $0x1900  }
0x15: {  	s19 =	simm.s32 @p0 $0x1  }
0x16: {  	_ =	swait.ge @p0 [sflag:s19], $0x1900  }
0x17: {  	[sflag:s19] =	ssyncset.done @p0 $0x0  }
0x18: {  	[sflag:s19] =	ssyncadd.s32 @p0 $0xFFFFE700;
	s19 =	simm.s32 @!p0 $0x1  }
0x19: {  	[spmem:s15], [sflag:s14] =	dma.local @!p0 [hbm:s4], $0x2800  }
0x1a: {  	_ =	swait.ge @!p0 [sflag:s19], $0x2800  }
0x1b: {  	[sflag:s19] =	ssyncset.done @!p0 $0x0  }
0x1c: {  	[sflag:s19] =	ssyncadd.s32 @!p0 $0xFFFFD800  }
0x1d: {  	s31 =	sadd.s32 $0x0, s10;
	[bflag:$0x0] =	sbarrier.arrive $0xFFFF  }
0x1e: {  	[tilespmem:s3], [sflag:$0x1] =	stream.linear.gather [hbm4b:s31+s3], $0x80, $0x38;
	[tilespmem:$0x17900] =	vst v63  }
0x1f: {  	_ =	swait.ge [sflag:s16], $0x80  }
0x20: {  	[sflag:s16] =	ssyncset.done $0x0  }
0x21: {  	[sflag:s16] =	ssyncadd.s32 $0xFFFFFF80  }
0x22: {  	[tilespmem:s17], [sflag:$0x1] =	stream.linear.gather [hbm4b:s9+s3], $0x4000, $0x38;
	[tilespmem:$0x17900] =	vst v63  }
0x23: {  	_ =	swait.ge [sflag:s16], $0x4000  }
0x24: {  	[sflag:s16] =	ssyncset.done $0x0  }
0x25: {  	[sflag:s16] =	ssyncadd.s32 $0xFFFFC000  }
0x26: {  	[spmem:s2] =	stream.indirect.scatter.add.f32 [tilespmem:s17], [sflag:$0x1], $0x80, s3, s17, $0xb8;
	[tilespmem:$0x17900] =	vst v63  }
0x27: {  	s22 =	sadd.s32 $0x10, s10;
	_ =	swait.ge [sflag:s16], $0x4000  }
0x28: {  	s21 =	simm.s32 $0x20;
	s19 =	sadd.s32 $0x800, s9;
	[sflag:s16] =	ssyncset.done $0x0  }
.LBB2_2:
0x29: {  	s23 =	sadd.s32 s21, s10;
	s20 =	simm.s32 $0x0;
	[sflag:s16] =	ssyncadd.s32 $0xFFFFC000  }
0x2a: {  	[tilespmem:s20], [sflag:$0x1] =	stream.linear.gather [hbm4b:s22+s20], $0x80, $0x38;
	[tilespmem:$0x17900] =	vst v63  }
0x2b: {  	p1 =	sne.s32 s21, $0x90;
	s21 =	sadd.s32 $0x10, s21;
	_ =	swait.ge [sflag:s16], $0x80  }
0x2c: {  	s22 =	smov.u32 s23;
	[sflag:s16] =	ssyncset.done $0x0  }
0x2d: {  	[sflag:s16] =	ssyncadd.s32 $0xFFFFFF80  }
0x2e: {  	[tilespmem:s17], [sflag:$0x1] =	stream.linear.gather [hbm4b:s19+s20], $0x4000, $0x38;
	[tilespmem:$0x17900] =	vst v63  }
0x2f: {  	_ =	swait.ge [sflag:s16], $0x4000  }
.Ltmp0:
0x30: {  	[sflag:s16] =	ssyncset.done $0x0;
	(pc) =	sbr.rel @p1 .LBB2_2-.Ltmp0, $4  }
0x31: {  	[sflag:s16] =	ssyncadd.s32 $0xFFFFC000  }
0x32: {  	[spmem:s2] =	stream.indirect.scatter.add.f32 [tilespmem:s17], [sflag:$0x1], $0x80, s20, s17, $0xb8;
	[tilespmem:$0x17900] =	vst v63  }
0x33: {  	_ =	swait.ge [sflag:s16], $0x4000  }
0x34: {  	s19 =	sadd.s32 $0x800, s19;
	[sflag:s16] =	ssyncset.done $0x0  }
0x35: {  	[sflag:s16] =	ssyncadd.s32 $0xFFFFC000  }
0x36: {  	[tilespmem:s20], [sflag:$0x1] =	stream.linear.gather [hbm4b:s22+s20], $0x80, $0x38;
	[tilespmem:$0x17900] =	vst v63  }
0x37: {  	_ =	swait.ge [sflag:s16], $0x80  }
0x38: {  	[sflag:s16] =	ssyncset.done $0x0  }
0x39: {  	[sflag:s16] =	ssyncadd.s32 $0xFFFFFF80  }
0x3a: {  	[tilespmem:s17], [sflag:$0x1] =	stream.linear.gather [hbm4b:s19+s20], $0x4000, $0x38;
	[tilespmem:$0x17900] =	vst v63  }
0x3b: {  	_ =	swait.ge [sflag:s16], $0x4000  }
0x3c: {  	p2 =	por $0x1, $0x1;
	[sflag:s16] =	ssyncset.done $0x0  }
.Ltmp1:
0x3d: {  	[sflag:s16] =	ssyncadd.s32 $0xFFFFC000;
	(pc) =	sbr.rel @!p2 .LBB2_8-.Ltmp1, $4  }
0x3e: {  	[spmem:s2] =	stream.indirect.scatter.add.f32 [tilespmem:s17], [sflag:$0x1], $0x80, s20, s17, $0xb8;
	[tilespmem:$0x17900] =	vst v63  }
0x3f: {  	_ =	swait.ge [sflag:s16], $0x4000  }
0x40: {  	p1 =	por $0x0, $0x0;
	[sflag:s16] =	ssyncset.done $0x0  }
0x41: {  	s21 =	smov.u32 s11;
	s19 =	simm.s32 $0x10;
	[sflag:s16] =	ssyncadd.s32 $0xFFFFC000  }
0x42: {  	s20 =	sadd.s32 $0x0, s12  }
0x43: {  	[tilespmem:s3], [sflag:$0x1] =	stream.linear.gather [hbm4b:s20+s3], $0x80, $0x38;
	[tilespmem:$0x17900] =	vst v63  }
0x44: {  	_ =	swait.ge [sflag:s16], $0x80  }
0x45: {  	[sflag:s16] =	ssyncset.done $0x0  }
0x46: {  	[sflag:s16] =	ssyncadd.s32 $0xFFFFFF80  }
0x47: {  	[tilespmem:s17], [sflag:$0x1] =	stream.linear.gather [hbm4b:s11+s3], $0x4000, $0x38;
	[tilespmem:$0x17900] =	vst v63  }
0x48: {  	p2 =	por $0x1, $0x1;
	_ =	swait.ge [sflag:s16], $0x4000  }
.Ltmp2:
0x49: {  	[sflag:s16] =	ssyncset.done $0x0;
	(pc) =	sbr.rel @!p2 .LBB2_5-.Ltmp2, $4  }
0x4a: {  	[sflag:s16] =	ssyncadd.s32 $0xFFFFC000  }
0x4b: {  	[spmem:s2] =	stream.indirect.scatter.add.f32 [tilespmem:s17], [sflag:$0x1], $0x80, s3, s17, $0xb8;
	[tilespmem:$0x17900] =	vst v63  }
0x4c: {  	s21 =	sadd.s32 $0x800, s11;
	_ =	swait.ge [sflag:s16], $0x4000  }
0x4d: {  	p1 =	por $0x1, $0x1;
	s20 =	simm.s32 $0x20;
	[sflag:s16] =	ssyncset.done $0x0  }
.LBB2_6:
0x4e: {  	s22 =	sadd.s32 s19, s12  }
0x4f: {  	[sflag:s16] =	ssyncadd.s32 $0xFFFFC000;
	s19 =	smov.u32 s20;
	s23 =	sadd.s32 $0x10, s20  }
0x50: {  	[tilespmem:s3], [sflag:$0x1] =	stream.linear.gather [hbm4b:s22+s3], $0x80, $0x38;
	[tilespmem:$0x17900] =	vst v63  }
0x51: {  	p2 =	sne.s32 s20, $0x90;
	_ =	swait.ge [sflag:s16], $0x80  }
0x52: {  	[sflag:s16] =	ssyncset.done $0x0  }
0x53: {  	[sflag:s16] =	ssyncadd.s32 $0xFFFFFF80  }
0x54: {  	[tilespmem:s17], [sflag:$0x1] =	stream.linear.gather [hbm4b:s21+s3], $0x4000, $0x38;
	[tilespmem:$0x17900] =	vst v63  }
0x55: {  	_ =	swait.ge [sflag:s16], $0x4000  }
.Ltmp3:
0x56: {  	[sflag:s16] =	ssyncset.done $0x0;
	(pc) =	sbr.rel @p2 .LBB2_6-.Ltmp3, $4  }
0x57: {  	[sflag:s16] =	ssyncadd.s32 $0xFFFFC000  }
0x58: {  	[spmem:s2] =	stream.indirect.scatter.add.f32 [tilespmem:s17], [sflag:$0x1], $0x80, s3, s17, $0xb8;
	[tilespmem:$0x17900] =	vst v63  }
0x59: {  	_ =	swait.ge [sflag:s16], $0x4000  }
0x5a: {  	s20 =	smov.u32 s23;
	s21 =	sadd.s32 $0x800, s21;
	[sflag:s16] =	ssyncset.done $0x0  }
0x5b: {  	s20 =	smov.u32 s19  }
.LBB2_8:
0x5c: {  	s19 =	sadd.s32 s20, s12;
	[sflag:s16] =	ssyncadd.s32 @p1 $0xFFFFC000  }
0x5d: {  	[tilespmem:s3], [sflag:$0x1] =	stream.linear.gather [hbm4b:s19+s3], $0x80, $0x38;
	[tilespmem:$0x17900] =	vst v63  }
0x5e: {  	_ =	swait.ge [sflag:s16], $0x80  }
0x5f: {  	[sflag:s16] =	ssyncset.done $0x0  }
0x60: {  	[sflag:s16] =	ssyncadd.s32 $0xFFFFFF80  }
0x61: {  	[tilespmem:s17], [sflag:$0x1] =	stream.linear.gather [hbm4b:s21+s3], $0x4000, $0x38;
	[tilespmem:$0x17900] =	vst v63  }
0x62: {  	_ =	swait.ge [sflag:s16], $0x4000  }
0x63: {  	[sflag:s16] =	ssyncset.done $0x0  }
0x64: {  	[sflag:s16] =	ssyncadd.s32 $0xFFFFC000  }
0x65: {  	[spmem:s2] =	stream.indirect.scatter.add.f32 [tilespmem:s17], [sflag:$0x1], $0x80, s3, s17, $0xb8;
	[tilespmem:$0x17900] =	vst v63  }
0x66: {  	_ =	swait.ge [sflag:s16], $0x4000  }
0x67: {  	[sflag:s16] =	ssyncset.done $0x0  }
0x68: {  	[sflag:s16] =	ssyncadd.s32 $0xFFFFC000  }
0x69: {  	s19 =	simm.s32 @p0 $0x1FC1;
	[bflag:$0x0] =	sbarrier.arrive $0xFFFF  }
0x6a: {  	[hbm:s7], [sflag:s19] =	dma.local @p0 [spmem:s13], $0x1900  }
0x6b: {  	s19 =	simm.s32 @p0 $0x1  }
0x6c: {  	_ =	swait.ge @p0 [sflag:s19], $0x1900  }
0x6d: {  	s18 =	sadd.s32 $0x1, s18;
	[sflag:s19] =	ssyncset.done @p0 $0x0  }
0x6e: {  	p1 =	sne.s32 s18, s8;
	[sflag:s19] =	ssyncadd.s32 @p0 $0xFFFFE700  }
0x6f: {  	[hbm:s6], [sflag:s14] =	dma.local @!p0 [spmem:s15], $0x2800  }
.Ltmp4:
0x70: {  	_ = 	snop;
	(pc) =	sbr.rel @p1 .LBB2_1-.Ltmp4, $4  }
.Ltmp5:
0x71: {  	s19 =	simm.s32 @!p0 $0x1;
	(pc) =	sbr.rel @!p1 .LBB2_9-.Ltmp5, $4  }
0x72: {  	_ =	swait.ge @!p0 [sflag:s19], $0x2800  }
0x73: {  	[sflag:s19] =	ssyncset.done @!p0 $0x0  }
0x74: {  	[sflag:s19] =	ssyncadd.s32 @!p0 $0xFFFFD800  }
0x75: {  	_ = 	snop  }
.LBB2_5:
.Ltmp6:
0x76: {  	(pc) =	sbr.rel .LBB2_8-.Ltmp6, $2  }
0x77: {  	_ =	sdelay $0x2  }
0x78: {  	s20 =	simm.s32 $0x10  }
.LBB2_9:
0x79: {  	_ =	sfence.sel $0x180000  }
0x7a: {  	[bflag:$0x0] =	sbarrier.arrive $0xFFFF  }
0x7b: {  	p0 =	sne.s32 s0, $0x0;
	_ =	strace $0x90000065  }
0x7c: {  	s0 =	sadd.s32 @!p0 $0x100000, s1;
	[bflag:$0x2] =	sbarrier.arrive $0xFFFF  }
0x7d: {  	[sflag:s0] =	ssyncadd.tile.s32 @!p0 $0x1;
	_ =	shalt  }
.Lfunc_end2:
_tile_overlayer_lowered:
.L_overlay_start_2:
0x7e: {  	(tag) =	ssettag $0x2  }
0x7f: {  	s0 =	rddreg [dreg:$0x0];
	s2 =	stileid.u32  }
0x80: {  	s1 =	rddreg [dreg:$0x1];
	p0 =	sne.s32 s2, $0x0  }
0x81: {  	s3 =	rddreg [dreg:$0x2];
	[bflag:$0x3] =	sbarrier.arrive $0xFFFF;
	s2 =	simm.s32 @!p0 $0x1C01  }
0x82: {  	[timem:s3], [sflag:s2] =	dma.local @!p0 [hbm:s0], s1  }
0x83: {  	s0 =	simm.s32 @!p0 $0x1  }
0x84: {  	_ =	swait.ge @!p0 [sflag:s0], s1  }
0x85: {  	s1 =	ssub.s32 @!p0 $0x0, s1;
	[sflag:s0] =	ssyncset.done @!p0 $0x0  }
0x86: {  	[sflag:s0] =	ssyncadd.s32 @!p0 s1  }
0x87: {  	[bflag:$0x3] =	sbarrier.arrive $0xFFFF  }
0x88: {  	_ =	shalt  }

// kernel: kernel.57.cloned.1.call-start
scs
__scs_entry_jumppad:
0x0: {  	(pc) =	sbr.rel $0x88, $3  }
0x1: {  	(tag) =	ssettag $0x0;
	lr =	simm.s32 $0x1  }
0x2: {  	[smem:$0x3F8D] =	sst lr;
	_ =	strace $0xD0000000  }
0x3: {  	_ = 	snop  }
0x4: {  	_ = 	snop  }
0x5: {  	_ = 	snop  }
0x6: {  	_ = 	snop  }
0x7: {  	_ = 	snop  }
__scs_overlays_trampoline_lowered:
0x8: {  	[smem:$0x3F9C] =	sst s0  }
0x9: {  	[smem:$0x3F9D] =	sst s1  }
0xa: {  	[smem:$0x3F9E] =	sst s2  }
0xb: {  	[smem:$0x3F9F] =	sst s3  }
0xc: {  	[smem:$0x3FA0] =	sst s4  }
0xd: {  	[smem:$0x3FA1] =	sst s5  }
0xe: {  	[smem:$0x3FA2] =	sst s6  }
0xf: {  	[smem:$0x3FA3] =	sst s7  }
0x10: {  	[smem:$0x3FA4] =	sst s8  }
0x11: {  	[smem:$0x3FA5] =	sst s9;
	s0 =	simm.s32 @!p0 $0x0  }
0x12: {  	s1 =	sld [smem:$0x3F8B];
	s0 =	simm.s32 @p0 $0x1  }
0x13: {  	[smem:$0x3FA6] =	sst s0;
	s0 =	simm.s32 @!p1 $0x0  }
0x14: {  	s2 =	sld [smem:$0x3F8A];
	s0 =	simm.s32 @p1 $0x1  }
0x15: {  	[smem:$0x3FA7] =	sst s0;
	s0 =	simm.s32 @!p2 $0x0  }
0x16: {  	s3 =	sld [smem:$0x3FDB];
	s0 =	simm.s32 @p2 $0x1  }
0x17: {  	s4 =	simm.s32 $0x1BF5;
	[smem:$0x3FA9] =	sst s0  }
0x18: {  	s0 =	sld [smem:$0x3F8C];
	_ =	swait.ge [sflag:s4], $0x0  }
0x19: {  	s7 =	sld [smem:$0x3F8D]  }
0x1a: {  	s8 =	sadd.s32 $0xFFFFE003, lr  }
0x1b: {  	s9 =	sadd.s32 $0xFFFFFEF7, lr;
	s5 =	simm.s32 $0xFFFFFFFF;
	p2 =	slt.u32 s8, $0xFFFFF086  }
0x1c: {  	p1 =	slt.u32 s9, $0xF7A;
	s5 =	simm.s32 @!p2 $0x0  }
0x1d: {  	s5 =	simm.s32 @p1 $0x1;
	p0 =	seq.s32 s7, s2  }
0x1e: {  	s7 =	smul.u32 @!p0 $0xF7A, s2;
	p2 =	seq.s32 @!p0 s5, $0x0  }
0x1f: {  	s9 =	smul.u32 $0xF7A, s1;
	s8 =	simm.s32 @!p0 $0x1BF5;
	p2 =	por !p2, p0  }
0x20: {  	[sflag:s8] =	ssyncset.s32 @!p0 $0xFFFFF086;
	s6 =	sadd.s32 @!p0 s3, s7;
	s7 =	simm.s32 @!p0 $0x108  }
0x21: {  	s3 =	sadd.s32 s3, s9;
	s6 =	sadd.s32 @!p0 $0x88, s6;
	s7 =	simm.s32 @p2 $0x1082  }
0x22: {  	[simem:s7], [sflag:s8] =	dma.local @!p0 [hbm:s6], $0xF7A  }
0x23: {  	s9 =	sor.u32 $0xD0000000, s2;
	s6 =	simm.s32 $0x108;
	_ =	swait.ge @!p0 [sflag:s8], $0x0  }
0x24: {  	s3 =	sadd.s32 $0x88, s3;
	s6 =	simm.s32 @!p1 $0x1082;
	[sflag:s4] =	ssyncset.s32 $0xFFFFF086  }
0x25: {  	[simem:s6], [sflag:s4] =	dma.local [hbm:s3], $0xF7A  }
0x26: {  	[smem:$0x3F8D] =	sst s1;
	(tag) =	ssettag s2;
	_ =	strace s9  }
0x27: {  	s1 =	sld [smem:$0x3F9D]  }
0x28: {  	s2 =	sld [smem:$0x3F9E]  }
0x29: {  	s4 =	sld [smem:$0x3FA0]  }
0x2a: {  	p0 =	seq.s32 s5, $0x0;
	s5 =	sld [smem:$0x3FA1]  }
0x2b: {  	s6 =	sld [smem:$0x3FA2]  }
0x2c: {  	s7 =	sld [smem:$0x3FA3]  }
0x2d: {  	s3 =	simm.s32 $0x108;
	s8 =	sld [smem:$0x3FA4]  }
0x2e: {  	s3 =	simm.s32 @!p0 $0x1082;
	s9 =	sld [smem:$0x3FA5]  }
0x2f: {  	lr =	sadd.s32 s0, s3;
	s0 =	sld [smem:$0x3F9C]  }
0x30: {  	s3 =	sld [smem:$0x3F9F]  }
0x31: {  	[smem:$0x3FA8] =	sst s10  }
0x32: {  	s10 =	sld [smem:$0x3FA6];
	_ =	sdelay $0x3  }
0x33: {  	p0 =	seq.s32 s10, $0x1;
	s10 =	sld [smem:$0x3FA8];
	_ =	sdelay $0x3  }
0x34: {  	[smem:$0x3FA8] =	sst s10  }
0x35: {  	s10 =	sld [smem:$0x3FA7];
	_ =	sdelay $0x3  }
0x36: {  	p1 =	seq.s32 s10, $0x1;
	s10 =	sld [smem:$0x3FA8];
	_ =	sdelay $0x3  }
0x37: {  	[smem:$0x3FA8] =	sst s10  }
0x38: {  	s10 =	sld [smem:$0x3FA9]  }
0x39: {  	_ = 	snop;
	(pc) =	sbr.ind lr, $3  }
0x3a: {  	_ = 	snop  }
0x3b: {  	_ = 	snop  }
0x3c: {  	p2 =	seq.s32 s10, $0x1;
	s10 =	sld [smem:$0x3FA8]  }
0x3d: {  	_ =	shalt  }
0x3e: {  	_ =	shalt  }
0x3f: {  	_ =	shalt  }
0x40: {  	_ =	shalt  }
0x41: {  	_ =	shalt  }
0x42: {  	_ =	shalt  }
0x43: {  	_ =	shalt  }
0x44: {  	_ =	shalt  }
0x45: {  	_ =	shalt  }
0x46: {  	_ =	shalt  }
0x47: {  	_ =	shalt  }
0x48: {  	_ =	shalt  }
0x49: {  	_ =	shalt  }
0x4a: {  	_ =	shalt  }
0x4b: {  	_ =	shalt  }
0x4c: {  	_ =	shalt  }
0x4d: {  	_ =	shalt  }
0x4e: {  	_ =	shalt  }
0x4f: {  	_ =	shalt  }
0x50: {  	_ =	shalt  }
0x51: {  	_ =	shalt  }
0x52: {  	_ =	shalt  }
0x53: {  	_ =	shalt  }
0x54: {  	_ =	shalt  }
0x55: {  	_ =	shalt  }
0x56: {  	_ =	shalt  }
0x57: {  	_ =	shalt  }
0x58: {  	_ =	shalt  }
0x59: {  	_ =	shalt  }
0x5a: {  	_ =	shalt  }
0x5b: {  	_ =	shalt  }
0x5c: {  	_ =	shalt  }
0x5d: {  	_ =	shalt  }
0x5e: {  	_ =	shalt  }
0x5f: {  	_ =	shalt  }
0x60: {  	_ =	shalt  }
0x61: {  	_ =	shalt  }
0x62: {  	_ =	shalt  }
0x63: {  	_ =	shalt  }
0x64: {  	_ =	shalt  }
0x65: {  	_ =	shalt  }
0x66: {  	_ =	shalt  }
0x67: {  	_ =	shalt  }
0x68: {  	_ =	shalt  }
0x69: {  	_ =	shalt  }
0x6a: {  	_ =	shalt  }
0x6b: {  	_ =	shalt  }
0x6c: {  	_ =	shalt  }
0x6d: {  	_ =	shalt  }
0x6e: {  	_ =	shalt  }
0x6f: {  	_ =	shalt  }
0x70: {  	_ =	shalt  }
0x71: {  	_ =	shalt  }
0x72: {  	_ =	shalt  }
0x73: {  	_ =	shalt  }
0x74: {  	_ =	shalt  }
0x75: {  	_ =	shalt  }
0x76: {  	_ =	shalt  }
0x77: {  	_ =	shalt  }
0x78: {  	_ =	shalt  }
0x79: {  	_ =	shalt  }
0x7a: {  	_ =	shalt  }
0x7b: {  	_ =	shalt  }
0x7c: {  	_ =	shalt  }
0x7d: {  	_ =	shalt  }
0x7e: {  	_ =	shalt  }
0x7f: {  	_ =	shalt  }
0x80: {  	_ =	shalt  }
0x81: {  	_ =	shalt  }
0x82: {  	_ =	shalt  }
0x83: {  	_ =	shalt  }
0x84: {  	_ =	shalt  }
0x85: {  	_ =	shalt  }
0x86: {  	_ =	shalt  }
0x87: {  	_ =	shalt  }
.Lfunc_end0:
.L_simem_size_0:
called_computation.11_lowered:
.L_overlay_start_0:
0x88: {  	s2 =	sld [smem:$0x3FD9]  }
0x89: {  	s3 =	sld [smem:$0x3FFE];
	_ =	sdelay $0x1  }
0x8a: {  	s1 =	srdreg.scid  }
0x8b: {  	s0 =	sand.u32 $0x1, s1  }
0x8c: {  	s17 =	sshll.u32 s0, $0xA;
	s2 =	sadd.s32 s3, s2  }
0x8d: {  	s2 =	sadd.s32 s2, s17  }
0x8e: {  	[smem:$0x3FB4] =	sst s2  }
0x8f: {  	_ = 	snop  }
0x90: {  	(tm) =	ssettm $0x1  }
0x91: {  	s18 =	sld [smem:$0x3FFB];
	_ =	sdelay $0x3  }
0x92: {  	_ =	strace s18  }
0x93: {  	s2 =	sld [smem:$0x3FFC];
	_ =	sdelay $0x3  }
0x94: {  	_ =	strace s2  }
0x95: {  	s2 =	sld [smem:$0x3FFD];
	_ =	sdelay $0x3  }
0x96: {  	_ =	strace s2  }
0x97: {  	_ =	strace $0x8FFFFFFF  }
0x98: {  	s19 =	sld [smem:$0x3FDB];
	_ =	sdelay $0x1  }
0x99: {  	s20 =	simm.s32 $_scs_section_size  }
0x9a: {  	s4 =	simm.s32 $_size__tile_overlayer_lowered;
	s5 =	simm.s32 $_tile_overlayer_lowered  }
0x9b: {  	s6 =	simm.s32 $0x1BFF;
	s21 =	sshll.u32 s5, $0x1;
	s3 =	sadd.s32 s20, s19  }
0x9c: {  	s22 =	simm.s32 $0x0;
	s4 =	sshll.u32 s4, $0x1;
	s5 =	sadd.s32 s21, s3  }
0x9d: {  	[timem:s22], [sflag:s6] =	dma.local [hbm:s5], s4  }
0x9e: {  	_ =	swait.ge [sflag:s6], s4  }
0x9f: {  	s4 =	ssub.s32 $0x0, s4;
	[sflag:s6] =	ssyncset.done $0x0  }
0xa0: {  	[sflag:s6] =	ssyncadd.s32 s4;
	_ =	sdelay $0x1  }
0xa1: {  	s23 =	simm.s32 $0x1B8B  }
0xa2: {  	_ =	swait.ge [sflag:s23], $0x1  }
0xa3: {  	[sflag:s23] =	ssyncset.done $0x0  }
0xa4: {  	[sflag:s23] =	ssyncadd.s32 $0xFFFFFFFF  }
0xa5: {  	s4 =	sld [smem:$0x0]  }
0xa6: {  	s5 =	sand.u32 $0xFFFFFFFE, s1  }
0xa7: {  	p0 =	sne.s32 s1, s5  }
0xa8: {  	s5 =	sshll.u32 @p0 s5, $0xE  }
0xa9: {  	s5 =	sadd.s32 @p0 $0x11B8D, s5;
	s6 =	sshll.u32 @p0 s4, $0x11  }
0xaa: {  	s5 =	sor.u32 @p0 s6, s5  }
0xab: {  	[sflag:s5] =	ssyncadd.remote.s32 @p0 $0x1;
	_ =	sdelay $0x1  }
0xac: {  	s5 =	simm.s32 @p0 $0x1B8D  }
0xad: {  	_ =	swait.eq @p0 [sflag:s5], $0x1  }
0xae: {  	[sflag:s5] =	ssyncadd.s32 @p0 $0xFFFFFFFF  }
0xaf: {  	s6 =	sshll.u32 @!p0 s1, $0xE  }
0xb0: {  	s6 =	sor.u32 @!p0 $0x4000, s6;
	s5 =	simm.s32 @!p0 $0x1B8D  }
0xb1: {  	s4 =	sshll.u32 @!p0 s4, $0x11;
	s6 =	sadd.s32 @!p0 $0x11B8D, s6;
	_ =	swait.eq @!p0 [sflag:s5], $0x1  }
0xb2: {  	s4 =	sor.u32 @!p0 s4, s6;
	[sflag:s5] =	ssyncadd.s32 @!p0 $0xFFFFFFFF  }
0xb3: {  	s25 =	simm.s32 $0x1B8E;
	s24 =	sld [smem:$0x3FFE];
	[sflag:s4] =	ssyncadd.remote.s32 @!p0 $0x1  }
0xb4: {  	s26 =	simm.s32 $execute0_lowered;
	[smem:$0x3FD2] =	sst s25  }
0xb5: {  	s5 =	sshll.u32 s26, $0x1;
	_ =	strace $0x80000067;
	[dreg:$0x1] =	wrdreg $0xFFFFFFFF  }
0xb6: {  	s28 =	simm.s32 $_size_execute0_lowered;
	s3 =	sadd.s32 s3, s5;
	[dreg:$0x0] =	wrdreg $0x0  }
0xb7: {  	s5 =	sshll.u32 s28, $0x1;
	[dreg:$0x2] =	wrdreg s3  }
0xb8: {  	[dreg:$0x3] =	wrdreg s5  }
0xb9: {  	[dreg:$0x4] =	wrdreg $0xC0  }
0xba: {  	_ =	task [dreg:s22], $0x5FFFF  }
0xbb: {  	[dreg:$0x1] =	wrdreg $0xFFFFFFFF  }
0xbc: {  	[dreg:$0x0] =	wrdreg $0x60  }
0xbd: {  	[dreg:$0x2] =	wrdreg s24  }
0xbe: {  	[dreg:$0x3] =	wrdreg $0x45000  }
0xbf: {  	[dreg:$0x4] =	wrdreg $0x9  }
0xc0: {  	_ =	task.clear_ibuf [dreg:s22], $0x5FFFF;
	_ =	strace $0x90000067  }
0xc1: {  	s29 =	simm.s32 $0x9;
	_ =	strace $0x80000069  }
0xc2: {  	_ =	swait.ge [sflag:s29], $0x1  }
0xc3: {  	[sflag:s29] =	ssyncadd.s32 $0xFFFFFFFF  }
0xc4: {  	_ =	strace $0x90000069  }
0xc5: {  	_ =	sfence  }
0xc6: {  	s30 =	sld [smem:$0x0];
	_ =	sdelay $0x2  }
0xc7: {  	s31 =	sshll.u32 s1, $0xD;
	s1 =	sshrl.u32 s1, $0x2  }
0xc8: {  	s4 =	sand.u32 $0x4000, s31;
	s1 =	sadd.s32 s1, s30  }
0xc9: {  	s0 =	sor.u32 s4, s0;
	s1 =	sshll.u32 s1, $0x11  }
0xca: {  	s0 =	sor.u32 s1, s0  }
0xcb: {  	s0 =	sadd.s32 $0x8F2B, s0  }
0xcc: {  	[sflag:s0] =	ssyncadd.remote.s32 $0x1  }
0xcd: {  	_ =	sfence.sel $0xFFFF  }
0xce: {  	[dreg:$0x0] =	wrdreg $0xFFFFFFFF;
	(pc) =	sbr.abs _section_cstart, $3  }
0xcf: {  	[dreg:$0x1] =	wrdreg $0xFFFFFFFF  }
0xd0: {  	_ =	task.clear_ibuf [dreg:s22], $0x2FFFF;
	_ =	strace $0x9FFFFFFF  }
0xd1: {  	(tm) =	ssettm $0x7FFFFFFF  }
tec
execute0_lowered:
.L_overlay_start_1:
0x0: {  	(tag) =	ssettag $0x1  }
0x1: {  	s0 =	stileid.u32  }
0x2: {  	s4 =	smul.u32 $0xA00, s0  }
0x3: {  	s5 =	rddreg [dreg:$0x0];
	s7 =	smul.u32 $0xA000, s0  }
0x4: {  	s1 =	srdreg.scid;
	s19 =	smul.u32 $0x2800, s0  }
0x5: {  	s2 =	rddreg [dreg:$0x1];
	s8 =	smul.u32 $0x50000, s0  }
0x6: {  	s3 =	simm.s32 $0x0;
	s13 =	sand.u32 $0x1, s1;
	s18 =	smul.u32 $0x14000, s0  }
0x7: {  	s1 =	rddreg [dreg:$0x2];
	s14 =	sadd.s32 $0x1F5600, s5;
	s28 =	smul.u32 $0x910, s0  }
0x8: {  	[smem:$0x7FF] =	sst s3;
	s15 =	sadd.s32 $0x310800, s5;
	s31 =	smul.u32 $0x9100, s0  }
0x9: {  	s22 =	sshll.u32 s0, $0x1;
	s9 =	sadd.s32 $0x35FE00, s5;
	s6 =	smul.u32 $0x500, s13  }
0xa: {  	s16 =	sadd.s32 $0x12C000, s2;
	p0 =	seq.s32 s0, $0xF;
	s24 =	smul.u32 $0x138800, s13  }
0xb: {  	_ =	strace $0x80000068;
	s21 =	ssub.s32 $0x2, s13;
	s30 =	smul.u32 $0x488, s13  }
0xc: {  	s10 =	sadd.s32 s7, s5;
	s20 =	sadd.s32 s19, s5;
	s11 =	sshrl.u32 s21, $0x1  }
0xd: {  	s7 =	sor.u32 s13, s22;
	s23 =	sshrl.u32 s8, $0x2;
	s22 =	simm.s32 $0x8  }
0xe: {  	s4 =	sadd.s32 s6, s4;
	s11 =	ssub.s32 s21, s11;
	s7 =	smul.u32 $0x488, s7  }
0xf: {  	s17 =	sadd.s32 s23, s2;
	s18 =	sadd.s32 s18, s24;
	s26 =	sshrl.u32 s24, $0x3  }
0x10: {  	s21 =	simm.s32 $0x4100;
	s23 =	simm.s32 $0x0;
	s4 =	sshrl.u32 s4, $0x3  }
0x11: {  	s18 =	sshrl.u32 s18, $0x3;
	s12 =	sadd.s32 s4, s5;
	s4 =	sadd.s32 $0x296A00, s20  }
0x12: {  	s17 =	sshrl.u32 @!p0 s17, $0x3;
	s25 =	sadd.s32 $0x480, s7;
	s5 =	sadd.s32 $0x2BC200, s5  }
0x13: {  	s20 =	smul.u32 $0x5000, s13;
	s8 =	sadd.s32 s9, s18;
	s9 =	sadd.s32 s9, s26  }
0x14: {  	s13 =	smul.u32 $0x4880, s13;
	s18 =	sadd.s32 s30, s28;
	s7 =	sshrl.u32 s25, $0x3  }
0x15: {  	s19 =	sshll.u32 s25, $0x4;
	s9 =	sadd.s32 $0x25800, s9;
	s12 =	sadd.s32 $0xB4200, s12  }
0x16: {  	s18 =	sshrl.u32 s18, $0x3;
	s6 =	sadd.s32 s15, s7;
	s7 =	sadd.s32 s14, s19  }
0x17: {  	s29 =	sadd.s32 s20, s10;
	s10 =	smax.u32 s11, $0x1;
	s14 =	sadd.s32 s31, s14  }
0x18: {  	s19 =	simm.s32 $0x80;
	s20 =	simm.s32 $0x4080;
	s11 =	sadd.s32 $0x155600, s29  }
0x19: {  	s13 =	sadd.s32 s13, s14;
	s14 =	sadd.s32 s18, s15;
	s18 =	sshll.u32 @!p0 s0, $0x6  }
0x1a: {  	s15 =	sshrl.u32 @p0 s16, $0x3;
	s16 =	sor.u32 @!p0 $0x1C01, s18;
	s18 =	simm.s32 $0x1  }
.LBB2_1:
0x1b: {  	s24 =	simm.s32 @p0 $0x1FC1  }
0x1c: {  	[spmem:s15], [sflag:s24] =	dma.local @p0 [hbm:s5], $0x1900  }
0x1d: {  	s24 =	simm.s32 @p0 $0x1  }
0x1e: {  	_ =	swait.ge @p0 [sflag:s24], $0x1900  }
0x1f: {  	[sflag:s24] =	ssyncset.done @p0 $0x0  }
0x20: {  	[sflag:s24] =	ssyncadd.s32 @p0 $0xFFFFE700;
	s24 =	simm.s32 @!p0 $0x1  }
0x21: {  	[spmem:s17], [sflag:s16] =	dma.local @!p0 [hbm:s4], $0x2800  }
0x22: {  	_ =	swait.ge @!p0 [sflag:s24], $0x2800  }
0x23: {  	[sflag:s24] =	ssyncset.done @!p0 $0x0  }
0x24: {  	[sflag:s24] =	ssyncadd.s32 @!p0 $0xFFFFD800  }
0x25: {  	s31 =	sadd.s32 $0x0, s12;
	[bflag:$0x0] =	sbarrier.arrive $0xFFFF  }
0x26: {  	[tilespmem:s3], [sflag:$0x1] =	stream.linear.gather [hbm4b:s31+s3], $0x80, $0x38;
	[tilespmem:$0x17D80] =	vst v63  }
0x27: {  	_ =	swait.ge [sflag:s18], $0x80  }
0x28: {  	[sflag:s18] =	ssyncset.done $0x0  }
0x29: {  	[sflag:s18] =	ssyncadd.s32 $0xFFFFFF80  }
0x2a: {  	[tilespmem:s19], [sflag:$0x1] =	stream.linear.gather [hbm4b:s11+s3], $0x4000, $0x38;
	[tilespmem:$0x17D80] =	vst v63  }
0x2b: {  	_ =	swait.ge [sflag:s18], $0x4000  }
0x2c: {  	[sflag:s18] =	ssyncset.done $0x0  }
0x2d: {  	[sflag:s18] =	ssyncadd.s32 $0xFFFFC000  }
0x2e: {  	[spmem:s2] =	stream.indirect.scatter.add.f32 [tilespmem:s19], [sflag:$0x1], $0x80, s3, s19, $0xb8;
	[tilespmem:$0x17D80] =	vst v63  }
0x2f: {  	s28 =	sadd.s32 $0x10, s12;
	_ =	swait.ge [sflag:s18], $0x4000  }
0x30: {  	s26 =	simm.s32 $0x20;
	s24 =	sadd.s32 $0x800, s11;
	[sflag:s18] =	ssyncset.done $0x0  }
.LBB2_2:
0x31: {  	s29 =	sadd.s32 s26, s12;
	s25 =	simm.s32 $0x0;
	[sflag:s18] =	ssyncadd.s32 $0xFFFFC000  }
0x32: {  	[tilespmem:s25], [sflag:$0x1] =	stream.linear.gather [hbm4b:s28+s25], $0x80, $0x38;
	[tilespmem:$0x17D80] =	vst v63  }
0x33: {  	p1 =	sne.s32 s26, $0x90;
	s26 =	sadd.s32 $0x10, s26;
	_ =	swait.ge [sflag:s18], $0x80  }
0x34: {  	s28 =	smov.u32 s29;
	[sflag:s18] =	ssyncset.done $0x0  }
0x35: {  	[sflag:s18] =	ssyncadd.s32 $0xFFFFFF80  }
0x36: {  	[tilespmem:s19], [sflag:$0x1] =	stream.linear.gather [hbm4b:s24+s25], $0x4000, $0x38;
	[tilespmem:$0x17D80] =	vst v63  }
0x37: {  	_ =	swait.ge [sflag:s18], $0x4000  }
.Ltmp0:
0x38: {  	[sflag:s18] =	ssyncset.done $0x0;
	(pc) =	sbr.rel @p1 .LBB2_2-.Ltmp0, $4  }
0x39: {  	[sflag:s18] =	ssyncadd.s32 $0xFFFFC000  }
0x3a: {  	[spmem:s2] =	stream.indirect.scatter.add.f32 [tilespmem:s19], [sflag:$0x1], $0x80, s25, s19, $0xb8;
	[tilespmem:$0x17D80] =	vst v63  }
0x3b: {  	_ =	swait.ge [sflag:s18], $0x4000  }
0x3c: {  	s24 =	sadd.s32 $0x800, s24;
	[sflag:s18] =	ssyncset.done $0x0  }
0x3d: {  	[sflag:s18] =	ssyncadd.s32 $0xFFFFC000  }
0x3e: {  	[tilespmem:s25], [sflag:$0x1] =	stream.linear.gather [hbm4b:s28+s25], $0x80, $0x38;
	[tilespmem:$0x17D80] =	vst v63  }
0x3f: {  	_ =	swait.ge [sflag:s18], $0x80  }
0x40: {  	[sflag:s18] =	ssyncset.done $0x0  }
0x41: {  	[sflag:s18] =	ssyncadd.s32 $0xFFFFFF80  }
0x42: {  	[tilespmem:s19], [sflag:$0x1] =	stream.linear.gather [hbm4b:s24+s25], $0x4000, $0x38;
	[tilespmem:$0x17D80] =	vst v63  }
0x43: {  	_ =	swait.ge [sflag:s18], $0x4000  }
0x44: {  	p2 =	por $0x1, $0x1;
	[sflag:s18] =	ssyncset.done $0x0  }
.Ltmp1:
0x45: {  	[sflag:s18] =	ssyncadd.s32 $0xFFFFC000;
	(pc) =	sbr.rel @!p2 .LBB2_8-.Ltmp1, $4  }
0x46: {  	[spmem:s2] =	stream.indirect.scatter.add.f32 [tilespmem:s19], [sflag:$0x1], $0x80, s25, s19, $0xb8;
	[tilespmem:$0x17D80] =	vst v63  }
0x47: {  	_ =	swait.ge [sflag:s18], $0x4000  }
0x48: {  	p1 =	por $0x0, $0x0;
	[sflag:s18] =	ssyncset.done $0x0  }
0x49: {  	s26 =	smov.u32 s13;
	s24 =	simm.s32 $0x10;
	[sflag:s18] =	ssyncadd.s32 $0xFFFFC000  }
0x4a: {  	s25 =	sadd.s32 $0x0, s14  }
0x4b: {  	[tilespmem:s3], [sflag:$0x1] =	stream.linear.gather [hbm4b:s25+s3], $0x80, $0x38;
	[tilespmem:$0x17D80] =	vst v63  }
0x4c: {  	_ =	swait.ge [sflag:s18], $0x80  }
0x4d: {  	[sflag:s18] =	ssyncset.done $0x0  }
0x4e: {  	[sflag:s18] =	ssyncadd.s32 $0xFFFFFF80  }
0x4f: {  	[tilespmem:s19], [sflag:$0x1] =	stream.linear.gather [hbm4b:s13+s3], $0x4000, $0x38;
	[tilespmem:$0x17D80] =	vst v63  }
0x50: {  	p2 =	por $0x1, $0x1;
	_ =	swait.ge [sflag:s18], $0x4000  }
.Ltmp2:
0x51: {  	[sflag:s18] =	ssyncset.done $0x0;
	(pc) =	sbr.rel @!p2 .LBB2_5-.Ltmp2, $4  }
0x52: {  	[sflag:s18] =	ssyncadd.s32 $0xFFFFC000  }
0x53: {  	[spmem:s2] =	stream.indirect.scatter.add.f32 [tilespmem:s19], [sflag:$0x1], $0x80, s3, s19, $0xb8;
	[tilespmem:$0x17D80] =	vst v63  }
0x54: {  	s26 =	sadd.s32 $0x800, s13;
	_ =	swait.ge [sflag:s18], $0x4000  }
0x55: {  	p1 =	por $0x1, $0x1;
	s25 =	simm.s32 $0x20;
	[sflag:s18] =	ssyncset.done $0x0  }
.LBB2_6:
0x56: {  	s28 =	sadd.s32 s24, s14  }
0x57: {  	[sflag:s18] =	ssyncadd.s32 $0xFFFFC000;
	s24 =	smov.u32 s25;
	s29 =	sadd.s32 $0x10, s25  }
0x58: {  	[tilespmem:s3], [sflag:$0x1] =	stream.linear.gather [hbm4b:s28+s3], $0x80, $0x38;
	[tilespmem:$0x17D80] =	vst v63  }
0x59: {  	p2 =	sne.s32 s25, $0x80;
	_ =	swait.ge [sflag:s18], $0x80  }
0x5a: {  	[sflag:s18] =	ssyncset.done $0x0  }
0x5b: {  	[sflag:s18] =	ssyncadd.s32 $0xFFFFFF80  }
0x5c: {  	[tilespmem:s19], [sflag:$0x1] =	stream.linear.gather [hbm4b:s26+s3], $0x4000, $0x38;
	[tilespmem:$0x17D80] =	vst v63  }
0x5d: {  	_ =	swait.ge [sflag:s18], $0x4000  }
.Ltmp3:
0x5e: {  	[sflag:s18] =	ssyncset.done $0x0;
	(pc) =	sbr.rel @p2 .LBB2_6-.Ltmp3, $4  }
0x5f: {  	[sflag:s18] =	ssyncadd.s32 $0xFFFFC000  }
0x60: {  	[spmem:s2] =	stream.indirect.scatter.add.f32 [tilespmem:s19], [sflag:$0x1], $0x80, s3, s19, $0xb8;
	[tilespmem:$0x17D80] =	vst v63  }
0x61: {  	_ =	swait.ge [sflag:s18], $0x4000  }
0x62: {  	s25 =	smov.u32 s29;
	s26 =	sadd.s32 $0x800, s26;
	[sflag:s18] =	ssyncset.done $0x0  }
0x63: {  	s25 =	smov.u32 s24  }
.LBB2_8:
0x64: {  	s24 =	sadd.s32 s25, s14;
	[sflag:s18] =	ssyncadd.s32 @p1 $0xFFFFC000  }
0x65: {  	[tilespmem:s3], [sflag:$0x1] =	stream.linear.gather [hbm4b:s24+s3], $0x80, $0x38;
	[tilespmem:$0x17D80] =	vst v63  }
0x66: {  	_ =	swait.ge [sflag:s18], $0x80  }
0x67: {  	[sflag:s18] =	ssyncset.done $0x0  }
0x68: {  	[sflag:s18] =	ssyncadd.s32 $0xFFFFFF80  }
0x69: {  	[tilespmem:s19], [sflag:$0x1] =	stream.linear.gather [hbm4b:s26+s3], $0x4000, $0x38;
	[tilespmem:$0x17D80] =	vst v63  }
0x6a: {  	_ =	swait.ge [sflag:s18], $0x4000  }
0x6b: {  	[sflag:s18] =	ssyncset.done $0x0  }
0x6c: {  	[sflag:s18] =	ssyncadd.s32 $0xFFFFC000  }
0x6d: {  	[spmem:s2] =	stream.indirect.scatter.add.f32 [tilespmem:s19], [sflag:$0x1], $0x80, s3, s19, $0xb8;
	[tilespmem:$0x17D80] =	vst v63  }
0x6e: {  	_ =	swait.ge [sflag:s18], $0x4000  }
0x6f: {  	[sflag:s18] =	ssyncset.done $0x0  }
0x70: {  	[sflag:s18] =	ssyncadd.s32 $0xFFFFC000  }
0x71: {  	[tilespmem:s20], [sflag:$0x1] =	stream.linear.gather [hbm4b:s6+s3], $0x8, $0x38;
	[tilespmem:$0x17D80] =	vst v63  }
0x72: {  	_ =	swait.ge [sflag:s18], $0x8  }
0x73: {  	[sflag:s18] =	ssyncset.done $0x0  }
0x74: {  	[sflag:s18] =	ssyncadd.s32 $0xFFFFFFF8  }
0x75: {  	[tilespmem:s21], [sflag:$0x1] =	stream.linear.gather [hbm4b:s7+s3], $0x400, $0x38;
	[tilespmem:$0x17D80] =	vst v63  }
0x76: {  	_ =	swait.ge [sflag:s18], $0x400  }
0x77: {  	[sflag:s18] =	ssyncset.done $0x0  }
0x78: {  	[sflag:s18] =	ssyncadd.s32 $0xFFFFFC00  }
0x79: {  	[spmem:s2] =	stream.indirect.scatter.add.f32 [tilespmem:s21], [sflag:$0x1], $0x80, s20, s22, $0xb8;
	[tilespmem:$0x17D80] =	vst v63  }
0x7a: {  	_ =	swait.ge [sflag:s18], $0x400  }
0x7b: {  	[sflag:s18] =	ssyncset.done $0x0  }
0x7c: {  	[sflag:s18] =	ssyncadd.s32 $0xFFFFFC00  }
0x7d: {  	s24 =	simm.s32 @p0 $0x1FC1;
	[bflag:$0x0] =	sbarrier.arrive $0xFFFF  }
0x7e: {  	[hbm:s9], [sflag:s24] =	dma.local @p0 [spmem:s15], $0x1900  }
0x7f: {  	s24 =	simm.s32 @p0 $0x1  }
0x80: {  	_ =	swait.ge @p0 [sflag:s24], $0x1900  }
0x81: {  	s23 =	sadd.s32 $0x1, s23;
	[sflag:s24] =	ssyncset.done @p0 $0x0  }
0x82: {  	p1 =	sne.s32 s23, s10;
	[sflag:s24] =	ssyncadd.s32 @p0 $0xFFFFE700  }
0x83: {  	[hbm:s8], [sflag:s16] =	dma.local @!p0 [spmem:s17], $0x2800  }
.Ltmp4:
0x84: {  	_ = 	snop;
	(pc) =	sbr.rel @p1 .LBB2_1-.Ltmp4, $4  }
.Ltmp5:
0x85: {  	s24 =	simm.s32 @!p0 $0x1;
	(pc) =	sbr.rel @!p1 .LBB2_9-.Ltmp5, $4  }
0x86: {  	_ =	swait.ge @!p0 [sflag:s24], $0x2800  }
0x87: {  	[sflag:s24] =	ssyncset.done @!p0 $0x0  }
0x88: {  	[sflag:s24] =	ssyncadd.s32 @!p0 $0xFFFFD800  }
0x89: {  	_ = 	snop  }
.LBB2_5:
.Ltmp6:
0x8a: {  	(pc) =	sbr.rel .LBB2_8-.Ltmp6, $2  }
0x8b: {  	_ =	sdelay $0x2  }
0x8c: {  	s25 =	simm.s32 $0x10  }
.LBB2_9:
0x8d: {  	_ =	sfence.sel $0x180000  }
0x8e: {  	[bflag:$0x0] =	sbarrier.arrive $0xFFFF  }
0x8f: {  	p0 =	sne.s32 s0, $0x0;
	_ =	strace $0x90000068  }
0x90: {  	s0 =	sadd.s32 @!p0 $0x100000, s1;
	[bflag:$0x2] =	sbarrier.arrive $0xFFFF  }
0x91: {  	[sflag:s0] =	ssyncadd.tile.s32 @!p0 $0x1;
	_ =	shalt  }
.Lfunc_end2:
_tile_overlayer_lowered:
.L_overlay_start_2:
0x92: {  	(tag) =	ssettag $0x2  }
0x93: {  	s0 =	rddreg [dreg:$0x0];
	s2 =	stileid.u32  }
0x94: {  	s1 =	rddreg [dreg:$0x1];
	p0 =	sne.s32 s2, $0x0  }
0x95: {  	s3 =	rddreg [dreg:$0x2];
	[bflag:$0x3] =	sbarrier.arrive $0xFFFF;
	s2 =	simm.s32 @!p0 $0x1C01  }
0x96: {  	[timem:s3], [sflag:s2] =	dma.local @!p0 [hbm:s0], s1  }
0x97: {  	s0 =	simm.s32 @!p0 $0x1  }
0x98: {  	_ =	swait.ge @!p0 [sflag:s0], s1  }
0x99: {  	s1 =	ssub.s32 @!p0 $0x0, s1;
	[sflag:s0] =	ssyncset.done @!p0 $0x0  }
0x9a: {  	[sflag:s0] =	ssyncadd.s32 @!p0 s1  }
0x9b: {  	[bflag:$0x3] =	sbarrier.arrive $0xFFFF  }
0x9c: {  	_ =	shalt  }

</sc_bundles>
